<compile_context>
chip_gen: v7x
topology: tpu7x:2x2x1
jax: 0.10.2.dev20260603
libtpu: 0.0.44.dev20260713+nightly
codegen_flags: <defaults>
</compile_context>

<pallas_src>
import functools

import jax
import jax.numpy as jnp
import numpy as np
from jax import lax
from jax.experimental import pallas as pl
from jax.experimental.pallas import tpu as pltpu
from jax.experimental.pallas import tpu_sc as plsc

N = 10000
E = 160000
D = 256
DQ = 64
G = 8
NC = 2
NS = 16
L = 16
NP = 10240
RPT = NP // NS
NR = NP // 128
EPT = NP
EPAD = NS * EPT
CH = 128
NCHUNK = EPT // CH
CQ = 32
NQCHUNK = EPT // CQ
NSL = 12
SSL = 4
GDEPTH = 9
SRT = RPT // 128
RPT_LAST = N - (NS - 1) * RPT

_GRID = np.linspace(-2.0, 2.0, G).astype(np.float32)
_INV_DENOM = np.float32(1.0 / ((_GRID[-1] - _GRID[0]) / (G - 1)))

_BM = 1000


def _dense_body(h_ref, bw_ref, sw_ref, w_ref, at_ref,
                k0_ref, k1_ref, k2_ref, k3_ref, s1_ref, s2_ref):
    h = h_ref[...]
    acc = jnp.dot(h * jax.nn.sigmoid(h), bw_ref[...],
                  preferred_element_type=jnp.float32)
    for g in range(G):
        z = (h - _GRID[g]) * _INV_DENOM
        phi = jnp.exp(-(z * z))
        acc = acc + jnp.dot(phi, sw_ref[g],
                            preferred_element_type=jnp.float32)
    k0_ref[...] = acc[:, 0 * DQ:1 * DQ].astype(jnp.bfloat16)
    k1_ref[...] = acc[:, 1 * DQ:2 * DQ].astype(jnp.bfloat16)
    k2_ref[...] = acc[:, 2 * DQ:3 * DQ].astype(jnp.bfloat16)
    k3_ref[...] = acc[:, 3 * DQ:4 * DQ].astype(jnp.bfloat16)
    a1 = at_ref[:, :D]
    a2 = at_ref[:, D:]
    wa1 = jnp.sum(w_ref[...] * a1, axis=1)
    wa2 = jnp.sum(w_ref[...] * a2, axis=1)
    s1 = jnp.sum(h * wa1[None, :], axis=1, keepdims=True)
    s2 = jnp.sum(h * wa2[None, :], axis=1, keepdims=True)
    s1_ref[...] = jnp.broadcast_to(s1, (h.shape[0], DQ))
    s2_ref[...] = jnp.broadcast_to(s2, (h.shape[0], DQ))


def _dense(h, base_weight, sw_r, W, aT):
    nblk = N // _BM
    qspec = pl.BlockSpec((_BM, DQ), lambda i: (i, 0))
    qshape_b = jax.ShapeDtypeStruct((N, DQ), jnp.bfloat16)
    qshape = jax.ShapeDtypeStruct((N, DQ), jnp.float32)
    return pl.pallas_call(
        _dense_body,
        grid=(nblk,),
        in_specs=[
            pl.BlockSpec((_BM, D), lambda i: (i, 0)),
            pl.BlockSpec((D, D), lambda i: (0, 0)),
            pl.BlockSpec((G, D, D), lambda i: (0, 0, 0)),
            pl.BlockSpec((D, D), lambda i: (0, 0)),
            pl.BlockSpec((1, 2 * D), lambda i: (0, 0)),
        ],
        out_specs=[qspec] * 6,
        out_shape=[qshape_b] * 4 + [qshape] * 2,
    )(h, base_weight, sw_r, W, aT)


def _split_idx(i16):
    return [lax.shift_right_logical(i16, 7), lax.bitwise_and(i16, 127)]


def _sc_body(s1_hbm, s2_hbm, rowsq_hbm, colsq_hbm,
             k0, k1, k2, k3,
             out,
             vs1, vs2, vqrows, vqcols, ve, vss, vidx,
             rbg, rbs,
             vm16, vmax_all,
             acc, maxstage, ss_final, gsem, ssem):
    c = lax.axis_index("c")
    s = lax.axis_index("s")

    pltpu.sync_copy(s1_hbm, vs1)
    pltpu.sync_copy(s2_hbm, vs2)
    pltpu.sync_copy(rowsq_hbm.at[s], vqrows)
    pltpu.sync_copy(colsq_hbm.at[s], vqcols)

    def _ve_idx(i, g):
        flat16 = (jnp.full((L,), i * CQ + g * L, jnp.int32)
                  + lax.iota(jnp.int32, L))
        return _split_idx(flat16)

    @plsc.parallel_loop(0, NQCHUNK, unroll=2,
                        carry=jnp.full((L,), -1e30, jnp.float32))
    def _e_loop(i, m):
        for g in range(CQ // L):
            r16 = vqrows[i, pl.ds(g * L, L)]
            c16 = vqcols[i, pl.ds(g * L, L)]
            sg = (plsc.load_gather(vs1, _split_idx(r16))
                  + plsc.load_gather(vs2, _split_idx(c16)))
            e16 = jnp.maximum(sg, 0.2 * sg)
            plsc.store_scatter(ve, _ve_idx(i, g), e16)
            m = jnp.maximum(m, e16)
        return m

    vm16[...] = _e_loop
    pltpu.sync_copy(vm16, maxstage.at[s])
    plsc.subcore_barrier()
    pltpu.sync_copy(maxstage, vmax_all)
    mm = vmax_all[0, :]
    for t in range(1, NS):
        mm = jnp.maximum(mm, vmax_all[t, :])
    gmax = jnp.max(mm)

    for gg in range(NR // L):
        vidx[pl.ds(gg * L, L)] = lax.iota(jnp.int32, L) + gg * L

    def z_step(q, _):
        for g in range(128 // L):
            vss[q, pl.ds(g * L, L)] = jnp.zeros((L,), jnp.float32)
        return 0

    lax.fori_loop(0, NR, z_step, 0)

    @pl.when(s == 0)
    def _():
        pltpu.sync_copy(vss, ss_final)
    plsc.subcore_barrier()

    @plsc.parallel_loop(0, NQCHUNK, unroll=2)
    def _ex_loop(i):
        for g in range(CQ // L):
            r16 = vqrows[i, pl.ds(g * L, L)]
            vix = _ve_idx(i, g)
            ex16 = jnp.exp(plsc.load_gather(ve, vix) - gmax)
            plsc.store_scatter(ve, vix, ex16)
            plsc.addupdate_scatter(vss, _split_idx(r16), ex16)

    pltpu.sync_copy(vss, ss_final.at[vidx], add=True)
    plsc.subcore_barrier()
    pltpu.sync_copy(ss_final, vss)

    @plsc.parallel_loop(0, NQCHUNK, unroll=2)
    def _att_loop(i):
        for g in range(CQ // L):
            r16 = vqrows[i, pl.ds(g * L, L)]
            vix = _ve_idx(i, g)
            ss16 = plsc.load_gather(vss, _split_idx(r16))
            plsc.store_scatter(ve, vix,
                               plsc.load_gather(ve, vix) / (ss16 + 1e-16))

    def zb_step(j, _):
        for g in range(DQ // L):
            rbs[j, pl.ds(g * L, L)] = jnp.zeros((L,), jnp.float32)
        return 0

    def agg_pass(kan_q, q):
        lax.fori_loop(0, SSL * CQ, zb_step, 0)
        for b in range(RPT // (SSL * CQ)):
            pltpu.sync_copy(rbs.at[pl.ds(0, SSL * CQ)],
                            acc.at[pl.ds(s * RPT + b * SSL * CQ,
                                         SSL * CQ)])
        plsc.subcore_barrier()

        def slot_g(sl):
            return rbg.at[pl.ds(sl * CQ, CQ)]

        def slot_s(sl):
            return rbs.at[pl.ds(sl * CQ, CQ)]

        def issue_g(j):
            pltpu.async_copy(kan_q.at[vqcols.at[j]],
                             slot_g(lax.rem(j, NSL)), gsem)

        def drain_g():
            pltpu.make_async_copy(kan_q.at[vqcols.at[0]], slot_g(0),
                                  gsem).wait()

        def issue_s(j):
            pltpu.async_copy(slot_s(lax.rem(j, SSL)),
                             acc.at[vqrows.at[j]], ssem, add=True)

        def drain_s():
            pltpu.make_async_copy(slot_s(0), acc.at[vqrows.at[0]],
                                  ssem).wait()

        col_a = 2 * lax.iota(jnp.int32, L)
        col_b = col_a + 1

        def scale(j):
            gbase = lax.rem(j, NSL) * CQ
            sbase = lax.rem(j, SSL) * CQ

            @plsc.parallel_loop(0, CQ, unroll=4)
            def _(jj):
                flat = j * CQ + jj
                att = plsc.load_gather(
                    ve, [jnp.full((L,), lax.shift_right_logical(flat, 7),
                                  jnp.int32),
                         jnp.full((L,), lax.bitwise_and(flat, 127),
                                  jnp.int32)])
                srow = jnp.full((L,), sbase + jj, jnp.int32)
                for g in range(DQ // (2 * L)):
                    x = rbg[gbase + jj, pl.ds(g * 2 * L, 2 * L)]
                    a, b = plsc.unpack(x, format=plsc.PackFormat.INTERLEAVED,
                                       preferred_element_type=jnp.float32)
                    plsc.store_scatter(rbs, [srow, col_a + g * 2 * L],
                                       a * att)
                    plsc.store_scatter(rbs, [srow, col_b + g * 2 * L],
                                       b * att)

        def prime(j, _):
            issue_g(j)
            return 0

        lax.fori_loop(0, GDEPTH, prime, 0)

        def pipe_step(j, _):
            @pl.when(j >= 2)
            def _():
                drain_s()

            @pl.when(j + GDEPTH < NQCHUNK)
            def _():
                issue_g(j + GDEPTH)

            drain_g()
            scale(j)
            issue_s(j)
            return 0

        lax.fori_loop(0, NQCHUNK, pipe_step, 0)
        drain_s()
        drain_s()
        plsc.subcore_barrier()
        col = (2 * c + q) * DQ

        @pl.when(s < NS - 1)
        def _():
            pltpu.sync_copy(acc.at[pl.ds(s * RPT, RPT)],
                            out.at[pl.ds(s * RPT, RPT), pl.ds(col, DQ)])

        @pl.when(s == NS - 1)
        def _():
            pltpu.sync_copy(acc.at[pl.ds(s * RPT, RPT_LAST)],
                            out.at[pl.ds(s * RPT, RPT_LAST),
                                   pl.ds(col, DQ)])
        plsc.subcore_barrier()

    @pl.when(c == 0)
    def _():
        agg_pass(k0, 0)
        agg_pass(k1, 1)

    @pl.when(c == 1)
    def _():
        agg_pass(k2, 0)
        agg_pass(k3, 1)


_sc_call = functools.partial(
    pl.kernel,
    mesh=plsc.VectorSubcoreMesh(core_axis_name="c", subcore_axis_name="s"),
    compiler_params=pltpu.CompilerParams(needs_layout_passes=False,
                                         use_tc_tiling_on_sc=False),
    out_type=jax.ShapeDtypeStruct((N, D), jnp.float32),
    scratch_types=[
        pltpu.VMEM((NR, 128), jnp.float32),
        pltpu.VMEM((NR, 128), jnp.float32),
        pltpu.VMEM((NQCHUNK, CQ), jnp.int32),
        pltpu.VMEM((NQCHUNK, CQ), jnp.int32),
        pltpu.VMEM((NCHUNK, CH), jnp.float32),
        pltpu.VMEM((NR, 128), jnp.float32),
        pltpu.VMEM((NR,), jnp.int32),
        pltpu.VMEM((NSL * CQ, DQ), jnp.bfloat16),
        pltpu.VMEM((SSL * CQ, DQ), jnp.float32),
        pltpu.VMEM((L,), jnp.float32),
        pltpu.VMEM((NS, L), jnp.float32),
        pltpu.VMEM_SHARED((NP, DQ), jnp.float32),
        pltpu.VMEM_SHARED((NS, L), jnp.float32),
        pltpu.VMEM_SHARED((NR, 128), jnp.float32),
        pltpu.SemaphoreType.DMA,
        pltpu.SemaphoreType.DMA,
    ],
)(_sc_body)


def kernel(h, edge_index, W, a, base_weight, spline_weight):
    aT = a.reshape(1, 2 * D)
    sw_r = spline_weight.reshape(D, G, D).transpose(1, 0, 2)
    k0, k1, k2, k3, s1b, s2b = _dense(h, base_weight, sw_r, W, aT)
    npad = EPAD - E
    s1 = jnp.concatenate([s1b[:, 0], jnp.full((NP - N,), -1e30, jnp.float32)])
    s2 = jnp.concatenate([s2b[:, 0], jnp.zeros((NP - N,), jnp.float32)])
    rowsq = jnp.concatenate(
        [edge_index[0], jnp.full((npad,), NP - 1, jnp.int32)])
    colsq = jnp.concatenate(
        [edge_index[1], jnp.zeros((npad,), jnp.int32)])
    return _sc_call(s1.reshape(NR, 128), s2.reshape(NR, 128),
                    rowsq.reshape(NS, NQCHUNK, CQ),
                    colsq.reshape(NS, NQCHUNK, CQ),
                    k0, k1, k2, k3)

# --- scband reference (transcript-rebuilt; emitter-appended) ---
"""Pipeline reference for scband-kangraph-attention-layer-arc2-5557687681558 (READ-ONLY COPY).

The authoritative reference and input builder live on the scoring server;
editing this copy changes nothing except your own understanding.
"""

import jax, jax.numpy as jnp
import numpy as np

N_NODES = 10000
N_EDGES = 160000
D_IN = 256
D_OUT = 256
NUM_GRIDS = 8


def setup_inputs(seed: int = 0) -> dict:
    key = jax.random.key(seed)
    k1, k2, k3, k4, k5, k6 = jax.random.split(key, 6)
    h = jax.random.normal(k1, (N_NODES, D_IN), dtype=jnp.float32)
    edge_index = jax.random.randint(k2, (2, N_EDGES), 0, N_NODES, dtype=jnp.int32)
    # xavier_uniform with gain=1.414
    lim_W = 1.414 * np.sqrt(6.0 / (D_IN + D_OUT))
    W = jax.random.uniform(k3, (D_IN, D_OUT), jnp.float32, -lim_W, lim_W)
    lim_a = 1.414 * np.sqrt(6.0 / (2 * D_OUT + 1))
    a = jax.random.uniform(k4, (2 * D_OUT, 1), jnp.float32, -lim_a, lim_a)
    # KAN layer params (FastKAN-style: SiLU base linear + RBF spline linear)
    lim_b = np.sqrt(6.0 / (D_IN + D_OUT))
    base_weight = jax.random.uniform(k5, (D_IN, D_OUT), jnp.float32, -lim_b, lim_b)
    lim_s = np.sqrt(6.0 / (D_IN * NUM_GRIDS + D_OUT))
    spline_weight = jax.random.uniform(k6, (D_IN * NUM_GRIDS, D_OUT), jnp.float32, -lim_s, lim_s)
    return {"h": h, "edge_index": edge_index, "W": W, "a": a,
            "base_weight": base_weight, "spline_weight": spline_weight}


def _kan(h, base_weight, spline_weight):
    grid = jnp.linspace(-2.0, 2.0, NUM_GRIDS, dtype=jnp.float32)
    denom = (grid[-1] - grid[0]) / (NUM_GRIDS - 1)
    phi = jnp.exp(-(((h[..., None] - grid) / denom) ** 2))  # [N, D_IN, G]
    spline = phi.reshape(h.shape[0], -1) @ spline_weight
    base = jax.nn.silu(h) @ base_weight
    return base + spline


def reference(h, edge_index, W, a, base_weight, spline_weight):
    N = h.shape[0]
    HW = h @ W
    HW_KAN = _kan(h, base_weight, spline_weight)
    row = edge_index[0]
    col = edge_index[1]
    HW_i = jnp.take(HW, row, axis=0)
    HW_j = jnp.take(HW, col, axis=0)
    HW_KAN_j = jnp.take(HW_KAN, col, axis=0)
    a_input = jnp.concatenate([HW_i, HW_j], axis=1)
    e = jax.nn.leaky_relu(a_input @ a, negative_slope=0.2).squeeze(-1)
    # segment softmax over destination index `row`
    seg_max = jax.ops.segment_max(e, row, num_segments=N)
    seg_max = jnp.where(jnp.isfinite(seg_max), seg_max, 0.0)
    ex = jnp.exp(e - seg_max[row])
    seg_sum = jax.ops.segment_sum(ex, row, num_segments=N)
    attention = ex / (seg_sum[row] + 1e-16)
    # dropout p=0.6 is identity in eval mode
    out = jnp.zeros_like(HW).at[row].add(attention[:, None] * HW_KAN_j)
    return out

if __name__ == "__main__":
    import jax
    _d = setup_inputs()
    print(jax.jit(kernel)(*tuple(_d.values())))

</pallas_src>

<mosaic_0001>
#map = affine_map<(d0, d1) -> (0, 0)>
#map1 = affine_map<(d0, d1) -> (0, 0, 0)>
module attributes {stable_mosaic.version = 14 : i64} {
  func.func @_sc_body(%arg0: i32, %arg1: i32, %arg2: memref<80x128xf32, #tpu.memory_space<hbm>>, %arg3: memref<80x128xf32, #tpu.memory_space<hbm>>, %arg4: memref<16x320x32xi32, #tpu.memory_space<hbm>>, %arg5: memref<16x320x32xi32, #tpu.memory_space<hbm>>, %arg6: memref<10000x64xbf16, #tpu.memory_space<hbm>>, %arg7: memref<10000x64xbf16, #tpu.memory_space<hbm>>, %arg8: memref<10000x64xbf16, #tpu.memory_space<hbm>>, %arg9: memref<10000x64xbf16, #tpu.memory_space<hbm>>, %arg10: memref<10000x256xf32, #tpu.memory_space<hbm>>, %arg11: memref<80x128xf32, #tpu.memory_space<vmem>>, %arg12: memref<80x128xf32, #tpu.memory_space<vmem>>, %arg13: memref<320x32xi32, #tpu.memory_space<vmem>>, %arg14: memref<320x32xi32, #tpu.memory_space<vmem>>, %arg15: memref<80x128xf32, #tpu.memory_space<vmem>>, %arg16: memref<80x128xf32, #tpu.memory_space<vmem>>, %arg17: memref<80xi32, #tpu.memory_space<vmem>>, %arg18: memref<384x64xbf16, #tpu.memory_space<vmem>>, %arg19: memref<128x64xf32, #tpu.memory_space<vmem>>, %arg20: memref<16xf32, #tpu.memory_space<vmem>>, %arg21: memref<16x16xf32, #tpu.memory_space<vmem>>, %arg22: memref<10240x64xf32, #tpu.memory_space<vmem_shared>>, %arg23: memref<16x16xf32, #tpu.memory_space<vmem_shared>>, %arg24: memref<80x128xf32, #tpu.memory_space<vmem_shared>>, %arg25: memref<!tpu.dma_semaphore, #tpu.memory_space<semaphore_mem>>, %arg26: memref<!tpu.dma_semaphore, #tpu.memory_space<semaphore_mem>>) attributes {dimension_semantics = [#tpu.dimension_semantics<core_parallel>, #tpu.dimension_semantics<subcore_parallel>], iteration_bounds = array<i64: 2, 16>, scalar_prefetch = 0 : i64, scratch_operands = 16 : i64, tpu.core_type = #tpu.core_type<sc_vector_subcore>, window_params = [{transform_indices = #map}, {transform_indices = #map}, {transform_indices = #map1}, {transform_indices = #map1}, {transform_indices = #map}, {transform_indices = #map}, {transform_indices = #map}, {transform_indices = #map}, {transform_indices = #map}]} {
    "tpu.region"() ({
      %run_scoped3A = tpu.sem_alloc : memref<!tpu.dma_semaphore, #tpu.memory_space<semaphore_mem>>
      tpu.enqueue_dma source(%arg2 : memref<80x128xf32, #tpu.memory_space<hbm>>) target(%arg11 : memref<80x128xf32, #tpu.memory_space<vmem>>) target_semaphore(%run_scoped3A : memref<!tpu.dma_semaphore, #tpu.memory_space<semaphore_mem>>)
      tpu.wait_dma2 semaphore(%run_scoped3A : memref<!tpu.dma_semaphore, #tpu.memory_space<semaphore_mem>>) src(%arg2 : memref<80x128xf32, #tpu.memory_space<hbm>>) dst(%arg11 : memref<80x128xf32, #tpu.memory_space<vmem>>)
      tpu.yield
    }) : () -> ()
    "tpu.region"() ({
      %run_scoped3A = tpu.sem_alloc : memref<!tpu.dma_semaphore, #tpu.memory_space<semaphore_mem>>
      tpu.enqueue_dma source(%arg3 : memref<80x128xf32, #tpu.memory_space<hbm>>) target(%arg12 : memref<80x128xf32, #tpu.memory_space<vmem>>) target_semaphore(%run_scoped3A : memref<!tpu.dma_semaphore, #tpu.memory_space<semaphore_mem>>)
      tpu.wait_dma2 semaphore(%run_scoped3A : memref<!tpu.dma_semaphore, #tpu.memory_space<semaphore_mem>>) src(%arg3 : memref<80x128xf32, #tpu.memory_space<hbm>>) dst(%arg12 : memref<80x128xf32, #tpu.memory_space<vmem>>)
      tpu.yield
    }) : () -> ()
    "tpu.region"() ({
      %run_scoped3A = tpu.sem_alloc : memref<!tpu.dma_semaphore, #tpu.memory_space<semaphore_mem>>
      %dma_start3A = arith.constant 0 : i32
      %dma_start3A_139 = arith.constant 0 : i32
      %dma_start3A_140 = tpu.memref_slice %arg4[%arg1, %dma_start3A, %dma_start3A_139] : memref<16x320x32xi32, #tpu.memory_space<hbm>> -> memref<1x320x32xi32, #tpu.memory_space<hbm>>
      %dma_start3A_141 = tpu.memref_squeeze %dma_start3A_140 : memref<1x320x32xi32, #tpu.memory_space<hbm>> -> memref<320x32xi32, #tpu.memory_space<hbm>>
      %dma_start3A_142 = arith.constant 0 : i32
      %dma_start3A_143 = arith.constant 0 : i32
      %dma_start3A_144 = tpu.memref_slice %arg4[%arg1, %dma_start3A_142, %dma_start3A_143] : memref<16x320x32xi32, #tpu.memory_space<hbm>> -> memref<1x320x32xi32, #tpu.memory_space<hbm>>
      %dma_start3A_145 = tpu.memref_squeeze %dma_start3A_144 : memref<1x320x32xi32, #tpu.memory_space<hbm>> -> memref<320x32xi32, #tpu.memory_space<hbm>>
      tpu.enqueue_dma source(%dma_start3A_145 : memref<320x32xi32, #tpu.memory_space<hbm>>) target(%arg13 : memref<320x32xi32, #tpu.memory_space<vmem>>) target_semaphore(%run_scoped3A : memref<!tpu.dma_semaphore, #tpu.memory_space<semaphore_mem>>)
      %dma_wait3A = arith.constant 0 : i32
      %dma_wait3A_146 = arith.constant 0 : i32
      %dma_wait3A_147 = tpu.memref_slice %arg4[%arg1, %dma_wait3A, %dma_wait3A_146] : memref<16x320x32xi32, #tpu.memory_space<hbm>> -> memref<1x320x32xi32, #tpu.memory_space<hbm>>
      %dma_wait3A_148 = tpu.memref_squeeze %dma_wait3A_147 : memref<1x320x32xi32, #tpu.memory_space<hbm>> -> memref<320x32xi32, #tpu.memory_space<hbm>>
      %dma_wait3A_149 = arith.constant 0 : i32
      %dma_wait3A_150 = arith.constant 0 : i32
      %dma_wait3A_151 = tpu.memref_slice %arg4[%arg1, %dma_wait3A_149, %dma_wait3A_150] : memref<16x320x32xi32, #tpu.memory_space<hbm>> -> memref<1x320x32xi32, #tpu.memory_space<hbm>>
      %dma_wait3A_152 = tpu.memref_squeeze %dma_wait3A_151 : memref<1x320x32xi32, #tpu.memory_space<hbm>> -> memref<320x32xi32, #tpu.memory_space<hbm>>
      tpu.wait_dma2 semaphore(%run_scoped3A : memref<!tpu.dma_semaphore, #tpu.memory_space<semaphore_mem>>) src(%dma_wait3A_152 : memref<320x32xi32, #tpu.memory_space<hbm>>) dst(%arg13 : memref<320x32xi32, #tpu.memory_space<vmem>>)
      tpu.yield
    }) : () -> ()
    "tpu.region"() ({
      %run_scoped3A = tpu.sem_alloc : memref<!tpu.dma_semaphore, #tpu.memory_space<semaphore_mem>>
      %dma_start3A = arith.constant 0 : i32
      %dma_start3A_139 = arith.constant 0 : i32
      %dma_start3A_140 = tpu.memref_slice %arg5[%arg1, %dma_start3A, %dma_start3A_139] : memref<16x320x32xi32, #tpu.memory_space<hbm>> -> memref<1x320x32xi32, #tpu.memory_space<hbm>>
      %dma_start3A_141 = tpu.memref_squeeze %dma_start3A_140 : memref<1x320x32xi32, #tpu.memory_space<hbm>> -> memref<320x32xi32, #tpu.memory_space<hbm>>
      %dma_start3A_142 = arith.constant 0 : i32
      %dma_start3A_143 = arith.constant 0 : i32
      %dma_start3A_144 = tpu.memref_slice %arg5[%arg1, %dma_start3A_142, %dma_start3A_143] : memref<16x320x32xi32, #tpu.memory_space<hbm>> -> memref<1x320x32xi32, #tpu.memory_space<hbm>>
      %dma_start3A_145 = tpu.memref_squeeze %dma_start3A_144 : memref<1x320x32xi32, #tpu.memory_space<hbm>> -> memref<320x32xi32, #tpu.memory_space<hbm>>
      tpu.enqueue_dma source(%dma_start3A_145 : memref<320x32xi32, #tpu.memory_space<hbm>>) target(%arg14 : memref<320x32xi32, #tpu.memory_space<vmem>>) target_semaphore(%run_scoped3A : memref<!tpu.dma_semaphore, #tpu.memory_space<semaphore_mem>>)
      %dma_wait3A = arith.constant 0 : i32
      %dma_wait3A_146 = arith.constant 0 : i32
      %dma_wait3A_147 = tpu.memref_slice %arg5[%arg1, %dma_wait3A, %dma_wait3A_146] : memref<16x320x32xi32, #tpu.memory_space<hbm>> -> memref<1x320x32xi32, #tpu.memory_space<hbm>>
      %dma_wait3A_148 = tpu.memref_squeeze %dma_wait3A_147 : memref<1x320x32xi32, #tpu.memory_space<hbm>> -> memref<320x32xi32, #tpu.memory_space<hbm>>
      %dma_wait3A_149 = arith.constant 0 : i32
      %dma_wait3A_150 = arith.constant 0 : i32
      %dma_wait3A_151 = tpu.memref_slice %arg5[%arg1, %dma_wait3A_149, %dma_wait3A_150] : memref<16x320x32xi32, #tpu.memory_space<hbm>> -> memref<1x320x32xi32, #tpu.memory_space<hbm>>
      %dma_wait3A_152 = tpu.memref_squeeze %dma_wait3A_151 : memref<1x320x32xi32, #tpu.memory_space<hbm>> -> memref<320x32xi32, #tpu.memory_space<hbm>>
      tpu.wait_dma2 semaphore(%run_scoped3A : memref<!tpu.dma_semaphore, #tpu.memory_space<semaphore_mem>>) src(%dma_wait3A_152 : memref<320x32xi32, #tpu.memory_space<hbm>>) dst(%arg14 : memref<320x32xi32, #tpu.memory_space<vmem>>)
      tpu.yield
    }) : () -> ()
    %broadcast_in_dim3A = arith.constant -1.000000e+30 : f32
    %broadcast_in_dim3A_0 = vector.broadcast %broadcast_in_dim3A : f32 to vector<16xf32>
    %parallel_loop3A = arith.constant 0 : i32
    %parallel_loop3A_1 = arith.constant 320 : i32
    %parallel_loop3A_2 = arith.constant 1 : i32
    %parallel_loop3A_3 = scf.for %parallel_loop3A_139 = %parallel_loop3A to %parallel_loop3A_1 step %parallel_loop3A_2 iter_args(%parallel_loop3A_140 = %broadcast_in_dim3A_0) -> (vector<16xf32>)  : i32 {
      %parallel_loop3A_141 = arith.index_cast %parallel_loop3A_139 : i32 to index
      %parallel_loop3A_142 = arith.constant 0 : index
      %parallel_loop3A_143 = tpu.vector_load %arg13[%parallel_loop3A_141, %parallel_loop3A_142] {strides = array<i32>} : memref<320x32xi32, #tpu.memory_space<vmem>>, vector<16xi32>,
      %parallel_loop3A_144 = arith.index_cast %parallel_loop3A_139 : i32 to index
      %parallel_loop3A_145 = arith.constant 0 : index
      %parallel_loop3A_146 = tpu.vector_load %arg14[%parallel_loop3A_144, %parallel_loop3A_145] {strides = array<i32>} : memref<320x32xi32, #tpu.memory_space<vmem>>, vector<16xi32>,
      %parallel_loop3A_147 = arith.constant 7 : i32
      %parallel_loop3A_148 = vector.broadcast %parallel_loop3A_147 : i32 to vector<16xi32>
      %parallel_loop3A_149 = arith.shrui %parallel_loop3A_143, %parallel_loop3A_148 : vector<16xi32>
      %parallel_loop3A_150 = arith.constant 127 : i32
      %parallel_loop3A_151 = vector.broadcast %parallel_loop3A_150 : i32 to vector<16xi32>
      %parallel_loop3A_152 = arith.andi %parallel_loop3A_143, %parallel_loop3A_151 : vector<16xi32>
      %parallel_loop3A_153 = tpu.vector_load_idx %arg11[%parallel_loop3A_149, %parallel_loop3A_152] : memref<80x128xf32, #tpu.memory_space<vmem>>[vector<16xi32>, vector<16xi32>], vector<16xf32>,
      %parallel_loop3A_154 = arith.constant 7 : i32
      %parallel_loop3A_155 = vector.broadcast %parallel_loop3A_154 : i32 to vector<16xi32>
      %parallel_loop3A_156 = arith.shrui %parallel_loop3A_146, %parallel_loop3A_155 : vector<16xi32>
      %parallel_loop3A_157 = arith.constant 127 : i32
      %parallel_loop3A_158 = vector.broadcast %parallel_loop3A_157 : i32 to vector<16xi32>
      %parallel_loop3A_159 = arith.andi %parallel_loop3A_146, %parallel_loop3A_158 : vector<16xi32>
      %parallel_loop3A_160 = tpu.vector_load_idx %arg12[%parallel_loop3A_156, %parallel_loop3A_159] : memref<80x128xf32, #tpu.memory_space<vmem>>[vector<16xi32>, vector<16xi32>], vector<16xf32>,
      %parallel_loop3A_161 = arith.addf %parallel_loop3A_153, %parallel_loop3A_160 : vector<16xf32>
      %parallel_loop3A_162 = arith.constant 2.000000e-01 : f32
      %parallel_loop3A_163 = vector.broadcast %parallel_loop3A_162 : f32 to vector<16xf32>
      %parallel_loop3A_164 = arith.mulf %parallel_loop3A_163, %parallel_loop3A_161 : vector<16xf32>
      %parallel_loop3A_165 = arith.maximumf %parallel_loop3A_161, %parallel_loop3A_164 : vector<16xf32>
      %parallel_loop3A_166 = arith.constant 32 : i32
      %parallel_loop3A_167 = arith.muli %parallel_loop3A_139, %parallel_loop3A_166 : i32
      %parallel_loop3A_168 = arith.constant 0 : i32
      %parallel_loop3A_169 = arith.addi %parallel_loop3A_167, %parallel_loop3A_168 : i32
      %parallel_loop3A_170 = vector.broadcast %parallel_loop3A_169 : i32 to vector<16xi32>
      %parallel_loop3A_171 = tpu.iota {dimensions = array<i32: 0>} : vector<16xi32>
      %parallel_loop3A_172 = arith.addi %parallel_loop3A_170, %parallel_loop3A_171 : vector<16xi32>
      %parallel_loop3A_173 = arith.constant 7 : i32
      %parallel_loop3A_174 = vector.broadcast %parallel_loop3A_173 : i32 to vector<16xi32>
      %parallel_loop3A_175 = arith.shrui %parallel_loop3A_172, %parallel_loop3A_174 : vector<16xi32>
      %parallel_loop3A_176 = arith.constant 127 : i32
      %parallel_loop3A_177 = vector.broadcast %parallel_loop3A_176 : i32 to vector<16xi32>
      %parallel_loop3A_178 = arith.andi %parallel_loop3A_172, %parallel_loop3A_177 : vector<16xi32>
      tpu.vector_store_idx %arg15[%parallel_loop3A_175, %parallel_loop3A_178], %parallel_loop3A_165 : memref<80x128xf32, #tpu.memory_space<vmem>>[vector<16xi32>, vector<16xi32>], vector<16xf32>,
      %parallel_loop3A_179 = arith.maximumf %parallel_loop3A_140, %parallel_loop3A_165 : vector<16xf32>
      %parallel_loop3A_180 = arith.index_cast %parallel_loop3A_139 : i32 to index
      %parallel_loop3A_181 = arith.constant 16 : index
      %parallel_loop3A_182 = tpu.vector_load %arg13[%parallel_loop3A_180, %parallel_loop3A_181] {strides = array<i32>} : memref<320x32xi32, #tpu.memory_space<vmem>>, vector<16xi32>,
      %parallel_loop3A_183 = arith.index_cast %parallel_loop3A_139 : i32 to index
      %parallel_loop3A_184 = arith.constant 16 : index
      %parallel_loop3A_185 = tpu.vector_load %arg14[%parallel_loop3A_183, %parallel_loop3A_184] {strides = array<i32>} : memref<320x32xi32, #tpu.memory_space<vmem>>, vector<16xi32>,
      %parallel_loop3A_186 = arith.constant 7 : i32
      %parallel_loop3A_187 = vector.broadcast %parallel_loop3A_186 : i32 to vector<16xi32>
      %parallel_loop3A_188 = arith.shrui %parallel_loop3A_182, %parallel_loop3A_187 : vector<16xi32>
      %parallel_loop3A_189 = arith.constant 127 : i32
      %parallel_loop3A_190 = vector.broadcast %parallel_loop3A_189 : i32 to vector<16xi32>
      %parallel_loop3A_191 = arith.andi %parallel_loop3A_182, %parallel_loop3A_190 : vector<16xi32>
      %parallel_loop3A_192 = tpu.vector_load_idx %arg11[%parallel_loop3A_188, %parallel_loop3A_191] : memref<80x128xf32, #tpu.memory_space<vmem>>[vector<16xi32>, vector<16xi32>], vector<16xf32>,
      %parallel_loop3A_193 = arith.constant 7 : i32
      %parallel_loop3A_194 = vector.broadcast %parallel_loop3A_193 : i32 to vector<16xi32>
      %parallel_loop3A_195 = arith.shrui %parallel_loop3A_185, %parallel_loop3A_194 : vector<16xi32>
      %parallel_loop3A_196 = arith.constant 127 : i32
      %parallel_loop3A_197 = vector.broadcast %parallel_loop3A_196 : i32 to vector<16xi32>
      %parallel_loop3A_198 = arith.andi %parallel_loop3A_185, %parallel_loop3A_197 : vector<16xi32>
      %parallel_loop3A_199 = tpu.vector_load_idx %arg12[%parallel_loop3A_195, %parallel_loop3A_198] : memref<80x128xf32, #tpu.memory_space<vmem>>[vector<16xi32>, vector<16xi32>], vector<16xf32>,
      %parallel_loop3A_200 = arith.addf %parallel_loop3A_192, %parallel_loop3A_199 : vector<16xf32>
      %parallel_loop3A_201 = arith.constant 2.000000e-01 : f32
      %parallel_loop3A_202 = vector.broadcast %parallel_loop3A_201 : f32 to vector<16xf32>
      %parallel_loop3A_203 = arith.mulf %parallel_loop3A_202, %parallel_loop3A_200 : vector<16xf32>
      %parallel_loop3A_204 = arith.maximumf %parallel_loop3A_200, %parallel_loop3A_203 : vector<16xf32>
      %parallel_loop3A_205 = arith.constant 32 : i32
      %parallel_loop3A_206 = arith.muli %parallel_loop3A_139, %parallel_loop3A_205 : i32
      %parallel_loop3A_207 = arith.constant 16 : i32
      %parallel_loop3A_208 = arith.addi %parallel_loop3A_206, %parallel_loop3A_207 : i32
      %parallel_loop3A_209 = vector.broadcast %parallel_loop3A_208 : i32 to vector<16xi32>
      %parallel_loop3A_210 = tpu.iota {dimensions = array<i32: 0>} : vector<16xi32>
      %parallel_loop3A_211 = arith.addi %parallel_loop3A_209, %parallel_loop3A_210 : vector<16xi32>
      %parallel_loop3A_212 = arith.constant 7 : i32
      %parallel_loop3A_213 = vector.broadcast %parallel_loop3A_212 : i32 to vector<16xi32>
      %parallel_loop3A_214 = arith.shrui %parallel_loop3A_211, %parallel_loop3A_213 : vector<16xi32>
      %parallel_loop3A_215 = arith.constant 127 : i32
      %parallel_loop3A_216 = vector.broadcast %parallel_loop3A_215 : i32 to vector<16xi32>
      %parallel_loop3A_217 = arith.andi %parallel_loop3A_211, %parallel_loop3A_216 : vector<16xi32>
      tpu.vector_store_idx %arg15[%parallel_loop3A_214, %parallel_loop3A_217], %parallel_loop3A_204 : memref<80x128xf32, #tpu.memory_space<vmem>>[vector<16xi32>, vector<16xi32>], vector<16xf32>,
      %parallel_loop3A_218 = arith.maximumf %parallel_loop3A_179, %parallel_loop3A_204 : vector<16xf32>
      scf.yield %parallel_loop3A_218 : vector<16xf32>
    } {sc.loop_unroll_factor = 2 : i64, sc.parallel_access}
    %swap3A = arith.constant 0 : index
    %swap3A_4 = tpu.vector_load %arg20[%swap3A] {strides = array<i32>} : memref<16xf32, #tpu.memory_space<vmem>>, vector<16xf32>,
    tpu.vector_store %arg20[%swap3A], %parallel_loop3A_3 {strides = array<i32>} : memref<16xf32, #tpu.memory_space<vmem>>, vector<16xf32>,
    "tpu.region"() ({
      %run_scoped3A = tpu.sem_alloc : memref<!tpu.dma_semaphore, #tpu.memory_space<semaphore_mem>>
      %dma_start3A = arith.constant 0 : i32
      %dma_start3A_139 = tpu.memref_slice %arg23[%arg1, %dma_start3A] : memref<16x16xf32, #tpu.memory_space<vmem_shared>> -> memref<1x16xf32, #tpu.memory_space<vmem_shared>>
      %dma_start3A_140 = tpu.memref_squeeze %dma_start3A_139 : memref<1x16xf32, #tpu.memory_space<vmem_shared>> -> memref<16xf32, #tpu.memory_space<vmem_shared>>
      %dma_start3A_141 = arith.constant 0 : i32
      %dma_start3A_142 = tpu.memref_slice %arg23[%arg1, %dma_start3A_141] : memref<16x16xf32, #tpu.memory_space<vmem_shared>> -> memref<1x16xf32, #tpu.memory_space<vmem_shared>>
      %dma_start3A_143 = tpu.memref_squeeze %dma_start3A_142 : memref<1x16xf32, #tpu.memory_space<vmem_shared>> -> memref<16xf32, #tpu.memory_space<vmem_shared>>
      tpu.enqueue_dma source(%arg20 : memref<16xf32, #tpu.memory_space<vmem>>) target(%dma_start3A_143 : memref<16xf32, #tpu.memory_space<vmem_shared>>) target_semaphore(%run_scoped3A : memref<!tpu.dma_semaphore, #tpu.memory_space<semaphore_mem>>)
      %dma_wait3A = arith.constant 0 : i32
      %dma_wait3A_144 = tpu.memref_slice %arg23[%arg1, %dma_wait3A] : memref<16x16xf32, #tpu.memory_space<vmem_shared>> -> memref<1x16xf32, #tpu.memory_space<vmem_shared>>
      %dma_wait3A_145 = tpu.memref_squeeze %dma_wait3A_144 : memref<1x16xf32, #tpu.memory_space<vmem_shared>> -> memref<16xf32, #tpu.memory_space<vmem_shared>>
      %dma_wait3A_146 = arith.constant 0 : i32
      %dma_wait3A_147 = tpu.memref_slice %arg23[%arg1, %dma_wait3A_146] : memref<16x16xf32, #tpu.memory_space<vmem_shared>> -> memref<1x16xf32, #tpu.memory_space<vmem_shared>>
      %dma_wait3A_148 = tpu.memref_squeeze %dma_wait3A_147 : memref<1x16xf32, #tpu.memory_space<vmem_shared>> -> memref<16xf32, #tpu.memory_space<vmem_shared>>
      tpu.wait_dma2 semaphore(%run_scoped3A : memref<!tpu.dma_semaphore, #tpu.memory_space<semaphore_mem>>) src(%arg20 : memref<16xf32, #tpu.memory_space<vmem>>) dst(%dma_wait3A_148 : memref<16xf32, #tpu.memory_space<vmem_shared>>)
      tpu.yield
    }) : () -> ()
    %barrier3A = arith.constant 0 : index
    tpu.barrier barrier_id(%barrier3A)
    "tpu.region"() ({
      %run_scoped3A = tpu.sem_alloc : memref<!tpu.dma_semaphore, #tpu.memory_space<semaphore_mem>>
      tpu.enqueue_dma source(%arg23 : memref<16x16xf32, #tpu.memory_space<vmem_shared>>) target(%arg21 : memref<16x16xf32, #tpu.memory_space<vmem>>) target_semaphore(%run_scoped3A : memref<!tpu.dma_semaphore, #tpu.memory_space<semaphore_mem>>)
      tpu.wait_dma2 semaphore(%run_scoped3A : memref<!tpu.dma_semaphore, #tpu.memory_space<semaphore_mem>>) src(%arg23 : memref<16x16xf32, #tpu.memory_space<vmem_shared>>) dst(%arg21 : memref<16x16xf32, #tpu.memory_space<vmem>>)
      tpu.yield
    }) : () -> ()
    %get3A = arith.constant 0 : i32
    %get3A_5 = arith.index_cast %get3A : i32 to index
    %get3A_6 = arith.constant 0 : index
    %get3A_7 = tpu.vector_load %arg21[%get3A_5, %get3A_6] {strides = array<i32>} : memref<16x16xf32, #tpu.memory_space<vmem>>, vector<16xf32>,
    %get3A_8 = arith.constant 1 : i32
    %get3A_9 = arith.index_cast %get3A_8 : i32 to index
    %get3A_10 = arith.constant 0 : index
    %get3A_11 = tpu.vector_load %arg21[%get3A_9, %get3A_10] {strides = array<i32>} : memref<16x16xf32, #tpu.memory_space<vmem>>, vector<16xf32>,
    %max3A = arith.maximumf %get3A_7, %get3A_11 : vector<16xf32>
    %get3A_12 = arith.constant 2 : i32
    %get3A_13 = arith.index_cast %get3A_12 : i32 to index
    %get3A_14 = arith.constant 0 : index
    %get3A_15 = tpu.vector_load %arg21[%get3A_13, %get3A_14] {strides = array<i32>} : memref<16x16xf32, #tpu.memory_space<vmem>>, vector<16xf32>,
    %max3A_16 = arith.maximumf %max3A, %get3A_15 : vector<16xf32>
    %get3A_17 = arith.constant 3 : i32
    %get3A_18 = arith.index_cast %get3A_17 : i32 to index
    %get3A_19 = arith.constant 0 : index
    %get3A_20 = tpu.vector_load %arg21[%get3A_18, %get3A_19] {strides = array<i32>} : memref<16x16xf32, #tpu.memory_space<vmem>>, vector<16xf32>,
    %max3A_21 = arith.maximumf %max3A_16, %get3A_20 : vector<16xf32>
    %get3A_22 = arith.constant 4 : i32
    %get3A_23 = arith.index_cast %get3A_22 : i32 to index
    %get3A_24 = arith.constant 0 : index
    %get3A_25 = tpu.vector_load %arg21[%get3A_23, %get3A_24] {strides = array<i32>} : memref<16x16xf32, #tpu.memory_space<vmem>>, vector<16xf32>,
    %max3A_26 = arith.maximumf %max3A_21, %get3A_25 : vector<16xf32>
    %get3A_27 = arith.constant 5 : i32
    %get3A_28 = arith.index_cast %get3A_27 : i32 to index
    %get3A_29 = arith.constant 0 : index
    %get3A_30 = tpu.vector_load %arg21[%get3A_28, %get3A_29] {strides = array<i32>} : memref<16x16xf32, #tpu.memory_space<vmem>>, vector<16xf32>,
    %max3A_31 = arith.maximumf %max3A_26, %get3A_30 : vector<16xf32>
    %get3A_32 = arith.constant 6 : i32
    %get3A_33 = arith.index_cast %get3A_32 : i32 to index
    %get3A_34 = arith.constant 0 : index
    %get3A_35 = tpu.vector_load %arg21[%get3A_33, %get3A_34] {strides = array<i32>} : memref<16x16xf32, #tpu.memory_space<vmem>>, vector<16xf32>,
    %max3A_36 = arith.maximumf %max3A_31, %get3A_35 : vector<16xf32>
    %get3A_37 = arith.constant 7 : i32
    %get3A_38 = arith.index_cast %get3A_37 : i32 to index
    %get3A_39 = arith.constant 0 : index
    %get3A_40 = tpu.vector_load %arg21[%get3A_38, %get3A_39] {strides = array<i32>} : memref<16x16xf32, #tpu.memory_space<vmem>>, vector<16xf32>,
    %max3A_41 = arith.maximumf %max3A_36, %get3A_40 : vector<16xf32>
    %get3A_42 = arith.constant 8 : i32
    %get3A_43 = arith.index_cast %get3A_42 : i32 to index
    %get3A_44 = arith.constant 0 : index
    %get3A_45 = tpu.vector_load %arg21[%get3A_43, %get3A_44] {strides = array<i32>} : memref<16x16xf32, #tpu.memory_space<vmem>>, vector<16xf32>,
    %max3A_46 = arith.maximumf %max3A_41, %get3A_45 : vector<16xf32>
    %get3A_47 = arith.constant 9 : i32
    %get3A_48 = arith.index_cast %get3A_47 : i32 to index
    %get3A_49 = arith.constant 0 : index
    %get3A_50 = tpu.vector_load %arg21[%get3A_48, %get3A_49] {strides = array<i32>} : memref<16x16xf32, #tpu.memory_space<vmem>>, vector<16xf32>,
    %max3A_51 = arith.maximumf %max3A_46, %get3A_50 : vector<16xf32>
    %get3A_52 = arith.constant 10 : i32
    %get3A_53 = arith.index_cast %get3A_52 : i32 to index
    %get3A_54 = arith.constant 0 : index
    %get3A_55 = tpu.vector_load %arg21[%get3A_53, %get3A_54] {strides = array<i32>} : memref<16x16xf32, #tpu.memory_space<vmem>>, vector<16xf32>,
    %max3A_56 = arith.maximumf %max3A_51, %get3A_55 : vector<16xf32>
    %get3A_57 = arith.constant 11 : i32
    %get3A_58 = arith.index_cast %get3A_57 : i32 to index
    %get3A_59 = arith.constant 0 : index
    %get3A_60 = tpu.vector_load %arg21[%get3A_58, %get3A_59] {strides = array<i32>} : memref<16x16xf32, #tpu.memory_space<vmem>>, vector<16xf32>,
    %max3A_61 = arith.maximumf %max3A_56, %get3A_60 : vector<16xf32>
    %get3A_62 = arith.constant 12 : i32
    %get3A_63 = arith.index_cast %get3A_62 : i32 to index
    %get3A_64 = arith.constant 0 : index
    %get3A_65 = tpu.vector_load %arg21[%get3A_63, %get3A_64] {strides = array<i32>} : memref<16x16xf32, #tpu.memory_space<vmem>>, vector<16xf32>,
    %max3A_66 = arith.maximumf %max3A_61, %get3A_65 : vector<16xf32>
    %get3A_67 = arith.constant 13 : i32
    %get3A_68 = arith.index_cast %get3A_67 : i32 to index
    %get3A_69 = arith.constant 0 : index
    %get3A_70 = tpu.vector_load %arg21[%get3A_68, %get3A_69] {strides = array<i32>} : memref<16x16xf32, #tpu.memory_space<vmem>>, vector<16xf32>,
    %max3A_71 = arith.maximumf %max3A_66, %get3A_70 : vector<16xf32>
    %get3A_72 = arith.constant 14 : i32
    %get3A_73 = arith.index_cast %get3A_72 : i32 to index
    %get3A_74 = arith.constant 0 : index
    %get3A_75 = tpu.vector_load %arg21[%get3A_73, %get3A_74] {strides = array<i32>} : memref<16x16xf32, #tpu.memory_space<vmem>>, vector<16xf32>,
    %max3A_76 = arith.maximumf %max3A_71, %get3A_75 : vector<16xf32>
    %get3A_77 = arith.constant 15 : i32
    %get3A_78 = arith.index_cast %get3A_77 : i32 to index
    %get3A_79 = arith.constant 0 : index
    %get3A_80 = tpu.vector_load %arg21[%get3A_78, %get3A_79] {strides = array<i32>} : memref<16x16xf32, #tpu.memory_space<vmem>>, vector<16xf32>,
    %max3A_81 = arith.maximumf %max3A_76, %get3A_80 : vector<16xf32>
    %reduce_max3A = arith.constant true
    %reduce_max3A_82 = vector.broadcast %reduce_max3A : i1 to vector<16xi1>
    %reduce_max3A_83 = tpu.scan <max>, %max3A_81 masked %reduce_max3A_82 : vector<16xf32>, vector<16xi1> -> vector<16xf32>
    %reduce_max3A_84 = vector.extract %reduce_max3A_83[15] : f32 from vector<16xf32>
    %iota3A = tpu.iota {dimensions = array<i32: 0>} : vector<16xi32>
    %add3A = arith.constant 0 : i32
    %add3A_85 = vector.broadcast %add3A : i32 to vector<16xi32>
    %add3A_86 = arith.addi %iota3A, %add3A_85 : vector<16xi32>
    %swap3A_87 = arith.constant 0 : index
    %swap3A_88 = tpu.vector_load %arg17[%swap3A_87] {strides = array<i32>} : memref<80xi32, #tpu.memory_space<vmem>>, vector<16xi32>,
    tpu.vector_store %arg17[%swap3A_87], %add3A_86 {strides = array<i32>} : memref<80xi32, #tpu.memory_space<vmem>>, vector<16xi32>,
    %iota3A_89 = tpu.iota {dimensions = array<i32: 0>} : vector<16xi32>
    %add3A_90 = arith.constant 16 : i32
    %add3A_91 = vector.broadcast %add3A_90 : i32 to vector<16xi32>
    %add3A_92 = arith.addi %iota3A_89, %add3A_91 : vector<16xi32>
    %swap3A_93 = arith.constant 16 : index
    %swap3A_94 = tpu.vector_load %arg17[%swap3A_93] {strides = array<i32>} : memref<80xi32, #tpu.memory_space<vmem>>, vector<16xi32>,
    tpu.vector_store %arg17[%swap3A_93], %add3A_92 {strides = array<i32>} : memref<80xi32, #tpu.memory_space<vmem>>, vector<16xi32>,
    %iota3A_95 = tpu.iota {dimensions = array<i32: 0>} : vector<16xi32>
    %add3A_96 = arith.constant 32 : i32
    %add3A_97 = vector.broadcast %add3A_96 : i32 to vector<16xi32>
    %add3A_98 = arith.addi %iota3A_95, %add3A_97 : vector<16xi32>
    %swap3A_99 = arith.constant 32 : index
    %swap3A_100 = tpu.vector_load %arg17[%swap3A_99] {strides = array<i32>} : memref<80xi32, #tpu.memory_space<vmem>>, vector<16xi32>,
    tpu.vector_store %arg17[%swap3A_99], %add3A_98 {strides = array<i32>} : memref<80xi32, #tpu.memory_space<vmem>>, vector<16xi32>,
    %iota3A_101 = tpu.iota {dimensions = array<i32: 0>} : vector<16xi32>
    %add3A_102 = arith.constant 48 : i32
    %add3A_103 = vector.broadcast %add3A_102 : i32 to vector<16xi32>
    %add3A_104 = arith.addi %iota3A_101, %add3A_103 : vector<16xi32>
    %swap3A_105 = arith.constant 48 : index
    %swap3A_106 = tpu.vector_load %arg17[%swap3A_105] {strides = array<i32>} : memref<80xi32, #tpu.memory_space<vmem>>, vector<16xi32>,
    tpu.vector_store %arg17[%swap3A_105], %add3A_104 {strides = array<i32>} : memref<80xi32, #tpu.memory_space<vmem>>, vector<16xi32>,
    %iota3A_107 = tpu.iota {dimensions = array<i32: 0>} : vector<16xi32>
    %add3A_108 = arith.constant 64 : i32
    %add3A_109 = vector.broadcast %add3A_108 : i32 to vector<16xi32>
    %add3A_110 = arith.addi %iota3A_107, %add3A_109 : vector<16xi32>
    %swap3A_111 = arith.constant 64 : index
    %swap3A_112 = tpu.vector_load %arg17[%swap3A_111] {strides = array<i32>} : memref<80xi32, #tpu.memory_space<vmem>>, vector<16xi32>,
    tpu.vector_store %arg17[%swap3A_111], %add3A_110 {strides = array<i32>} : memref<80xi32, #tpu.memory_space<vmem>>, vector<16xi32>,
    %scan3A = arith.constant 0 : i32
    %scan3A_113 = arith.constant 0 : i32
    %scan3A_114 = arith.constant 80 : i32
    %scan3A_115 = arith.addi %scan3A_113, %scan3A_114 : i32
    %scan3A_116 = arith.constant 1 : i32
    %scan3A_117 = scf.for %scan3A_139 = %scan3A_113 to %scan3A_115 step %scan3A_116 iter_args(%scan3A_140 = %scan3A) -> (i32)  : i32 {
      %broadcast_in_dim3A_141 = arith.constant 0.000000e+00 : f32
      %broadcast_in_dim3A_142 = vector.broadcast %broadcast_in_dim3A_141 : f32 to vector<16xf32>
      %swap3A_143 = arith.index_cast %scan3A_139 : i32 to index
      %swap3A_144 = arith.constant 0 : index
      %swap3A_145 = tpu.vector_load %arg16[%swap3A_143, %swap3A_144] {strides = array<i32>} : memref<80x128xf32, #tpu.memory_space<vmem>>, vector<16xf32>,
      tpu.vector_store %arg16[%swap3A_143, %swap3A_144], %broadcast_in_dim3A_142 {strides = array<i32>} : memref<80x128xf32, #tpu.memory_space<vmem>>, vector<16xf32>,
      %broadcast_in_dim3A_146 = arith.constant 0.000000e+00 : f32
      %broadcast_in_dim3A_147 = vector.broadcast %broadcast_in_dim3A_146 : f32 to vector<16xf32>
      %swap3A_148 = arith.index_cast %scan3A_139 : i32 to index
      %swap3A_149 = arith.constant 16 : index
      %swap3A_150 = tpu.vector_load %arg16[%swap3A_148, %swap3A_149] {strides = array<i32>} : memref<80x128xf32, #tpu.memory_space<vmem>>, vector<16xf32>,
      tpu.vector_store %arg16[%swap3A_148, %swap3A_149], %broadcast_in_dim3A_147 {strides = array<i32>} : memref<80x128xf32, #tpu.memory_space<vmem>>, vector<16xf32>,
      %broadcast_in_dim3A_151 = arith.constant 0.000000e+00 : f32
      %broadcast_in_dim3A_152 = vector.broadcast %broadcast_in_dim3A_151 : f32 to vector<16xf32>
      %swap3A_153 = arith.index_cast %scan3A_139 : i32 to index
      %swap3A_154 = arith.constant 32 : index
      %swap3A_155 = tpu.vector_load %arg16[%swap3A_153, %swap3A_154] {strides = array<i32>} : memref<80x128xf32, #tpu.memory_space<vmem>>, vector<16xf32>,
      tpu.vector_store %arg16[%swap3A_153, %swap3A_154], %broadcast_in_dim3A_152 {strides = array<i32>} : memref<80x128xf32, #tpu.memory_space<vmem>>, vector<16xf32>,
      %broadcast_in_dim3A_156 = arith.constant 0.000000e+00 : f32
      %broadcast_in_dim3A_157 = vector.broadcast %broadcast_in_dim3A_156 : f32 to vector<16xf32>
      %swap3A_158 = arith.index_cast %scan3A_139 : i32 to index
      %swap3A_159 = arith.constant 48 : index
      %swap3A_160 = tpu.vector_load %arg16[%swap3A_158, %swap3A_159] {strides = array<i32>} : memref<80x128xf32, #tpu.memory_space<vmem>>, vector<16xf32>,
      tpu.vector_store %arg16[%swap3A_158, %swap3A_159], %broadcast_in_dim3A_157 {strides = array<i32>} : memref<80x128xf32, #tpu.memory_space<vmem>>, vector<16xf32>,
      %broadcast_in_dim3A_161 = arith.constant 0.000000e+00 : f32
      %broadcast_in_dim3A_162 = vector.broadcast %broadcast_in_dim3A_161 : f32 to vector<16xf32>
      %swap3A_163 = arith.index_cast %scan3A_139 : i32 to index
      %swap3A_164 = arith.constant 64 : index
      %swap3A_165 = tpu.vector_load %arg16[%swap3A_163, %swap3A_164] {strides = array<i32>} : memref<80x128xf32, #tpu.memory_space<vmem>>, vector<16xf32>,
      tpu.vector_store %arg16[%swap3A_163, %swap3A_164], %broadcast_in_dim3A_162 {strides = array<i32>} : memref<80x128xf32, #tpu.memory_space<vmem>>, vector<16xf32>,
      %broadcast_in_dim3A_166 = arith.constant 0.000000e+00 : f32
      %broadcast_in_dim3A_167 = vector.broadcast %broadcast_in_dim3A_166 : f32 to vector<16xf32>
      %swap3A_168 = arith.index_cast %scan3A_139 : i32 to index
      %swap3A_169 = arith.constant 80 : index
      %swap3A_170 = tpu.vector_load %arg16[%swap3A_168, %swap3A_169] {strides = array<i32>} : memref<80x128xf32, #tpu.memory_space<vmem>>, vector<16xf32>,
      tpu.vector_store %arg16[%swap3A_168, %swap3A_169], %broadcast_in_dim3A_167 {strides = array<i32>} : memref<80x128xf32, #tpu.memory_space<vmem>>, vector<16xf32>,
      %broadcast_in_dim3A_171 = arith.constant 0.000000e+00 : f32
      %broadcast_in_dim3A_172 = vector.broadcast %broadcast_in_dim3A_171 : f32 to vector<16xf32>
      %swap3A_173 = arith.index_cast %scan3A_139 : i32 to index
      %swap3A_174 = arith.constant 96 : index
      %swap3A_175 = tpu.vector_load %arg16[%swap3A_173, %swap3A_174] {strides = array<i32>} : memref<80x128xf32, #tpu.memory_space<vmem>>, vector<16xf32>,
      tpu.vector_store %arg16[%swap3A_173, %swap3A_174], %broadcast_in_dim3A_172 {strides = array<i32>} : memref<80x128xf32, #tpu.memory_space<vmem>>, vector<16xf32>,
      %broadcast_in_dim3A_176 = arith.constant 0.000000e+00 : f32
      %broadcast_in_dim3A_177 = vector.broadcast %broadcast_in_dim3A_176 : f32 to vector<16xf32>
      %swap3A_178 = arith.index_cast %scan3A_139 : i32 to index
      %swap3A_179 = arith.constant 112 : index
      %swap3A_180 = tpu.vector_load %arg16[%swap3A_178, %swap3A_179] {strides = array<i32>} : memref<80x128xf32, #tpu.memory_space<vmem>>, vector<16xf32>,
      tpu.vector_store %arg16[%swap3A_178, %swap3A_179], %broadcast_in_dim3A_177 {strides = array<i32>} : memref<80x128xf32, #tpu.memory_space<vmem>>, vector<16xf32>,
      %scan3A_181 = arith.constant 0 : i32
      scf.yield %scan3A_181 : i32
    }
    %scan3A_118 = arith.constant 80 : i32
    %eq3A = arith.constant 0 : i32
    %eq3A_119 = arith.cmpi eq, %arg1, %eq3A : i32
    %convert_element_type3A = arith.extui %eq3A_119 : i1 to i32
    %cond3A = arith.constant 0 : i32
    %cond3A_120 = arith.cmpi ne, %convert_element_type3A, %cond3A : i32
    scf.if %cond3A_120 {
      "tpu.region"() ({
        %run_scoped3A = tpu.sem_alloc : memref<!tpu.dma_semaphore, #tpu.memory_space<semaphore_mem>>
        tpu.enqueue_dma source(%arg16 : memref<80x128xf32, #tpu.memory_space<vmem>>) target(%arg24 : memref<80x128xf32, #tpu.memory_space<vmem_shared>>) target_semaphore(%run_scoped3A : memref<!tpu.dma_semaphore, #tpu.memory_space<semaphore_mem>>)
        tpu.wait_dma2 semaphore(%run_scoped3A : memref<!tpu.dma_semaphore, #tpu.memory_space<semaphore_mem>>) src(%arg16 : memref<80x128xf32, #tpu.memory_space<vmem>>) dst(%arg24 : memref<80x128xf32, #tpu.memory_space<vmem_shared>>)
        tpu.yield
      }) : () -> ()
    } else {
    }
    %barrier3A_121 = arith.constant 0 : index
    tpu.barrier barrier_id(%barrier3A_121)
    %parallel_loop3A_122 = arith.constant 0 : i32
    %parallel_loop3A_123 = arith.constant 320 : i32
    %parallel_loop3A_124 = arith.constant 1 : i32
    scf.for %parallel_loop3A_139 = %parallel_loop3A_122 to %parallel_loop3A_123 step %parallel_loop3A_124  : i32 {
      %parallel_loop3A_140 = arith.index_cast %parallel_loop3A_139 : i32 to index
      %parallel_loop3A_141 = arith.constant 0 : index
      %parallel_loop3A_142 = tpu.vector_load %arg13[%parallel_loop3A_140, %parallel_loop3A_141] {strides = array<i32>} : memref<320x32xi32, #tpu.memory_space<vmem>>, vector<16xi32>,
      %parallel_loop3A_143 = arith.constant 32 : i32
      %parallel_loop3A_144 = arith.muli %parallel_loop3A_139, %parallel_loop3A_143 : i32
      %parallel_loop3A_145 = arith.constant 0 : i32
      %parallel_loop3A_146 = arith.addi %parallel_loop3A_144, %parallel_loop3A_145 : i32
      %parallel_loop3A_147 = vector.broadcast %parallel_loop3A_146 : i32 to vector<16xi32>
      %parallel_loop3A_148 = tpu.iota {dimensions = array<i32: 0>} : vector<16xi32>
      %parallel_loop3A_149 = arith.addi %parallel_loop3A_147, %parallel_loop3A_148 : vector<16xi32>
      %parallel_loop3A_150 = arith.constant 7 : i32
      %parallel_loop3A_151 = vector.broadcast %parallel_loop3A_150 : i32 to vector<16xi32>
      %parallel_loop3A_152 = arith.shrui %parallel_loop3A_149, %parallel_loop3A_151 : vector<16xi32>
      %parallel_loop3A_153 = arith.constant 127 : i32
      %parallel_loop3A_154 = vector.broadcast %parallel_loop3A_153 : i32 to vector<16xi32>
      %parallel_loop3A_155 = arith.andi %parallel_loop3A_149, %parallel_loop3A_154 : vector<16xi32>
      %parallel_loop3A_156 = tpu.vector_load_idx %arg15[%parallel_loop3A_152, %parallel_loop3A_155] : memref<80x128xf32, #tpu.memory_space<vmem>>[vector<16xi32>, vector<16xi32>], vector<16xf32>,
      %parallel_loop3A_157 = vector.broadcast %reduce_max3A_84 : f32 to vector<16xf32>
      %parallel_loop3A_158 = arith.subf %parallel_loop3A_156, %parallel_loop3A_157 : vector<16xf32>
      %parallel_loop3A_159 = math.exp %parallel_loop3A_158 : vector<16xf32>
      tpu.vector_store_idx %arg15[%parallel_loop3A_152, %parallel_loop3A_155], %parallel_loop3A_159 : memref<80x128xf32, #tpu.memory_space<vmem>>[vector<16xi32>, vector<16xi32>], vector<16xf32>,
      %parallel_loop3A_160 = arith.constant 7 : i32
      %parallel_loop3A_161 = vector.broadcast %parallel_loop3A_160 : i32 to vector<16xi32>
      %parallel_loop3A_162 = arith.shrui %parallel_loop3A_142, %parallel_loop3A_161 : vector<16xi32>
      %parallel_loop3A_163 = arith.constant 127 : i32
      %parallel_loop3A_164 = vector.broadcast %parallel_loop3A_163 : i32 to vector<16xi32>
      %parallel_loop3A_165 = arith.andi %parallel_loop3A_142, %parallel_loop3A_164 : vector<16xi32>
      tpu.vector_store_idx %arg16[%parallel_loop3A_162, %parallel_loop3A_165], %parallel_loop3A_159 {add = true} : memref<80x128xf32, #tpu.memory_space<vmem>>[vector<16xi32>, vector<16xi32>], vector<16xf32>,
      %parallel_loop3A_166 = arith.index_cast %parallel_loop3A_139 : i32 to index
      %parallel_loop3A_167 = arith.constant 16 : index
      %parallel_loop3A_168 = tpu.vector_load %arg13[%parallel_loop3A_166, %parallel_loop3A_167] {strides = array<i32>} : memref<320x32xi32, #tpu.memory_space<vmem>>, vector<16xi32>,
      %parallel_loop3A_169 = arith.constant 32 : i32
      %parallel_loop3A_170 = arith.muli %parallel_loop3A_139, %parallel_loop3A_169 : i32
      %parallel_loop3A_171 = arith.constant 16 : i32
      %parallel_loop3A_172 = arith.addi %parallel_loop3A_170, %parallel_loop3A_171 : i32
      %parallel_loop3A_173 = vector.broadcast %parallel_loop3A_172 : i32 to vector<16xi32>
      %parallel_loop3A_174 = tpu.iota {dimensions = array<i32: 0>} : vector<16xi32>
      %parallel_loop3A_175 = arith.addi %parallel_loop3A_173, %parallel_loop3A_174 : vector<16xi32>
      %parallel_loop3A_176 = arith.constant 7 : i32
      %parallel_loop3A_177 = vector.broadcast %parallel_loop3A_176 : i32 to vector<16xi32>
      %parallel_loop3A_178 = arith.shrui %parallel_loop3A_175, %parallel_loop3A_177 : vector<16xi32>
      %parallel_loop3A_179 = arith.constant 127 : i32
      %parallel_loop3A_180 = vector.broadcast %parallel_loop3A_179 : i32 to vector<16xi32>
      %parallel_loop3A_181 = arith.andi %parallel_loop3A_175, %parallel_loop3A_180 : vector<16xi32>
      %parallel_loop3A_182 = tpu.vector_load_idx %arg15[%parallel_loop3A_178, %parallel_loop3A_181] : memref<80x128xf32, #tpu.memory_space<vmem>>[vector<16xi32>, vector<16xi32>], vector<16xf32>,
      %parallel_loop3A_183 = vector.broadcast %reduce_max3A_84 : f32 to vector<16xf32>
      %parallel_loop3A_184 = arith.subf %parallel_loop3A_182, %parallel_loop3A_183 : vector<16xf32>
      %parallel_loop3A_185 = math.exp %parallel_loop3A_184 : vector<16xf32>
      tpu.vector_store_idx %arg15[%parallel_loop3A_178, %parallel_loop3A_181], %parallel_loop3A_185 : memref<80x128xf32, #tpu.memory_space<vmem>>[vector<16xi32>, vector<16xi32>], vector<16xf32>,
      %parallel_loop3A_186 = arith.constant 7 : i32
      %parallel_loop3A_187 = vector.broadcast %parallel_loop3A_186 : i32 to vector<16xi32>
      %parallel_loop3A_188 = arith.shrui %parallel_loop3A_168, %parallel_loop3A_187 : vector<16xi32>
      %parallel_loop3A_189 = arith.constant 127 : i32
      %parallel_loop3A_190 = vector.broadcast %parallel_loop3A_189 : i32 to vector<16xi32>
      %parallel_loop3A_191 = arith.andi %parallel_loop3A_168, %parallel_loop3A_190 : vector<16xi32>
      tpu.vector_store_idx %arg16[%parallel_loop3A_188, %parallel_loop3A_191], %parallel_loop3A_185 {add = true} : memref<80x128xf32, #tpu.memory_space<vmem>>[vector<16xi32>, vector<16xi32>], vector<16xf32>,
    } {sc.loop_unroll_factor = 2 : i64, sc.parallel_access}
    "tpu.region"() ({
      %run_scoped3A = tpu.sem_alloc : memref<!tpu.dma_semaphore, #tpu.memory_space<semaphore_mem>>
      %dma_start3A = arith.constant 0 : i32
      %dma_start3A_139 = arith.constant 0 : i32
      %dma_start3A_140 = tpu.memref_slice %arg24[%dma_start3A, %dma_start3A_139] : memref<80x128xf32, #tpu.memory_space<vmem_shared>> -> memref<80x128xf32, #tpu.memory_space<vmem_shared>>
      tpu.enqueue_indirect_dma source(%arg16 : memref<80x128xf32, #tpu.memory_space<vmem>>) target(%dma_start3A_140 : memref<80x128xf32, #tpu.memory_space<vmem_shared>>) offsets(%arg17 : memref<80xi32, #tpu.memory_space<vmem>>) semaphore(%run_scoped3A : memref<!tpu.dma_semaphore, #tpu.memory_space<semaphore_mem>>) {add = true}
      %dma_wait3A = arith.constant 0 : i32
      %dma_wait3A_141 = arith.constant 0 : i32
      %dma_wait3A_142 = tpu.memref_slice %arg24[%dma_wait3A, %dma_wait3A_141] : memref<80x128xf32, #tpu.memory_space<vmem_shared>> -> memref<80x128xf32, #tpu.memory_space<vmem_shared>>
      tpu.wait_indirect_dma semaphore(%run_scoped3A : memref<!tpu.dma_semaphore, #tpu.memory_space<semaphore_mem>>) src(%arg16 : memref<80x128xf32, #tpu.memory_space<vmem>>) dst(%dma_wait3A_142 : memref<80x128xf32, #tpu.memory_space<vmem_shared>>)
      tpu.yield
    }) : () -> ()
    %barrier3A_125 = arith.constant 0 : index
    tpu.barrier barrier_id(%barrier3A_125)
    "tpu.region"() ({
      %run_scoped3A = tpu.sem_alloc : memref<!tpu.dma_semaphore, #tpu.memory_space<semaphore_mem>>
      tpu.enqueue_dma source(%arg24 : memref<80x128xf32, #tpu.memory_space<vmem_shared>>) target(%arg16 : memref<80x128xf32, #tpu.memory_space<vmem>>) target_semaphore(%run_scoped3A : memref<!tpu.dma_semaphore, #tpu.memory_space<semaphore_mem>>)
      tpu.wait_dma2 semaphore(%run_scoped3A : memref<!tpu.dma_semaphore, #tpu.memory_space<semaphore_mem>>) src(%arg24 : memref<80x128xf32, #tpu.memory_space<vmem_shared>>) dst(%arg16 : memref<80x128xf32, #tpu.memory_space<vmem>>)
      tpu.yield
    }) : () -> ()
    %parallel_loop3A_126 = arith.constant 0 : i32
    %parallel_loop3A_127 = arith.constant 320 : i32
    %parallel_loop3A_128 = arith.constant 1 : i32
    scf.for %parallel_loop3A_139 = %parallel_loop3A_126 to %parallel_loop3A_127 step %parallel_loop3A_128  : i32 {
      %parallel_loop3A_140 = arith.index_cast %parallel_loop3A_139 : i32 to index
      %parallel_loop3A_141 = arith.constant 0 : index
      %parallel_loop3A_142 = tpu.vector_load %arg13[%parallel_loop3A_140, %parallel_loop3A_141] {strides = array<i32>} : memref<320x32xi32, #tpu.memory_space<vmem>>, vector<16xi32>,
      %parallel_loop3A_143 = arith.constant 32 : i32
      %parallel_loop3A_144 = arith.muli %parallel_loop3A_139, %parallel_loop3A_143 : i32
      %parallel_loop3A_145 = arith.constant 0 : i32
      %parallel_loop3A_146 = arith.addi %parallel_loop3A_144, %parallel_loop3A_145 : i32
      %parallel_loop3A_147 = vector.broadcast %parallel_loop3A_146 : i32 to vector<16xi32>
      %parallel_loop3A_148 = tpu.iota {dimensions = array<i32: 0>} : vector<16xi32>
      %parallel_loop3A_149 = arith.addi %parallel_loop3A_147, %parallel_loop3A_148 : vector<16xi32>
      %parallel_loop3A_150 = arith.constant 7 : i32
      %parallel_loop3A_151 = vector.broadcast %parallel_loop3A_150 : i32 to vector<16xi32>
      %parallel_loop3A_152 = arith.shrui %parallel_loop3A_149, %parallel_loop3A_151 : vector<16xi32>
      %parallel_loop3A_153 = arith.constant 127 : i32
      %parallel_loop3A_154 = vector.broadcast %parallel_loop3A_153 : i32 to vector<16xi32>
      %parallel_loop3A_155 = arith.andi %parallel_loop3A_149, %parallel_loop3A_154 : vector<16xi32>
      %parallel_loop3A_156 = arith.constant 7 : i32
      %parallel_loop3A_157 = vector.broadcast %parallel_loop3A_156 : i32 to vector<16xi32>
      %parallel_loop3A_158 = arith.shrui %parallel_loop3A_142, %parallel_loop3A_157 : vector<16xi32>
      %parallel_loop3A_159 = arith.constant 127 : i32
      %parallel_loop3A_160 = vector.broadcast %parallel_loop3A_159 : i32 to vector<16xi32>
      %parallel_loop3A_161 = arith.andi %parallel_loop3A_142, %parallel_loop3A_160 : vector<16xi32>
      %parallel_loop3A_162 = tpu.vector_load_idx %arg16[%parallel_loop3A_158, %parallel_loop3A_161] : memref<80x128xf32, #tpu.memory_space<vmem>>[vector<16xi32>, vector<16xi32>], vector<16xf32>,
      %parallel_loop3A_163 = tpu.vector_load_idx %arg15[%parallel_loop3A_152, %parallel_loop3A_155] : memref<80x128xf32, #tpu.memory_space<vmem>>[vector<16xi32>, vector<16xi32>], vector<16xf32>,
      %parallel_loop3A_164 = arith.constant 1.000000e-16 : f32
      %parallel_loop3A_165 = vector.broadcast %parallel_loop3A_164 : f32 to vector<16xf32>
      %parallel_loop3A_166 = arith.addf %parallel_loop3A_162, %parallel_loop3A_165 : vector<16xf32>
      %parallel_loop3A_167 = arith.divf %parallel_loop3A_163, %parallel_loop3A_166 : vector<16xf32>
      tpu.vector_store_idx %arg15[%parallel_loop3A_152, %parallel_loop3A_155], %parallel_loop3A_167 : memref<80x128xf32, #tpu.memory_space<vmem>>[vector<16xi32>, vector<16xi32>], vector<16xf32>,
      %parallel_loop3A_168 = arith.index_cast %parallel_loop3A_139 : i32 to index
      %parallel_loop3A_169 = arith.constant 16 : index
      %parallel_loop3A_170 = tpu.vector_load %arg13[%parallel_loop3A_168, %parallel_loop3A_169] {strides = array<i32>} : memref<320x32xi32, #tpu.memory_space<vmem>>, vector<16xi32>,
      %parallel_loop3A_171 = arith.constant 32 : i32
      %parallel_loop3A_172 = arith.muli %parallel_loop3A_139, %parallel_loop3A_171 : i32
      %parallel_loop3A_173 = arith.constant 16 : i32
      %parallel_loop3A_174 = arith.addi %parallel_loop3A_172, %parallel_loop3A_173 : i32
      %parallel_loop3A_175 = vector.broadcast %parallel_loop3A_174 : i32 to vector<16xi32>
      %parallel_loop3A_176 = tpu.iota {dimensions = array<i32: 0>} : vector<16xi32>
      %parallel_loop3A_177 = arith.addi %parallel_loop3A_175, %parallel_loop3A_176 : vector<16xi32>
      %parallel_loop3A_178 = arith.constant 7 : i32
      %parallel_loop3A_179 = vector.broadcast %parallel_loop3A_178 : i32 to vector<16xi32>
      %parallel_loop3A_180 = arith.shrui %parallel_loop3A_177, %parallel_loop3A_179 : vector<16xi32>
      %parallel_loop3A_181 = arith.constant 127 : i32
      %parallel_loop3A_182 = vector.broadcast %parallel_loop3A_181 : i32 to vector<16xi32>
      %parallel_loop3A_183 = arith.andi %parallel_loop3A_177, %parallel_loop3A_182 : vector<16xi32>
      %parallel_loop3A_184 = arith.constant 7 : i32
      %parallel_loop3A_185 = vector.broadcast %parallel_loop3A_184 : i32 to vector<16xi32>
      %parallel_loop3A_186 = arith.shrui %parallel_loop3A_170, %parallel_loop3A_185 : vector<16xi32>
      %parallel_loop3A_187 = arith.constant 127 : i32
      %parallel_loop3A_188 = vector.broadcast %parallel_loop3A_187 : i32 to vector<16xi32>
      %parallel_loop3A_189 = arith.andi %parallel_loop3A_170, %parallel_loop3A_188 : vector<16xi32>
      %parallel_loop3A_190 = tpu.vector_load_idx %arg16[%parallel_loop3A_186, %parallel_loop3A_189] : memref<80x128xf32, #tpu.memory_space<vmem>>[vector<16xi32>, vector<16xi32>], vector<16xf32>,
      %parallel_loop3A_191 = tpu.vector_load_idx %arg15[%parallel_loop3A_180, %parallel_loop3A_183] : memref<80x128xf32, #tpu.memory_space<vmem>>[vector<16xi32>, vector<16xi32>], vector<16xf32>,
      %parallel_loop3A_192 = arith.constant 1.000000e-16 : f32
      %parallel_loop3A_193 = vector.broadcast %parallel_loop3A_192 : f32 to vector<16xf32>
      %parallel_loop3A_194 = arith.addf %parallel_loop3A_190, %parallel_loop3A_193 : vector<16xf32>
      %parallel_loop3A_195 = arith.divf %parallel_loop3A_191, %parallel_loop3A_194 : vector<16xf32>
      tpu.vector_store_idx %arg15[%parallel_loop3A_180, %parallel_loop3A_183], %parallel_loop3A_195 : memref<80x128xf32, #tpu.memory_space<vmem>>[vector<16xi32>, vector<16xi32>], vector<16xf32>,
    } {sc.loop_unroll_factor = 2 : i64, sc.parallel_access}
    %eq3A_129 = arith.constant 0 : i32
    %eq3A_130 = arith.cmpi eq, %arg0, %eq3A_129 : i32
    %convert_element_type3A_131 = arith.extui %eq3A_130 : i1 to i32
    %cond3A_132 = arith.constant 0 : i32
    %cond3A_133 = arith.cmpi ne, %convert_element_type3A_131, %cond3A_132 : i32
    scf.if %cond3A_133 {
      %scan3A_139 = arith.constant 0 : i32
      %scan3A_140 = arith.constant 0 : i32
      %scan3A_141 = arith.constant 128 : i32
      %scan3A_142 = arith.addi %scan3A_140, %scan3A_141 : i32
      %scan3A_143 = arith.constant 1 : i32
      %scan3A_144 = scf.for %scan3A_310 = %scan3A_140 to %scan3A_142 step %scan3A_143 iter_args(%scan3A_311 = %scan3A_139) -> (i32)  : i32 {
        %broadcast_in_dim3A_312 = arith.constant 0.000000e+00 : f32
        %broadcast_in_dim3A_313 = vector.broadcast %broadcast_in_dim3A_312 : f32 to vector<16xf32>
        %swap3A_314 = arith.index_cast %scan3A_310 : i32 to index
        %swap3A_315 = arith.constant 0 : index
        %swap3A_316 = tpu.vector_load %arg19[%swap3A_314, %swap3A_315] {strides = array<i32>} : memref<128x64xf32, #tpu.memory_space<vmem>>, vector<16xf32>,
        tpu.vector_store %arg19[%swap3A_314, %swap3A_315], %broadcast_in_dim3A_313 {strides = array<i32>} : memref<128x64xf32, #tpu.memory_space<vmem>>, vector<16xf32>,
        %broadcast_in_dim3A_317 = arith.constant 0.000000e+00 : f32
        %broadcast_in_dim3A_318 = vector.broadcast %broadcast_in_dim3A_317 : f32 to vector<16xf32>
        %swap3A_319 = arith.index_cast %scan3A_310 : i32 to index
        %swap3A_320 = arith.constant 16 : index
        %swap3A_321 = tpu.vector_load %arg19[%swap3A_319, %swap3A_320] {strides = array<i32>} : memref<128x64xf32, #tpu.memory_space<vmem>>, vector<16xf32>,
        tpu.vector_store %arg19[%swap3A_319, %swap3A_320], %broadcast_in_dim3A_318 {strides = array<i32>} : memref<128x64xf32, #tpu.memory_space<vmem>>, vector<16xf32>,
        %broadcast_in_dim3A_322 = arith.constant 0.000000e+00 : f32
        %broadcast_in_dim3A_323 = vector.broadcast %broadcast_in_dim3A_322 : f32 to vector<16xf32>
        %swap3A_324 = arith.index_cast %scan3A_310 : i32 to index
        %swap3A_325 = arith.constant 32 : index
        %swap3A_326 = tpu.vector_load %arg19[%swap3A_324, %swap3A_325] {strides = array<i32>} : memref<128x64xf32, #tpu.memory_space<vmem>>, vector<16xf32>,
        tpu.vector_store %arg19[%swap3A_324, %swap3A_325], %broadcast_in_dim3A_323 {strides = array<i32>} : memref<128x64xf32, #tpu.memory_space<vmem>>, vector<16xf32>,
        %broadcast_in_dim3A_327 = arith.constant 0.000000e+00 : f32
        %broadcast_in_dim3A_328 = vector.broadcast %broadcast_in_dim3A_327 : f32 to vector<16xf32>
        %swap3A_329 = arith.index_cast %scan3A_310 : i32 to index
        %swap3A_330 = arith.constant 48 : index
        %swap3A_331 = tpu.vector_load %arg19[%swap3A_329, %swap3A_330] {strides = array<i32>} : memref<128x64xf32, #tpu.memory_space<vmem>>, vector<16xf32>,
        tpu.vector_store %arg19[%swap3A_329, %swap3A_330], %broadcast_in_dim3A_328 {strides = array<i32>} : memref<128x64xf32, #tpu.memory_space<vmem>>, vector<16xf32>,
        %scan3A_332 = arith.constant 0 : i32
        scf.yield %scan3A_332 : i32
      }
      %scan3A_145 = arith.constant 128 : i32
      %mul3A = arith.constant 640 : i32
      %mul3A_146 = arith.muli %arg1, %mul3A : i32
      %add3A_147 = arith.constant 0 : i32
      %add3A_148 = arith.addi %mul3A_146, %add3A_147 : i32
      "tpu.region"() ({
        %run_scoped3A = tpu.sem_alloc : memref<!tpu.dma_semaphore, #tpu.memory_space<semaphore_mem>>
        %dma_start3A = arith.constant 0 : i32
        %dma_start3A_310 = arith.constant 0 : i32
        %dma_start3A_311 = tpu.memref_slice %arg19[%dma_start3A, %dma_start3A_310] : memref<128x64xf32, #tpu.memory_space<vmem>> -> memref<128x64xf32, #tpu.memory_space<vmem>>
        %dma_start3A_312 = arith.constant 0 : i32
        %dma_start3A_313 = tpu.memref_slice %arg22[%add3A_148, %dma_start3A_312] : memref<10240x64xf32, #tpu.memory_space<vmem_shared>> -> memref<128x64xf32, #tpu.memory_space<vmem_shared>>
        %dma_start3A_314 = arith.constant 0 : i32
        %dma_start3A_315 = tpu.memref_slice %arg22[%add3A_148, %dma_start3A_314] : memref<10240x64xf32, #tpu.memory_space<vmem_shared>> -> memref<128x64xf32, #tpu.memory_space<vmem_shared>>
        %dma_start3A_316 = arith.constant 0 : i32
        %dma_start3A_317 = arith.constant 0 : i32
        %dma_start3A_318 = tpu.memref_slice %arg19[%dma_start3A_316, %dma_start3A_317] : memref<128x64xf32, #tpu.memory_space<vmem>> -> memref<128x64xf32, #tpu.memory_space<vmem>>
        tpu.enqueue_dma source(%dma_start3A_318 : memref<128x64xf32, #tpu.memory_space<vmem>>) target(%dma_start3A_315 : memref<128x64xf32, #tpu.memory_space<vmem_shared>>) target_semaphore(%run_scoped3A : memref<!tpu.dma_semaphore, #tpu.memory_space<semaphore_mem>>)
        %dma_wait3A_319 = arith.constant 0 : i32
        %dma_wait3A_320 = arith.constant 0 : i32
        %dma_wait3A_321 = tpu.memref_slice %arg19[%dma_wait3A_319, %dma_wait3A_320] : memref<128x64xf32, #tpu.memory_space<vmem>> -> memref<128x64xf32, #tpu.memory_space<vmem>>
        %dma_wait3A_322 = arith.constant 0 : i32
        %dma_wait3A_323 = tpu.memref_slice %arg22[%add3A_148, %dma_wait3A_322] : memref<10240x64xf32, #tpu.memory_space<vmem_shared>> -> memref<128x64xf32, #tpu.memory_space<vmem_shared>>
        %dma_wait3A_324 = arith.constant 0 : i32
        %dma_wait3A_325 = tpu.memref_slice %arg22[%add3A_148, %dma_wait3A_324] : memref<10240x64xf32, #tpu.memory_space<vmem_shared>> -> memref<128x64xf32, #tpu.memory_space<vmem_shared>>
        %dma_wait3A_326 = arith.constant 0 : i32
        %dma_wait3A_327 = arith.constant 0 : i32
        %dma_wait3A_328 = tpu.memref_slice %arg19[%dma_wait3A_326, %dma_wait3A_327] : memref<128x64xf32, #tpu.memory_space<vmem>> -> memref<128x64xf32, #tpu.memory_space<vmem>>
        tpu.wait_dma2 semaphore(%run_scoped3A : memref<!tpu.dma_semaphore, #tpu.memory_space<semaphore_mem>>) src(%dma_wait3A_328 : memref<128x64xf32, #tpu.memory_space<vmem>>) dst(%dma_wait3A_325 : memref<128x64xf32, #tpu.memory_space<vmem_shared>>)
        tpu.yield
      }) : () -> ()
      %mul3A_149 = arith.constant 640 : i32
      %mul3A_150 = arith.muli %arg1, %mul3A_149 : i32
      %add3A_151 = arith.constant 128 : i32
      %add3A_152 = arith.addi %mul3A_150, %add3A_151 : i32
      "tpu.region"() ({
        %run_scoped3A = tpu.sem_alloc : memref<!tpu.dma_semaphore, #tpu.memory_space<semaphore_mem>>
        %dma_start3A = arith.constant 0 : i32
        %dma_start3A_310 = arith.constant 0 : i32
        %dma_start3A_311 = tpu.memref_slice %arg19[%dma_start3A, %dma_start3A_310] : memref<128x64xf32, #tpu.memory_space<vmem>> -> memref<128x64xf32, #tpu.memory_space<vmem>>
        %dma_start3A_312 = arith.constant 0 : i32
        %dma_start3A_313 = tpu.memref_slice %arg22[%add3A_152, %dma_start3A_312] : memref<10240x64xf32, #tpu.memory_space<vmem_shared>> -> memref<128x64xf32, #tpu.memory_space<vmem_shared>>
        %dma_start3A_314 = arith.constant 0 : i32
        %dma_start3A_315 = tpu.memref_slice %arg22[%add3A_152, %dma_start3A_314] : memref<10240x64xf32, #tpu.memory_space<vmem_shared>> -> memref<128x64xf32, #tpu.memory_space<vmem_shared>>
        %dma_start3A_316 = arith.constant 0 : i32
        %dma_start3A_317 = arith.constant 0 : i32
        %dma_start3A_318 = tpu.memref_slice %arg19[%dma_start3A_316, %dma_start3A_317] : memref<128x64xf32, #tpu.memory_space<vmem>> -> memref<128x64xf32, #tpu.memory_space<vmem>>
        tpu.enqueue_dma source(%dma_start3A_318 : memref<128x64xf32, #tpu.memory_space<vmem>>) target(%dma_start3A_315 : memref<128x64xf32, #tpu.memory_space<vmem_shared>>) target_semaphore(%run_scoped3A : memref<!tpu.dma_semaphore, #tpu.memory_space<semaphore_mem>>)
        %dma_wait3A_319 = arith.constant 0 : i32
        %dma_wait3A_320 = arith.constant 0 : i32
        %dma_wait3A_321 = tpu.memref_slice %arg19[%dma_wait3A_319, %dma_wait3A_320] : memref<128x64xf32, #tpu.memory_space<vmem>> -> memref<128x64xf32, #tpu.memory_space<vmem>>
        %dma_wait3A_322 = arith.constant 0 : i32
        %dma_wait3A_323 = tpu.memref_slice %arg22[%add3A_152, %dma_wait3A_322] : memref<10240x64xf32, #tpu.memory_space<vmem_shared>> -> memref<128x64xf32, #tpu.memory_space<vmem_shared>>
        %dma_wait3A_324 = arith.constant 0 : i32
        %dma_wait3A_325 = tpu.memref_slice %arg22[%add3A_152, %dma_wait3A_324] : memref<10240x64xf32, #tpu.memory_space<vmem_shared>> -> memref<128x64xf32, #tpu.memory_space<vmem_shared>>
        %dma_wait3A_326 = arith.constant 0 : i32
        %dma_wait3A_327 = arith.constant 0 : i32
        %dma_wait3A_328 = tpu.memref_slice %arg19[%dma_wait3A_326, %dma_wait3A_327] : memref<128x64xf32, #tpu.memory_space<vmem>> -> memref<128x64xf32, #tpu.memory_space<vmem>>
        tpu.wait_dma2 semaphore(%run_scoped3A : memref<!tpu.dma_semaphore, #tpu.memory_space<semaphore_mem>>) src(%dma_wait3A_328 : memref<128x64xf32, #tpu.memory_space<vmem>>) dst(%dma_wait3A_325 : memref<128x64xf32, #tpu.memory_space<vmem_shared>>)
        tpu.yield
      }) : () -> ()
      %mul3A_153 = arith.constant 640 : i32
      %mul3A_154 = arith.muli %arg1, %mul3A_153 : i32
      %add3A_155 = arith.constant 256 : i32
      %add3A_156 = arith.addi %mul3A_154, %add3A_155 : i32
      "tpu.region"() ({
        %run_scoped3A = tpu.sem_alloc : memref<!tpu.dma_semaphore, #tpu.memory_space<semaphore_mem>>
        %dma_start3A = arith.constant 0 : i32
        %dma_start3A_310 = arith.constant 0 : i32
        %dma_start3A_311 = tpu.memref_slice %arg19[%dma_start3A, %dma_start3A_310] : memref<128x64xf32, #tpu.memory_space<vmem>> -> memref<128x64xf32, #tpu.memory_space<vmem>>
        %dma_start3A_312 = arith.constant 0 : i32
        %dma_start3A_313 = tpu.memref_slice %arg22[%add3A_156, %dma_start3A_312] : memref<10240x64xf32, #tpu.memory_space<vmem_shared>> -> memref<128x64xf32, #tpu.memory_space<vmem_shared>>
        %dma_start3A_314 = arith.constant 0 : i32
        %dma_start3A_315 = tpu.memref_slice %arg22[%add3A_156, %dma_start3A_314] : memref<10240x64xf32, #tpu.memory_space<vmem_shared>> -> memref<128x64xf32, #tpu.memory_space<vmem_shared>>
        %dma_start3A_316 = arith.constant 0 : i32
        %dma_start3A_317 = arith.constant 0 : i32
        %dma_start3A_318 = tpu.memref_slice %arg19[%dma_start3A_316, %dma_start3A_317] : memref<128x64xf32, #tpu.memory_space<vmem>> -> memref<128x64xf32, #tpu.memory_space<vmem>>
        tpu.enqueue_dma source(%dma_start3A_318 : memref<128x64xf32, #tpu.memory_space<vmem>>) target(%dma_start3A_315 : memref<128x64xf32, #tpu.memory_space<vmem_shared>>) target_semaphore(%run_scoped3A : memref<!tpu.dma_semaphore, #tpu.memory_space<semaphore_mem>>)
        %dma_wait3A_319 = arith.constant 0 : i32
        %dma_wait3A_320 = arith.constant 0 : i32
        %dma_wait3A_321 = tpu.memref_slice %arg19[%dma_wait3A_319, %dma_wait3A_320] : memref<128x64xf32, #tpu.memory_space<vmem>> -> memref<128x64xf32, #tpu.memory_space<vmem>>
        %dma_wait3A_322 = arith.constant 0 : i32
        %dma_wait3A_323 = tpu.memref_slice %arg22[%add3A_156, %dma_wait3A_322] : memref<10240x64xf32, #tpu.memory_space<vmem_shared>> -> memref<128x64xf32, #tpu.memory_space<vmem_shared>>
        %dma_wait3A_324 = arith.constant 0 : i32
        %dma_wait3A_325 = tpu.memref_slice %arg22[%add3A_156, %dma_wait3A_324] : memref<10240x64xf32, #tpu.memory_space<vmem_shared>> -> memref<128x64xf32, #tpu.memory_space<vmem_shared>>
        %dma_wait3A_326 = arith.constant 0 : i32
        %dma_wait3A_327 = arith.constant 0 : i32
        %dma_wait3A_328 = tpu.memref_slice %arg19[%dma_wait3A_326, %dma_wait3A_327] : memref<128x64xf32, #tpu.memory_space<vmem>> -> memref<128x64xf32, #tpu.memory_space<vmem>>
        tpu.wait_dma2 semaphore(%run_scoped3A : memref<!tpu.dma_semaphore, #tpu.memory_space<semaphore_mem>>) src(%dma_wait3A_328 : memref<128x64xf32, #tpu.memory_space<vmem>>) dst(%dma_wait3A_325 : memref<128x64xf32, #tpu.memory_space<vmem_shared>>)
        tpu.yield
      }) : () -> ()
      %mul3A_157 = arith.constant 640 : i32
      %mul3A_158 = arith.muli %arg1, %mul3A_157 : i32
      %add3A_159 = arith.constant 384 : i32
      %add3A_160 = arith.addi %mul3A_158, %add3A_159 : i32
      "tpu.region"() ({
        %run_scoped3A = tpu.sem_alloc : memref<!tpu.dma_semaphore, #tpu.memory_space<semaphore_mem>>
        %dma_start3A = arith.constant 0 : i32
        %dma_start3A_310 = arith.constant 0 : i32
        %dma_start3A_311 = tpu.memref_slice %arg19[%dma_start3A, %dma_start3A_310] : memref<128x64xf32, #tpu.memory_space<vmem>> -> memref<128x64xf32, #tpu.memory_space<vmem>>
        %dma_start3A_312 = arith.constant 0 : i32
        %dma_start3A_313 = tpu.memref_slice %arg22[%add3A_160, %dma_start3A_312] : memref<10240x64xf32, #tpu.memory_space<vmem_shared>> -> memref<128x64xf32, #tpu.memory_space<vmem_shared>>
        %dma_start3A_314 = arith.constant 0 : i32
        %dma_start3A_315 = tpu.memref_slice %arg22[%add3A_160, %dma_start3A_314] : memref<10240x64xf32, #tpu.memory_space<vmem_shared>> -> memref<128x64xf32, #tpu.memory_space<vmem_shared>>
        %dma_start3A_316 = arith.constant 0 : i32
        %dma_start3A_317 = arith.constant 0 : i32
        %dma_start3A_318 = tpu.memref_slice %arg19[%dma_start3A_316, %dma_start3A_317] : memref<128x64xf32, #tpu.memory_space<vmem>> -> memref<128x64xf32, #tpu.memory_space<vmem>>
        tpu.enqueue_dma source(%dma_start3A_318 : memref<128x64xf32, #tpu.memory_space<vmem>>) target(%dma_start3A_315 : memref<128x64xf32, #tpu.memory_space<vmem_shared>>) target_semaphore(%run_scoped3A : memref<!tpu.dma_semaphore, #tpu.memory_space<semaphore_mem>>)
        %dma_wait3A_319 = arith.constant 0 : i32
        %dma_wait3A_320 = arith.constant 0 : i32
        %dma_wait3A_321 = tpu.memref_slice %arg19[%dma_wait3A_319, %dma_wait3A_320] : memref<128x64xf32, #tpu.memory_space<vmem>> -> memref<128x64xf32, #tpu.memory_space<vmem>>
        %dma_wait3A_322 = arith.constant 0 : i32
        %dma_wait3A_323 = tpu.memref_slice %arg22[%add3A_160, %dma_wait3A_322] : memref<10240x64xf32, #tpu.memory_space<vmem_shared>> -> memref<128x64xf32, #tpu.memory_space<vmem_shared>>
        %dma_wait3A_324 = arith.constant 0 : i32
        %dma_wait3A_325 = tpu.memref_slice %arg22[%add3A_160, %dma_wait3A_324] : memref<10240x64xf32, #tpu.memory_space<vmem_shared>> -> memref<128x64xf32, #tpu.memory_space<vmem_shared>>
        %dma_wait3A_326 = arith.constant 0 : i32
        %dma_wait3A_327 = arith.constant 0 : i32
        %dma_wait3A_328 = tpu.memref_slice %arg19[%dma_wait3A_326, %dma_wait3A_327] : memref<128x64xf32, #tpu.memory_space<vmem>> -> memref<128x64xf32, #tpu.memory_space<vmem>>
        tpu.wait_dma2 semaphore(%run_scoped3A : memref<!tpu.dma_semaphore, #tpu.memory_space<semaphore_mem>>) src(%dma_wait3A_328 : memref<128x64xf32, #tpu.memory_space<vmem>>) dst(%dma_wait3A_325 : memref<128x64xf32, #tpu.memory_space<vmem_shared>>)
        tpu.yield
      }) : () -> ()
      %mul3A_161 = arith.constant 640 : i32
      %mul3A_162 = arith.muli %arg1, %mul3A_161 : i32
      %add3A_163 = arith.constant 512 : i32
      %add3A_164 = arith.addi %mul3A_162, %add3A_163 : i32
      "tpu.region"() ({
        %run_scoped3A = tpu.sem_alloc : memref<!tpu.dma_semaphore, #tpu.memory_space<semaphore_mem>>
        %dma_start3A = arith.constant 0 : i32
        %dma_start3A_310 = arith.constant 0 : i32
        %dma_start3A_311 = tpu.memref_slice %arg19[%dma_start3A, %dma_start3A_310] : memref<128x64xf32, #tpu.memory_space<vmem>> -> memref<128x64xf32, #tpu.memory_space<vmem>>
        %dma_start3A_312 = arith.constant 0 : i32
        %dma_start3A_313 = tpu.memref_slice %arg22[%add3A_164, %dma_start3A_312] : memref<10240x64xf32, #tpu.memory_space<vmem_shared>> -> memref<128x64xf32, #tpu.memory_space<vmem_shared>>
        %dma_start3A_314 = arith.constant 0 : i32
        %dma_start3A_315 = tpu.memref_slice %arg22[%add3A_164, %dma_start3A_314] : memref<10240x64xf32, #tpu.memory_space<vmem_shared>> -> memref<128x64xf32, #tpu.memory_space<vmem_shared>>
        %dma_start3A_316 = arith.constant 0 : i32
        %dma_start3A_317 = arith.constant 0 : i32
        %dma_start3A_318 = tpu.memref_slice %arg19[%dma_start3A_316, %dma_start3A_317] : memref<128x64xf32, #tpu.memory_space<vmem>> -> memref<128x64xf32, #tpu.memory_space<vmem>>
        tpu.enqueue_dma source(%dma_start3A_318 : memref<128x64xf32, #tpu.memory_space<vmem>>) target(%dma_start3A_315 : memref<128x64xf32, #tpu.memory_space<vmem_shared>>) target_semaphore(%run_scoped3A : memref<!tpu.dma_semaphore, #tpu.memory_space<semaphore_mem>>)
        %dma_wait3A_319 = arith.constant 0 : i32
        %dma_wait3A_320 = arith.constant 0 : i32
        %dma_wait3A_321 = tpu.memref_slice %arg19[%dma_wait3A_319, %dma_wait3A_320] : memref<128x64xf32, #tpu.memory_space<vmem>> -> memref<128x64xf32, #tpu.memory_space<vmem>>
        %dma_wait3A_322 = arith.constant 0 : i32
        %dma_wait3A_323 = tpu.memref_slice %arg22[%add3A_164, %dma_wait3A_322] : memref<10240x64xf32, #tpu.memory_space<vmem_shared>> -> memref<128x64xf32, #tpu.memory_space<vmem_shared>>
        %dma_wait3A_324 = arith.constant 0 : i32
        %dma_wait3A_325 = tpu.memref_slice %arg22[%add3A_164, %dma_wait3A_324] : memref<10240x64xf32, #tpu.memory_space<vmem_shared>> -> memref<128x64xf32, #tpu.memory_space<vmem_shared>>
        %dma_wait3A_326 = arith.constant 0 : i32
        %dma_wait3A_327 = arith.constant 0 : i32
        %dma_wait3A_328 = tpu.memref_slice %arg19[%dma_wait3A_326, %dma_wait3A_327] : memref<128x64xf32, #tpu.memory_space<vmem>> -> memref<128x64xf32, #tpu.memory_space<vmem>>
        tpu.wait_dma2 semaphore(%run_scoped3A : memref<!tpu.dma_semaphore, #tpu.memory_space<semaphore_mem>>) src(%dma_wait3A_328 : memref<128x64xf32, #tpu.memory_space<vmem>>) dst(%dma_wait3A_325 : memref<128x64xf32, #tpu.memory_space<vmem_shared>>)
        tpu.yield
      }) : () -> ()
      %barrier3A_165 = arith.constant 0 : index
      tpu.barrier barrier_id(%barrier3A_165)
      %iota3A_166 = tpu.iota {dimensions = array<i32: 0>} : vector<16xi32>
      %mul3A_167 = arith.constant 2 : i32
      %mul3A_168 = vector.broadcast %mul3A_167 : i32 to vector<16xi32>
      %mul3A_169 = arith.muli %mul3A_168, %iota3A_166 : vector<16xi32>
      %add3A_170 = arith.constant 1 : i32
      %add3A_171 = vector.broadcast %add3A_170 : i32 to vector<16xi32>
      %add3A_172 = arith.addi %mul3A_169, %add3A_171 : vector<16xi32>
      %scan3A_173 = arith.constant 0 : i32
      %scan3A_174 = arith.constant 0 : i32
      %scan3A_175 = arith.constant 9 : i32
      %scan3A_176 = arith.addi %scan3A_174, %scan3A_175 : i32
      %scan3A_177 = arith.constant 1 : i32
      %scan3A_178 = scf.for %scan3A_310 = %scan3A_174 to %scan3A_176 step %scan3A_177 iter_args(%scan3A_311 = %scan3A_173) -> (i32)  : i32 {
        %rem3A = arith.constant 12 : i32
        %rem3A_312 = arith.remsi %scan3A_310, %rem3A : i32
        %mul3A_313 = arith.constant 32 : i32
        %mul3A_314 = arith.muli %rem3A_312, %mul3A_313 : i32
        %dma_start3A = arith.constant 0 : i32
        %dma_start3A_315 = tpu.memref_slice %arg18[%mul3A_314, %dma_start3A] : memref<384x64xbf16, #tpu.memory_space<vmem>> -> memref<32x64xbf16, #tpu.memory_space<vmem>>
        %dma_start3A_316 = arith.constant 0 : i32
        %dma_start3A_317 = tpu.memref_slice %arg14[%scan3A_310, %dma_start3A_316] : memref<320x32xi32, #tpu.memory_space<vmem>> -> memref<1x32xi32, #tpu.memory_space<vmem>>
        %dma_start3A_318 = tpu.memref_squeeze %dma_start3A_317 : memref<1x32xi32, #tpu.memory_space<vmem>> -> memref<32xi32, #tpu.memory_space<vmem>>
        %dma_start3A_319 = arith.constant 0 : i32
        %dma_start3A_320 = arith.constant 0 : i32
        %dma_start3A_321 = tpu.memref_slice %arg6[%dma_start3A_319, %dma_start3A_320] : memref<10000x64xbf16, #tpu.memory_space<hbm>> -> memref<10000x64xbf16, #tpu.memory_space<hbm>>
        tpu.enqueue_indirect_dma source(%dma_start3A_321 : memref<10000x64xbf16, #tpu.memory_space<hbm>>) target(%dma_start3A_315 : memref<32x64xbf16, #tpu.memory_space<vmem>>) offsets(%dma_start3A_318 : memref<32xi32, #tpu.memory_space<vmem>>) semaphore(%arg25 : memref<!tpu.dma_semaphore, #tpu.memory_space<semaphore_mem>>)
        %scan3A_322 = arith.constant 0 : i32
        scf.yield %scan3A_322 : i32
      }
      %scan3A_179 = arith.constant 9 : i32
      %scan3A_180 = arith.constant 0 : i32
      %scan3A_181 = arith.constant 0 : i32
      %scan3A_182 = arith.constant 320 : i32
      %scan3A_183 = arith.addi %scan3A_181, %scan3A_182 : i32
      %scan3A_184 = arith.constant 1 : i32
      %scan3A_185 = scf.for %scan3A_310 = %scan3A_181 to %scan3A_183 step %scan3A_184 iter_args(%scan3A_311 = %scan3A_180) -> (i32)  : i32 {
        %ge3A = arith.constant 2 : i32
        %ge3A_312 = arith.cmpi sge, %scan3A_310, %ge3A : i32
        %convert_element_type3A_313 = arith.extui %ge3A_312 : i1 to i32
        %cond3A_314 = arith.constant 0 : i32
        %cond3A_315 = arith.cmpi ne, %convert_element_type3A_313, %cond3A_314 : i32
        scf.if %cond3A_315 {
          %dma_wait3A_355 = arith.constant 0 : i32
          %dma_wait3A_356 = arith.constant 0 : i32
          %dma_wait3A_357 = arith.constant 0 : i32
          %dma_wait3A_358 = tpu.memref_slice %arg19[%dma_wait3A_356, %dma_wait3A_357] : memref<128x64xf32, #tpu.memory_space<vmem>> -> memref<32x64xf32, #tpu.memory_space<vmem>>
          %dma_wait3A_359 = arith.constant 0 : i32
          %dma_wait3A_360 = tpu.memref_slice %arg13[%dma_wait3A_355, %dma_wait3A_359] : memref<320x32xi32, #tpu.memory_space<vmem>> -> memref<1x32xi32, #tpu.memory_space<vmem>>
          %dma_wait3A_361 = tpu.memref_squeeze %dma_wait3A_360 : memref<1x32xi32, #tpu.memory_space<vmem>> -> memref<32xi32, #tpu.memory_space<vmem>>
          %dma_wait3A_362 = arith.constant 0 : i32
          %dma_wait3A_363 = arith.constant 0 : i32
          %dma_wait3A_364 = tpu.memref_slice %arg22[%dma_wait3A_362, %dma_wait3A_363] : memref<10240x64xf32, #tpu.memory_space<vmem_shared>> -> memref<10240x64xf32, #tpu.memory_space<vmem_shared>>
          tpu.wait_indirect_dma semaphore(%arg26 : memref<!tpu.dma_semaphore, #tpu.memory_space<semaphore_mem>>) src(%dma_wait3A_358 : memref<32x64xf32, #tpu.memory_space<vmem>>) dst(%dma_wait3A_364 : memref<10240x64xf32, #tpu.memory_space<vmem_shared>>)
        } else {
        }
        %add3A_316 = arith.constant 9 : i32
        %add3A_317 = arith.addi %scan3A_310, %add3A_316 : i32
        %lt3A_318 = arith.constant 320 : i32
        %lt3A_319 = arith.cmpi slt, %add3A_317, %lt3A_318 : i32
        %convert_element_type3A_320 = arith.extui %lt3A_319 : i1 to i32
        %cond3A_321 = arith.constant 0 : i32
        %cond3A_322 = arith.cmpi ne, %convert_element_type3A_320, %cond3A_321 : i32
        scf.if %cond3A_322 {
          %add3A_355 = arith.constant 9 : i32
          %add3A_356 = arith.addi %scan3A_310, %add3A_355 : i32
          %rem3A_357 = arith.constant 12 : i32
          %rem3A_358 = arith.remsi %add3A_356, %rem3A_357 : i32
          %mul3A_359 = arith.constant 32 : i32
          %mul3A_360 = arith.muli %rem3A_358, %mul3A_359 : i32
          %dma_start3A_361 = arith.constant 0 : i32
          %dma_start3A_362 = tpu.memref_slice %arg18[%mul3A_360, %dma_start3A_361] : memref<384x64xbf16, #tpu.memory_space<vmem>> -> memref<32x64xbf16, #tpu.memory_space<vmem>>
          %dma_start3A_363 = arith.constant 0 : i32
          %dma_start3A_364 = tpu.memref_slice %arg14[%add3A_356, %dma_start3A_363] : memref<320x32xi32, #tpu.memory_space<vmem>> -> memref<1x32xi32, #tpu.memory_space<vmem>>
          %dma_start3A_365 = tpu.memref_squeeze %dma_start3A_364 : memref<1x32xi32, #tpu.memory_space<vmem>> -> memref<32xi32, #tpu.memory_space<vmem>>
          %dma_start3A_366 = arith.constant 0 : i32
          %dma_start3A_367 = arith.constant 0 : i32
          %dma_start3A_368 = tpu.memref_slice %arg6[%dma_start3A_366, %dma_start3A_367] : memref<10000x64xbf16, #tpu.memory_space<hbm>> -> memref<10000x64xbf16, #tpu.memory_space<hbm>>
          tpu.enqueue_indirect_dma source(%dma_start3A_368 : memref<10000x64xbf16, #tpu.memory_space<hbm>>) target(%dma_start3A_362 : memref<32x64xbf16, #tpu.memory_space<vmem>>) offsets(%dma_start3A_365 : memref<32xi32, #tpu.memory_space<vmem>>) semaphore(%arg25 : memref<!tpu.dma_semaphore, #tpu.memory_space<semaphore_mem>>)
        } else {
        }
        %dma_wait3A_323 = arith.constant 0 : i32
        %dma_wait3A_324 = arith.constant 0 : i32
        %dma_wait3A_325 = arith.constant 0 : i32
        %dma_wait3A_326 = tpu.memref_slice %arg18[%dma_wait3A_324, %dma_wait3A_325] : memref<384x64xbf16, #tpu.memory_space<vmem>> -> memref<32x64xbf16, #tpu.memory_space<vmem>>
        %dma_wait3A_327 = arith.constant 0 : i32
        %dma_wait3A_328 = tpu.memref_slice %arg14[%dma_wait3A_323, %dma_wait3A_327] : memref<320x32xi32, #tpu.memory_space<vmem>> -> memref<1x32xi32, #tpu.memory_space<vmem>>
        %dma_wait3A_329 = tpu.memref_squeeze %dma_wait3A_328 : memref<1x32xi32, #tpu.memory_space<vmem>> -> memref<32xi32, #tpu.memory_space<vmem>>
        %dma_wait3A_330 = arith.constant 0 : i32
        %dma_wait3A_331 = arith.constant 0 : i32
        %dma_wait3A_332 = tpu.memref_slice %arg6[%dma_wait3A_330, %dma_wait3A_331] : memref<10000x64xbf16, #tpu.memory_space<hbm>> -> memref<10000x64xbf16, #tpu.memory_space<hbm>>
        tpu.wait_indirect_dma semaphore(%arg25 : memref<!tpu.dma_semaphore, #tpu.memory_space<semaphore_mem>>) src(%dma_wait3A_332 : memref<10000x64xbf16, #tpu.memory_space<hbm>>) dst(%dma_wait3A_326 : memref<32x64xbf16, #tpu.memory_space<vmem>>)
        %rem3A = arith.constant 12 : i32
        %rem3A_333 = arith.remsi %scan3A_310, %rem3A : i32
        %mul3A_334 = arith.constant 32 : i32
        %mul3A_335 = arith.muli %rem3A_333, %mul3A_334 : i32
        %rem3A_336 = arith.constant 4 : i32
        %rem3A_337 = arith.remsi %scan3A_310, %rem3A_336 : i32
        %mul3A_338 = arith.constant 32 : i32
        %mul3A_339 = arith.muli %rem3A_337, %mul3A_338 : i32
        %parallel_loop3A_340 = arith.constant 0 : i32
        %parallel_loop3A_341 = arith.constant 32 : i32
        %parallel_loop3A_342 = arith.constant 1 : i32
        scf.for %parallel_loop3A_355 = %parallel_loop3A_340 to %parallel_loop3A_341 step %parallel_loop3A_342  : i32 {
          %parallel_loop3A_356 = arith.constant 32 : i32
          %parallel_loop3A_357 = arith.muli %scan3A_310, %parallel_loop3A_356 : i32
          %parallel_loop3A_358 = arith.addi %parallel_loop3A_357, %parallel_loop3A_355 : i32
          %parallel_loop3A_359 = arith.constant 7 : i32
          %parallel_loop3A_360 = arith.shrui %parallel_loop3A_358, %parallel_loop3A_359 : i32
          %parallel_loop3A_361 = vector.broadcast %parallel_loop3A_360 : i32 to vector<16xi32>
          %parallel_loop3A_362 = arith.constant 127 : i32
          %parallel_loop3A_363 = arith.andi %parallel_loop3A_358, %parallel_loop3A_362 : i32
          %parallel_loop3A_364 = vector.broadcast %parallel_loop3A_363 : i32 to vector<16xi32>
          %parallel_loop3A_365 = tpu.vector_load_idx %arg15[%parallel_loop3A_361, %parallel_loop3A_364] : memref<80x128xf32, #tpu.memory_space<vmem>>[vector<16xi32>, vector<16xi32>], vector<16xf32>,
          %parallel_loop3A_366 = arith.addi %mul3A_339, %parallel_loop3A_355 : i32
          %parallel_loop3A_367 = vector.broadcast %parallel_loop3A_366 : i32 to vector<16xi32>
          %parallel_loop3A_368 = arith.addi %mul3A_335, %parallel_loop3A_355 : i32
          %parallel_loop3A_369 = arith.index_cast %parallel_loop3A_368 : i32 to index
          %parallel_loop3A_370 = arith.constant 0 : index
          %parallel_loop3A_371 = tpu.vector_load %arg18[%parallel_loop3A_369, %parallel_loop3A_370] {strides = array<i32>} : memref<384x64xbf16, #tpu.memory_space<vmem>>, vector<32xbf16>,
          %parallel_loop3A_372 = tpu.unpack_subelements %parallel_loop3A_371, 0 {pack_format = #tpu.pack_format<interleaved>} : vector<32xbf16> -> vector<16xf32>
          %parallel_loop3A_373 = tpu.unpack_subelements %parallel_loop3A_371, 1 {pack_format = #tpu.pack_format<interleaved>} : vector<32xbf16> -> vector<16xf32>
          %parallel_loop3A_374 = arith.constant 0 : i32
          %parallel_loop3A_375 = vector.broadcast %parallel_loop3A_374 : i32 to vector<16xi32>
          %parallel_loop3A_376 = arith.addi %mul3A_169, %parallel_loop3A_375 : vector<16xi32>
          %parallel_loop3A_377 = arith.mulf %parallel_loop3A_372, %parallel_loop3A_365 : vector<16xf32>
          tpu.vector_store_idx %arg19[%parallel_loop3A_367, %parallel_loop3A_376], %parallel_loop3A_377 : memref<128x64xf32, #tpu.memory_space<vmem>>[vector<16xi32>, vector<16xi32>], vector<16xf32>,
          %parallel_loop3A_378 = arith.constant 0 : i32
          %parallel_loop3A_379 = vector.broadcast %parallel_loop3A_378 : i32 to vector<16xi32>
          %parallel_loop3A_380 = arith.addi %add3A_172, %parallel_loop3A_379 : vector<16xi32>
          %parallel_loop3A_381 = arith.mulf %parallel_loop3A_373, %parallel_loop3A_365 : vector<16xf32>
          tpu.vector_store_idx %arg19[%parallel_loop3A_367, %parallel_loop3A_380], %parallel_loop3A_381 : memref<128x64xf32, #tpu.memory_space<vmem>>[vector<16xi32>, vector<16xi32>], vector<16xf32>,
          %parallel_loop3A_382 = arith.addi %mul3A_335, %parallel_loop3A_355 : i32
          %parallel_loop3A_383 = arith.index_cast %parallel_loop3A_382 : i32 to index
          %parallel_loop3A_384 = arith.constant 32 : index
          %parallel_loop3A_385 = tpu.vector_load %arg18[%parallel_loop3A_383, %parallel_loop3A_384] {strides = array<i32>} : memref<384x64xbf16, #tpu.memory_space<vmem>>, vector<32xbf16>,
          %parallel_loop3A_386 = tpu.unpack_subelements %parallel_loop3A_385, 0 {pack_format = #tpu.pack_format<interleaved>} : vector<32xbf16> -> vector<16xf32>
          %parallel_loop3A_387 = tpu.unpack_subelements %parallel_loop3A_385, 1 {pack_format = #tpu.pack_format<interleaved>} : vector<32xbf16> -> vector<16xf32>
          %parallel_loop3A_388 = arith.constant 32 : i32
          %parallel_loop3A_389 = vector.broadcast %parallel_loop3A_388 : i32 to vector<16xi32>
          %parallel_loop3A_390 = arith.addi %mul3A_169, %parallel_loop3A_389 : vector<16xi32>
          %parallel_loop3A_391 = arith.mulf %parallel_loop3A_386, %parallel_loop3A_365 : vector<16xf32>
          tpu.vector_store_idx %arg19[%parallel_loop3A_367, %parallel_loop3A_390], %parallel_loop3A_391 : memref<128x64xf32, #tpu.memory_space<vmem>>[vector<16xi32>, vector<16xi32>], vector<16xf32>,
          %parallel_loop3A_392 = arith.constant 32 : i32
          %parallel_loop3A_393 = vector.broadcast %parallel_loop3A_392 : i32 to vector<16xi32>
          %parallel_loop3A_394 = arith.addi %add3A_172, %parallel_loop3A_393 : vector<16xi32>
          %parallel_loop3A_395 = arith.mulf %parallel_loop3A_387, %parallel_loop3A_365 : vector<16xf32>
          tpu.vector_store_idx %arg19[%parallel_loop3A_367, %parallel_loop3A_394], %parallel_loop3A_395 : memref<128x64xf32, #tpu.memory_space<vmem>>[vector<16xi32>, vector<16xi32>], vector<16xf32>,
        } {sc.loop_unroll_factor = 4 : i64, sc.parallel_access}
        %rem3A_343 = arith.constant 4 : i32
        %rem3A_344 = arith.remsi %scan3A_310, %rem3A_343 : i32
        %mul3A_345 = arith.constant 32 : i32
        %mul3A_346 = arith.muli %rem3A_344, %mul3A_345 : i32
        %dma_start3A = arith.constant 0 : i32
        %dma_start3A_347 = tpu.memref_slice %arg19[%mul3A_346, %dma_start3A] : memref<128x64xf32, #tpu.memory_space<vmem>> -> memref<32x64xf32, #tpu.memory_space<vmem>>
        %dma_start3A_348 = arith.constant 0 : i32
        %dma_start3A_349 = tpu.memref_slice %arg13[%scan3A_310, %dma_start3A_348] : memref<320x32xi32, #tpu.memory_space<vmem>> -> memref<1x32xi32, #tpu.memory_space<vmem>>
        %dma_start3A_350 = tpu.memref_squeeze %dma_start3A_349 : memref<1x32xi32, #tpu.memory_space<vmem>> -> memref<32xi32, #tpu.memory_space<vmem>>
        %dma_start3A_351 = arith.constant 0 : i32
        %dma_start3A_352 = arith.constant 0 : i32
        %dma_start3A_353 = tpu.memref_slice %arg22[%dma_start3A_351, %dma_start3A_352] : memref<10240x64xf32, #tpu.memory_space<vmem_shared>> -> memref<10240x64xf32, #tpu.memory_space<vmem_shared>>
        tpu.enqueue_indirect_dma source(%dma_start3A_347 : memref<32x64xf32, #tpu.memory_space<vmem>>) target(%dma_start3A_353 : memref<10240x64xf32, #tpu.memory_space<vmem_shared>>) offsets(%dma_start3A_350 : memref<32xi32, #tpu.memory_space<vmem>>) semaphore(%arg26 : memref<!tpu.dma_semaphore, #tpu.memory_space<semaphore_mem>>) {add = true}
        %scan3A_354 = arith.constant 0 : i32
        scf.yield %scan3A_354 : i32
      }
      %scan3A_186 = arith.constant 320 : i32
      %dma_wait3A = arith.constant 0 : i32
      %dma_wait3A_187 = arith.constant 0 : i32
      %dma_wait3A_188 = arith.constant 0 : i32
      %dma_wait3A_189 = tpu.memref_slice %arg19[%dma_wait3A_187, %dma_wait3A_188] : memref<128x64xf32, #tpu.memory_space<vmem>> -> memref<32x64xf32, #tpu.memory_space<vmem>>
      %dma_wait3A_190 = arith.constant 0 : i32
      %dma_wait3A_191 = tpu.memref_slice %arg13[%dma_wait3A, %dma_wait3A_190] : memref<320x32xi32, #tpu.memory_space<vmem>> -> memref<1x32xi32, #tpu.memory_space<vmem>>
      %dma_wait3A_192 = tpu.memref_squeeze %dma_wait3A_191 : memref<1x32xi32, #tpu.memory_space<vmem>> -> memref<32xi32, #tpu.memory_space<vmem>>
      %dma_wait3A_193 = arith.constant 0 : i32
      %dma_wait3A_194 = arith.constant 0 : i32
      %dma_wait3A_195 = tpu.memref_slice %arg22[%dma_wait3A_193, %dma_wait3A_194] : memref<10240x64xf32, #tpu.memory_space<vmem_shared>> -> memref<10240x64xf32, #tpu.memory_space<vmem_shared>>
      tpu.wait_indirect_dma semaphore(%arg26 : memref<!tpu.dma_semaphore, #tpu.memory_space<semaphore_mem>>) src(%dma_wait3A_189 : memref<32x64xf32, #tpu.memory_space<vmem>>) dst(%dma_wait3A_195 : memref<10240x64xf32, #tpu.memory_space<vmem_shared>>)
      %dma_wait3A_196 = arith.constant 0 : i32
      %dma_wait3A_197 = arith.constant 0 : i32
      %dma_wait3A_198 = arith.constant 0 : i32
      %dma_wait3A_199 = tpu.memref_slice %arg19[%dma_wait3A_197, %dma_wait3A_198] : memref<128x64xf32, #tpu.memory_space<vmem>> -> memref<32x64xf32, #tpu.memory_space<vmem>>
      %dma_wait3A_200 = arith.constant 0 : i32
      %dma_wait3A_201 = tpu.memref_slice %arg13[%dma_wait3A_196, %dma_wait3A_200] : memref<320x32xi32, #tpu.memory_space<vmem>> -> memref<1x32xi32, #tpu.memory_space<vmem>>
      %dma_wait3A_202 = tpu.memref_squeeze %dma_wait3A_201 : memref<1x32xi32, #tpu.memory_space<vmem>> -> memref<32xi32, #tpu.memory_space<vmem>>
      %dma_wait3A_203 = arith.constant 0 : i32
      %dma_wait3A_204 = arith.constant 0 : i32
      %dma_wait3A_205 = tpu.memref_slice %arg22[%dma_wait3A_203, %dma_wait3A_204] : memref<10240x64xf32, #tpu.memory_space<vmem_shared>> -> memref<10240x64xf32, #tpu.memory_space<vmem_shared>>
      tpu.wait_indirect_dma semaphore(%arg26 : memref<!tpu.dma_semaphore, #tpu.memory_space<semaphore_mem>>) src(%dma_wait3A_199 : memref<32x64xf32, #tpu.memory_space<vmem>>) dst(%dma_wait3A_205 : memref<10240x64xf32, #tpu.memory_space<vmem_shared>>)
      %barrier3A_206 = arith.constant 0 : index
      tpu.barrier barrier_id(%barrier3A_206)
      %mul3A_207 = arith.constant 2 : i32
      %mul3A_208 = arith.muli %mul3A_207, %arg0 : i32
      %add3A_209 = arith.constant 0 : i32
      %add3A_210 = arith.addi %mul3A_208, %add3A_209 : i32
      %mul3A_211 = arith.constant 64 : i32
      %mul3A_212 = arith.muli %add3A_210, %mul3A_211 : i32
      %lt3A = arith.constant 15 : i32
      %lt3A_213 = arith.cmpi slt, %arg1, %lt3A : i32
      %convert_element_type3A_214 = arith.extui %lt3A_213 : i1 to i32
      %cond3A_215 = arith.constant 0 : i32
      %cond3A_216 = arith.cmpi ne, %convert_element_type3A_214, %cond3A_215 : i32
      scf.if %cond3A_216 {
        %mul3A_310 = arith.constant 640 : i32
        %mul3A_311 = arith.muli %arg1, %mul3A_310 : i32
        %mul3A_312 = arith.constant 640 : i32
        %mul3A_313 = arith.muli %arg1, %mul3A_312 : i32
        "tpu.region"() ({
          %run_scoped3A = tpu.sem_alloc : memref<!tpu.dma_semaphore, #tpu.memory_space<semaphore_mem>>
          %dma_start3A = tpu.memref_slice %arg10[%mul3A_313, %mul3A_212] : memref<10000x256xf32, #tpu.memory_space<hbm>> -> memref<640x64xf32, #tpu.memory_space<hbm>>
          %dma_start3A_314 = arith.constant 0 : i32
          %dma_start3A_315 = tpu.memref_slice %arg22[%mul3A_311, %dma_start3A_314] : memref<10240x64xf32, #tpu.memory_space<vmem_shared>> -> memref<640x64xf32, #tpu.memory_space<vmem_shared>>
          tpu.enqueue_dma source(%dma_start3A_315 : memref<640x64xf32, #tpu.memory_space<vmem_shared>>) target(%dma_start3A : memref<640x64xf32, #tpu.memory_space<hbm>>) target_semaphore(%run_scoped3A : memref<!tpu.dma_semaphore, #tpu.memory_space<semaphore_mem>>)
          %dma_wait3A_316 = tpu.memref_slice %arg10[%mul3A_313, %mul3A_212] : memref<10000x256xf32, #tpu.memory_space<hbm>> -> memref<640x64xf32, #tpu.memory_space<hbm>>
          %dma_wait3A_317 = arith.constant 0 : i32
          %dma_wait3A_318 = tpu.memref_slice %arg22[%mul3A_311, %dma_wait3A_317] : memref<10240x64xf32, #tpu.memory_space<vmem_shared>> -> memref<640x64xf32, #tpu.memory_space<vmem_shared>>
          tpu.wait_dma2 semaphore(%run_scoped3A : memref<!tpu.dma_semaphore, #tpu.memory_space<semaphore_mem>>) src(%dma_wait3A_318 : memref<640x64xf32, #tpu.memory_space<vmem_shared>>) dst(%dma_wait3A_316 : memref<640x64xf32, #tpu.memory_space<hbm>>)
          tpu.yield
        }) : () -> ()
      } else {
      }
      %eq3A_217 = arith.constant 15 : i32
      %eq3A_218 = arith.cmpi eq, %arg1, %eq3A_217 : i32
      %convert_element_type3A_219 = arith.extui %eq3A_218 : i1 to i32
      %cond3A_220 = arith.constant 0 : i32
      %cond3A_221 = arith.cmpi ne, %convert_element_type3A_219, %cond3A_220 : i32
      scf.if %cond3A_221 {
        %mul3A_310 = arith.constant 640 : i32
        %mul3A_311 = arith.muli %arg1, %mul3A_310 : i32
        %mul3A_312 = arith.constant 640 : i32
        %mul3A_313 = arith.muli %arg1, %mul3A_312 : i32
        "tpu.region"() ({
          %run_scoped3A = tpu.sem_alloc : memref<!tpu.dma_semaphore, #tpu.memory_space<semaphore_mem>>
          %dma_start3A = tpu.memref_slice %arg10[%mul3A_313, %mul3A_212] : memref<10000x256xf32, #tpu.memory_space<hbm>> -> memref<400x64xf32, #tpu.memory_space<hbm>>
          %dma_start3A_314 = arith.constant 0 : i32
          %dma_start3A_315 = tpu.memref_slice %arg22[%mul3A_311, %dma_start3A_314] : memref<10240x64xf32, #tpu.memory_space<vmem_shared>> -> memref<400x64xf32, #tpu.memory_space<vmem_shared>>
          tpu.enqueue_dma source(%dma_start3A_315 : memref<400x64xf32, #tpu.memory_space<vmem_shared>>) target(%dma_start3A : memref<400x64xf32, #tpu.memory_space<hbm>>) target_semaphore(%run_scoped3A : memref<!tpu.dma_semaphore, #tpu.memory_space<semaphore_mem>>)
          %dma_wait3A_316 = tpu.memref_slice %arg10[%mul3A_313, %mul3A_212] : memref<10000x256xf32, #tpu.memory_space<hbm>> -> memref<400x64xf32, #tpu.memory_space<hbm>>
          %dma_wait3A_317 = arith.constant 0 : i32
          %dma_wait3A_318 = tpu.memref_slice %arg22[%mul3A_311, %dma_wait3A_317] : memref<10240x64xf32, #tpu.memory_space<vmem_shared>> -> memref<400x64xf32, #tpu.memory_space<vmem_shared>>
          tpu.wait_dma2 semaphore(%run_scoped3A : memref<!tpu.dma_semaphore, #tpu.memory_space<semaphore_mem>>) src(%dma_wait3A_318 : memref<400x64xf32, #tpu.memory_space<vmem_shared>>) dst(%dma_wait3A_316 : memref<400x64xf32, #tpu.memory_space<hbm>>)
          tpu.yield
        }) : () -> ()
      } else {
      }
      %barrier3A_222 = arith.constant 0 : index
      tpu.barrier barrier_id(%barrier3A_222)
      %scan3A_223 = arith.constant 0 : i32
      %scan3A_224 = arith.constant 0 : i32
      %scan3A_225 = arith.constant 128 : i32
      %scan3A_226 = arith.addi %scan3A_224, %scan3A_225 : i32
      %scan3A_227 = arith.constant 1 : i32
      %scan3A_228 = scf.for %scan3A_310 = %scan3A_224 to %scan3A_226 step %scan3A_227 iter_args(%scan3A_311 = %scan3A_223) -> (i32)  : i32 {
        %broadcast_in_dim3A_312 = arith.constant 0.000000e+00 : f32
        %broadcast_in_dim3A_313 = vector.broadcast %broadcast_in_dim3A_312 : f32 to vector<16xf32>
        %swap3A_314 = arith.index_cast %scan3A_310 : i32 to index
        %swap3A_315 = arith.constant 0 : index
        %swap3A_316 = tpu.vector_load %arg19[%swap3A_314, %swap3A_315] {strides = array<i32>} : memref<128x64xf32, #tpu.memory_space<vmem>>, vector<16xf32>,
        tpu.vector_store %arg19[%swap3A_314, %swap3A_315], %broadcast_in_dim3A_313 {strides = array<i32>} : memref<128x64xf32, #tpu.memory_space<vmem>>, vector<16xf32>,
        %broadcast_in_dim3A_317 = arith.constant 0.000000e+00 : f32
        %broadcast_in_dim3A_318 = vector.broadcast %broadcast_in_dim3A_317 : f32 to vector<16xf32>
        %swap3A_319 = arith.index_cast %scan3A_310 : i32 to index
        %swap3A_320 = arith.constant 16 : index
        %swap3A_321 = tpu.vector_load %arg19[%swap3A_319, %swap3A_320] {strides = array<i32>} : memref<128x64xf32, #tpu.memory_space<vmem>>, vector<16xf32>,
        tpu.vector_store %arg19[%swap3A_319, %swap3A_320], %broadcast_in_dim3A_318 {strides = array<i32>} : memref<128x64xf32, #tpu.memory_space<vmem>>, vector<16xf32>,
        %broadcast_in_dim3A_322 = arith.constant 0.000000e+00 : f32
        %broadcast_in_dim3A_323 = vector.broadcast %broadcast_in_dim3A_322 : f32 to vector<16xf32>
        %swap3A_324 = arith.index_cast %scan3A_310 : i32 to index
        %swap3A_325 = arith.constant 32 : index
        %swap3A_326 = tpu.vector_load %arg19[%swap3A_324, %swap3A_325] {strides = array<i32>} : memref<128x64xf32, #tpu.memory_space<vmem>>, vector<16xf32>,
        tpu.vector_store %arg19[%swap3A_324, %swap3A_325], %broadcast_in_dim3A_323 {strides = array<i32>} : memref<128x64xf32, #tpu.memory_space<vmem>>, vector<16xf32>,
        %broadcast_in_dim3A_327 = arith.constant 0.000000e+00 : f32
        %broadcast_in_dim3A_328 = vector.broadcast %broadcast_in_dim3A_327 : f32 to vector<16xf32>
        %swap3A_329 = arith.index_cast %scan3A_310 : i32 to index
        %swap3A_330 = arith.constant 48 : index
        %swap3A_331 = tpu.vector_load %arg19[%swap3A_329, %swap3A_330] {strides = array<i32>} : memref<128x64xf32, #tpu.memory_space<vmem>>, vector<16xf32>,
        tpu.vector_store %arg19[%swap3A_329, %swap3A_330], %broadcast_in_dim3A_328 {strides = array<i32>} : memref<128x64xf32, #tpu.memory_space<vmem>>, vector<16xf32>,
        %scan3A_332 = arith.constant 0 : i32
        scf.yield %scan3A_332 : i32
      }
      %scan3A_229 = arith.constant 128 : i32
      %mul3A_230 = arith.constant 640 : i32
      %mul3A_231 = arith.muli %arg1, %mul3A_230 : i32
      %add3A_232 = arith.constant 0 : i32
      %add3A_233 = arith.addi %mul3A_231, %add3A_232 : i32
      "tpu.region"() ({
        %run_scoped3A = tpu.sem_alloc : memref<!tpu.dma_semaphore, #tpu.memory_space<semaphore_mem>>
        %dma_start3A = arith.constant 0 : i32
        %dma_start3A_310 = arith.constant 0 : i32
        %dma_start3A_311 = tpu.memref_slice %arg19[%dma_start3A, %dma_start3A_310] : memref<128x64xf32, #tpu.memory_space<vmem>> -> memref<128x64xf32, #tpu.memory_space<vmem>>
        %dma_start3A_312 = arith.constant 0 : i32
        %dma_start3A_313 = tpu.memref_slice %arg22[%add3A_233, %dma_start3A_312] : memref<10240x64xf32, #tpu.memory_space<vmem_shared>> -> memref<128x64xf32, #tpu.memory_space<vmem_shared>>
        %dma_start3A_314 = arith.constant 0 : i32
        %dma_start3A_315 = tpu.memref_slice %arg22[%add3A_233, %dma_start3A_314] : memref<10240x64xf32, #tpu.memory_space<vmem_shared>> -> memref<128x64xf32, #tpu.memory_space<vmem_shared>>
        %dma_start3A_316 = arith.constant 0 : i32
        %dma_start3A_317 = arith.constant 0 : i32
        %dma_start3A_318 = tpu.memref_slice %arg19[%dma_start3A_316, %dma_start3A_317] : memref<128x64xf32, #tpu.memory_space<vmem>> -> memref<128x64xf32, #tpu.memory_space<vmem>>
        tpu.enqueue_dma source(%dma_start3A_318 : memref<128x64xf32, #tpu.memory_space<vmem>>) target(%dma_start3A_315 : memref<128x64xf32, #tpu.memory_space<vmem_shared>>) target_semaphore(%run_scoped3A : memref<!tpu.dma_semaphore, #tpu.memory_space<semaphore_mem>>)
        %dma_wait3A_319 = arith.constant 0 : i32
        %dma_wait3A_320 = arith.constant 0 : i32
        %dma_wait3A_321 = tpu.memref_slice %arg19[%dma_wait3A_319, %dma_wait3A_320] : memref<128x64xf32, #tpu.memory_space<vmem>> -> memref<128x64xf32, #tpu.memory_space<vmem>>
        %dma_wait3A_322 = arith.constant 0 : i32
        %dma_wait3A_323 = tpu.memref_slice %arg22[%add3A_233, %dma_wait3A_322] : memref<10240x64xf32, #tpu.memory_space<vmem_shared>> -> memref<128x64xf32, #tpu.memory_space<vmem_shared>>
        %dma_wait3A_324 = arith.constant 0 : i32
        %dma_wait3A_325 = tpu.memref_slice %arg22[%add3A_233, %dma_wait3A_324] : memref<10240x64xf32, #tpu.memory_space<vmem_shared>> -> memref<128x64xf32, #tpu.memory_space<vmem_shared>>
        %dma_wait3A_326 = arith.constant 0 : i32
        %dma_wait3A_327 = arith.constant 0 : i32
        %dma_wait3A_328 = tpu.memref_slice %arg19[%dma_wait3A_326, %dma_wait3A_327] : memref<128x64xf32, #tpu.memory_space<vmem>> -> memref<128x64xf32, #tpu.memory_space<vmem>>
        tpu.wait_dma2 semaphore(%run_scoped3A : memref<!tpu.dma_semaphore, #tpu.memory_space<semaphore_mem>>) src(%dma_wait3A_328 : memref<128x64xf32, #tpu.memory_space<vmem>>) dst(%dma_wait3A_325 : memref<128x64xf32, #tpu.memory_space<vmem_shared>>)
        tpu.yield
      }) : () -> ()
      %mul3A_234 = arith.constant 640 : i32
      %mul3A_235 = arith.muli %arg1, %mul3A_234 : i32
      %add3A_236 = arith.constant 128 : i32
      %add3A_237 = arith.addi %mul3A_235, %add3A_236 : i32
      "tpu.region"() ({
        %run_scoped3A = tpu.sem_alloc : memref<!tpu.dma_semaphore, #tpu.memory_space<semaphore_mem>>
        %dma_start3A = arith.constant 0 : i32
        %dma_start3A_310 = arith.constant 0 : i32
        %dma_start3A_311 = tpu.memref_slice %arg19[%dma_start3A, %dma_start3A_310] : memref<128x64xf32, #tpu.memory_space<vmem>> -> memref<128x64xf32, #tpu.memory_space<vmem>>
        %dma_start3A_312 = arith.constant 0 : i32
        %dma_start3A_313 = tpu.memref_slice %arg22[%add3A_237, %dma_start3A_312] : memref<10240x64xf32, #tpu.memory_space<vmem_shared>> -> memref<128x64xf32, #tpu.memory_space<vmem_shared>>
        %dma_start3A_314 = arith.constant 0 : i32
        %dma_start3A_315 = tpu.memref_slice %arg22[%add3A_237, %dma_start3A_314] : memref<10240x64xf32, #tpu.memory_space<vmem_shared>> -> memref<128x64xf32, #tpu.memory_space<vmem_shared>>
        %dma_start3A_316 = arith.constant 0 : i32
        %dma_start3A_317 = arith.constant 0 : i32
        %dma_start3A_318 = tpu.memref_slice %arg19[%dma_start3A_316, %dma_start3A_317] : memref<128x64xf32, #tpu.memory_space<vmem>> -> memref<128x64xf32, #tpu.memory_space<vmem>>
        tpu.enqueue_dma source(%dma_start3A_318 : memref<128x64xf32, #tpu.memory_space<vmem>>) target(%dma_start3A_315 : memref<128x64xf32, #tpu.memory_space<vmem_shared>>) target_semaphore(%run_scoped3A : memref<!tpu.dma_semaphore, #tpu.memory_space<semaphore_mem>>)
        %dma_wait3A_319 = arith.constant 0 : i32
        %dma_wait3A_320 = arith.constant 0 : i32
        %dma_wait3A_321 = tpu.memref_slice %arg19[%dma_wait3A_319, %dma_wait3A_320] : memref<128x64xf32, #tpu.memory_space<vmem>> -> memref<128x64xf32, #tpu.memory_space<vmem>>
        %dma_wait3A_322 = arith.constant 0 : i32
        %dma_wait3A_323 = tpu.memref_slice %arg22[%add3A_237, %dma_wait3A_322] : memref<10240x64xf32, #tpu.memory_space<vmem_shared>> -> memref<128x64xf32, #tpu.memory_space<vmem_shared>>
        %dma_wait3A_324 = arith.constant 0 : i32
        %dma_wait3A_325 = tpu.memref_slice %arg22[%add3A_237, %dma_wait3A_324] : memref<10240x64xf32, #tpu.memory_space<vmem_shared>> -> memref<128x64xf32, #tpu.memory_space<vmem_shared>>
        %dma_wait3A_326 = arith.constant 0 : i32
        %dma_wait3A_327 = arith.constant 0 : i32
        %dma_wait3A_328 = tpu.memref_slice %arg19[%dma_wait3A_326, %dma_wait3A_327] : memref<128x64xf32, #tpu.memory_space<vmem>> -> memref<128x64xf32, #tpu.memory_space<vmem>>
        tpu.wait_dma2 semaphore(%run_scoped3A : memref<!tpu.dma_semaphore, #tpu.memory_space<semaphore_mem>>) src(%dma_wait3A_328 : memref<128x64xf32, #tpu.memory_space<vmem>>) dst(%dma_wait3A_325 : memref<128x64xf32, #tpu.memory_space<vmem_shared>>)
        tpu.yield
      }) : () -> ()
      %mul3A_238 = arith.constant 640 : i32
      %mul3A_239 = arith.muli %arg1, %mul3A_238 : i32
      %add3A_240 = arith.constant 256 : i32
      %add3A_241 = arith.addi %mul3A_239, %add3A_240 : i32
      "tpu.region"() ({
        %run_scoped3A = tpu.sem_alloc : memref<!tpu.dma_semaphore, #tpu.memory_space<semaphore_mem>>
        %dma_start3A = arith.constant 0 : i32
        %dma_start3A_310 = arith.constant 0 : i32
        %dma_start3A_311 = tpu.memref_slice %arg19[%dma_start3A, %dma_start3A_310] : memref<128x64xf32, #tpu.memory_space<vmem>> -> memref<128x64xf32, #tpu.memory_space<vmem>>
        %dma_start3A_312 = arith.constant 0 : i32
        %dma_start3A_313 = tpu.memref_slice %arg22[%add3A_241, %dma_start3A_312] : memref<10240x64xf32, #tpu.memory_space<vmem_shared>> -> memref<128x64xf32, #tpu.memory_space<vmem_shared>>
        %dma_start3A_314 = arith.constant 0 : i32
        %dma_start3A_315 = tpu.memref_slice %arg22[%add3A_241, %dma_start3A_314] : memref<10240x64xf32, #tpu.memory_space<vmem_shared>> -> memref<128x64xf32, #tpu.memory_space<vmem_shared>>
        %dma_start3A_316 = arith.constant 0 : i32
        %dma_start3A_317 = arith.constant 0 : i32
        %dma_start3A_318 = tpu.memref_slice %arg19[%dma_start3A_316, %dma_start3A_317] : memref<128x64xf32, #tpu.memory_space<vmem>> -> memref<128x64xf32, #tpu.memory_space<vmem>>
        tpu.enqueue_dma source(%dma_start3A_318 : memref<128x64xf32, #tpu.memory_space<vmem>>) target(%dma_start3A_315 : memref<128x64xf32, #tpu.memory_space<vmem_shared>>) target_semaphore(%run_scoped3A : memref<!tpu.dma_semaphore, #tpu.memory_space<semaphore_mem>>)
        %dma_wait3A_319 = arith.constant 0 : i32
        %dma_wait3A_320 = arith.constant 0 : i32
        %dma_wait3A_321 = tpu.memref_slice %arg19[%dma_wait3A_319, %dma_wait3A_320] : memref<128x64xf32, #tpu.memory_space<vmem>> -> memref<128x64xf32, #tpu.memory_space<vmem>>
        %dma_wait3A_322 = arith.constant 0 : i32
        %dma_wait3A_323 = tpu.memref_slice %arg22[%add3A_241, %dma_wait3A_322] : memref<10240x64xf32, #tpu.memory_space<vmem_shared>> -> memref<128x64xf32, #tpu.memory_space<vmem_shared>>
        %dma_wait3A_324 = arith.constant 0 : i32
        %dma_wait3A_325 = tpu.memref_slice %arg22[%add3A_241, %dma_wait3A_324] : memref<10240x64xf32, #tpu.memory_space<vmem_shared>> -> memref<128x64xf32, #tpu.memory_space<vmem_shared>>
        %dma_wait3A_326 = arith.constant 0 : i32
        %dma_wait3A_327 = arith.constant 0 : i32
        %dma_wait3A_328 = tpu.memref_slice %arg19[%dma_wait3A_326, %dma_wait3A_327] : memref<128x64xf32, #tpu.memory_space<vmem>> -> memref<128x64xf32, #tpu.memory_space<vmem>>
        tpu.wait_dma2 semaphore(%run_scoped3A : memref<!tpu.dma_semaphore, #tpu.memory_space<semaphore_mem>>) src(%dma_wait3A_328 : memref<128x64xf32, #tpu.memory_space<vmem>>) dst(%dma_wait3A_325 : memref<128x64xf32, #tpu.memory_space<vmem_shared>>)
        tpu.yield
      }) : () -> ()
      %mul3A_242 = arith.constant 640 : i32
      %mul3A_243 = arith.muli %arg1, %mul3A_242 : i32
      %add3A_244 = arith.constant 384 : i32
      %add3A_245 = arith.addi %mul3A_243, %add3A_244 : i32
      "tpu.region"() ({
        %run_scoped3A = tpu.sem_alloc : memref<!tpu.dma_semaphore, #tpu.memory_space<semaphore_mem>>
        %dma_start3A = arith.constant 0 : i32
        %dma_start3A_310 = arith.constant 0 : i32
        %dma_start3A_311 = tpu.memref_slice %arg19[%dma_start3A, %dma_start3A_310] : memref<128x64xf32, #tpu.memory_space<vmem>> -> memref<128x64xf32, #tpu.memory_space<vmem>>
        %dma_start3A_312 = arith.constant 0 : i32
        %dma_start3A_313 = tpu.memref_slice %arg22[%add3A_245, %dma_start3A_312] : memref<10240x64xf32, #tpu.memory_space<vmem_shared>> -> memref<128x64xf32, #tpu.memory_space<vmem_shared>>
        %dma_start3A_314 = arith.constant 0 : i32
        %dma_start3A_315 = tpu.memref_slice %arg22[%add3A_245, %dma_start3A_314] : memref<10240x64xf32, #tpu.memory_space<vmem_shared>> -> memref<128x64xf32, #tpu.memory_space<vmem_shared>>
        %dma_start3A_316 = arith.constant 0 : i32
        %dma_start3A_317 = arith.constant 0 : i32
        %dma_start3A_318 = tpu.memref_slice %arg19[%dma_start3A_316, %dma_start3A_317] : memref<128x64xf32, #tpu.memory_space<vmem>> -> memref<128x64xf32, #tpu.memory_space<vmem>>
        tpu.enqueue_dma source(%dma_start3A_318 : memref<128x64xf32, #tpu.memory_space<vmem>>) target(%dma_start3A_315 : memref<128x64xf32, #tpu.memory_space<vmem_shared>>) target_semaphore(%run_scoped3A : memref<!tpu.dma_semaphore, #tpu.memory_space<semaphore_mem>>)
        %dma_wait3A_319 = arith.constant 0 : i32
        %dma_wait3A_320 = arith.constant 0 : i32
        %dma_wait3A_321 = tpu.memref_slice %arg19[%dma_wait3A_319, %dma_wait3A_320] : memref<128x64xf32, #tpu.memory_space<vmem>> -> memref<128x64xf32, #tpu.memory_space<vmem>>
        %dma_wait3A_322 = arith.constant 0 : i32
        %dma_wait3A_323 = tpu.memref_slice %arg22[%add3A_245, %dma_wait3A_322] : memref<10240x64xf32, #tpu.memory_space<vmem_shared>> -> memref<128x64xf32, #tpu.memory_space<vmem_shared>>
        %dma_wait3A_324 = arith.constant 0 : i32
        %dma_wait3A_325 = tpu.memref_slice %arg22[%add3A_245, %dma_wait3A_324] : memref<10240x64xf32, #tpu.memory_space<vmem_shared>> -> memref<128x64xf32, #tpu.memory_space<vmem_shared>>
        %dma_wait3A_326 = arith.constant 0 : i32
        %dma_wait3A_327 = arith.constant 0 : i32
        %dma_wait3A_328 = tpu.memref_slice %arg19[%dma_wait3A_326, %dma_wait3A_327] : memref<128x64xf32, #tpu.memory_space<vmem>> -> memref<128x64xf32, #tpu.memory_space<vmem>>
        tpu.wait_dma2 semaphore(%run_scoped3A : memref<!tpu.dma_semaphore, #tpu.memory_space<semaphore_mem>>) src(%dma_wait3A_328 : memref<128x64xf32, #tpu.memory_space<vmem>>) dst(%dma_wait3A_325 : memref<128x64xf32, #tpu.memory_space<vmem_shared>>)
        tpu.yield
      }) : () -> ()
      %mul3A_246 = arith.constant 640 : i32
      %mul3A_247 = arith.muli %arg1, %mul3A_246 : i32
      %add3A_248 = arith.constant 512 : i32
      %add3A_249 = arith.addi %mul3A_247, %add3A_248 : i32
      "tpu.region"() ({
        %run_scoped3A = tpu.sem_alloc : memref<!tpu.dma_semaphore, #tpu.memory_space<semaphore_mem>>
        %dma_start3A = arith.constant 0 : i32
        %dma_start3A_310 = arith.constant 0 : i32
        %dma_start3A_311 = tpu.memref_slice %arg19[%dma_start3A, %dma_start3A_310] : memref<128x64xf32, #tpu.memory_space<vmem>> -> memref<128x64xf32, #tpu.memory_space<vmem>>
        %dma_start3A_312 = arith.constant 0 : i32
        %dma_start3A_313 = tpu.memref_slice %arg22[%add3A_249, %dma_start3A_312] : memref<10240x64xf32, #tpu.memory_space<vmem_shared>> -> memref<128x64xf32, #tpu.memory_space<vmem_shared>>
        %dma_start3A_314 = arith.constant 0 : i32
        %dma_start3A_315 = tpu.memref_slice %arg22[%add3A_249, %dma_start3A_314] : memref<10240x64xf32, #tpu.memory_space<vmem_shared>> -> memref<128x64xf32, #tpu.memory_space<vmem_shared>>
        %dma_start3A_316 = arith.constant 0 : i32
        %dma_start3A_317 = arith.constant 0 : i32
        %dma_start3A_318 = tpu.memref_slice %arg19[%dma_start3A_316, %dma_start3A_317] : memref<128x64xf32, #tpu.memory_space<vmem>> -> memref<128x64xf32, #tpu.memory_space<vmem>>
        tpu.enqueue_dma source(%dma_start3A_318 : memref<128x64xf32, #tpu.memory_space<vmem>>) target(%dma_start3A_315 : memref<128x64xf32, #tpu.memory_space<vmem_shared>>) target_semaphore(%run_scoped3A : memref<!tpu.dma_semaphore, #tpu.memory_space<semaphore_mem>>)
        %dma_wait3A_319 = arith.constant 0 : i32
        %dma_wait3A_320 = arith.constant 0 : i32
        %dma_wait3A_321 = tpu.memref_slice %arg19[%dma_wait3A_319, %dma_wait3A_320] : memref<128x64xf32, #tpu.memory_space<vmem>> -> memref<128x64xf32, #tpu.memory_space<vmem>>
        %dma_wait3A_322 = arith.constant 0 : i32
        %dma_wait3A_323 = tpu.memref_slice %arg22[%add3A_249, %dma_wait3A_322] : memref<10240x64xf32, #tpu.memory_space<vmem_shared>> -> memref<128x64xf32, #tpu.memory_space<vmem_shared>>
        %dma_wait3A_324 = arith.constant 0 : i32
        %dma_wait3A_325 = tpu.memref_slice %arg22[%add3A_249, %dma_wait3A_324] : memref<10240x64xf32, #tpu.memory_space<vmem_shared>> -> memref<128x64xf32, #tpu.memory_space<vmem_shared>>
        %dma_wait3A_326 = arith.constant 0 : i32
        %dma_wait3A_327 = arith.constant 0 : i32
        %dma_wait3A_328 = tpu.memref_slice %arg19[%dma_wait3A_326, %dma_wait3A_327] : memref<128x64xf32, #tpu.memory_space<vmem>> -> memref<128x64xf32, #tpu.memory_space<vmem>>
        tpu.wait_dma2 semaphore(%run_scoped3A : memref<!tpu.dma_semaphore, #tpu.memory_space<semaphore_mem>>) src(%dma_wait3A_328 : memref<128x64xf32, #tpu.memory_space<vmem>>) dst(%dma_wait3A_325 : memref<128x64xf32, #tpu.memory_space<vmem_shared>>)
        tpu.yield
      }) : () -> ()
      %barrier3A_250 = arith.constant 0 : index
      tpu.barrier barrier_id(%barrier3A_250)
      %iota3A_251 = tpu.iota {dimensions = array<i32: 0>} : vector<16xi32>
      %mul3A_252 = arith.constant 2 : i32
      %mul3A_253 = vector.broadcast %mul3A_252 : i32 to vector<16xi32>
      %mul3A_254 = arith.muli %mul3A_253, %iota3A_251 : vector<16xi32>
      %add3A_255 = arith.constant 1 : i32
      %add3A_256 = vector.broadcast %add3A_255 : i32 to vector<16xi32>
      %add3A_257 = arith.addi %mul3A_254, %add3A_256 : vector<16xi32>
      %scan3A_258 = arith.constant 0 : i32
      %scan3A_259 = arith.constant 0 : i32
      %scan3A_260 = arith.constant 9 : i32
      %scan3A_261 = arith.addi %scan3A_259, %scan3A_260 : i32
      %scan3A_262 = arith.constant 1 : i32
      %scan3A_263 = scf.for %scan3A_310 = %scan3A_259 to %scan3A_261 step %scan3A_262 iter_args(%scan3A_311 = %scan3A_258) -> (i32)  : i32 {
        %rem3A = arith.constant 12 : i32
        %rem3A_312 = arith.remsi %scan3A_310, %rem3A : i32
        %mul3A_313 = arith.constant 32 : i32
        %mul3A_314 = arith.muli %rem3A_312, %mul3A_313 : i32
        %dma_start3A = arith.constant 0 : i32
        %dma_start3A_315 = tpu.memref_slice %arg18[%mul3A_314, %dma_start3A] : memref<384x64xbf16, #tpu.memory_space<vmem>> -> memref<32x64xbf16, #tpu.memory_space<vmem>>
        %dma_start3A_316 = arith.constant 0 : i32
        %dma_start3A_317 = tpu.memref_slice %arg14[%scan3A_310, %dma_start3A_316] : memref<320x32xi32, #tpu.memory_space<vmem>> -> memref<1x32xi32, #tpu.memory_space<vmem>>
        %dma_start3A_318 = tpu.memref_squeeze %dma_start3A_317 : memref<1x32xi32, #tpu.memory_space<vmem>> -> memref<32xi32, #tpu.memory_space<vmem>>
        %dma_start3A_319 = arith.constant 0 : i32
        %dma_start3A_320 = arith.constant 0 : i32
        %dma_start3A_321 = tpu.memref_slice %arg7[%dma_start3A_319, %dma_start3A_320] : memref<10000x64xbf16, #tpu.memory_space<hbm>> -> memref<10000x64xbf16, #tpu.memory_space<hbm>>
        tpu.enqueue_indirect_dma source(%dma_start3A_321 : memref<10000x64xbf16, #tpu.memory_space<hbm>>) target(%dma_start3A_315 : memref<32x64xbf16, #tpu.memory_space<vmem>>) offsets(%dma_start3A_318 : memref<32xi32, #tpu.memory_space<vmem>>) semaphore(%arg25 : memref<!tpu.dma_semaphore, #tpu.memory_space<semaphore_mem>>)
        %scan3A_322 = arith.constant 0 : i32
        scf.yield %scan3A_322 : i32
      }
      %scan3A_264 = arith.constant 9 : i32
      %scan3A_265 = arith.constant 0 : i32
      %scan3A_266 = arith.constant 0 : i32
      %scan3A_267 = arith.constant 320 : i32
      %scan3A_268 = arith.addi %scan3A_266, %scan3A_267 : i32
      %scan3A_269 = arith.constant 1 : i32
      %scan3A_270 = scf.for %scan3A_310 = %scan3A_266 to %scan3A_268 step %scan3A_269 iter_args(%scan3A_311 = %scan3A_265) -> (i32)  : i32 {
        %ge3A = arith.constant 2 : i32
        %ge3A_312 = arith.cmpi sge, %scan3A_310, %ge3A : i32
        %convert_element_type3A_313 = arith.extui %ge3A_312 : i1 to i32
        %cond3A_314 = arith.constant 0 : i32
        %cond3A_315 = arith.cmpi ne, %convert_element_type3A_313, %cond3A_314 : i32
        scf.if %cond3A_315 {
          %dma_wait3A_355 = arith.constant 0 : i32
          %dma_wait3A_356 = arith.constant 0 : i32
          %dma_wait3A_357 = arith.constant 0 : i32
          %dma_wait3A_358 = tpu.memref_slice %arg19[%dma_wait3A_356, %dma_wait3A_357] : memref<128x64xf32, #tpu.memory_space<vmem>> -> memref<32x64xf32, #tpu.memory_space<vmem>>
          %dma_wait3A_359 = arith.constant 0 : i32
          %dma_wait3A_360 = tpu.memref_slice %arg13[%dma_wait3A_355, %dma_wait3A_359] : memref<320x32xi32, #tpu.memory_space<vmem>> -> memref<1x32xi32, #tpu.memory_space<vmem>>
          %dma_wait3A_361 = tpu.memref_squeeze %dma_wait3A_360 : memref<1x32xi32, #tpu.memory_space<vmem>> -> memref<32xi32, #tpu.memory_space<vmem>>
          %dma_wait3A_362 = arith.constant 0 : i32
          %dma_wait3A_363 = arith.constant 0 : i32
          %dma_wait3A_364 = tpu.memref_slice %arg22[%dma_wait3A_362, %dma_wait3A_363] : memref<10240x64xf32, #tpu.memory_space<vmem_shared>> -> memref<10240x64xf32, #tpu.memory_space<vmem_shared>>
          tpu.wait_indirect_dma semaphore(%arg26 : memref<!tpu.dma_semaphore, #tpu.memory_space<semaphore_mem>>) src(%dma_wait3A_358 : memref<32x64xf32, #tpu.memory_space<vmem>>) dst(%dma_wait3A_364 : memref<10240x64xf32, #tpu.memory_space<vmem_shared>>)
        } else {
        }
        %add3A_316 = arith.constant 9 : i32
        %add3A_317 = arith.addi %scan3A_310, %add3A_316 : i32
        %lt3A_318 = arith.constant 320 : i32
        %lt3A_319 = arith.cmpi slt, %add3A_317, %lt3A_318 : i32
        %convert_element_type3A_320 = arith.extui %lt3A_319 : i1 to i32
        %cond3A_321 = arith.constant 0 : i32
        %cond3A_322 = arith.cmpi ne, %convert_element_type3A_320, %cond3A_321 : i32
        scf.if %cond3A_322 {
          %add3A_355 = arith.constant 9 : i32
          %add3A_356 = arith.addi %scan3A_310, %add3A_355 : i32
          %rem3A_357 = arith.constant 12 : i32
          %rem3A_358 = arith.remsi %add3A_356, %rem3A_357 : i32
          %mul3A_359 = arith.constant 32 : i32
          %mul3A_360 = arith.muli %rem3A_358, %mul3A_359 : i32
          %dma_start3A_361 = arith.constant 0 : i32
          %dma_start3A_362 = tpu.memref_slice %arg18[%mul3A_360, %dma_start3A_361] : memref<384x64xbf16, #tpu.memory_space<vmem>> -> memref<32x64xbf16, #tpu.memory_space<vmem>>
          %dma_start3A_363 = arith.constant 0 : i32
          %dma_start3A_364 = tpu.memref_slice %arg14[%add3A_356, %dma_start3A_363] : memref<320x32xi32, #tpu.memory_space<vmem>> -> memref<1x32xi32, #tpu.memory_space<vmem>>
          %dma_start3A_365 = tpu.memref_squeeze %dma_start3A_364 : memref<1x32xi32, #tpu.memory_space<vmem>> -> memref<32xi32, #tpu.memory_space<vmem>>
          %dma_start3A_366 = arith.constant 0 : i32
          %dma_start3A_367 = arith.constant 0 : i32
          %dma_start3A_368 = tpu.memref_slice %arg7[%dma_start3A_366, %dma_start3A_367] : memref<10000x64xbf16, #tpu.memory_space<hbm>> -> memref<10000x64xbf16, #tpu.memory_space<hbm>>
          tpu.enqueue_indirect_dma source(%dma_start3A_368 : memref<10000x64xbf16, #tpu.memory_space<hbm>>) target(%dma_start3A_362 : memref<32x64xbf16, #tpu.memory_space<vmem>>) offsets(%dma_start3A_365 : memref<32xi32, #tpu.memory_space<vmem>>) semaphore(%arg25 : memref<!tpu.dma_semaphore, #tpu.memory_space<semaphore_mem>>)
        } else {
        }
        %dma_wait3A_323 = arith.constant 0 : i32
        %dma_wait3A_324 = arith.constant 0 : i32
        %dma_wait3A_325 = arith.constant 0 : i32
        %dma_wait3A_326 = tpu.memref_slice %arg18[%dma_wait3A_324, %dma_wait3A_325] : memref<384x64xbf16, #tpu.memory_space<vmem>> -> memref<32x64xbf16, #tpu.memory_space<vmem>>
        %dma_wait3A_327 = arith.constant 0 : i32
        %dma_wait3A_328 = tpu.memref_slice %arg14[%dma_wait3A_323, %dma_wait3A_327] : memref<320x32xi32, #tpu.memory_space<vmem>> -> memref<1x32xi32, #tpu.memory_space<vmem>>
        %dma_wait3A_329 = tpu.memref_squeeze %dma_wait3A_328 : memref<1x32xi32, #tpu.memory_space<vmem>> -> memref<32xi32, #tpu.memory_space<vmem>>
        %dma_wait3A_330 = arith.constant 0 : i32
        %dma_wait3A_331 = arith.constant 0 : i32
        %dma_wait3A_332 = tpu.memref_slice %arg7[%dma_wait3A_330, %dma_wait3A_331] : memref<10000x64xbf16, #tpu.memory_space<hbm>> -> memref<10000x64xbf16, #tpu.memory_space<hbm>>
        tpu.wait_indirect_dma semaphore(%arg25 : memref<!tpu.dma_semaphore, #tpu.memory_space<semaphore_mem>>) src(%dma_wait3A_332 : memref<10000x64xbf16, #tpu.memory_space<hbm>>) dst(%dma_wait3A_326 : memref<32x64xbf16, #tpu.memory_space<vmem>>)
        %rem3A = arith.constant 12 : i32
        %rem3A_333 = arith.remsi %scan3A_310, %rem3A : i32
        %mul3A_334 = arith.constant 32 : i32
        %mul3A_335 = arith.muli %rem3A_333, %mul3A_334 : i32
        %rem3A_336 = arith.constant 4 : i32
        %rem3A_337 = arith.remsi %scan3A_310, %rem3A_336 : i32
        %mul3A_338 = arith.constant 32 : i32
        %mul3A_339 = arith.muli %rem3A_337, %mul3A_338 : i32
        %parallel_loop3A_340 = arith.constant 0 : i32
        %parallel_loop3A_341 = arith.constant 32 : i32
        %parallel_loop3A_342 = arith.constant 1 : i32
        scf.for %parallel_loop3A_355 = %parallel_loop3A_340 to %parallel_loop3A_341 step %parallel_loop3A_342  : i32 {
          %parallel_loop3A_356 = arith.constant 32 : i32
          %parallel_loop3A_357 = arith.muli %scan3A_310, %parallel_loop3A_356 : i32
          %parallel_loop3A_358 = arith.addi %parallel_loop3A_357, %parallel_loop3A_355 : i32
          %parallel_loop3A_359 = arith.constant 7 : i32
          %parallel_loop3A_360 = arith.shrui %parallel_loop3A_358, %parallel_loop3A_359 : i32
          %parallel_loop3A_361 = vector.broadcast %parallel_loop3A_360 : i32 to vector<16xi32>
          %parallel_loop3A_362 = arith.constant 127 : i32
          %parallel_loop3A_363 = arith.andi %parallel_loop3A_358, %parallel_loop3A_362 : i32
          %parallel_loop3A_364 = vector.broadcast %parallel_loop3A_363 : i32 to vector<16xi32>
          %parallel_loop3A_365 = tpu.vector_load_idx %arg15[%parallel_loop3A_361, %parallel_loop3A_364] : memref<80x128xf32, #tpu.memory_space<vmem>>[vector<16xi32>, vector<16xi32>], vector<16xf32>,
          %parallel_loop3A_366 = arith.addi %mul3A_339, %parallel_loop3A_355 : i32
          %parallel_loop3A_367 = vector.broadcast %parallel_loop3A_366 : i32 to vector<16xi32>
          %parallel_loop3A_368 = arith.addi %mul3A_335, %parallel_loop3A_355 : i32
          %parallel_loop3A_369 = arith.index_cast %parallel_loop3A_368 : i32 to index
          %parallel_loop3A_370 = arith.constant 0 : index
          %parallel_loop3A_371 = tpu.vector_load %arg18[%parallel_loop3A_369, %parallel_loop3A_370] {strides = array<i32>} : memref<384x64xbf16, #tpu.memory_space<vmem>>, vector<32xbf16>,
          %parallel_loop3A_372 = tpu.unpack_subelements %parallel_loop3A_371, 0 {pack_format = #tpu.pack_format<interleaved>} : vector<32xbf16> -> vector<16xf32>
          %parallel_loop3A_373 = tpu.unpack_subelements %parallel_loop3A_371, 1 {pack_format = #tpu.pack_format<interleaved>} : vector<32xbf16> -> vector<16xf32>
          %parallel_loop3A_374 = arith.constant 0 : i32
          %parallel_loop3A_375 = vector.broadcast %parallel_loop3A_374 : i32 to vector<16xi32>
          %parallel_loop3A_376 = arith.addi %mul3A_254, %parallel_loop3A_375 : vector<16xi32>
          %parallel_loop3A_377 = arith.mulf %parallel_loop3A_372, %parallel_loop3A_365 : vector<16xf32>
          tpu.vector_store_idx %arg19[%parallel_loop3A_367, %parallel_loop3A_376], %parallel_loop3A_377 : memref<128x64xf32, #tpu.memory_space<vmem>>[vector<16xi32>, vector<16xi32>], vector<16xf32>,
          %parallel_loop3A_378 = arith.constant 0 : i32
          %parallel_loop3A_379 = vector.broadcast %parallel_loop3A_378 : i32 to vector<16xi32>
          %parallel_loop3A_380 = arith.addi %add3A_257, %parallel_loop3A_379 : vector<16xi32>
          %parallel_loop3A_381 = arith.mulf %parallel_loop3A_373, %parallel_loop3A_365 : vector<16xf32>
          tpu.vector_store_idx %arg19[%parallel_loop3A_367, %parallel_loop3A_380], %parallel_loop3A_381 : memref<128x64xf32, #tpu.memory_space<vmem>>[vector<16xi32>, vector<16xi32>], vector<16xf32>,
          %parallel_loop3A_382 = arith.addi %mul3A_335, %parallel_loop3A_355 : i32
          %parallel_loop3A_383 = arith.index_cast %parallel_loop3A_382 : i32 to index
          %parallel_loop3A_384 = arith.constant 32 : index
          %parallel_loop3A_385 = tpu.vector_load %arg18[%parallel_loop3A_383, %parallel_loop3A_384] {strides = array<i32>} : memref<384x64xbf16, #tpu.memory_space<vmem>>, vector<32xbf16>,
          %parallel_loop3A_386 = tpu.unpack_subelements %parallel_loop3A_385, 0 {pack_format = #tpu.pack_format<interleaved>} : vector<32xbf16> -> vector<16xf32>
          %parallel_loop3A_387 = tpu.unpack_subelements %parallel_loop3A_385, 1 {pack_format = #tpu.pack_format<interleaved>} : vector<32xbf16> -> vector<16xf32>
          %parallel_loop3A_388 = arith.constant 32 : i32
          %parallel_loop3A_389 = vector.broadcast %parallel_loop3A_388 : i32 to vector<16xi32>
          %parallel_loop3A_390 = arith.addi %mul3A_254, %parallel_loop3A_389 : vector<16xi32>
          %parallel_loop3A_391 = arith.mulf %parallel_loop3A_386, %parallel_loop3A_365 : vector<16xf32>
          tpu.vector_store_idx %arg19[%parallel_loop3A_367, %parallel_loop3A_390], %parallel_loop3A_391 : memref<128x64xf32, #tpu.memory_space<vmem>>[vector<16xi32>, vector<16xi32>], vector<16xf32>,
          %parallel_loop3A_392 = arith.constant 32 : i32
          %parallel_loop3A_393 = vector.broadcast %parallel_loop3A_392 : i32 to vector<16xi32>
          %parallel_loop3A_394 = arith.addi %add3A_257, %parallel_loop3A_393 : vector<16xi32>
          %parallel_loop3A_395 = arith.mulf %parallel_loop3A_387, %parallel_loop3A_365 : vector<16xf32>
          tpu.vector_store_idx %arg19[%parallel_loop3A_367, %parallel_loop3A_394], %parallel_loop3A_395 : memref<128x64xf32, #tpu.memory_space<vmem>>[vector<16xi32>, vector<16xi32>], vector<16xf32>,
        } {sc.loop_unroll_factor = 4 : i64, sc.parallel_access}
        %rem3A_343 = arith.constant 4 : i32
        %rem3A_344 = arith.remsi %scan3A_310, %rem3A_343 : i32
        %mul3A_345 = arith.constant 32 : i32
        %mul3A_346 = arith.muli %rem3A_344, %mul3A_345 : i32
        %dma_start3A = arith.constant 0 : i32
        %dma_start3A_347 = tpu.memref_slice %arg19[%mul3A_346, %dma_start3A] : memref<128x64xf32, #tpu.memory_space<vmem>> -> memref<32x64xf32, #tpu.memory_space<vmem>>
        %dma_start3A_348 = arith.constant 0 : i32
        %dma_start3A_349 = tpu.memref_slice %arg13[%scan3A_310, %dma_start3A_348] : memref<320x32xi32, #tpu.memory_space<vmem>> -> memref<1x32xi32, #tpu.memory_space<vmem>>
        %dma_start3A_350 = tpu.memref_squeeze %dma_start3A_349 : memref<1x32xi32, #tpu.memory_space<vmem>> -> memref<32xi32, #tpu.memory_space<vmem>>
        %dma_start3A_351 = arith.constant 0 : i32
        %dma_start3A_352 = arith.constant 0 : i32
        %dma_start3A_353 = tpu.memref_slice %arg22[%dma_start3A_351, %dma_start3A_352] : memref<10240x64xf32, #tpu.memory_space<vmem_shared>> -> memref<10240x64xf32, #tpu.memory_space<vmem_shared>>
        tpu.enqueue_indirect_dma source(%dma_start3A_347 : memref<32x64xf32, #tpu.memory_space<vmem>>) target(%dma_start3A_353 : memref<10240x64xf32, #tpu.memory_space<vmem_shared>>) offsets(%dma_start3A_350 : memref<32xi32, #tpu.memory_space<vmem>>) semaphore(%arg26 : memref<!tpu.dma_semaphore, #tpu.memory_space<semaphore_mem>>) {add = true}
        %scan3A_354 = arith.constant 0 : i32
        scf.yield %scan3A_354 : i32
      }
      %scan3A_271 = arith.constant 320 : i32
      %dma_wait3A_272 = arith.constant 0 : i32
      %dma_wait3A_273 = arith.constant 0 : i32
      %dma_wait3A_274 = arith.constant 0 : i32
      %dma_wait3A_275 = tpu.memref_slice %arg19[%dma_wait3A_273, %dma_wait3A_274] : memref<128x64xf32, #tpu.memory_space<vmem>> -> memref<32x64xf32, #tpu.memory_space<vmem>>
      %dma_wait3A_276 = arith.constant 0 : i32
      %dma_wait3A_277 = tpu.memref_slice %arg13[%dma_wait3A_272, %dma_wait3A_276] : memref<320x32xi32, #tpu.memory_space<vmem>> -> memref<1x32xi32, #tpu.memory_space<vmem>>
      %dma_wait3A_278 = tpu.memref_squeeze %dma_wait3A_277 : memref<1x32xi32, #tpu.memory_space<vmem>> -> memref<32xi32, #tpu.memory_space<vmem>>
      %dma_wait3A_279 = arith.constant 0 : i32
      %dma_wait3A_280 = arith.constant 0 : i32
      %dma_wait3A_281 = tpu.memref_slice %arg22[%dma_wait3A_279, %dma_wait3A_280] : memref<10240x64xf32, #tpu.memory_space<vmem_shared>> -> memref<10240x64xf32, #tpu.memory_space<vmem_shared>>
      tpu.wait_indirect_dma semaphore(%arg26 : memref<!tpu.dma_semaphore, #tpu.memory_space<semaphore_mem>>) src(%dma_wait3A_275 : memref<32x64xf32, #tpu.memory_space<vmem>>) dst(%dma_wait3A_281 : memref<10240x64xf32, #tpu.memory_space<vmem_shared>>)
      %dma_wait3A_282 = arith.constant 0 : i32
      %dma_wait3A_283 = arith.constant 0 : i32
      %dma_wait3A_284 = arith.constant 0 : i32
      %dma_wait3A_285 = tpu.memref_slice %arg19[%dma_wait3A_283, %dma_wait3A_284] : memref<128x64xf32, #tpu.memory_space<vmem>> -> memref<32x64xf32, #tpu.memory_space<vmem>>
      %dma_wait3A_286 = arith.constant 0 : i32
      %dma_wait3A_287 = tpu.memref_slice %arg13[%dma_wait3A_282, %dma_wait3A_286] : memref<320x32xi32, #tpu.memory_space<vmem>> -> memref<1x32xi32, #tpu.memory_space<vmem>>
      %dma_wait3A_288 = tpu.memref_squeeze %dma_wait3A_287 : memref<1x32xi32, #tpu.memory_space<vmem>> -> memref<32xi32, #tpu.memory_space<vmem>>
      %dma_wait3A_289 = arith.constant 0 : i32
      %dma_wait3A_290 = arith.constant 0 : i32
      %dma_wait3A_291 = tpu.memref_slice %arg22[%dma_wait3A_289, %dma_wait3A_290] : memref<10240x64xf32, #tpu.memory_space<vmem_shared>> -> memref<10240x64xf32, #tpu.memory_space<vmem_shared>>
      tpu.wait_indirect_dma semaphore(%arg26 : memref<!tpu.dma_semaphore, #tpu.memory_space<semaphore_mem>>) src(%dma_wait3A_285 : memref<32x64xf32, #tpu.memory_space<vmem>>) dst(%dma_wait3A_291 : memref<10240x64xf32, #tpu.memory_space<vmem_shared>>)
      %barrier3A_292 = arith.constant 0 : index
      tpu.barrier barrier_id(%barrier3A_292)
      %mul3A_293 = arith.constant 2 : i32
      %mul3A_294 = arith.muli %mul3A_293, %arg0 : i32
      %add3A_295 = arith.constant 1 : i32
      %add3A_296 = arith.addi %mul3A_294, %add3A_295 : i32
      %mul3A_297 = arith.constant 64 : i32
      %mul3A_298 = arith.muli %add3A_296, %mul3A_297 : i32
      %lt3A_299 = arith.constant 15 : i32
      %lt3A_300 = arith.cmpi slt, %arg1, %lt3A_299 : i32
      %convert_element_type3A_301 = arith.extui %lt3A_300 : i1 to i32
      %cond3A_302 = arith.constant 0 : i32
      %cond3A_303 = arith.cmpi ne, %convert_element_type3A_301, %cond3A_302 : i32
      scf.if %cond3A_303 {
        %mul3A_310 = arith.constant 640 : i32
        %mul3A_311 = arith.muli %arg1, %mul3A_310 : i32
        %mul3A_312 = arith.constant 640 : i32
        %mul3A_313 = arith.muli %arg1, %mul3A_312 : i32
        "tpu.region"() ({
          %run_scoped3A = tpu.sem_alloc : memref<!tpu.dma_semaphore, #tpu.memory_space<semaphore_mem>>
          %dma_start3A = tpu.memref_slice %arg10[%mul3A_313, %mul3A_298] : memref<10000x256xf32, #tpu.memory_space<hbm>> -> memref<640x64xf32, #tpu.memory_space<hbm>>
          %dma_start3A_314 = arith.constant 0 : i32
          %dma_start3A_315 = tpu.memref_slice %arg22[%mul3A_311, %dma_start3A_314] : memref<10240x64xf32, #tpu.memory_space<vmem_shared>> -> memref<640x64xf32, #tpu.memory_space<vmem_shared>>
          tpu.enqueue_dma source(%dma_start3A_315 : memref<640x64xf32, #tpu.memory_space<vmem_shared>>) target(%dma_start3A : memref<640x64xf32, #tpu.memory_space<hbm>>) target_semaphore(%run_scoped3A : memref<!tpu.dma_semaphore, #tpu.memory_space<semaphore_mem>>)
          %dma_wait3A_316 = tpu.memref_slice %arg10[%mul3A_313, %mul3A_298] : memref<10000x256xf32, #tpu.memory_space<hbm>> -> memref<640x64xf32, #tpu.memory_space<hbm>>
          %dma_wait3A_317 = arith.constant 0 : i32
          %dma_wait3A_318 = tpu.memref_slice %arg22[%mul3A_311, %dma_wait3A_317] : memref<10240x64xf32, #tpu.memory_space<vmem_shared>> -> memref<640x64xf32, #tpu.memory_space<vmem_shared>>
          tpu.wait_dma2 semaphore(%run_scoped3A : memref<!tpu.dma_semaphore, #tpu.memory_space<semaphore_mem>>) src(%dma_wait3A_318 : memref<640x64xf32, #tpu.memory_space<vmem_shared>>) dst(%dma_wait3A_316 : memref<640x64xf32, #tpu.memory_space<hbm>>)
          tpu.yield
        }) : () -> ()
      } else {
      }
      %eq3A_304 = arith.constant 15 : i32
      %eq3A_305 = arith.cmpi eq, %arg1, %eq3A_304 : i32
      %convert_element_type3A_306 = arith.extui %eq3A_305 : i1 to i32
      %cond3A_307 = arith.constant 0 : i32
      %cond3A_308 = arith.cmpi ne, %convert_element_type3A_306, %cond3A_307 : i32
      scf.if %cond3A_308 {
        %mul3A_310 = arith.constant 640 : i32
        %mul3A_311 = arith.muli %arg1, %mul3A_310 : i32
        %mul3A_312 = arith.constant 640 : i32
        %mul3A_313 = arith.muli %arg1, %mul3A_312 : i32
        "tpu.region"() ({
          %run_scoped3A = tpu.sem_alloc : memref<!tpu.dma_semaphore, #tpu.memory_space<semaphore_mem>>
          %dma_start3A = tpu.memref_slice %arg10[%mul3A_313, %mul3A_298] : memref<10000x256xf32, #tpu.memory_space<hbm>> -> memref<400x64xf32, #tpu.memory_space<hbm>>
          %dma_start3A_314 = arith.constant 0 : i32
          %dma_start3A_315 = tpu.memref_slice %arg22[%mul3A_311, %dma_start3A_314] : memref<10240x64xf32, #tpu.memory_space<vmem_shared>> -> memref<400x64xf32, #tpu.memory_space<vmem_shared>>
          tpu.enqueue_dma source(%dma_start3A_315 : memref<400x64xf32, #tpu.memory_space<vmem_shared>>) target(%dma_start3A : memref<400x64xf32, #tpu.memory_space<hbm>>) target_semaphore(%run_scoped3A : memref<!tpu.dma_semaphore, #tpu.memory_space<semaphore_mem>>)
          %dma_wait3A_316 = tpu.memref_slice %arg10[%mul3A_313, %mul3A_298] : memref<10000x256xf32, #tpu.memory_space<hbm>> -> memref<400x64xf32, #tpu.memory_space<hbm>>
          %dma_wait3A_317 = arith.constant 0 : i32
          %dma_wait3A_318 = tpu.memref_slice %arg22[%mul3A_311, %dma_wait3A_317] : memref<10240x64xf32, #tpu.memory_space<vmem_shared>> -> memref<400x64xf32, #tpu.memory_space<vmem_shared>>
          tpu.wait_dma2 semaphore(%run_scoped3A : memref<!tpu.dma_semaphore, #tpu.memory_space<semaphore_mem>>) src(%dma_wait3A_318 : memref<400x64xf32, #tpu.memory_space<vmem_shared>>) dst(%dma_wait3A_316 : memref<400x64xf32, #tpu.memory_space<hbm>>)
          tpu.yield
        }) : () -> ()
      } else {
      }
      %barrier3A_309 = arith.constant 0 : index
      tpu.barrier barrier_id(%barrier3A_309)
    } else {
    }
    %eq3A_134 = arith.constant 1 : i32
    %eq3A_135 = arith.cmpi eq, %arg0, %eq3A_134 : i32
    %convert_element_type3A_136 = arith.extui %eq3A_135 : i1 to i32
    %cond3A_137 = arith.constant 0 : i32
    %cond3A_138 = arith.cmpi ne, %convert_element_type3A_136, %cond3A_137 : i32
    scf.if %cond3A_138 {
      %scan3A_139 = arith.constant 0 : i32
      %scan3A_140 = arith.constant 0 : i32
      %scan3A_141 = arith.constant 128 : i32
      %scan3A_142 = arith.addi %scan3A_140, %scan3A_141 : i32
      %scan3A_143 = arith.constant 1 : i32
      %scan3A_144 = scf.for %scan3A_310 = %scan3A_140 to %scan3A_142 step %scan3A_143 iter_args(%scan3A_311 = %scan3A_139) -> (i32)  : i32 {
        %broadcast_in_dim3A_312 = arith.constant 0.000000e+00 : f32
        %broadcast_in_dim3A_313 = vector.broadcast %broadcast_in_dim3A_312 : f32 to vector<16xf32>
        %swap3A_314 = arith.index_cast %scan3A_310 : i32 to index
        %swap3A_315 = arith.constant 0 : index
        %swap3A_316 = tpu.vector_load %arg19[%swap3A_314, %swap3A_315] {strides = array<i32>} : memref<128x64xf32, #tpu.memory_space<vmem>>, vector<16xf32>,
        tpu.vector_store %arg19[%swap3A_314, %swap3A_315], %broadcast_in_dim3A_313 {strides = array<i32>} : memref<128x64xf32, #tpu.memory_space<vmem>>, vector<16xf32>,
        %broadcast_in_dim3A_317 = arith.constant 0.000000e+00 : f32
        %broadcast_in_dim3A_318 = vector.broadcast %broadcast_in_dim3A_317 : f32 to vector<16xf32>
        %swap3A_319 = arith.index_cast %scan3A_310 : i32 to index
        %swap3A_320 = arith.constant 16 : index
        %swap3A_321 = tpu.vector_load %arg19[%swap3A_319, %swap3A_320] {strides = array<i32>} : memref<128x64xf32, #tpu.memory_space<vmem>>, vector<16xf32>,
        tpu.vector_store %arg19[%swap3A_319, %swap3A_320], %broadcast_in_dim3A_318 {strides = array<i32>} : memref<128x64xf32, #tpu.memory_space<vmem>>, vector<16xf32>,
        %broadcast_in_dim3A_322 = arith.constant 0.000000e+00 : f32
        %broadcast_in_dim3A_323 = vector.broadcast %broadcast_in_dim3A_322 : f32 to vector<16xf32>
        %swap3A_324 = arith.index_cast %scan3A_310 : i32 to index
        %swap3A_325 = arith.constant 32 : index
        %swap3A_326 = tpu.vector_load %arg19[%swap3A_324, %swap3A_325] {strides = array<i32>} : memref<128x64xf32, #tpu.memory_space<vmem>>, vector<16xf32>,
        tpu.vector_store %arg19[%swap3A_324, %swap3A_325], %broadcast_in_dim3A_323 {strides = array<i32>} : memref<128x64xf32, #tpu.memory_space<vmem>>, vector<16xf32>,
        %broadcast_in_dim3A_327 = arith.constant 0.000000e+00 : f32
        %broadcast_in_dim3A_328 = vector.broadcast %broadcast_in_dim3A_327 : f32 to vector<16xf32>
        %swap3A_329 = arith.index_cast %scan3A_310 : i32 to index
        %swap3A_330 = arith.constant 48 : index
        %swap3A_331 = tpu.vector_load %arg19[%swap3A_329, %swap3A_330] {strides = array<i32>} : memref<128x64xf32, #tpu.memory_space<vmem>>, vector<16xf32>,
        tpu.vector_store %arg19[%swap3A_329, %swap3A_330], %broadcast_in_dim3A_328 {strides = array<i32>} : memref<128x64xf32, #tpu.memory_space<vmem>>, vector<16xf32>,
        %scan3A_332 = arith.constant 0 : i32
        scf.yield %scan3A_332 : i32
      }
      %scan3A_145 = arith.constant 128 : i32
      %mul3A = arith.constant 640 : i32
      %mul3A_146 = arith.muli %arg1, %mul3A : i32
      %add3A_147 = arith.constant 0 : i32
      %add3A_148 = arith.addi %mul3A_146, %add3A_147 : i32
      "tpu.region"() ({
        %run_scoped3A = tpu.sem_alloc : memref<!tpu.dma_semaphore, #tpu.memory_space<semaphore_mem>>
        %dma_start3A = arith.constant 0 : i32
        %dma_start3A_310 = arith.constant 0 : i32
        %dma_start3A_311 = tpu.memref_slice %arg19[%dma_start3A, %dma_start3A_310] : memref<128x64xf32, #tpu.memory_space<vmem>> -> memref<128x64xf32, #tpu.memory_space<vmem>>
        %dma_start3A_312 = arith.constant 0 : i32
        %dma_start3A_313 = tpu.memref_slice %arg22[%add3A_148, %dma_start3A_312] : memref<10240x64xf32, #tpu.memory_space<vmem_shared>> -> memref<128x64xf32, #tpu.memory_space<vmem_shared>>
        %dma_start3A_314 = arith.constant 0 : i32
        %dma_start3A_315 = tpu.memref_slice %arg22[%add3A_148, %dma_start3A_314] : memref<10240x64xf32, #tpu.memory_space<vmem_shared>> -> memref<128x64xf32, #tpu.memory_space<vmem_shared>>
        %dma_start3A_316 = arith.constant 0 : i32
        %dma_start3A_317 = arith.constant 0 : i32
        %dma_start3A_318 = tpu.memref_slice %arg19[%dma_start3A_316, %dma_start3A_317] : memref<128x64xf32, #tpu.memory_space<vmem>> -> memref<128x64xf32, #tpu.memory_space<vmem>>
        tpu.enqueue_dma source(%dma_start3A_318 : memref<128x64xf32, #tpu.memory_space<vmem>>) target(%dma_start3A_315 : memref<128x64xf32, #tpu.memory_space<vmem_shared>>) target_semaphore(%run_scoped3A : memref<!tpu.dma_semaphore, #tpu.memory_space<semaphore_mem>>)
        %dma_wait3A_319 = arith.constant 0 : i32
        %dma_wait3A_320 = arith.constant 0 : i32
        %dma_wait3A_321 = tpu.memref_slice %arg19[%dma_wait3A_319, %dma_wait3A_320] : memref<128x64xf32, #tpu.memory_space<vmem>> -> memref<128x64xf32, #tpu.memory_space<vmem>>
        %dma_wait3A_322 = arith.constant 0 : i32
        %dma_wait3A_323 = tpu.memref_slice %arg22[%add3A_148, %dma_wait3A_322] : memref<10240x64xf32, #tpu.memory_space<vmem_shared>> -> memref<128x64xf32, #tpu.memory_space<vmem_shared>>
        %dma_wait3A_324 = arith.constant 0 : i32
        %dma_wait3A_325 = tpu.memref_slice %arg22[%add3A_148, %dma_wait3A_324] : memref<10240x64xf32, #tpu.memory_space<vmem_shared>> -> memref<128x64xf32, #tpu.memory_space<vmem_shared>>
        %dma_wait3A_326 = arith.constant 0 : i32
        %dma_wait3A_327 = arith.constant 0 : i32
        %dma_wait3A_328 = tpu.memref_slice %arg19[%dma_wait3A_326, %dma_wait3A_327] : memref<128x64xf32, #tpu.memory_space<vmem>> -> memref<128x64xf32, #tpu.memory_space<vmem>>
        tpu.wait_dma2 semaphore(%run_scoped3A : memref<!tpu.dma_semaphore, #tpu.memory_space<semaphore_mem>>) src(%dma_wait3A_328 : memref<128x64xf32, #tpu.memory_space<vmem>>) dst(%dma_wait3A_325 : memref<128x64xf32, #tpu.memory_space<vmem_shared>>)
        tpu.yield
      }) : () -> ()
      %mul3A_149 = arith.constant 640 : i32
      %mul3A_150 = arith.muli %arg1, %mul3A_149 : i32
      %add3A_151 = arith.constant 128 : i32
      %add3A_152 = arith.addi %mul3A_150, %add3A_151 : i32
      "tpu.region"() ({
        %run_scoped3A = tpu.sem_alloc : memref<!tpu.dma_semaphore, #tpu.memory_space<semaphore_mem>>
        %dma_start3A = arith.constant 0 : i32
        %dma_start3A_310 = arith.constant 0 : i32
        %dma_start3A_311 = tpu.memref_slice %arg19[%dma_start3A, %dma_start3A_310] : memref<128x64xf32, #tpu.memory_space<vmem>> -> memref<128x64xf32, #tpu.memory_space<vmem>>
        %dma_start3A_312 = arith.constant 0 : i32
        %dma_start3A_313 = tpu.memref_slice %arg22[%add3A_152, %dma_start3A_312] : memref<10240x64xf32, #tpu.memory_space<vmem_shared>> -> memref<128x64xf32, #tpu.memory_space<vmem_shared>>
        %dma_start3A_314 = arith.constant 0 : i32
        %dma_start3A_315 = tpu.memref_slice %arg22[%add3A_152, %dma_start3A_314] : memref<10240x64xf32, #tpu.memory_space<vmem_shared>> -> memref<128x64xf32, #tpu.memory_space<vmem_shared>>
        %dma_start3A_316 = arith.constant 0 : i32
        %dma_start3A_317 = arith.constant 0 : i32
        %dma_start3A_318 = tpu.memref_slice %arg19[%dma_start3A_316, %dma_start3A_317] : memref<128x64xf32, #tpu.memory_space<vmem>> -> memref<128x64xf32, #tpu.memory_space<vmem>>
        tpu.enqueue_dma source(%dma_start3A_318 : memref<128x64xf32, #tpu.memory_space<vmem>>) target(%dma_start3A_315 : memref<128x64xf32, #tpu.memory_space<vmem_shared>>) target_semaphore(%run_scoped3A : memref<!tpu.dma_semaphore, #tpu.memory_space<semaphore_mem>>)
        %dma_wait3A_319 = arith.constant 0 : i32
        %dma_wait3A_320 = arith.constant 0 : i32
        %dma_wait3A_321 = tpu.memref_slice %arg19[%dma_wait3A_319, %dma_wait3A_320] : memref<128x64xf32, #tpu.memory_space<vmem>> -> memref<128x64xf32, #tpu.memory_space<vmem>>
        %dma_wait3A_322 = arith.constant 0 : i32
        %dma_wait3A_323 = tpu.memref_slice %arg22[%add3A_152, %dma_wait3A_322] : memref<10240x64xf32, #tpu.memory_space<vmem_shared>> -> memref<128x64xf32, #tpu.memory_space<vmem_shared>>
        %dma_wait3A_324 = arith.constant 0 : i32
        %dma_wait3A_325 = tpu.memref_slice %arg22[%add3A_152, %dma_wait3A_324] : memref<10240x64xf32, #tpu.memory_space<vmem_shared>> -> memref<128x64xf32, #tpu.memory_space<vmem_shared>>
        %dma_wait3A_326 = arith.constant 0 : i32
        %dma_wait3A_327 = arith.constant 0 : i32
        %dma_wait3A_328 = tpu.memref_slice %arg19[%dma_wait3A_326, %dma_wait3A_327] : memref<128x64xf32, #tpu.memory_space<vmem>> -> memref<128x64xf32, #tpu.memory_space<vmem>>
        tpu.wait_dma2 semaphore(%run_scoped3A : memref<!tpu.dma_semaphore, #tpu.memory_space<semaphore_mem>>) src(%dma_wait3A_328 : memref<128x64xf32, #tpu.memory_space<vmem>>) dst(%dma_wait3A_325 : memref<128x64xf32, #tpu.memory_space<vmem_shared>>)
        tpu.yield
      }) : () -> ()
      %mul3A_153 = arith.constant 640 : i32
      %mul3A_154 = arith.muli %arg1, %mul3A_153 : i32
      %add3A_155 = arith.constant 256 : i32
      %add3A_156 = arith.addi %mul3A_154, %add3A_155 : i32
      "tpu.region"() ({
        %run_scoped3A = tpu.sem_alloc : memref<!tpu.dma_semaphore, #tpu.memory_space<semaphore_mem>>
        %dma_start3A = arith.constant 0 : i32
        %dma_start3A_310 = arith.constant 0 : i32
        %dma_start3A_311 = tpu.memref_slice %arg19[%dma_start3A, %dma_start3A_310] : memref<128x64xf32, #tpu.memory_space<vmem>> -> memref<128x64xf32, #tpu.memory_space<vmem>>
        %dma_start3A_312 = arith.constant 0 : i32
        %dma_start3A_313 = tpu.memref_slice %arg22[%add3A_156, %dma_start3A_312] : memref<10240x64xf32, #tpu.memory_space<vmem_shared>> -> memref<128x64xf32, #tpu.memory_space<vmem_shared>>
        %dma_start3A_314 = arith.constant 0 : i32
        %dma_start3A_315 = tpu.memref_slice %arg22[%add3A_156, %dma_start3A_314] : memref<10240x64xf32, #tpu.memory_space<vmem_shared>> -> memref<128x64xf32, #tpu.memory_space<vmem_shared>>
        %dma_start3A_316 = arith.constant 0 : i32
        %dma_start3A_317 = arith.constant 0 : i32
        %dma_start3A_318 = tpu.memref_slice %arg19[%dma_start3A_316, %dma_start3A_317] : memref<128x64xf32, #tpu.memory_space<vmem>> -> memref<128x64xf32, #tpu.memory_space<vmem>>
        tpu.enqueue_dma source(%dma_start3A_318 : memref<128x64xf32, #tpu.memory_space<vmem>>) target(%dma_start3A_315 : memref<128x64xf32, #tpu.memory_space<vmem_shared>>) target_semaphore(%run_scoped3A : memref<!tpu.dma_semaphore, #tpu.memory_space<semaphore_mem>>)
        %dma_wait3A_319 = arith.constant 0 : i32
        %dma_wait3A_320 = arith.constant 0 : i32
        %dma_wait3A_321 = tpu.memref_slice %arg19[%dma_wait3A_319, %dma_wait3A_320] : memref<128x64xf32, #tpu.memory_space<vmem>> -> memref<128x64xf32, #tpu.memory_space<vmem>>
        %dma_wait3A_322 = arith.constant 0 : i32
        %dma_wait3A_323 = tpu.memref_slice %arg22[%add3A_156, %dma_wait3A_322] : memref<10240x64xf32, #tpu.memory_space<vmem_shared>> -> memref<128x64xf32, #tpu.memory_space<vmem_shared>>
        %dma_wait3A_324 = arith.constant 0 : i32
        %dma_wait3A_325 = tpu.memref_slice %arg22[%add3A_156, %dma_wait3A_324] : memref<10240x64xf32, #tpu.memory_space<vmem_shared>> -> memref<128x64xf32, #tpu.memory_space<vmem_shared>>
        %dma_wait3A_326 = arith.constant 0 : i32
        %dma_wait3A_327 = arith.constant 0 : i32
        %dma_wait3A_328 = tpu.memref_slice %arg19[%dma_wait3A_326, %dma_wait3A_327] : memref<128x64xf32, #tpu.memory_space<vmem>> -> memref<128x64xf32, #tpu.memory_space<vmem>>
        tpu.wait_dma2 semaphore(%run_scoped3A : memref<!tpu.dma_semaphore, #tpu.memory_space<semaphore_mem>>) src(%dma_wait3A_328 : memref<128x64xf32, #tpu.memory_space<vmem>>) dst(%dma_wait3A_325 : memref<128x64xf32, #tpu.memory_space<vmem_shared>>)
        tpu.yield
      }) : () -> ()
      %mul3A_157 = arith.constant 640 : i32
      %mul3A_158 = arith.muli %arg1, %mul3A_157 : i32
      %add3A_159 = arith.constant 384 : i32
      %add3A_160 = arith.addi %mul3A_158, %add3A_159 : i32
      "tpu.region"() ({
        %run_scoped3A = tpu.sem_alloc : memref<!tpu.dma_semaphore, #tpu.memory_space<semaphore_mem>>
        %dma_start3A = arith.constant 0 : i32
        %dma_start3A_310 = arith.constant 0 : i32
        %dma_start3A_311 = tpu.memref_slice %arg19[%dma_start3A, %dma_start3A_310] : memref<128x64xf32, #tpu.memory_space<vmem>> -> memref<128x64xf32, #tpu.memory_space<vmem>>
        %dma_start3A_312 = arith.constant 0 : i32
        %dma_start3A_313 = tpu.memref_slice %arg22[%add3A_160, %dma_start3A_312] : memref<10240x64xf32, #tpu.memory_space<vmem_shared>> -> memref<128x64xf32, #tpu.memory_space<vmem_shared>>
        %dma_start3A_314 = arith.constant 0 : i32
        %dma_start3A_315 = tpu.memref_slice %arg22[%add3A_160, %dma_start3A_314] : memref<10240x64xf32, #tpu.memory_space<vmem_shared>> -> memref<128x64xf32, #tpu.memory_space<vmem_shared>>
        %dma_start3A_316 = arith.constant 0 : i32
        %dma_start3A_317 = arith.constant 0 : i32
        %dma_start3A_318 = tpu.memref_slice %arg19[%dma_start3A_316, %dma_start3A_317] : memref<128x64xf32, #tpu.memory_space<vmem>> -> memref<128x64xf32, #tpu.memory_space<vmem>>
        tpu.enqueue_dma source(%dma_start3A_318 : memref<128x64xf32, #tpu.memory_space<vmem>>) target(%dma_start3A_315 : memref<128x64xf32, #tpu.memory_space<vmem_shared>>) target_semaphore(%run_scoped3A : memref<!tpu.dma_semaphore, #tpu.memory_space<semaphore_mem>>)
        %dma_wait3A_319 = arith.constant 0 : i32
        %dma_wait3A_320 = arith.constant 0 : i32
        %dma_wait3A_321 = tpu.memref_slice %arg19[%dma_wait3A_319, %dma_wait3A_320] : memref<128x64xf32, #tpu.memory_space<vmem>> -> memref<128x64xf32, #tpu.memory_space<vmem>>
        %dma_wait3A_322 = arith.constant 0 : i32
        %dma_wait3A_323 = tpu.memref_slice %arg22[%add3A_160, %dma_wait3A_322] : memref<10240x64xf32, #tpu.memory_space<vmem_shared>> -> memref<128x64xf32, #tpu.memory_space<vmem_shared>>
        %dma_wait3A_324 = arith.constant 0 : i32
        %dma_wait3A_325 = tpu.memref_slice %arg22[%add3A_160, %dma_wait3A_324] : memref<10240x64xf32, #tpu.memory_space<vmem_shared>> -> memref<128x64xf32, #tpu.memory_space<vmem_shared>>
        %dma_wait3A_326 = arith.constant 0 : i32
        %dma_wait3A_327 = arith.constant 0 : i32
        %dma_wait3A_328 = tpu.memref_slice %arg19[%dma_wait3A_326, %dma_wait3A_327] : memref<128x64xf32, #tpu.memory_space<vmem>> -> memref<128x64xf32, #tpu.memory_space<vmem>>
        tpu.wait_dma2 semaphore(%run_scoped3A : memref<!tpu.dma_semaphore, #tpu.memory_space<semaphore_mem>>) src(%dma_wait3A_328 : memref<128x64xf32, #tpu.memory_space<vmem>>) dst(%dma_wait3A_325 : memref<128x64xf32, #tpu.memory_space<vmem_shared>>)
        tpu.yield
      }) : () -> ()
      %mul3A_161 = arith.constant 640 : i32
      %mul3A_162 = arith.muli %arg1, %mul3A_161 : i32
      %add3A_163 = arith.constant 512 : i32
      %add3A_164 = arith.addi %mul3A_162, %add3A_163 : i32
      "tpu.region"() ({
        %run_scoped3A = tpu.sem_alloc : memref<!tpu.dma_semaphore, #tpu.memory_space<semaphore_mem>>
        %dma_start3A = arith.constant 0 : i32
        %dma_start3A_310 = arith.constant 0 : i32
        %dma_start3A_311 = tpu.memref_slice %arg19[%dma_start3A, %dma_start3A_310] : memref<128x64xf32, #tpu.memory_space<vmem>> -> memref<128x64xf32, #tpu.memory_space<vmem>>
        %dma_start3A_312 = arith.constant 0 : i32
        %dma_start3A_313 = tpu.memref_slice %arg22[%add3A_164, %dma_start3A_312] : memref<10240x64xf32, #tpu.memory_space<vmem_shared>> -> memref<128x64xf32, #tpu.memory_space<vmem_shared>>
        %dma_start3A_314 = arith.constant 0 : i32
        %dma_start3A_315 = tpu.memref_slice %arg22[%add3A_164, %dma_start3A_314] : memref<10240x64xf32, #tpu.memory_space<vmem_shared>> -> memref<128x64xf32, #tpu.memory_space<vmem_shared>>
        %dma_start3A_316 = arith.constant 0 : i32
        %dma_start3A_317 = arith.constant 0 : i32
        %dma_start3A_318 = tpu.memref_slice %arg19[%dma_start3A_316, %dma_start3A_317] : memref<128x64xf32, #tpu.memory_space<vmem>> -> memref<128x64xf32, #tpu.memory_space<vmem>>
        tpu.enqueue_dma source(%dma_start3A_318 : memref<128x64xf32, #tpu.memory_space<vmem>>) target(%dma_start3A_315 : memref<128x64xf32, #tpu.memory_space<vmem_shared>>) target_semaphore(%run_scoped3A : memref<!tpu.dma_semaphore, #tpu.memory_space<semaphore_mem>>)
        %dma_wait3A_319 = arith.constant 0 : i32
        %dma_wait3A_320 = arith.constant 0 : i32
        %dma_wait3A_321 = tpu.memref_slice %arg19[%dma_wait3A_319, %dma_wait3A_320] : memref<128x64xf32, #tpu.memory_space<vmem>> -> memref<128x64xf32, #tpu.memory_space<vmem>>
        %dma_wait3A_322 = arith.constant 0 : i32
        %dma_wait3A_323 = tpu.memref_slice %arg22[%add3A_164, %dma_wait3A_322] : memref<10240x64xf32, #tpu.memory_space<vmem_shared>> -> memref<128x64xf32, #tpu.memory_space<vmem_shared>>
        %dma_wait3A_324 = arith.constant 0 : i32
        %dma_wait3A_325 = tpu.memref_slice %arg22[%add3A_164, %dma_wait3A_324] : memref<10240x64xf32, #tpu.memory_space<vmem_shared>> -> memref<128x64xf32, #tpu.memory_space<vmem_shared>>
        %dma_wait3A_326 = arith.constant 0 : i32
        %dma_wait3A_327 = arith.constant 0 : i32
        %dma_wait3A_328 = tpu.memref_slice %arg19[%dma_wait3A_326, %dma_wait3A_327] : memref<128x64xf32, #tpu.memory_space<vmem>> -> memref<128x64xf32, #tpu.memory_space<vmem>>
        tpu.wait_dma2 semaphore(%run_scoped3A : memref<!tpu.dma_semaphore, #tpu.memory_space<semaphore_mem>>) src(%dma_wait3A_328 : memref<128x64xf32, #tpu.memory_space<vmem>>) dst(%dma_wait3A_325 : memref<128x64xf32, #tpu.memory_space<vmem_shared>>)
        tpu.yield
      }) : () -> ()
      %barrier3A_165 = arith.constant 0 : index
      tpu.barrier barrier_id(%barrier3A_165)
      %iota3A_166 = tpu.iota {dimensions = array<i32: 0>} : vector<16xi32>
      %mul3A_167 = arith.constant 2 : i32
      %mul3A_168 = vector.broadcast %mul3A_167 : i32 to vector<16xi32>
      %mul3A_169 = arith.muli %mul3A_168, %iota3A_166 : vector<16xi32>
      %add3A_170 = arith.constant 1 : i32
      %add3A_171 = vector.broadcast %add3A_170 : i32 to vector<16xi32>
      %add3A_172 = arith.addi %mul3A_169, %add3A_171 : vector<16xi32>
      %scan3A_173 = arith.constant 0 : i32
      %scan3A_174 = arith.constant 0 : i32
      %scan3A_175 = arith.constant 9 : i32
      %scan3A_176 = arith.addi %scan3A_174, %scan3A_175 : i32
      %scan3A_177 = arith.constant 1 : i32
      %scan3A_178 = scf.for %scan3A_310 = %scan3A_174 to %scan3A_176 step %scan3A_177 iter_args(%scan3A_311 = %scan3A_173) -> (i32)  : i32 {
        %rem3A = arith.constant 12 : i32
        %rem3A_312 = arith.remsi %scan3A_310, %rem3A : i32
        %mul3A_313 = arith.constant 32 : i32
        %mul3A_314 = arith.muli %rem3A_312, %mul3A_313 : i32
        %dma_start3A = arith.constant 0 : i32
        %dma_start3A_315 = tpu.memref_slice %arg18[%mul3A_314, %dma_start3A] : memref<384x64xbf16, #tpu.memory_space<vmem>> -> memref<32x64xbf16, #tpu.memory_space<vmem>>
        %dma_start3A_316 = arith.constant 0 : i32
        %dma_start3A_317 = tpu.memref_slice %arg14[%scan3A_310, %dma_start3A_316] : memref<320x32xi32, #tpu.memory_space<vmem>> -> memref<1x32xi32, #tpu.memory_space<vmem>>
        %dma_start3A_318 = tpu.memref_squeeze %dma_start3A_317 : memref<1x32xi32, #tpu.memory_space<vmem>> -> memref<32xi32, #tpu.memory_space<vmem>>
        %dma_start3A_319 = arith.constant 0 : i32
        %dma_start3A_320 = arith.constant 0 : i32
        %dma_start3A_321 = tpu.memref_slice %arg8[%dma_start3A_319, %dma_start3A_320] : memref<10000x64xbf16, #tpu.memory_space<hbm>> -> memref<10000x64xbf16, #tpu.memory_space<hbm>>
        tpu.enqueue_indirect_dma source(%dma_start3A_321 : memref<10000x64xbf16, #tpu.memory_space<hbm>>) target(%dma_start3A_315 : memref<32x64xbf16, #tpu.memory_space<vmem>>) offsets(%dma_start3A_318 : memref<32xi32, #tpu.memory_space<vmem>>) semaphore(%arg25 : memref<!tpu.dma_semaphore, #tpu.memory_space<semaphore_mem>>)
        %scan3A_322 = arith.constant 0 : i32
        scf.yield %scan3A_322 : i32
      }
      %scan3A_179 = arith.constant 9 : i32
      %scan3A_180 = arith.constant 0 : i32
      %scan3A_181 = arith.constant 0 : i32
      %scan3A_182 = arith.constant 320 : i32
      %scan3A_183 = arith.addi %scan3A_181, %scan3A_182 : i32
      %scan3A_184 = arith.constant 1 : i32
      %scan3A_185 = scf.for %scan3A_310 = %scan3A_181 to %scan3A_183 step %scan3A_184 iter_args(%scan3A_311 = %scan3A_180) -> (i32)  : i32 {
        %ge3A = arith.constant 2 : i32
        %ge3A_312 = arith.cmpi sge, %scan3A_310, %ge3A : i32
        %convert_element_type3A_313 = arith.extui %ge3A_312 : i1 to i32
        %cond3A_314 = arith.constant 0 : i32
        %cond3A_315 = arith.cmpi ne, %convert_element_type3A_313, %cond3A_314 : i32
        scf.if %cond3A_315 {
          %dma_wait3A_355 = arith.constant 0 : i32
          %dma_wait3A_356 = arith.constant 0 : i32
          %dma_wait3A_357 = arith.constant 0 : i32
          %dma_wait3A_358 = tpu.memref_slice %arg19[%dma_wait3A_356, %dma_wait3A_357] : memref<128x64xf32, #tpu.memory_space<vmem>> -> memref<32x64xf32, #tpu.memory_space<vmem>>
          %dma_wait3A_359 = arith.constant 0 : i32
          %dma_wait3A_360 = tpu.memref_slice %arg13[%dma_wait3A_355, %dma_wait3A_359] : memref<320x32xi32, #tpu.memory_space<vmem>> -> memref<1x32xi32, #tpu.memory_space<vmem>>
          %dma_wait3A_361 = tpu.memref_squeeze %dma_wait3A_360 : memref<1x32xi32, #tpu.memory_space<vmem>> -> memref<32xi32, #tpu.memory_space<vmem>>
          %dma_wait3A_362 = arith.constant 0 : i32
          %dma_wait3A_363 = arith.constant 0 : i32
          %dma_wait3A_364 = tpu.memref_slice %arg22[%dma_wait3A_362, %dma_wait3A_363] : memref<10240x64xf32, #tpu.memory_space<vmem_shared>> -> memref<10240x64xf32, #tpu.memory_space<vmem_shared>>
          tpu.wait_indirect_dma semaphore(%arg26 : memref<!tpu.dma_semaphore, #tpu.memory_space<semaphore_mem>>) src(%dma_wait3A_358 : memref<32x64xf32, #tpu.memory_space<vmem>>) dst(%dma_wait3A_364 : memref<10240x64xf32, #tpu.memory_space<vmem_shared>>)
        } else {
        }
        %add3A_316 = arith.constant 9 : i32
        %add3A_317 = arith.addi %scan3A_310, %add3A_316 : i32
        %lt3A_318 = arith.constant 320 : i32
        %lt3A_319 = arith.cmpi slt, %add3A_317, %lt3A_318 : i32
        %convert_element_type3A_320 = arith.extui %lt3A_319 : i1 to i32
        %cond3A_321 = arith.constant 0 : i32
        %cond3A_322 = arith.cmpi ne, %convert_element_type3A_320, %cond3A_321 : i32
        scf.if %cond3A_322 {
          %add3A_355 = arith.constant 9 : i32
          %add3A_356 = arith.addi %scan3A_310, %add3A_355 : i32
          %rem3A_357 = arith.constant 12 : i32
          %rem3A_358 = arith.remsi %add3A_356, %rem3A_357 : i32
          %mul3A_359 = arith.constant 32 : i32
          %mul3A_360 = arith.muli %rem3A_358, %mul3A_359 : i32
          %dma_start3A_361 = arith.constant 0 : i32
          %dma_start3A_362 = tpu.memref_slice %arg18[%mul3A_360, %dma_start3A_361] : memref<384x64xbf16, #tpu.memory_space<vmem>> -> memref<32x64xbf16, #tpu.memory_space<vmem>>
          %dma_start3A_363 = arith.constant 0 : i32
          %dma_start3A_364 = tpu.memref_slice %arg14[%add3A_356, %dma_start3A_363] : memref<320x32xi32, #tpu.memory_space<vmem>> -> memref<1x32xi32, #tpu.memory_space<vmem>>
          %dma_start3A_365 = tpu.memref_squeeze %dma_start3A_364 : memref<1x32xi32, #tpu.memory_space<vmem>> -> memref<32xi32, #tpu.memory_space<vmem>>
          %dma_start3A_366 = arith.constant 0 : i32
          %dma_start3A_367 = arith.constant 0 : i32
          %dma_start3A_368 = tpu.memref_slice %arg8[%dma_start3A_366, %dma_start3A_367] : memref<10000x64xbf16, #tpu.memory_space<hbm>> -> memref<10000x64xbf16, #tpu.memory_space<hbm>>
          tpu.enqueue_indirect_dma source(%dma_start3A_368 : memref<10000x64xbf16, #tpu.memory_space<hbm>>) target(%dma_start3A_362 : memref<32x64xbf16, #tpu.memory_space<vmem>>) offsets(%dma_start3A_365 : memref<32xi32, #tpu.memory_space<vmem>>) semaphore(%arg25 : memref<!tpu.dma_semaphore, #tpu.memory_space<semaphore_mem>>)
        } else {
        }
        %dma_wait3A_323 = arith.constant 0 : i32
        %dma_wait3A_324 = arith.constant 0 : i32
        %dma_wait3A_325 = arith.constant 0 : i32
        %dma_wait3A_326 = tpu.memref_slice %arg18[%dma_wait3A_324, %dma_wait3A_325] : memref<384x64xbf16, #tpu.memory_space<vmem>> -> memref<32x64xbf16, #tpu.memory_space<vmem>>
        %dma_wait3A_327 = arith.constant 0 : i32
        %dma_wait3A_328 = tpu.memref_slice %arg14[%dma_wait3A_323, %dma_wait3A_327] : memref<320x32xi32, #tpu.memory_space<vmem>> -> memref<1x32xi32, #tpu.memory_space<vmem>>
        %dma_wait3A_329 = tpu.memref_squeeze %dma_wait3A_328 : memref<1x32xi32, #tpu.memory_space<vmem>> -> memref<32xi32, #tpu.memory_space<vmem>>
        %dma_wait3A_330 = arith.constant 0 : i32
        %dma_wait3A_331 = arith.constant 0 : i32
        %dma_wait3A_332 = tpu.memref_slice %arg8[%dma_wait3A_330, %dma_wait3A_331] : memref<10000x64xbf16, #tpu.memory_space<hbm>> -> memref<10000x64xbf16, #tpu.memory_space<hbm>>
        tpu.wait_indirect_dma semaphore(%arg25 : memref<!tpu.dma_semaphore, #tpu.memory_space<semaphore_mem>>) src(%dma_wait3A_332 : memref<10000x64xbf16, #tpu.memory_space<hbm>>) dst(%dma_wait3A_326 : memref<32x64xbf16, #tpu.memory_space<vmem>>)
        %rem3A = arith.constant 12 : i32
        %rem3A_333 = arith.remsi %scan3A_310, %rem3A : i32
        %mul3A_334 = arith.constant 32 : i32
        %mul3A_335 = arith.muli %rem3A_333, %mul3A_334 : i32
        %rem3A_336 = arith.constant 4 : i32
        %rem3A_337 = arith.remsi %scan3A_310, %rem3A_336 : i32
        %mul3A_338 = arith.constant 32 : i32
        %mul3A_339 = arith.muli %rem3A_337, %mul3A_338 : i32
        %parallel_loop3A_340 = arith.constant 0 : i32
        %parallel_loop3A_341 = arith.constant 32 : i32
        %parallel_loop3A_342 = arith.constant 1 : i32
        scf.for %parallel_loop3A_355 = %parallel_loop3A_340 to %parallel_loop3A_341 step %parallel_loop3A_342  : i32 {
          %parallel_loop3A_356 = arith.constant 32 : i32
          %parallel_loop3A_357 = arith.muli %scan3A_310, %parallel_loop3A_356 : i32
          %parallel_loop3A_358 = arith.addi %parallel_loop3A_357, %parallel_loop3A_355 : i32
          %parallel_loop3A_359 = arith.constant 7 : i32
          %parallel_loop3A_360 = arith.shrui %parallel_loop3A_358, %parallel_loop3A_359 : i32
          %parallel_loop3A_361 = vector.broadcast %parallel_loop3A_360 : i32 to vector<16xi32>
          %parallel_loop3A_362 = arith.constant 127 : i32
          %parallel_loop3A_363 = arith.andi %parallel_loop3A_358, %parallel_loop3A_362 : i32
          %parallel_loop3A_364 = vector.broadcast %parallel_loop3A_363 : i32 to vector<16xi32>
          %parallel_loop3A_365 = tpu.vector_load_idx %arg15[%parallel_loop3A_361, %parallel_loop3A_364] : memref<80x128xf32, #tpu.memory_space<vmem>>[vector<16xi32>, vector<16xi32>], vector<16xf32>,
          %parallel_loop3A_366 = arith.addi %mul3A_339, %parallel_loop3A_355 : i32
          %parallel_loop3A_367 = vector.broadcast %parallel_loop3A_366 : i32 to vector<16xi32>
          %parallel_loop3A_368 = arith.addi %mul3A_335, %parallel_loop3A_355 : i32
          %parallel_loop3A_369 = arith.index_cast %parallel_loop3A_368 : i32 to index
          %parallel_loop3A_370 = arith.constant 0 : index
          %parallel_loop3A_371 = tpu.vector_load %arg18[%parallel_loop3A_369, %parallel_loop3A_370] {strides = array<i32>} : memref<384x64xbf16, #tpu.memory_space<vmem>>, vector<32xbf16>,
          %parallel_loop3A_372 = tpu.unpack_subelements %parallel_loop3A_371, 0 {pack_format = #tpu.pack_format<interleaved>} : vector<32xbf16> -> vector<16xf32>
          %parallel_loop3A_373 = tpu.unpack_subelements %parallel_loop3A_371, 1 {pack_format = #tpu.pack_format<interleaved>} : vector<32xbf16> -> vector<16xf32>
          %parallel_loop3A_374 = arith.constant 0 : i32
          %parallel_loop3A_375 = vector.broadcast %parallel_loop3A_374 : i32 to vector<16xi32>
          %parallel_loop3A_376 = arith.addi %mul3A_169, %parallel_loop3A_375 : vector<16xi32>
          %parallel_loop3A_377 = arith.mulf %parallel_loop3A_372, %parallel_loop3A_365 : vector<16xf32>
          tpu.vector_store_idx %arg19[%parallel_loop3A_367, %parallel_loop3A_376], %parallel_loop3A_377 : memref<128x64xf32, #tpu.memory_space<vmem>>[vector<16xi32>, vector<16xi32>], vector<16xf32>,
          %parallel_loop3A_378 = arith.constant 0 : i32
          %parallel_loop3A_379 = vector.broadcast %parallel_loop3A_378 : i32 to vector<16xi32>
          %parallel_loop3A_380 = arith.addi %add3A_172, %parallel_loop3A_379 : vector<16xi32>
          %parallel_loop3A_381 = arith.mulf %parallel_loop3A_373, %parallel_loop3A_365 : vector<16xf32>
          tpu.vector_store_idx %arg19[%parallel_loop3A_367, %parallel_loop3A_380], %parallel_loop3A_381 : memref<128x64xf32, #tpu.memory_space<vmem>>[vector<16xi32>, vector<16xi32>], vector<16xf32>,
          %parallel_loop3A_382 = arith.addi %mul3A_335, %parallel_loop3A_355 : i32
          %parallel_loop3A_383 = arith.index_cast %parallel_loop3A_382 : i32 to index
          %parallel_loop3A_384 = arith.constant 32 : index
          %parallel_loop3A_385 = tpu.vector_load %arg18[%parallel_loop3A_383, %parallel_loop3A_384] {strides = array<i32>} : memref<384x64xbf16, #tpu.memory_space<vmem>>, vector<32xbf16>,
          %parallel_loop3A_386 = tpu.unpack_subelements %parallel_loop3A_385, 0 {pack_format = #tpu.pack_format<interleaved>} : vector<32xbf16> -> vector<16xf32>
          %parallel_loop3A_387 = tpu.unpack_subelements %parallel_loop3A_385, 1 {pack_format = #tpu.pack_format<interleaved>} : vector<32xbf16> -> vector<16xf32>
          %parallel_loop3A_388 = arith.constant 32 : i32
          %parallel_loop3A_389 = vector.broadcast %parallel_loop3A_388 : i32 to vector<16xi32>
          %parallel_loop3A_390 = arith.addi %mul3A_169, %parallel_loop3A_389 : vector<16xi32>
          %parallel_loop3A_391 = arith.mulf %parallel_loop3A_386, %parallel_loop3A_365 : vector<16xf32>
          tpu.vector_store_idx %arg19[%parallel_loop3A_367, %parallel_loop3A_390], %parallel_loop3A_391 : memref<128x64xf32, #tpu.memory_space<vmem>>[vector<16xi32>, vector<16xi32>], vector<16xf32>,
          %parallel_loop3A_392 = arith.constant 32 : i32
          %parallel_loop3A_393 = vector.broadcast %parallel_loop3A_392 : i32 to vector<16xi32>
          %parallel_loop3A_394 = arith.addi %add3A_172, %parallel_loop3A_393 : vector<16xi32>
          %parallel_loop3A_395 = arith.mulf %parallel_loop3A_387, %parallel_loop3A_365 : vector<16xf32>
          tpu.vector_store_idx %arg19[%parallel_loop3A_367, %parallel_loop3A_394], %parallel_loop3A_395 : memref<128x64xf32, #tpu.memory_space<vmem>>[vector<16xi32>, vector<16xi32>], vector<16xf32>,
        } {sc.loop_unroll_factor = 4 : i64, sc.parallel_access}
        %rem3A_343 = arith.constant 4 : i32
        %rem3A_344 = arith.remsi %scan3A_310, %rem3A_343 : i32
        %mul3A_345 = arith.constant 32 : i32
        %mul3A_346 = arith.muli %rem3A_344, %mul3A_345 : i32
        %dma_start3A = arith.constant 0 : i32
        %dma_start3A_347 = tpu.memref_slice %arg19[%mul3A_346, %dma_start3A] : memref<128x64xf32, #tpu.memory_space<vmem>> -> memref<32x64xf32, #tpu.memory_space<vmem>>
        %dma_start3A_348 = arith.constant 0 : i32
        %dma_start3A_349 = tpu.memref_slice %arg13[%scan3A_310, %dma_start3A_348] : memref<320x32xi32, #tpu.memory_space<vmem>> -> memref<1x32xi32, #tpu.memory_space<vmem>>
        %dma_start3A_350 = tpu.memref_squeeze %dma_start3A_349 : memref<1x32xi32, #tpu.memory_space<vmem>> -> memref<32xi32, #tpu.memory_space<vmem>>
        %dma_start3A_351 = arith.constant 0 : i32
        %dma_start3A_352 = arith.constant 0 : i32
        %dma_start3A_353 = tpu.memref_slice %arg22[%dma_start3A_351, %dma_start3A_352] : memref<10240x64xf32, #tpu.memory_space<vmem_shared>> -> memref<10240x64xf32, #tpu.memory_space<vmem_shared>>
        tpu.enqueue_indirect_dma source(%dma_start3A_347 : memref<32x64xf32, #tpu.memory_space<vmem>>) target(%dma_start3A_353 : memref<10240x64xf32, #tpu.memory_space<vmem_shared>>) offsets(%dma_start3A_350 : memref<32xi32, #tpu.memory_space<vmem>>) semaphore(%arg26 : memref<!tpu.dma_semaphore, #tpu.memory_space<semaphore_mem>>) {add = true}
        %scan3A_354 = arith.constant 0 : i32
        scf.yield %scan3A_354 : i32
      }
      %scan3A_186 = arith.constant 320 : i32
      %dma_wait3A = arith.constant 0 : i32
      %dma_wait3A_187 = arith.constant 0 : i32
      %dma_wait3A_188 = arith.constant 0 : i32
      %dma_wait3A_189 = tpu.memref_slice %arg19[%dma_wait3A_187, %dma_wait3A_188] : memref<128x64xf32, #tpu.memory_space<vmem>> -> memref<32x64xf32, #tpu.memory_space<vmem>>
      %dma_wait3A_190 = arith.constant 0 : i32
      %dma_wait3A_191 = tpu.memref_slice %arg13[%dma_wait3A, %dma_wait3A_190] : memref<320x32xi32, #tpu.memory_space<vmem>> -> memref<1x32xi32, #tpu.memory_space<vmem>>
      %dma_wait3A_192 = tpu.memref_squeeze %dma_wait3A_191 : memref<1x32xi32, #tpu.memory_space<vmem>> -> memref<32xi32, #tpu.memory_space<vmem>>
      %dma_wait3A_193 = arith.constant 0 : i32
      %dma_wait3A_194 = arith.constant 0 : i32
      %dma_wait3A_195 = tpu.memref_slice %arg22[%dma_wait3A_193, %dma_wait3A_194] : memref<10240x64xf32, #tpu.memory_space<vmem_shared>> -> memref<10240x64xf32, #tpu.memory_space<vmem_shared>>
      tpu.wait_indirect_dma semaphore(%arg26 : memref<!tpu.dma_semaphore, #tpu.memory_space<semaphore_mem>>) src(%dma_wait3A_189 : memref<32x64xf32, #tpu.memory_space<vmem>>) dst(%dma_wait3A_195 : memref<10240x64xf32, #tpu.memory_space<vmem_shared>>)
      %dma_wait3A_196 = arith.constant 0 : i32
      %dma_wait3A_197 = arith.constant 0 : i32
      %dma_wait3A_198 = arith.constant 0 : i32
      %dma_wait3A_199 = tpu.memref_slice %arg19[%dma_wait3A_197, %dma_wait3A_198] : memref<128x64xf32, #tpu.memory_space<vmem>> -> memref<32x64xf32, #tpu.memory_space<vmem>>
      %dma_wait3A_200 = arith.constant 0 : i32
      %dma_wait3A_201 = tpu.memref_slice %arg13[%dma_wait3A_196, %dma_wait3A_200] : memref<320x32xi32, #tpu.memory_space<vmem>> -> memref<1x32xi32, #tpu.memory_space<vmem>>
      %dma_wait3A_202 = tpu.memref_squeeze %dma_wait3A_201 : memref<1x32xi32, #tpu.memory_space<vmem>> -> memref<32xi32, #tpu.memory_space<vmem>>
      %dma_wait3A_203 = arith.constant 0 : i32
      %dma_wait3A_204 = arith.constant 0 : i32
      %dma_wait3A_205 = tpu.memref_slice %arg22[%dma_wait3A_203, %dma_wait3A_204] : memref<10240x64xf32, #tpu.memory_space<vmem_shared>> -> memref<10240x64xf32, #tpu.memory_space<vmem_shared>>
      tpu.wait_indirect_dma semaphore(%arg26 : memref<!tpu.dma_semaphore, #tpu.memory_space<semaphore_mem>>) src(%dma_wait3A_199 : memref<32x64xf32, #tpu.memory_space<vmem>>) dst(%dma_wait3A_205 : memref<10240x64xf32, #tpu.memory_space<vmem_shared>>)
      %barrier3A_206 = arith.constant 0 : index
      tpu.barrier barrier_id(%barrier3A_206)
      %mul3A_207 = arith.constant 2 : i32
      %mul3A_208 = arith.muli %mul3A_207, %arg0 : i32
      %add3A_209 = arith.constant 0 : i32
      %add3A_210 = arith.addi %mul3A_208, %add3A_209 : i32
      %mul3A_211 = arith.constant 64 : i32
      %mul3A_212 = arith.muli %add3A_210, %mul3A_211 : i32
      %lt3A = arith.constant 15 : i32
      %lt3A_213 = arith.cmpi slt, %arg1, %lt3A : i32
      %convert_element_type3A_214 = arith.extui %lt3A_213 : i1 to i32
      %cond3A_215 = arith.constant 0 : i32
      %cond3A_216 = arith.cmpi ne, %convert_element_type3A_214, %cond3A_215 : i32
      scf.if %cond3A_216 {
        %mul3A_310 = arith.constant 640 : i32
        %mul3A_311 = arith.muli %arg1, %mul3A_310 : i32
        %mul3A_312 = arith.constant 640 : i32
        %mul3A_313 = arith.muli %arg1, %mul3A_312 : i32
        "tpu.region"() ({
          %run_scoped3A = tpu.sem_alloc : memref<!tpu.dma_semaphore, #tpu.memory_space<semaphore_mem>>
          %dma_start3A = tpu.memref_slice %arg10[%mul3A_313, %mul3A_212] : memref<10000x256xf32, #tpu.memory_space<hbm>> -> memref<640x64xf32, #tpu.memory_space<hbm>>
          %dma_start3A_314 = arith.constant 0 : i32
          %dma_start3A_315 = tpu.memref_slice %arg22[%mul3A_311, %dma_start3A_314] : memref<10240x64xf32, #tpu.memory_space<vmem_shared>> -> memref<640x64xf32, #tpu.memory_space<vmem_shared>>
          tpu.enqueue_dma source(%dma_start3A_315 : memref<640x64xf32, #tpu.memory_space<vmem_shared>>) target(%dma_start3A : memref<640x64xf32, #tpu.memory_space<hbm>>) target_semaphore(%run_scoped3A : memref<!tpu.dma_semaphore, #tpu.memory_space<semaphore_mem>>)
          %dma_wait3A_316 = tpu.memref_slice %arg10[%mul3A_313, %mul3A_212] : memref<10000x256xf32, #tpu.memory_space<hbm>> -> memref<640x64xf32, #tpu.memory_space<hbm>>
          %dma_wait3A_317 = arith.constant 0 : i32
          %dma_wait3A_318 = tpu.memref_slice %arg22[%mul3A_311, %dma_wait3A_317] : memref<10240x64xf32, #tpu.memory_space<vmem_shared>> -> memref<640x64xf32, #tpu.memory_space<vmem_shared>>
          tpu.wait_dma2 semaphore(%run_scoped3A : memref<!tpu.dma_semaphore, #tpu.memory_space<semaphore_mem>>) src(%dma_wait3A_318 : memref<640x64xf32, #tpu.memory_space<vmem_shared>>) dst(%dma_wait3A_316 : memref<640x64xf32, #tpu.memory_space<hbm>>)
          tpu.yield
        }) : () -> ()
      } else {
      }
      %eq3A_217 = arith.constant 15 : i32
      %eq3A_218 = arith.cmpi eq, %arg1, %eq3A_217 : i32
      %convert_element_type3A_219 = arith.extui %eq3A_218 : i1 to i32
      %cond3A_220 = arith.constant 0 : i32
      %cond3A_221 = arith.cmpi ne, %convert_element_type3A_219, %cond3A_220 : i32
      scf.if %cond3A_221 {
        %mul3A_310 = arith.constant 640 : i32
        %mul3A_311 = arith.muli %arg1, %mul3A_310 : i32
        %mul3A_312 = arith.constant 640 : i32
        %mul3A_313 = arith.muli %arg1, %mul3A_312 : i32
        "tpu.region"() ({
          %run_scoped3A = tpu.sem_alloc : memref<!tpu.dma_semaphore, #tpu.memory_space<semaphore_mem>>
          %dma_start3A = tpu.memref_slice %arg10[%mul3A_313, %mul3A_212] : memref<10000x256xf32, #tpu.memory_space<hbm>> -> memref<400x64xf32, #tpu.memory_space<hbm>>
          %dma_start3A_314 = arith.constant 0 : i32
          %dma_start3A_315 = tpu.memref_slice %arg22[%mul3A_311, %dma_start3A_314] : memref<10240x64xf32, #tpu.memory_space<vmem_shared>> -> memref<400x64xf32, #tpu.memory_space<vmem_shared>>
          tpu.enqueue_dma source(%dma_start3A_315 : memref<400x64xf32, #tpu.memory_space<vmem_shared>>) target(%dma_start3A : memref<400x64xf32, #tpu.memory_space<hbm>>) target_semaphore(%run_scoped3A : memref<!tpu.dma_semaphore, #tpu.memory_space<semaphore_mem>>)
          %dma_wait3A_316 = tpu.memref_slice %arg10[%mul3A_313, %mul3A_212] : memref<10000x256xf32, #tpu.memory_space<hbm>> -> memref<400x64xf32, #tpu.memory_space<hbm>>
          %dma_wait3A_317 = arith.constant 0 : i32
          %dma_wait3A_318 = tpu.memref_slice %arg22[%mul3A_311, %dma_wait3A_317] : memref<10240x64xf32, #tpu.memory_space<vmem_shared>> -> memref<400x64xf32, #tpu.memory_space<vmem_shared>>
          tpu.wait_dma2 semaphore(%run_scoped3A : memref<!tpu.dma_semaphore, #tpu.memory_space<semaphore_mem>>) src(%dma_wait3A_318 : memref<400x64xf32, #tpu.memory_space<vmem_shared>>) dst(%dma_wait3A_316 : memref<400x64xf32, #tpu.memory_space<hbm>>)
          tpu.yield
        }) : () -> ()
      } else {
      }
      %barrier3A_222 = arith.constant 0 : index
      tpu.barrier barrier_id(%barrier3A_222)
      %scan3A_223 = arith.constant 0 : i32
      %scan3A_224 = arith.constant 0 : i32
      %scan3A_225 = arith.constant 128 : i32
      %scan3A_226 = arith.addi %scan3A_224, %scan3A_225 : i32
      %scan3A_227 = arith.constant 1 : i32
      %scan3A_228 = scf.for %scan3A_310 = %scan3A_224 to %scan3A_226 step %scan3A_227 iter_args(%scan3A_311 = %scan3A_223) -> (i32)  : i32 {
        %broadcast_in_dim3A_312 = arith.constant 0.000000e+00 : f32
        %broadcast_in_dim3A_313 = vector.broadcast %broadcast_in_dim3A_312 : f32 to vector<16xf32>
        %swap3A_314 = arith.index_cast %scan3A_310 : i32 to index
        %swap3A_315 = arith.constant 0 : index
        %swap3A_316 = tpu.vector_load %arg19[%swap3A_314, %swap3A_315] {strides = array<i32>} : memref<128x64xf32, #tpu.memory_space<vmem>>, vector<16xf32>,
        tpu.vector_store %arg19[%swap3A_314, %swap3A_315], %broadcast_in_dim3A_313 {strides = array<i32>} : memref<128x64xf32, #tpu.memory_space<vmem>>, vector<16xf32>,
        %broadcast_in_dim3A_317 = arith.constant 0.000000e+00 : f32
        %broadcast_in_dim3A_318 = vector.broadcast %broadcast_in_dim3A_317 : f32 to vector<16xf32>
        %swap3A_319 = arith.index_cast %scan3A_310 : i32 to index
        %swap3A_320 = arith.constant 16 : index
        %swap3A_321 = tpu.vector_load %arg19[%swap3A_319, %swap3A_320] {strides = array<i32>} : memref<128x64xf32, #tpu.memory_space<vmem>>, vector<16xf32>,
        tpu.vector_store %arg19[%swap3A_319, %swap3A_320], %broadcast_in_dim3A_318 {strides = array<i32>} : memref<128x64xf32, #tpu.memory_space<vmem>>, vector<16xf32>,
        %broadcast_in_dim3A_322 = arith.constant 0.000000e+00 : f32
        %broadcast_in_dim3A_323 = vector.broadcast %broadcast_in_dim3A_322 : f32 to vector<16xf32>
        %swap3A_324 = arith.index_cast %scan3A_310 : i32 to index
        %swap3A_325 = arith.constant 32 : index
        %swap3A_326 = tpu.vector_load %arg19[%swap3A_324, %swap3A_325] {strides = array<i32>} : memref<128x64xf32, #tpu.memory_space<vmem>>, vector<16xf32>,
        tpu.vector_store %arg19[%swap3A_324, %swap3A_325], %broadcast_in_dim3A_323 {strides = array<i32>} : memref<128x64xf32, #tpu.memory_space<vmem>>, vector<16xf32>,
        %broadcast_in_dim3A_327 = arith.constant 0.000000e+00 : f32
        %broadcast_in_dim3A_328 = vector.broadcast %broadcast_in_dim3A_327 : f32 to vector<16xf32>
        %swap3A_329 = arith.index_cast %scan3A_310 : i32 to index
        %swap3A_330 = arith.constant 48 : index
        %swap3A_331 = tpu.vector_load %arg19[%swap3A_329, %swap3A_330] {strides = array<i32>} : memref<128x64xf32, #tpu.memory_space<vmem>>, vector<16xf32>,
        tpu.vector_store %arg19[%swap3A_329, %swap3A_330], %broadcast_in_dim3A_328 {strides = array<i32>} : memref<128x64xf32, #tpu.memory_space<vmem>>, vector<16xf32>,
        %scan3A_332 = arith.constant 0 : i32
        scf.yield %scan3A_332 : i32
      }
      %scan3A_229 = arith.constant 128 : i32
      %mul3A_230 = arith.constant 640 : i32
      %mul3A_231 = arith.muli %arg1, %mul3A_230 : i32
      %add3A_232 = arith.constant 0 : i32
      %add3A_233 = arith.addi %mul3A_231, %add3A_232 : i32
      "tpu.region"() ({
        %run_scoped3A = tpu.sem_alloc : memref<!tpu.dma_semaphore, #tpu.memory_space<semaphore_mem>>
        %dma_start3A = arith.constant 0 : i32
        %dma_start3A_310 = arith.constant 0 : i32
        %dma_start3A_311 = tpu.memref_slice %arg19[%dma_start3A, %dma_start3A_310] : memref<128x64xf32, #tpu.memory_space<vmem>> -> memref<128x64xf32, #tpu.memory_space<vmem>>
        %dma_start3A_312 = arith.constant 0 : i32
        %dma_start3A_313 = tpu.memref_slice %arg22[%add3A_233, %dma_start3A_312] : memref<10240x64xf32, #tpu.memory_space<vmem_shared>> -> memref<128x64xf32, #tpu.memory_space<vmem_shared>>
        %dma_start3A_314 = arith.constant 0 : i32
        %dma_start3A_315 = tpu.memref_slice %arg22[%add3A_233, %dma_start3A_314] : memref<10240x64xf32, #tpu.memory_space<vmem_shared>> -> memref<128x64xf32, #tpu.memory_space<vmem_shared>>
        %dma_start3A_316 = arith.constant 0 : i32
        %dma_start3A_317 = arith.constant 0 : i32
        %dma_start3A_318 = tpu.memref_slice %arg19[%dma_start3A_316, %dma_start3A_317] : memref<128x64xf32, #tpu.memory_space<vmem>> -> memref<128x64xf32, #tpu.memory_space<vmem>>
        tpu.enqueue_dma source(%dma_start3A_318 : memref<128x64xf32, #tpu.memory_space<vmem>>) target(%dma_start3A_315 : memref<128x64xf32, #tpu.memory_space<vmem_shared>>) target_semaphore(%run_scoped3A : memref<!tpu.dma_semaphore, #tpu.memory_space<semaphore_mem>>)
        %dma_wait3A_319 = arith.constant 0 : i32
        %dma_wait3A_320 = arith.constant 0 : i32
        %dma_wait3A_321 = tpu.memref_slice %arg19[%dma_wait3A_319, %dma_wait3A_320] : memref<128x64xf32, #tpu.memory_space<vmem>> -> memref<128x64xf32, #tpu.memory_space<vmem>>
        %dma_wait3A_322 = arith.constant 0 : i32
        %dma_wait3A_323 = tpu.memref_slice %arg22[%add3A_233, %dma_wait3A_322] : memref<10240x64xf32, #tpu.memory_space<vmem_shared>> -> memref<128x64xf32, #tpu.memory_space<vmem_shared>>
        %dma_wait3A_324 = arith.constant 0 : i32
        %dma_wait3A_325 = tpu.memref_slice %arg22[%add3A_233, %dma_wait3A_324] : memref<10240x64xf32, #tpu.memory_space<vmem_shared>> -> memref<128x64xf32, #tpu.memory_space<vmem_shared>>
        %dma_wait3A_326 = arith.constant 0 : i32
        %dma_wait3A_327 = arith.constant 0 : i32
        %dma_wait3A_328 = tpu.memref_slice %arg19[%dma_wait3A_326, %dma_wait3A_327] : memref<128x64xf32, #tpu.memory_space<vmem>> -> memref<128x64xf32, #tpu.memory_space<vmem>>
        tpu.wait_dma2 semaphore(%run_scoped3A : memref<!tpu.dma_semaphore, #tpu.memory_space<semaphore_mem>>) src(%dma_wait3A_328 : memref<128x64xf32, #tpu.memory_space<vmem>>) dst(%dma_wait3A_325 : memref<128x64xf32, #tpu.memory_space<vmem_shared>>)
        tpu.yield
      }) : () -> ()
      %mul3A_234 = arith.constant 640 : i32
      %mul3A_235 = arith.muli %arg1, %mul3A_234 : i32
      %add3A_236 = arith.constant 128 : i32
      %add3A_237 = arith.addi %mul3A_235, %add3A_236 : i32
      "tpu.region"() ({
        %run_scoped3A = tpu.sem_alloc : memref<!tpu.dma_semaphore, #tpu.memory_space<semaphore_mem>>
        %dma_start3A = arith.constant 0 : i32
        %dma_start3A_310 = arith.constant 0 : i32
        %dma_start3A_311 = tpu.memref_slice %arg19[%dma_start3A, %dma_start3A_310] : memref<128x64xf32, #tpu.memory_space<vmem>> -> memref<128x64xf32, #tpu.memory_space<vmem>>
        %dma_start3A_312 = arith.constant 0 : i32
        %dma_start3A_313 = tpu.memref_slice %arg22[%add3A_237, %dma_start3A_312] : memref<10240x64xf32, #tpu.memory_space<vmem_shared>> -> memref<128x64xf32, #tpu.memory_space<vmem_shared>>
        %dma_start3A_314 = arith.constant 0 : i32
        %dma_start3A_315 = tpu.memref_slice %arg22[%add3A_237, %dma_start3A_314] : memref<10240x64xf32, #tpu.memory_space<vmem_shared>> -> memref<128x64xf32, #tpu.memory_space<vmem_shared>>
        %dma_start3A_316 = arith.constant 0 : i32
        %dma_start3A_317 = arith.constant 0 : i32
        %dma_start3A_318 = tpu.memref_slice %arg19[%dma_start3A_316, %dma_start3A_317] : memref<128x64xf32, #tpu.memory_space<vmem>> -> memref<128x64xf32, #tpu.memory_space<vmem>>
        tpu.enqueue_dma source(%dma_start3A_318 : memref<128x64xf32, #tpu.memory_space<vmem>>) target(%dma_start3A_315 : memref<128x64xf32, #tpu.memory_space<vmem_shared>>) target_semaphore(%run_scoped3A : memref<!tpu.dma_semaphore, #tpu.memory_space<semaphore_mem>>)
        %dma_wait3A_319 = arith.constant 0 : i32
        %dma_wait3A_320 = arith.constant 0 : i32
        %dma_wait3A_321 = tpu.memref_slice %arg19[%dma_wait3A_319, %dma_wait3A_320] : memref<128x64xf32, #tpu.memory_space<vmem>> -> memref<128x64xf32, #tpu.memory_space<vmem>>
        %dma_wait3A_322 = arith.constant 0 : i32
        %dma_wait3A_323 = tpu.memref_slice %arg22[%add3A_237, %dma_wait3A_322] : memref<10240x64xf32, #tpu.memory_space<vmem_shared>> -> memref<128x64xf32, #tpu.memory_space<vmem_shared>>
        %dma_wait3A_324 = arith.constant 0 : i32
        %dma_wait3A_325 = tpu.memref_slice %arg22[%add3A_237, %dma_wait3A_324] : memref<10240x64xf32, #tpu.memory_space<vmem_shared>> -> memref<128x64xf32, #tpu.memory_space<vmem_shared>>
        %dma_wait3A_326 = arith.constant 0 : i32
        %dma_wait3A_327 = arith.constant 0 : i32
        %dma_wait3A_328 = tpu.memref_slice %arg19[%dma_wait3A_326, %dma_wait3A_327] : memref<128x64xf32, #tpu.memory_space<vmem>> -> memref<128x64xf32, #tpu.memory_space<vmem>>
        tpu.wait_dma2 semaphore(%run_scoped3A : memref<!tpu.dma_semaphore, #tpu.memory_space<semaphore_mem>>) src(%dma_wait3A_328 : memref<128x64xf32, #tpu.memory_space<vmem>>) dst(%dma_wait3A_325 : memref<128x64xf32, #tpu.memory_space<vmem_shared>>)
        tpu.yield
      }) : () -> ()
      %mul3A_238 = arith.constant 640 : i32
      %mul3A_239 = arith.muli %arg1, %mul3A_238 : i32
      %add3A_240 = arith.constant 256 : i32
      %add3A_241 = arith.addi %mul3A_239, %add3A_240 : i32
      "tpu.region"() ({
        %run_scoped3A = tpu.sem_alloc : memref<!tpu.dma_semaphore, #tpu.memory_space<semaphore_mem>>
        %dma_start3A = arith.constant 0 : i32
        %dma_start3A_310 = arith.constant 0 : i32
        %dma_start3A_311 = tpu.memref_slice %arg19[%dma_start3A, %dma_start3A_310] : memref<128x64xf32, #tpu.memory_space<vmem>> -> memref<128x64xf32, #tpu.memory_space<vmem>>
        %dma_start3A_312 = arith.constant 0 : i32
        %dma_start3A_313 = tpu.memref_slice %arg22[%add3A_241, %dma_start3A_312] : memref<10240x64xf32, #tpu.memory_space<vmem_shared>> -> memref<128x64xf32, #tpu.memory_space<vmem_shared>>
        %dma_start3A_314 = arith.constant 0 : i32
        %dma_start3A_315 = tpu.memref_slice %arg22[%add3A_241, %dma_start3A_314] : memref<10240x64xf32, #tpu.memory_space<vmem_shared>> -> memref<128x64xf32, #tpu.memory_space<vmem_shared>>
        %dma_start3A_316 = arith.constant 0 : i32
        %dma_start3A_317 = arith.constant 0 : i32
        %dma_start3A_318 = tpu.memref_slice %arg19[%dma_start3A_316, %dma_start3A_317] : memref<128x64xf32, #tpu.memory_space<vmem>> -> memref<128x64xf32, #tpu.memory_space<vmem>>
        tpu.enqueue_dma source(%dma_start3A_318 : memref<128x64xf32, #tpu.memory_space<vmem>>) target(%dma_start3A_315 : memref<128x64xf32, #tpu.memory_space<vmem_shared>>) target_semaphore(%run_scoped3A : memref<!tpu.dma_semaphore, #tpu.memory_space<semaphore_mem>>)
        %dma_wait3A_319 = arith.constant 0 : i32
        %dma_wait3A_320 = arith.constant 0 : i32
        %dma_wait3A_321 = tpu.memref_slice %arg19[%dma_wait3A_319, %dma_wait3A_320] : memref<128x64xf32, #tpu.memory_space<vmem>> -> memref<128x64xf32, #tpu.memory_space<vmem>>
        %dma_wait3A_322 = arith.constant 0 : i32
        %dma_wait3A_323 = tpu.memref_slice %arg22[%add3A_241, %dma_wait3A_322] : memref<10240x64xf32, #tpu.memory_space<vmem_shared>> -> memref<128x64xf32, #tpu.memory_space<vmem_shared>>
        %dma_wait3A_324 = arith.constant 0 : i32
        %dma_wait3A_325 = tpu.memref_slice %arg22[%add3A_241, %dma_wait3A_324] : memref<10240x64xf32, #tpu.memory_space<vmem_shared>> -> memref<128x64xf32, #tpu.memory_space<vmem_shared>>
        %dma_wait3A_326 = arith.constant 0 : i32
        %dma_wait3A_327 = arith.constant 0 : i32
        %dma_wait3A_328 = tpu.memref_slice %arg19[%dma_wait3A_326, %dma_wait3A_327] : memref<128x64xf32, #tpu.memory_space<vmem>> -> memref<128x64xf32, #tpu.memory_space<vmem>>
        tpu.wait_dma2 semaphore(%run_scoped3A : memref<!tpu.dma_semaphore, #tpu.memory_space<semaphore_mem>>) src(%dma_wait3A_328 : memref<128x64xf32, #tpu.memory_space<vmem>>) dst(%dma_wait3A_325 : memref<128x64xf32, #tpu.memory_space<vmem_shared>>)
        tpu.yield
      }) : () -> ()
      %mul3A_242 = arith.constant 640 : i32
      %mul3A_243 = arith.muli %arg1, %mul3A_242 : i32
      %add3A_244 = arith.constant 384 : i32
      %add3A_245 = arith.addi %mul3A_243, %add3A_244 : i32
      "tpu.region"() ({
        %run_scoped3A = tpu.sem_alloc : memref<!tpu.dma_semaphore, #tpu.memory_space<semaphore_mem>>
        %dma_start3A = arith.constant 0 : i32
        %dma_start3A_310 = arith.constant 0 : i32
        %dma_start3A_311 = tpu.memref_slice %arg19[%dma_start3A, %dma_start3A_310] : memref<128x64xf32, #tpu.memory_space<vmem>> -> memref<128x64xf32, #tpu.memory_space<vmem>>
        %dma_start3A_312 = arith.constant 0 : i32
        %dma_start3A_313 = tpu.memref_slice %arg22[%add3A_245, %dma_start3A_312] : memref<10240x64xf32, #tpu.memory_space<vmem_shared>> -> memref<128x64xf32, #tpu.memory_space<vmem_shared>>
        %dma_start3A_314 = arith.constant 0 : i32
        %dma_start3A_315 = tpu.memref_slice %arg22[%add3A_245, %dma_start3A_314] : memref<10240x64xf32, #tpu.memory_space<vmem_shared>> -> memref<128x64xf32, #tpu.memory_space<vmem_shared>>
        %dma_start3A_316 = arith.constant 0 : i32
        %dma_start3A_317 = arith.constant 0 : i32
        %dma_start3A_318 = tpu.memref_slice %arg19[%dma_start3A_316, %dma_start3A_317] : memref<128x64xf32, #tpu.memory_space<vmem>> -> memref<128x64xf32, #tpu.memory_space<vmem>>
        tpu.enqueue_dma source(%dma_start3A_318 : memref<128x64xf32, #tpu.memory_space<vmem>>) target(%dma_start3A_315 : memref<128x64xf32, #tpu.memory_space<vmem_shared>>) target_semaphore(%run_scoped3A : memref<!tpu.dma_semaphore, #tpu.memory_space<semaphore_mem>>)
        %dma_wait3A_319 = arith.constant 0 : i32
        %dma_wait3A_320 = arith.constant 0 : i32
        %dma_wait3A_321 = tpu.memref_slice %arg19[%dma_wait3A_319, %dma_wait3A_320] : memref<128x64xf32, #tpu.memory_space<vmem>> -> memref<128x64xf32, #tpu.memory_space<vmem>>
        %dma_wait3A_322 = arith.constant 0 : i32
        %dma_wait3A_323 = tpu.memref_slice %arg22[%add3A_245, %dma_wait3A_322] : memref<10240x64xf32, #tpu.memory_space<vmem_shared>> -> memref<128x64xf32, #tpu.memory_space<vmem_shared>>
        %dma_wait3A_324 = arith.constant 0 : i32
        %dma_wait3A_325 = tpu.memref_slice %arg22[%add3A_245, %dma_wait3A_324] : memref<10240x64xf32, #tpu.memory_space<vmem_shared>> -> memref<128x64xf32, #tpu.memory_space<vmem_shared>>
        %dma_wait3A_326 = arith.constant 0 : i32
        %dma_wait3A_327 = arith.constant 0 : i32
        %dma_wait3A_328 = tpu.memref_slice %arg19[%dma_wait3A_326, %dma_wait3A_327] : memref<128x64xf32, #tpu.memory_space<vmem>> -> memref<128x64xf32, #tpu.memory_space<vmem>>
        tpu.wait_dma2 semaphore(%run_scoped3A : memref<!tpu.dma_semaphore, #tpu.memory_space<semaphore_mem>>) src(%dma_wait3A_328 : memref<128x64xf32, #tpu.memory_space<vmem>>) dst(%dma_wait3A_325 : memref<128x64xf32, #tpu.memory_space<vmem_shared>>)
        tpu.yield
      }) : () -> ()
      %mul3A_246 = arith.constant 640 : i32
      %mul3A_247 = arith.muli %arg1, %mul3A_246 : i32
      %add3A_248 = arith.constant 512 : i32
      %add3A_249 = arith.addi %mul3A_247, %add3A_248 : i32
      "tpu.region"() ({
        %run_scoped3A = tpu.sem_alloc : memref<!tpu.dma_semaphore, #tpu.memory_space<semaphore_mem>>
        %dma_start3A = arith.constant 0 : i32
        %dma_start3A_310 = arith.constant 0 : i32
        %dma_start3A_311 = tpu.memref_slice %arg19[%dma_start3A, %dma_start3A_310] : memref<128x64xf32, #tpu.memory_space<vmem>> -> memref<128x64xf32, #tpu.memory_space<vmem>>
        %dma_start3A_312 = arith.constant 0 : i32
        %dma_start3A_313 = tpu.memref_slice %arg22[%add3A_249, %dma_start3A_312] : memref<10240x64xf32, #tpu.memory_space<vmem_shared>> -> memref<128x64xf32, #tpu.memory_space<vmem_shared>>
        %dma_start3A_314 = arith.constant 0 : i32
        %dma_start3A_315 = tpu.memref_slice %arg22[%add3A_249, %dma_start3A_314] : memref<10240x64xf32, #tpu.memory_space<vmem_shared>> -> memref<128x64xf32, #tpu.memory_space<vmem_shared>>
        %dma_start3A_316 = arith.constant 0 : i32
        %dma_start3A_317 = arith.constant 0 : i32
        %dma_start3A_318 = tpu.memref_slice %arg19[%dma_start3A_316, %dma_start3A_317] : memref<128x64xf32, #tpu.memory_space<vmem>> -> memref<128x64xf32, #tpu.memory_space<vmem>>
        tpu.enqueue_dma source(%dma_start3A_318 : memref<128x64xf32, #tpu.memory_space<vmem>>) target(%dma_start3A_315 : memref<128x64xf32, #tpu.memory_space<vmem_shared>>) target_semaphore(%run_scoped3A : memref<!tpu.dma_semaphore, #tpu.memory_space<semaphore_mem>>)
        %dma_wait3A_319 = arith.constant 0 : i32
        %dma_wait3A_320 = arith.constant 0 : i32
        %dma_wait3A_321 = tpu.memref_slice %arg19[%dma_wait3A_319, %dma_wait3A_320] : memref<128x64xf32, #tpu.memory_space<vmem>> -> memref<128x64xf32, #tpu.memory_space<vmem>>
        %dma_wait3A_322 = arith.constant 0 : i32
        %dma_wait3A_323 = tpu.memref_slice %arg22[%add3A_249, %dma_wait3A_322] : memref<10240x64xf32, #tpu.memory_space<vmem_shared>> -> memref<128x64xf32, #tpu.memory_space<vmem_shared>>
        %dma_wait3A_324 = arith.constant 0 : i32
        %dma_wait3A_325 = tpu.memref_slice %arg22[%add3A_249, %dma_wait3A_324] : memref<10240x64xf32, #tpu.memory_space<vmem_shared>> -> memref<128x64xf32, #tpu.memory_space<vmem_shared>>
        %dma_wait3A_326 = arith.constant 0 : i32
        %dma_wait3A_327 = arith.constant 0 : i32
        %dma_wait3A_328 = tpu.memref_slice %arg19[%dma_wait3A_326, %dma_wait3A_327] : memref<128x64xf32, #tpu.memory_space<vmem>> -> memref<128x64xf32, #tpu.memory_space<vmem>>
        tpu.wait_dma2 semaphore(%run_scoped3A : memref<!tpu.dma_semaphore, #tpu.memory_space<semaphore_mem>>) src(%dma_wait3A_328 : memref<128x64xf32, #tpu.memory_space<vmem>>) dst(%dma_wait3A_325 : memref<128x64xf32, #tpu.memory_space<vmem_shared>>)
        tpu.yield
      }) : () -> ()
      %barrier3A_250 = arith.constant 0 : index
      tpu.barrier barrier_id(%barrier3A_250)
      %iota3A_251 = tpu.iota {dimensions = array<i32: 0>} : vector<16xi32>
      %mul3A_252 = arith.constant 2 : i32
      %mul3A_253 = vector.broadcast %mul3A_252 : i32 to vector<16xi32>
      %mul3A_254 = arith.muli %mul3A_253, %iota3A_251 : vector<16xi32>
      %add3A_255 = arith.constant 1 : i32
      %add3A_256 = vector.broadcast %add3A_255 : i32 to vector<16xi32>
      %add3A_257 = arith.addi %mul3A_254, %add3A_256 : vector<16xi32>
      %scan3A_258 = arith.constant 0 : i32
      %scan3A_259 = arith.constant 0 : i32
      %scan3A_260 = arith.constant 9 : i32
      %scan3A_261 = arith.addi %scan3A_259, %scan3A_260 : i32
      %scan3A_262 = arith.constant 1 : i32
      %scan3A_263 = scf.for %scan3A_310 = %scan3A_259 to %scan3A_261 step %scan3A_262 iter_args(%scan3A_311 = %scan3A_258) -> (i32)  : i32 {
        %rem3A = arith.constant 12 : i32
        %rem3A_312 = arith.remsi %scan3A_310, %rem3A : i32
        %mul3A_313 = arith.constant 32 : i32
        %mul3A_314 = arith.muli %rem3A_312, %mul3A_313 : i32
        %dma_start3A = arith.constant 0 : i32
        %dma_start3A_315 = tpu.memref_slice %arg18[%mul3A_314, %dma_start3A] : memref<384x64xbf16, #tpu.memory_space<vmem>> -> memref<32x64xbf16, #tpu.memory_space<vmem>>
        %dma_start3A_316 = arith.constant 0 : i32
        %dma_start3A_317 = tpu.memref_slice %arg14[%scan3A_310, %dma_start3A_316] : memref<320x32xi32, #tpu.memory_space<vmem>> -> memref<1x32xi32, #tpu.memory_space<vmem>>
        %dma_start3A_318 = tpu.memref_squeeze %dma_start3A_317 : memref<1x32xi32, #tpu.memory_space<vmem>> -> memref<32xi32, #tpu.memory_space<vmem>>
        %dma_start3A_319 = arith.constant 0 : i32
        %dma_start3A_320 = arith.constant 0 : i32
        %dma_start3A_321 = tpu.memref_slice %arg9[%dma_start3A_319, %dma_start3A_320] : memref<10000x64xbf16, #tpu.memory_space<hbm>> -> memref<10000x64xbf16, #tpu.memory_space<hbm>>
        tpu.enqueue_indirect_dma source(%dma_start3A_321 : memref<10000x64xbf16, #tpu.memory_space<hbm>>) target(%dma_start3A_315 : memref<32x64xbf16, #tpu.memory_space<vmem>>) offsets(%dma_start3A_318 : memref<32xi32, #tpu.memory_space<vmem>>) semaphore(%arg25 : memref<!tpu.dma_semaphore, #tpu.memory_space<semaphore_mem>>)
        %scan3A_322 = arith.constant 0 : i32
        scf.yield %scan3A_322 : i32
      }
      %scan3A_264 = arith.constant 9 : i32
      %scan3A_265 = arith.constant 0 : i32
      %scan3A_266 = arith.constant 0 : i32
      %scan3A_267 = arith.constant 320 : i32
      %scan3A_268 = arith.addi %scan3A_266, %scan3A_267 : i32
      %scan3A_269 = arith.constant 1 : i32
      %scan3A_270 = scf.for %scan3A_310 = %scan3A_266 to %scan3A_268 step %scan3A_269 iter_args(%scan3A_311 = %scan3A_265) -> (i32)  : i32 {
        %ge3A = arith.constant 2 : i32
        %ge3A_312 = arith.cmpi sge, %scan3A_310, %ge3A : i32
        %convert_element_type3A_313 = arith.extui %ge3A_312 : i1 to i32
        %cond3A_314 = arith.constant 0 : i32
        %cond3A_315 = arith.cmpi ne, %convert_element_type3A_313, %cond3A_314 : i32
        scf.if %cond3A_315 {
          %dma_wait3A_355 = arith.constant 0 : i32
          %dma_wait3A_356 = arith.constant 0 : i32
          %dma_wait3A_357 = arith.constant 0 : i32
          %dma_wait3A_358 = tpu.memref_slice %arg19[%dma_wait3A_356, %dma_wait3A_357] : memref<128x64xf32, #tpu.memory_space<vmem>> -> memref<32x64xf32, #tpu.memory_space<vmem>>
          %dma_wait3A_359 = arith.constant 0 : i32
          %dma_wait3A_360 = tpu.memref_slice %arg13[%dma_wait3A_355, %dma_wait3A_359] : memref<320x32xi32, #tpu.memory_space<vmem>> -> memref<1x32xi32, #tpu.memory_space<vmem>>
          %dma_wait3A_361 = tpu.memref_squeeze %dma_wait3A_360 : memref<1x32xi32, #tpu.memory_space<vmem>> -> memref<32xi32, #tpu.memory_space<vmem>>
          %dma_wait3A_362 = arith.constant 0 : i32
          %dma_wait3A_363 = arith.constant 0 : i32
          %dma_wait3A_364 = tpu.memref_slice %arg22[%dma_wait3A_362, %dma_wait3A_363] : memref<10240x64xf32, #tpu.memory_space<vmem_shared>> -> memref<10240x64xf32, #tpu.memory_space<vmem_shared>>
          tpu.wait_indirect_dma semaphore(%arg26 : memref<!tpu.dma_semaphore, #tpu.memory_space<semaphore_mem>>) src(%dma_wait3A_358 : memref<32x64xf32, #tpu.memory_space<vmem>>) dst(%dma_wait3A_364 : memref<10240x64xf32, #tpu.memory_space<vmem_shared>>)
        } else {
        }
        %add3A_316 = arith.constant 9 : i32
        %add3A_317 = arith.addi %scan3A_310, %add3A_316 : i32
        %lt3A_318 = arith.constant 320 : i32
        %lt3A_319 = arith.cmpi slt, %add3A_317, %lt3A_318 : i32
        %convert_element_type3A_320 = arith.extui %lt3A_319 : i1 to i32
        %cond3A_321 = arith.constant 0 : i32
        %cond3A_322 = arith.cmpi ne, %convert_element_type3A_320, %cond3A_321 : i32
        scf.if %cond3A_322 {
          %add3A_355 = arith.constant 9 : i32
          %add3A_356 = arith.addi %scan3A_310, %add3A_355 : i32
          %rem3A_357 = arith.constant 12 : i32
          %rem3A_358 = arith.remsi %add3A_356, %rem3A_357 : i32
          %mul3A_359 = arith.constant 32 : i32
          %mul3A_360 = arith.muli %rem3A_358, %mul3A_359 : i32
          %dma_start3A_361 = arith.constant 0 : i32
          %dma_start3A_362 = tpu.memref_slice %arg18[%mul3A_360, %dma_start3A_361] : memref<384x64xbf16, #tpu.memory_space<vmem>> -> memref<32x64xbf16, #tpu.memory_space<vmem>>
          %dma_start3A_363 = arith.constant 0 : i32
          %dma_start3A_364 = tpu.memref_slice %arg14[%add3A_356, %dma_start3A_363] : memref<320x32xi32, #tpu.memory_space<vmem>> -> memref<1x32xi32, #tpu.memory_space<vmem>>
          %dma_start3A_365 = tpu.memref_squeeze %dma_start3A_364 : memref<1x32xi32, #tpu.memory_space<vmem>> -> memref<32xi32, #tpu.memory_space<vmem>>
          %dma_start3A_366 = arith.constant 0 : i32
          %dma_start3A_367 = arith.constant 0 : i32
          %dma_start3A_368 = tpu.memref_slice %arg9[%dma_start3A_366, %dma_start3A_367] : memref<10000x64xbf16, #tpu.memory_space<hbm>> -> memref<10000x64xbf16, #tpu.memory_space<hbm>>
          tpu.enqueue_indirect_dma source(%dma_start3A_368 : memref<10000x64xbf16, #tpu.memory_space<hbm>>) target(%dma_start3A_362 : memref<32x64xbf16, #tpu.memory_space<vmem>>) offsets(%dma_start3A_365 : memref<32xi32, #tpu.memory_space<vmem>>) semaphore(%arg25 : memref<!tpu.dma_semaphore, #tpu.memory_space<semaphore_mem>>)
        } else {
        }
        %dma_wait3A_323 = arith.constant 0 : i32
        %dma_wait3A_324 = arith.constant 0 : i32
        %dma_wait3A_325 = arith.constant 0 : i32
        %dma_wait3A_326 = tpu.memref_slice %arg18[%dma_wait3A_324, %dma_wait3A_325] : memref<384x64xbf16, #tpu.memory_space<vmem>> -> memref<32x64xbf16, #tpu.memory_space<vmem>>
        %dma_wait3A_327 = arith.constant 0 : i32
        %dma_wait3A_328 = tpu.memref_slice %arg14[%dma_wait3A_323, %dma_wait3A_327] : memref<320x32xi32, #tpu.memory_space<vmem>> -> memref<1x32xi32, #tpu.memory_space<vmem>>
        %dma_wait3A_329 = tpu.memref_squeeze %dma_wait3A_328 : memref<1x32xi32, #tpu.memory_space<vmem>> -> memref<32xi32, #tpu.memory_space<vmem>>
        %dma_wait3A_330 = arith.constant 0 : i32
        %dma_wait3A_331 = arith.constant 0 : i32
        %dma_wait3A_332 = tpu.memref_slice %arg9[%dma_wait3A_330, %dma_wait3A_331] : memref<10000x64xbf16, #tpu.memory_space<hbm>> -> memref<10000x64xbf16, #tpu.memory_space<hbm>>
        tpu.wait_indirect_dma semaphore(%arg25 : memref<!tpu.dma_semaphore, #tpu.memory_space<semaphore_mem>>) src(%dma_wait3A_332 : memref<10000x64xbf16, #tpu.memory_space<hbm>>) dst(%dma_wait3A_326 : memref<32x64xbf16, #tpu.memory_space<vmem>>)
        %rem3A = arith.constant 12 : i32
        %rem3A_333 = arith.remsi %scan3A_310, %rem3A : i32
        %mul3A_334 = arith.constant 32 : i32
        %mul3A_335 = arith.muli %rem3A_333, %mul3A_334 : i32
        %rem3A_336 = arith.constant 4 : i32
        %rem3A_337 = arith.remsi %scan3A_310, %rem3A_336 : i32
        %mul3A_338 = arith.constant 32 : i32
        %mul3A_339 = arith.muli %rem3A_337, %mul3A_338 : i32
        %parallel_loop3A_340 = arith.constant 0 : i32
        %parallel_loop3A_341 = arith.constant 32 : i32
        %parallel_loop3A_342 = arith.constant 1 : i32
        scf.for %parallel_loop3A_355 = %parallel_loop3A_340 to %parallel_loop3A_341 step %parallel_loop3A_342  : i32 {
          %parallel_loop3A_356 = arith.constant 32 : i32
          %parallel_loop3A_357 = arith.muli %scan3A_310, %parallel_loop3A_356 : i32
          %parallel_loop3A_358 = arith.addi %parallel_loop3A_357, %parallel_loop3A_355 : i32
          %parallel_loop3A_359 = arith.constant 7 : i32
          %parallel_loop3A_360 = arith.shrui %parallel_loop3A_358, %parallel_loop3A_359 : i32
          %parallel_loop3A_361 = vector.broadcast %parallel_loop3A_360 : i32 to vector<16xi32>
          %parallel_loop3A_362 = arith.constant 127 : i32
          %parallel_loop3A_363 = arith.andi %parallel_loop3A_358, %parallel_loop3A_362 : i32
          %parallel_loop3A_364 = vector.broadcast %parallel_loop3A_363 : i32 to vector<16xi32>
          %parallel_loop3A_365 = tpu.vector_load_idx %arg15[%parallel_loop3A_361, %parallel_loop3A_364] : memref<80x128xf32, #tpu.memory_space<vmem>>[vector<16xi32>, vector<16xi32>], vector<16xf32>,
          %parallel_loop3A_366 = arith.addi %mul3A_339, %parallel_loop3A_355 : i32
          %parallel_loop3A_367 = vector.broadcast %parallel_loop3A_366 : i32 to vector<16xi32>
          %parallel_loop3A_368 = arith.addi %mul3A_335, %parallel_loop3A_355 : i32
          %parallel_loop3A_369 = arith.index_cast %parallel_loop3A_368 : i32 to index
          %parallel_loop3A_370 = arith.constant 0 : index
          %parallel_loop3A_371 = tpu.vector_load %arg18[%parallel_loop3A_369, %parallel_loop3A_370] {strides = array<i32>} : memref<384x64xbf16, #tpu.memory_space<vmem>>, vector<32xbf16>,
          %parallel_loop3A_372 = tpu.unpack_subelements %parallel_loop3A_371, 0 {pack_format = #tpu.pack_format<interleaved>} : vector<32xbf16> -> vector<16xf32>
          %parallel_loop3A_373 = tpu.unpack_subelements %parallel_loop3A_371, 1 {pack_format = #tpu.pack_format<interleaved>} : vector<32xbf16> -> vector<16xf32>
          %parallel_loop3A_374 = arith.constant 0 : i32
          %parallel_loop3A_375 = vector.broadcast %parallel_loop3A_374 : i32 to vector<16xi32>
          %parallel_loop3A_376 = arith.addi %mul3A_254, %parallel_loop3A_375 : vector<16xi32>
          %parallel_loop3A_377 = arith.mulf %parallel_loop3A_372, %parallel_loop3A_365 : vector<16xf32>
          tpu.vector_store_idx %arg19[%parallel_loop3A_367, %parallel_loop3A_376], %parallel_loop3A_377 : memref<128x64xf32, #tpu.memory_space<vmem>>[vector<16xi32>, vector<16xi32>], vector<16xf32>,
          %parallel_loop3A_378 = arith.constant 0 : i32
          %parallel_loop3A_379 = vector.broadcast %parallel_loop3A_378 : i32 to vector<16xi32>
          %parallel_loop3A_380 = arith.addi %add3A_257, %parallel_loop3A_379 : vector<16xi32>
          %parallel_loop3A_381 = arith.mulf %parallel_loop3A_373, %parallel_loop3A_365 : vector<16xf32>
          tpu.vector_store_idx %arg19[%parallel_loop3A_367, %parallel_loop3A_380], %parallel_loop3A_381 : memref<128x64xf32, #tpu.memory_space<vmem>>[vector<16xi32>, vector<16xi32>], vector<16xf32>,
          %parallel_loop3A_382 = arith.addi %mul3A_335, %parallel_loop3A_355 : i32
          %parallel_loop3A_383 = arith.index_cast %parallel_loop3A_382 : i32 to index
          %parallel_loop3A_384 = arith.constant 32 : index
          %parallel_loop3A_385 = tpu.vector_load %arg18[%parallel_loop3A_383, %parallel_loop3A_384] {strides = array<i32>} : memref<384x64xbf16, #tpu.memory_space<vmem>>, vector<32xbf16>,
          %parallel_loop3A_386 = tpu.unpack_subelements %parallel_loop3A_385, 0 {pack_format = #tpu.pack_format<interleaved>} : vector<32xbf16> -> vector<16xf32>
          %parallel_loop3A_387 = tpu.unpack_subelements %parallel_loop3A_385, 1 {pack_format = #tpu.pack_format<interleaved>} : vector<32xbf16> -> vector<16xf32>
          %parallel_loop3A_388 = arith.constant 32 : i32
          %parallel_loop3A_389 = vector.broadcast %parallel_loop3A_388 : i32 to vector<16xi32>
          %parallel_loop3A_390 = arith.addi %mul3A_254, %parallel_loop3A_389 : vector<16xi32>
          %parallel_loop3A_391 = arith.mulf %parallel_loop3A_386, %parallel_loop3A_365 : vector<16xf32>
          tpu.vector_store_idx %arg19[%parallel_loop3A_367, %parallel_loop3A_390], %parallel_loop3A_391 : memref<128x64xf32, #tpu.memory_space<vmem>>[vector<16xi32>, vector<16xi32>], vector<16xf32>,
          %parallel_loop3A_392 = arith.constant 32 : i32
          %parallel_loop3A_393 = vector.broadcast %parallel_loop3A_392 : i32 to vector<16xi32>
          %parallel_loop3A_394 = arith.addi %add3A_257, %parallel_loop3A_393 : vector<16xi32>
          %parallel_loop3A_395 = arith.mulf %parallel_loop3A_387, %parallel_loop3A_365 : vector<16xf32>
          tpu.vector_store_idx %arg19[%parallel_loop3A_367, %parallel_loop3A_394], %parallel_loop3A_395 : memref<128x64xf32, #tpu.memory_space<vmem>>[vector<16xi32>, vector<16xi32>], vector<16xf32>,
        } {sc.loop_unroll_factor = 4 : i64, sc.parallel_access}
        %rem3A_343 = arith.constant 4 : i32
        %rem3A_344 = arith.remsi %scan3A_310, %rem3A_343 : i32
        %mul3A_345 = arith.constant 32 : i32
        %mul3A_346 = arith.muli %rem3A_344, %mul3A_345 : i32
        %dma_start3A = arith.constant 0 : i32
        %dma_start3A_347 = tpu.memref_slice %arg19[%mul3A_346, %dma_start3A] : memref<128x64xf32, #tpu.memory_space<vmem>> -> memref<32x64xf32, #tpu.memory_space<vmem>>
        %dma_start3A_348 = arith.constant 0 : i32
        %dma_start3A_349 = tpu.memref_slice %arg13[%scan3A_310, %dma_start3A_348] : memref<320x32xi32, #tpu.memory_space<vmem>> -> memref<1x32xi32, #tpu.memory_space<vmem>>
        %dma_start3A_350 = tpu.memref_squeeze %dma_start3A_349 : memref<1x32xi32, #tpu.memory_space<vmem>> -> memref<32xi32, #tpu.memory_space<vmem>>
        %dma_start3A_351 = arith.constant 0 : i32
        %dma_start3A_352 = arith.constant 0 : i32
        %dma_start3A_353 = tpu.memref_slice %arg22[%dma_start3A_351, %dma_start3A_352] : memref<10240x64xf32, #tpu.memory_space<vmem_shared>> -> memref<10240x64xf32, #tpu.memory_space<vmem_shared>>
        tpu.enqueue_indirect_dma source(%dma_start3A_347 : memref<32x64xf32, #tpu.memory_space<vmem>>) target(%dma_start3A_353 : memref<10240x64xf32, #tpu.memory_space<vmem_shared>>) offsets(%dma_start3A_350 : memref<32xi32, #tpu.memory_space<vmem>>) semaphore(%arg26 : memref<!tpu.dma_semaphore, #tpu.memory_space<semaphore_mem>>) {add = true}
        %scan3A_354 = arith.constant 0 : i32
        scf.yield %scan3A_354 : i32
      }
      %scan3A_271 = arith.constant 320 : i32
      %dma_wait3A_272 = arith.constant 0 : i32
      %dma_wait3A_273 = arith.constant 0 : i32
      %dma_wait3A_274 = arith.constant 0 : i32
      %dma_wait3A_275 = tpu.memref_slice %arg19[%dma_wait3A_273, %dma_wait3A_274] : memref<128x64xf32, #tpu.memory_space<vmem>> -> memref<32x64xf32, #tpu.memory_space<vmem>>
      %dma_wait3A_276 = arith.constant 0 : i32
      %dma_wait3A_277 = tpu.memref_slice %arg13[%dma_wait3A_272, %dma_wait3A_276] : memref<320x32xi32, #tpu.memory_space<vmem>> -> memref<1x32xi32, #tpu.memory_space<vmem>>
      %dma_wait3A_278 = tpu.memref_squeeze %dma_wait3A_277 : memref<1x32xi32, #tpu.memory_space<vmem>> -> memref<32xi32, #tpu.memory_space<vmem>>
      %dma_wait3A_279 = arith.constant 0 : i32
      %dma_wait3A_280 = arith.constant 0 : i32
      %dma_wait3A_281 = tpu.memref_slice %arg22[%dma_wait3A_279, %dma_wait3A_280] : memref<10240x64xf32, #tpu.memory_space<vmem_shared>> -> memref<10240x64xf32, #tpu.memory_space<vmem_shared>>
      tpu.wait_indirect_dma semaphore(%arg26 : memref<!tpu.dma_semaphore, #tpu.memory_space<semaphore_mem>>) src(%dma_wait3A_275 : memref<32x64xf32, #tpu.memory_space<vmem>>) dst(%dma_wait3A_281 : memref<10240x64xf32, #tpu.memory_space<vmem_shared>>)
      %dma_wait3A_282 = arith.constant 0 : i32
      %dma_wait3A_283 = arith.constant 0 : i32
      %dma_wait3A_284 = arith.constant 0 : i32
      %dma_wait3A_285 = tpu.memref_slice %arg19[%dma_wait3A_283, %dma_wait3A_284] : memref<128x64xf32, #tpu.memory_space<vmem>> -> memref<32x64xf32, #tpu.memory_space<vmem>>
      %dma_wait3A_286 = arith.constant 0 : i32
      %dma_wait3A_287 = tpu.memref_slice %arg13[%dma_wait3A_282, %dma_wait3A_286] : memref<320x32xi32, #tpu.memory_space<vmem>> -> memref<1x32xi32, #tpu.memory_space<vmem>>
      %dma_wait3A_288 = tpu.memref_squeeze %dma_wait3A_287 : memref<1x32xi32, #tpu.memory_space<vmem>> -> memref<32xi32, #tpu.memory_space<vmem>>
      %dma_wait3A_289 = arith.constant 0 : i32
      %dma_wait3A_290 = arith.constant 0 : i32
      %dma_wait3A_291 = tpu.memref_slice %arg22[%dma_wait3A_289, %dma_wait3A_290] : memref<10240x64xf32, #tpu.memory_space<vmem_shared>> -> memref<10240x64xf32, #tpu.memory_space<vmem_shared>>
      tpu.wait_indirect_dma semaphore(%arg26 : memref<!tpu.dma_semaphore, #tpu.memory_space<semaphore_mem>>) src(%dma_wait3A_285 : memref<32x64xf32, #tpu.memory_space<vmem>>) dst(%dma_wait3A_291 : memref<10240x64xf32, #tpu.memory_space<vmem_shared>>)
      %barrier3A_292 = arith.constant 0 : index
      tpu.barrier barrier_id(%barrier3A_292)
      %mul3A_293 = arith.constant 2 : i32
      %mul3A_294 = arith.muli %mul3A_293, %arg0 : i32
      %add3A_295 = arith.constant 1 : i32
      %add3A_296 = arith.addi %mul3A_294, %add3A_295 : i32
      %mul3A_297 = arith.constant 64 : i32
      %mul3A_298 = arith.muli %add3A_296, %mul3A_297 : i32
      %lt3A_299 = arith.constant 15 : i32
      %lt3A_300 = arith.cmpi slt, %arg1, %lt3A_299 : i32
      %convert_element_type3A_301 = arith.extui %lt3A_300 : i1 to i32
      %cond3A_302 = arith.constant 0 : i32
      %cond3A_303 = arith.cmpi ne, %convert_element_type3A_301, %cond3A_302 : i32
      scf.if %cond3A_303 {
        %mul3A_310 = arith.constant 640 : i32
        %mul3A_311 = arith.muli %arg1, %mul3A_310 : i32
        %mul3A_312 = arith.constant 640 : i32
        %mul3A_313 = arith.muli %arg1, %mul3A_312 : i32
        "tpu.region"() ({
          %run_scoped3A = tpu.sem_alloc : memref<!tpu.dma_semaphore, #tpu.memory_space<semaphore_mem>>
          %dma_start3A = tpu.memref_slice %arg10[%mul3A_313, %mul3A_298] : memref<10000x256xf32, #tpu.memory_space<hbm>> -> memref<640x64xf32, #tpu.memory_space<hbm>>
          %dma_start3A_314 = arith.constant 0 : i32
          %dma_start3A_315 = tpu.memref_slice %arg22[%mul3A_311, %dma_start3A_314] : memref<10240x64xf32, #tpu.memory_space<vmem_shared>> -> memref<640x64xf32, #tpu.memory_space<vmem_shared>>
          tpu.enqueue_dma source(%dma_start3A_315 : memref<640x64xf32, #tpu.memory_space<vmem_shared>>) target(%dma_start3A : memref<640x64xf32, #tpu.memory_space<hbm>>) target_semaphore(%run_scoped3A : memref<!tpu.dma_semaphore, #tpu.memory_space<semaphore_mem>>)
          %dma_wait3A_316 = tpu.memref_slice %arg10[%mul3A_313, %mul3A_298] : memref<10000x256xf32, #tpu.memory_space<hbm>> -> memref<640x64xf32, #tpu.memory_space<hbm>>
          %dma_wait3A_317 = arith.constant 0 : i32
          %dma_wait3A_318 = tpu.memref_slice %arg22[%mul3A_311, %dma_wait3A_317] : memref<10240x64xf32, #tpu.memory_space<vmem_shared>> -> memref<640x64xf32, #tpu.memory_space<vmem_shared>>
          tpu.wait_dma2 semaphore(%run_scoped3A : memref<!tpu.dma_semaphore, #tpu.memory_space<semaphore_mem>>) src(%dma_wait3A_318 : memref<640x64xf32, #tpu.memory_space<vmem_shared>>) dst(%dma_wait3A_316 : memref<640x64xf32, #tpu.memory_space<hbm>>)
          tpu.yield
        }) : () -> ()
      } else {
      }
      %eq3A_304 = arith.constant 15 : i32
      %eq3A_305 = arith.cmpi eq, %arg1, %eq3A_304 : i32
      %convert_element_type3A_306 = arith.extui %eq3A_305 : i1 to i32
      %cond3A_307 = arith.constant 0 : i32
      %cond3A_308 = arith.cmpi ne, %convert_element_type3A_306, %cond3A_307 : i32
      scf.if %cond3A_308 {
        %mul3A_310 = arith.constant 640 : i32
        %mul3A_311 = arith.muli %arg1, %mul3A_310 : i32
        %mul3A_312 = arith.constant 640 : i32
        %mul3A_313 = arith.muli %arg1, %mul3A_312 : i32
        "tpu.region"() ({
          %run_scoped3A = tpu.sem_alloc : memref<!tpu.dma_semaphore, #tpu.memory_space<semaphore_mem>>
          %dma_start3A = tpu.memref_slice %arg10[%mul3A_313, %mul3A_298] : memref<10000x256xf32, #tpu.memory_space<hbm>> -> memref<400x64xf32, #tpu.memory_space<hbm>>
          %dma_start3A_314 = arith.constant 0 : i32
          %dma_start3A_315 = tpu.memref_slice %arg22[%mul3A_311, %dma_start3A_314] : memref<10240x64xf32, #tpu.memory_space<vmem_shared>> -> memref<400x64xf32, #tpu.memory_space<vmem_shared>>
          tpu.enqueue_dma source(%dma_start3A_315 : memref<400x64xf32, #tpu.memory_space<vmem_shared>>) target(%dma_start3A : memref<400x64xf32, #tpu.memory_space<hbm>>) target_semaphore(%run_scoped3A : memref<!tpu.dma_semaphore, #tpu.memory_space<semaphore_mem>>)
          %dma_wait3A_316 = tpu.memref_slice %arg10[%mul3A_313, %mul3A_298] : memref<10000x256xf32, #tpu.memory_space<hbm>> -> memref<400x64xf32, #tpu.memory_space<hbm>>
          %dma_wait3A_317 = arith.constant 0 : i32
          %dma_wait3A_318 = tpu.memref_slice %arg22[%mul3A_311, %dma_wait3A_317] : memref<10240x64xf32, #tpu.memory_space<vmem_shared>> -> memref<400x64xf32, #tpu.memory_space<vmem_shared>>
          tpu.wait_dma2 semaphore(%run_scoped3A : memref<!tpu.dma_semaphore, #tpu.memory_space<semaphore_mem>>) src(%dma_wait3A_318 : memref<400x64xf32, #tpu.memory_space<vmem_shared>>) dst(%dma_wait3A_316 : memref<400x64xf32, #tpu.memory_space<hbm>>)
          tpu.yield
        }) : () -> ()
      } else {
      }
      %barrier3A_309 = arith.constant 0 : index
      tpu.barrier barrier_id(%barrier3A_309)
    } else {
    }
    return
  }
}

module attributes {stable_mosaic.version = 14 : i64} {
  func.func @_dense_body(%arg0: i32, %arg1: memref<1000x256xf32, #tpu.memory_space<vmem>>, %arg2: memref<256x256xf32, #tpu.memory_space<vmem>>, %arg3: memref<8x256x256xf32, #tpu.memory_space<vmem>>, %arg4: memref<256x256xf32, #tpu.memory_space<vmem>>, %arg5: memref<1x512xf32, #tpu.memory_space<vmem>>, %arg6: memref<1000x64xbf16, #tpu.memory_space<vmem>>, %arg7: memref<1000x64xbf16, #tpu.memory_space<vmem>>, %arg8: memref<1000x64xbf16, #tpu.memory_space<vmem>>, %arg9: memref<1000x64xbf16, #tpu.memory_space<vmem>>, %arg10: memref<1000x64xf32, #tpu.memory_space<vmem>>, %arg11: memref<1000x64xf32, #tpu.memory_space<vmem>>) attributes {dimension_semantics = [#tpu.dimension_semantics<arbitrary>], iteration_bounds = array<i64: 10>, scalar_prefetch = 0 : i64, scratch_operands = 0 : i64, tpu.core_type = #tpu.core_type<tc>, window_params = [{transform_indices = @transform_0, window_bounds = array<i64: 1000, 256>}, {pipeline_mode = #tpu.pipeline_mode<synchronous>, transform_indices = @transform_1, window_bounds = array<i64: 256, 256>}, {pipeline_mode = #tpu.pipeline_mode<synchronous>, transform_indices = @transform_2, window_bounds = array<i64: 8, 256, 256>}, {pipeline_mode = #tpu.pipeline_mode<synchronous>, transform_indices = @transform_3, window_bounds = array<i64: 256, 256>}, {pipeline_mode = #tpu.pipeline_mode<synchronous>, transform_indices = @transform_4, window_bounds = array<i64: 1, 512>}, {transform_indices = @transform_5, window_bounds = array<i64: 1000, 64>}, {transform_indices = @transform_6, window_bounds = array<i64: 1000, 64>}, {transform_indices = @transform_7, window_bounds = array<i64: 1000, 64>}, {transform_indices = @transform_8, window_bounds = array<i64: 1000, 64>}, {transform_indices = @transform_9, window_bounds = array<i64: 1000, 64>}, {transform_indices = @transform_10, window_bounds = array<i64: 1000, 64>}]} {
    %get3A = arith.constant 0 : index
    %get3A_0 = arith.constant 0 : index
    %get3A_1 = vector.load %arg1[%get3A, %get3A_0] : memref<1000x256xf32, #tpu.memory_space<vmem>>, vector<1000x256xf32>
    %logistic3A = arith.negf %get3A_1 : vector<1000x256xf32>
    %logistic3A_2 = math.exp %logistic3A : vector<1000x256xf32>
    %logistic3A_3 = arith.constant 1.000000e+00 : f32
    %logistic3A_4 = vector.broadcast %logistic3A_3 : f32 to vector<1000x256xf32>
    %logistic3A_5 = arith.addf %logistic3A_4, %logistic3A_2 : vector<1000x256xf32>
    %logistic3A_6 = arith.divf %logistic3A_4, %logistic3A_5 : vector<1000x256xf32>
    %mul3A = arith.mulf %get3A_1, %logistic3A_6 : vector<1000x256xf32>
    %get3A_7 = arith.constant 0 : index
    %get3A_8 = arith.constant 0 : index
    %get3A_9 = vector.load %arg2[%get3A_7, %get3A_8] : memref<256x256xf32, #tpu.memory_space<vmem>>, vector<256x256xf32>
    %dot_general3A = arith.constant dense<0.000000e+00> : vector<1000x256xf32>
    %dot_general3A_10 = tpu.matmul %mul3A, %get3A_9, %dot_general3A {dimension_numbers = #tpu.dot_dimension_numbers<[1], [0], [0], [1], [0, 0, 1, 1], [], []>, transpose_lhs_hint = false} : vector<1000x256xf32>, vector<256x256xf32>, vector<1000x256xf32> -> vector<1000x256xf32>
    %sub3A = arith.constant -2.000000e+00 : f32
    %sub3A_11 = vector.broadcast %sub3A : f32 to vector<1000x256xf32>
    %sub3A_12 = arith.subf %get3A_1, %sub3A_11 : vector<1000x256xf32>
    %mul3A_13 = arith.constant 1.74999988 : f32
    %mul3A_14 = vector.broadcast %mul3A_13 : f32 to vector<1000x256xf32>
    %mul3A_15 = arith.mulf %sub3A_12, %mul3A_14 : vector<1000x256xf32>
    %mul3A_16 = arith.mulf %mul3A_15, %mul3A_15 : vector<1000x256xf32>
    %neg3A = arith.constant 0.000000e+00 : f32
    %neg3A_17 = vector.broadcast %neg3A : f32 to vector<1000x256xf32>
    %neg3A_18 = arith.subf %neg3A_17, %mul3A_16 : vector<1000x256xf32>
    %exp3A = math.exp %neg3A_18 : vector<1000x256xf32>
    %get3A_19 = arith.constant 0 : index
    %get3A_20 = arith.constant 0 : index
    %get3A_21 = arith.constant 0 : index
    %get3A_22 = vector.load %arg3[%get3A_19, %get3A_20, %get3A_21] : memref<8x256x256xf32, #tpu.memory_space<vmem>>, vector<1x256x256xf32>
    %get3A_23 = vector.shape_cast %get3A_22 : vector<1x256x256xf32> to vector<256x256xf32>
    %dot_general3A_24 = arith.constant dense<0.000000e+00> : vector<1000x256xf32>
    %dot_general3A_25 = tpu.matmul %exp3A, %get3A_23, %dot_general3A_24 {dimension_numbers = #tpu.dot_dimension_numbers<[1], [0], [0], [1], [0, 0, 1, 1], [], []>, transpose_lhs_hint = false} : vector<1000x256xf32>, vector<256x256xf32>, vector<1000x256xf32> -> vector<1000x256xf32>
    %add3A = arith.addf %dot_general3A_10, %dot_general3A_25 : vector<1000x256xf32>
    %sub3A_26 = arith.constant -1.42857146 : f32
    %sub3A_27 = vector.broadcast %sub3A_26 : f32 to vector<1000x256xf32>
    %sub3A_28 = arith.subf %get3A_1, %sub3A_27 : vector<1000x256xf32>
    %mul3A_29 = arith.constant 1.74999988 : f32
    %mul3A_30 = vector.broadcast %mul3A_29 : f32 to vector<1000x256xf32>
    %mul3A_31 = arith.mulf %sub3A_28, %mul3A_30 : vector<1000x256xf32>
    %mul3A_32 = arith.mulf %mul3A_31, %mul3A_31 : vector<1000x256xf32>
    %neg3A_33 = arith.constant 0.000000e+00 : f32
    %neg3A_34 = vector.broadcast %neg3A_33 : f32 to vector<1000x256xf32>
    %neg3A_35 = arith.subf %neg3A_34, %mul3A_32 : vector<1000x256xf32>
    %exp3A_36 = math.exp %neg3A_35 : vector<1000x256xf32>
    %get3A_37 = arith.constant 1 : index
    %get3A_38 = arith.constant 0 : index
    %get3A_39 = arith.constant 0 : index
    %get3A_40 = vector.load %arg3[%get3A_37, %get3A_38, %get3A_39] : memref<8x256x256xf32, #tpu.memory_space<vmem>>, vector<1x256x256xf32>
    %get3A_41 = vector.shape_cast %get3A_40 : vector<1x256x256xf32> to vector<256x256xf32>
    %dot_general3A_42 = arith.constant dense<0.000000e+00> : vector<1000x256xf32>
    %dot_general3A_43 = tpu.matmul %exp3A_36, %get3A_41, %dot_general3A_42 {dimension_numbers = #tpu.dot_dimension_numbers<[1], [0], [0], [1], [0, 0, 1, 1], [], []>, transpose_lhs_hint = false} : vector<1000x256xf32>, vector<256x256xf32>, vector<1000x256xf32> -> vector<1000x256xf32>
    %add3A_44 = arith.addf %add3A, %dot_general3A_43 : vector<1000x256xf32>
    %sub3A_45 = arith.constant -0.857142865 : f32
    %sub3A_46 = vector.broadcast %sub3A_45 : f32 to vector<1000x256xf32>
    %sub3A_47 = arith.subf %get3A_1, %sub3A_46 : vector<1000x256xf32>
    %mul3A_48 = arith.constant 1.74999988 : f32
    %mul3A_49 = vector.broadcast %mul3A_48 : f32 to vector<1000x256xf32>
    %mul3A_50 = arith.mulf %sub3A_47, %mul3A_49 : vector<1000x256xf32>
    %mul3A_51 = arith.mulf %mul3A_50, %mul3A_50 : vector<1000x256xf32>
    %neg3A_52 = arith.constant 0.000000e+00 : f32
    %neg3A_53 = vector.broadcast %neg3A_52 : f32 to vector<1000x256xf32>
    %neg3A_54 = arith.subf %neg3A_53, %mul3A_51 : vector<1000x256xf32>
    %exp3A_55 = math.exp %neg3A_54 : vector<1000x256xf32>
    %get3A_56 = arith.constant 2 : index
    %get3A_57 = arith.constant 0 : index
    %get3A_58 = arith.constant 0 : index
    %get3A_59 = vector.load %arg3[%get3A_56, %get3A_57, %get3A_58] : memref<8x256x256xf32, #tpu.memory_space<vmem>>, vector<1x256x256xf32>
    %get3A_60 = vector.shape_cast %get3A_59 : vector<1x256x256xf32> to vector<256x256xf32>
    %dot_general3A_61 = arith.constant dense<0.000000e+00> : vector<1000x256xf32>
    %dot_general3A_62 = tpu.matmul %exp3A_55, %get3A_60, %dot_general3A_61 {dimension_numbers = #tpu.dot_dimension_numbers<[1], [0], [0], [1], [0, 0, 1, 1], [], []>, transpose_lhs_hint = false} : vector<1000x256xf32>, vector<256x256xf32>, vector<1000x256xf32> -> vector<1000x256xf32>
    %add3A_63 = arith.addf %add3A_44, %dot_general3A_62 : vector<1000x256xf32>
    %sub3A_64 = arith.constant -0.285714298 : f32
    %sub3A_65 = vector.broadcast %sub3A_64 : f32 to vector<1000x256xf32>
    %sub3A_66 = arith.subf %get3A_1, %sub3A_65 : vector<1000x256xf32>
    %mul3A_67 = arith.constant 1.74999988 : f32
    %mul3A_68 = vector.broadcast %mul3A_67 : f32 to vector<1000x256xf32>
    %mul3A_69 = arith.mulf %sub3A_66, %mul3A_68 : vector<1000x256xf32>
    %mul3A_70 = arith.mulf %mul3A_69, %mul3A_69 : vector<1000x256xf32>
    %neg3A_71 = arith.constant 0.000000e+00 : f32
    %neg3A_72 = vector.broadcast %neg3A_71 : f32 to vector<1000x256xf32>
    %neg3A_73 = arith.subf %neg3A_72, %mul3A_70 : vector<1000x256xf32>
    %exp3A_74 = math.exp %neg3A_73 : vector<1000x256xf32>
    %get3A_75 = arith.constant 3 : index
    %get3A_76 = arith.constant 0 : index
    %get3A_77 = arith.constant 0 : index
    %get3A_78 = vector.load %arg3[%get3A_75, %get3A_76, %get3A_77] : memref<8x256x256xf32, #tpu.memory_space<vmem>>, vector<1x256x256xf32>
    %get3A_79 = vector.shape_cast %get3A_78 : vector<1x256x256xf32> to vector<256x256xf32>
    %dot_general3A_80 = arith.constant dense<0.000000e+00> : vector<1000x256xf32>
    %dot_general3A_81 = tpu.matmul %exp3A_74, %get3A_79, %dot_general3A_80 {dimension_numbers = #tpu.dot_dimension_numbers<[1], [0], [0], [1], [0, 0, 1, 1], [], []>, transpose_lhs_hint = false} : vector<1000x256xf32>, vector<256x256xf32>, vector<1000x256xf32> -> vector<1000x256xf32>
    %add3A_82 = arith.addf %add3A_63, %dot_general3A_81 : vector<1000x256xf32>
    %sub3A_83 = arith.constant 0.285714298 : f32
    %sub3A_84 = vector.broadcast %sub3A_83 : f32 to vector<1000x256xf32>
    %sub3A_85 = arith.subf %get3A_1, %sub3A_84 : vector<1000x256xf32>
    %mul3A_86 = arith.constant 1.74999988 : f32
    %mul3A_87 = vector.broadcast %mul3A_86 : f32 to vector<1000x256xf32>
    %mul3A_88 = arith.mulf %sub3A_85, %mul3A_87 : vector<1000x256xf32>
    %mul3A_89 = arith.mulf %mul3A_88, %mul3A_88 : vector<1000x256xf32>
    %neg3A_90 = arith.constant 0.000000e+00 : f32
    %neg3A_91 = vector.broadcast %neg3A_90 : f32 to vector<1000x256xf32>
    %neg3A_92 = arith.subf %neg3A_91, %mul3A_89 : vector<1000x256xf32>
    %exp3A_93 = math.exp %neg3A_92 : vector<1000x256xf32>
    %get3A_94 = arith.constant 4 : index
    %get3A_95 = arith.constant 0 : index
    %get3A_96 = arith.constant 0 : index
    %get3A_97 = vector.load %arg3[%get3A_94, %get3A_95, %get3A_96] : memref<8x256x256xf32, #tpu.memory_space<vmem>>, vector<1x256x256xf32>
    %get3A_98 = vector.shape_cast %get3A_97 : vector<1x256x256xf32> to vector<256x256xf32>
    %dot_general3A_99 = arith.constant dense<0.000000e+00> : vector<1000x256xf32>
    %dot_general3A_100 = tpu.matmul %exp3A_93, %get3A_98, %dot_general3A_99 {dimension_numbers = #tpu.dot_dimension_numbers<[1], [0], [0], [1], [0, 0, 1, 1], [], []>, transpose_lhs_hint = false} : vector<1000x256xf32>, vector<256x256xf32>, vector<1000x256xf32> -> vector<1000x256xf32>
    %add3A_101 = arith.addf %add3A_82, %dot_general3A_100 : vector<1000x256xf32>
    %sub3A_102 = arith.constant 0.857142865 : f32
    %sub3A_103 = vector.broadcast %sub3A_102 : f32 to vector<1000x256xf32>
    %sub3A_104 = arith.subf %get3A_1, %sub3A_103 : vector<1000x256xf32>
    %mul3A_105 = arith.constant 1.74999988 : f32
    %mul3A_106 = vector.broadcast %mul3A_105 : f32 to vector<1000x256xf32>
    %mul3A_107 = arith.mulf %sub3A_104, %mul3A_106 : vector<1000x256xf32>
    %mul3A_108 = arith.mulf %mul3A_107, %mul3A_107 : vector<1000x256xf32>
    %neg3A_109 = arith.constant 0.000000e+00 : f32
    %neg3A_110 = vector.broadcast %neg3A_109 : f32 to vector<1000x256xf32>
    %neg3A_111 = arith.subf %neg3A_110, %mul3A_108 : vector<1000x256xf32>
    %exp3A_112 = math.exp %neg3A_111 : vector<1000x256xf32>
    %get3A_113 = arith.constant 5 : index
    %get3A_114 = arith.constant 0 : index
    %get3A_115 = arith.constant 0 : index
    %get3A_116 = vector.load %arg3[%get3A_113, %get3A_114, %get3A_115] : memref<8x256x256xf32, #tpu.memory_space<vmem>>, vector<1x256x256xf32>
    %get3A_117 = vector.shape_cast %get3A_116 : vector<1x256x256xf32> to vector<256x256xf32>
    %dot_general3A_118 = arith.constant dense<0.000000e+00> : vector<1000x256xf32>
    %dot_general3A_119 = tpu.matmul %exp3A_112, %get3A_117, %dot_general3A_118 {dimension_numbers = #tpu.dot_dimension_numbers<[1], [0], [0], [1], [0, 0, 1, 1], [], []>, transpose_lhs_hint = false} : vector<1000x256xf32>, vector<256x256xf32>, vector<1000x256xf32> -> vector<1000x256xf32>
    %add3A_120 = arith.addf %add3A_101, %dot_general3A_119 : vector<1000x256xf32>
    %sub3A_121 = arith.constant 1.42857146 : f32
    %sub3A_122 = vector.broadcast %sub3A_121 : f32 to vector<1000x256xf32>
    %sub3A_123 = arith.subf %get3A_1, %sub3A_122 : vector<1000x256xf32>
    %mul3A_124 = arith.constant 1.74999988 : f32
    %mul3A_125 = vector.broadcast %mul3A_124 : f32 to vector<1000x256xf32>
    %mul3A_126 = arith.mulf %sub3A_123, %mul3A_125 : vector<1000x256xf32>
    %mul3A_127 = arith.mulf %mul3A_126, %mul3A_126 : vector<1000x256xf32>
    %neg3A_128 = arith.constant 0.000000e+00 : f32
    %neg3A_129 = vector.broadcast %neg3A_128 : f32 to vector<1000x256xf32>
    %neg3A_130 = arith.subf %neg3A_129, %mul3A_127 : vector<1000x256xf32>
    %exp3A_131 = math.exp %neg3A_130 : vector<1000x256xf32>
    %get3A_132 = arith.constant 6 : index
    %get3A_133 = arith.constant 0 : index
    %get3A_134 = arith.constant 0 : index
    %get3A_135 = vector.load %arg3[%get3A_132, %get3A_133, %get3A_134] : memref<8x256x256xf32, #tpu.memory_space<vmem>>, vector<1x256x256xf32>
    %get3A_136 = vector.shape_cast %get3A_135 : vector<1x256x256xf32> to vector<256x256xf32>
    %dot_general3A_137 = arith.constant dense<0.000000e+00> : vector<1000x256xf32>
    %dot_general3A_138 = tpu.matmul %exp3A_131, %get3A_136, %dot_general3A_137 {dimension_numbers = #tpu.dot_dimension_numbers<[1], [0], [0], [1], [0, 0, 1, 1], [], []>, transpose_lhs_hint = false} : vector<1000x256xf32>, vector<256x256xf32>, vector<1000x256xf32> -> vector<1000x256xf32>
    %add3A_139 = arith.addf %add3A_120, %dot_general3A_138 : vector<1000x256xf32>
    %sub3A_140 = arith.constant 2.000000e+00 : f32
    %sub3A_141 = vector.broadcast %sub3A_140 : f32 to vector<1000x256xf32>
    %sub3A_142 = arith.subf %get3A_1, %sub3A_141 : vector<1000x256xf32>
    %mul3A_143 = arith.constant 1.74999988 : f32
    %mul3A_144 = vector.broadcast %mul3A_143 : f32 to vector<1000x256xf32>
    %mul3A_145 = arith.mulf %sub3A_142, %mul3A_144 : vector<1000x256xf32>
    %mul3A_146 = arith.mulf %mul3A_145, %mul3A_145 : vector<1000x256xf32>
    %neg3A_147 = arith.constant 0.000000e+00 : f32
    %neg3A_148 = vector.broadcast %neg3A_147 : f32 to vector<1000x256xf32>
    %neg3A_149 = arith.subf %neg3A_148, %mul3A_146 : vector<1000x256xf32>
    %exp3A_150 = math.exp %neg3A_149 : vector<1000x256xf32>
    %get3A_151 = arith.constant 7 : index
    %get3A_152 = arith.constant 0 : index
    %get3A_153 = arith.constant 0 : index
    %get3A_154 = vector.load %arg3[%get3A_151, %get3A_152, %get3A_153] : memref<8x256x256xf32, #tpu.memory_space<vmem>>, vector<1x256x256xf32>
    %get3A_155 = vector.shape_cast %get3A_154 : vector<1x256x256xf32> to vector<256x256xf32>
    %dot_general3A_156 = arith.constant dense<0.000000e+00> : vector<1000x256xf32>
    %dot_general3A_157 = tpu.matmul %exp3A_150, %get3A_155, %dot_general3A_156 {dimension_numbers = #tpu.dot_dimension_numbers<[1], [0], [0], [1], [0, 0, 1, 1], [], []>, transpose_lhs_hint = false} : vector<1000x256xf32>, vector<256x256xf32>, vector<1000x256xf32> -> vector<1000x256xf32>
    %add3A_158 = arith.addf %add3A_139, %dot_general3A_157 : vector<1000x256xf32>
    %slice3A = vector.extract_strided_slice %add3A_158 {offsets = [0, 0], sizes = [1000, 64], strides = [1, 1]} : vector<1000x256xf32> to vector<1000x64xf32>
    %convert_element_type3A = arith.truncf %slice3A : vector<1000x64xf32> to vector<1000x64xbf16>
    %swap3A = arith.constant 0 : index
    %swap3A_159 = arith.constant 0 : index
    %swap3A_160 = vector.load %arg6[%swap3A, %swap3A_159] : memref<1000x64xbf16, #tpu.memory_space<vmem>>, vector<1000x64xbf16>
    tpu.vector_store %arg6[%swap3A, %swap3A_159], %convert_element_type3A {strides = array<i32>} : memref<1000x64xbf16, #tpu.memory_space<vmem>>, vector<1000x64xbf16>,
    %slice3A_161 = vector.extract_strided_slice %add3A_158 {offsets = [0, 64], sizes = [1000, 64], strides = [1, 1]} : vector<1000x256xf32> to vector<1000x64xf32>
    %convert_element_type3A_162 = arith.truncf %slice3A_161 : vector<1000x64xf32> to vector<1000x64xbf16>
    %swap3A_163 = arith.constant 0 : index
    %swap3A_164 = arith.constant 0 : index
    %swap3A_165 = vector.load %arg7[%swap3A_163, %swap3A_164] : memref<1000x64xbf16, #tpu.memory_space<vmem>>, vector<1000x64xbf16>
    tpu.vector_store %arg7[%swap3A_163, %swap3A_164], %convert_element_type3A_162 {strides = array<i32>} : memref<1000x64xbf16, #tpu.memory_space<vmem>>, vector<1000x64xbf16>,
    %slice3A_166 = vector.extract_strided_slice %add3A_158 {offsets = [0, 128], sizes = [1000, 64], strides = [1, 1]} : vector<1000x256xf32> to vector<1000x64xf32>
    %convert_element_type3A_167 = arith.truncf %slice3A_166 : vector<1000x64xf32> to vector<1000x64xbf16>
    %swap3A_168 = arith.constant 0 : index
    %swap3A_169 = arith.constant 0 : index
    %swap3A_170 = vector.load %arg8[%swap3A_168, %swap3A_169] : memref<1000x64xbf16, #tpu.memory_space<vmem>>, vector<1000x64xbf16>
    tpu.vector_store %arg8[%swap3A_168, %swap3A_169], %convert_element_type3A_167 {strides = array<i32>} : memref<1000x64xbf16, #tpu.memory_space<vmem>>, vector<1000x64xbf16>,
    %slice3A_171 = vector.extract_strided_slice %add3A_158 {offsets = [0, 192], sizes = [1000, 64], strides = [1, 1]} : vector<1000x256xf32> to vector<1000x64xf32>
    %convert_element_type3A_172 = arith.truncf %slice3A_171 : vector<1000x64xf32> to vector<1000x64xbf16>
    %swap3A_173 = arith.constant 0 : index
    %swap3A_174 = arith.constant 0 : index
    %swap3A_175 = vector.load %arg9[%swap3A_173, %swap3A_174] : memref<1000x64xbf16, #tpu.memory_space<vmem>>, vector<1000x64xbf16>
    tpu.vector_store %arg9[%swap3A_173, %swap3A_174], %convert_element_type3A_172 {strides = array<i32>} : memref<1000x64xbf16, #tpu.memory_space<vmem>>, vector<1000x64xbf16>,
    %get3A_176 = arith.constant 0 : index
    %get3A_177 = arith.constant 0 : index
    %get3A_178 = vector.load %arg5[%get3A_176, %get3A_177] : memref<1x512xf32, #tpu.memory_space<vmem>>, vector<1x256xf32>
    %get3A_179 = arith.constant 0 : index
    %get3A_180 = arith.constant 256 : index
    %get3A_181 = vector.load %arg5[%get3A_179, %get3A_180] : memref<1x512xf32, #tpu.memory_space<vmem>>, vector<1x256xf32>
    %get3A_182 = arith.constant 0 : index
    %get3A_183 = arith.constant 0 : index
    %get3A_184 = vector.load %arg4[%get3A_182, %get3A_183] : memref<256x256xf32, #tpu.memory_space<vmem>>, vector<256x256xf32>
    %mul3A_185 = vector.broadcast %get3A_178 : vector<1x256xf32> to vector<256x256xf32>
    %mul3A_186 = arith.mulf %get3A_184, %mul3A_185 : vector<256x256xf32>
    %reduce_sum3A = arith.constant dense<0.000000e+00> : vector<256xf32>
    %reduce_sum3A_187 = vector.multi_reduction <add>, %mul3A_186, %reduce_sum3A [1] : vector<256x256xf32> to vector<256xf32>
    %get3A_188 = arith.constant 0 : index
    %get3A_189 = arith.constant 0 : index
    %get3A_190 = vector.load %arg4[%get3A_188, %get3A_189] : memref<256x256xf32, #tpu.memory_space<vmem>>, vector<256x256xf32>
    %mul3A_191 = vector.broadcast %get3A_181 : vector<1x256xf32> to vector<256x256xf32>
    %mul3A_192 = arith.mulf %get3A_190, %mul3A_191 : vector<256x256xf32>
    %reduce_sum3A_193 = arith.constant dense<0.000000e+00> : vector<256xf32>
    %reduce_sum3A_194 = vector.multi_reduction <add>, %mul3A_192, %reduce_sum3A_193 [1] : vector<256x256xf32> to vector<256xf32>
    %broadcast_in_dim3A = vector.shape_cast %reduce_sum3A_187 : vector<256xf32> to vector<1x256xf32>
    %mul3A_195 = vector.broadcast %broadcast_in_dim3A : vector<1x256xf32> to vector<1000x256xf32>
    %mul3A_196 = arith.mulf %get3A_1, %mul3A_195 : vector<1000x256xf32>
    %reduce_sum3A_197 = arith.constant dense<0.000000e+00> : vector<1000xf32>
    %reduce_sum3A_198 = vector.multi_reduction <add>, %mul3A_196, %reduce_sum3A_197 [1] : vector<1000x256xf32> to vector<1000xf32>
    %broadcast_in_dim3A_199 = vector.shape_cast %reduce_sum3A_198 : vector<1000xf32> to vector<1000x1xf32>
    %broadcast_in_dim3A_200 = vector.shape_cast %reduce_sum3A_194 : vector<256xf32> to vector<1x256xf32>
    %mul3A_201 = vector.broadcast %broadcast_in_dim3A_200 : vector<1x256xf32> to vector<1000x256xf32>
    %mul3A_202 = arith.mulf %get3A_1, %mul3A_201 : vector<1000x256xf32>
    %reduce_sum3A_203 = arith.constant dense<0.000000e+00> : vector<1000xf32>
    %reduce_sum3A_204 = vector.multi_reduction <add>, %mul3A_202, %reduce_sum3A_203 [1] : vector<1000x256xf32> to vector<1000xf32>
    %broadcast_in_dim3A_205 = vector.shape_cast %reduce_sum3A_204 : vector<1000xf32> to vector<1000x1xf32>
    %broadcast_in_dim3A_206 = vector.shape_cast %broadcast_in_dim3A_199 : vector<1000x1xf32> to vector<1000x1xf32>
    %broadcast_in_dim3A_207 = vector.broadcast %broadcast_in_dim3A_206 : vector<1000x1xf32> to vector<1000x64xf32>
    %swap3A_208 = arith.constant 0 : index
    %swap3A_209 = arith.constant 0 : index
    %swap3A_210 = vector.load %arg10[%swap3A_208, %swap3A_209] : memref<1000x64xf32, #tpu.memory_space<vmem>>, vector<1000x64xf32>
    tpu.vector_store %arg10[%swap3A_208, %swap3A_209], %broadcast_in_dim3A_207 {strides = array<i32>} : memref<1000x64xf32, #tpu.memory_space<vmem>>, vector<1000x64xf32>,
    %broadcast_in_dim3A_211 = vector.shape_cast %broadcast_in_dim3A_205 : vector<1000x1xf32> to vector<1000x1xf32>
    %broadcast_in_dim3A_212 = vector.broadcast %broadcast_in_dim3A_211 : vector<1000x1xf32> to vector<1000x64xf32>
    %swap3A_213 = arith.constant 0 : index
    %swap3A_214 = arith.constant 0 : index
    %swap3A_215 = vector.load %arg11[%swap3A_213, %swap3A_214] : memref<1000x64xf32, #tpu.memory_space<vmem>>, vector<1000x64xf32>
    tpu.vector_store %arg11[%swap3A_213, %swap3A_214], %broadcast_in_dim3A_212 {strides = array<i32>} : memref<1000x64xf32, #tpu.memory_space<vmem>>, vector<1000x64xf32>,
    return
  }
  func.func @transform_0(%arg0: i32) -> (i32, i32) {
    %c0_i32 = arith.constant 0 : i32
    %c0_i32_0 = arith.constant 0 : i32
    return %arg0, %c0_i32 : i32, i32
  }
  func.func @transform_1(%arg0: i32) -> (i32, i32) {
    %c0_i32 = arith.constant 0 : i32
    %c0_i32_0 = arith.constant 0 : i32
    %c0_i32_1 = arith.constant 0 : i32
    return %c0_i32, %c0_i32_0 : i32, i32
  }
  func.func @transform_2(%arg0: i32) -> (i32, i32, i32) {
    %c0_i32 = arith.constant 0 : i32
    %c0_i32_0 = arith.constant 0 : i32
    %c0_i32_1 = arith.constant 0 : i32
    %c0_i32_2 = arith.constant 0 : i32
    return %c0_i32, %c0_i32_0, %c0_i32_1 : i32, i32, i32
  }
  func.func @transform_3(%arg0: i32) -> (i32, i32) {
    %c0_i32 = arith.constant 0 : i32
    %c0_i32_0 = arith.constant 0 : i32
    %c0_i32_1 = arith.constant 0 : i32
    return %c0_i32, %c0_i32_0 : i32, i32
  }
  func.func @transform_4(%arg0: i32) -> (i32, i32) {
    %c0_i32 = arith.constant 0 : i32
    %c0_i32_0 = arith.constant 0 : i32
    %c0_i32_1 = arith.constant 0 : i32
    return %c0_i32, %c0_i32_0 : i32, i32
  }
  func.func @transform_5(%arg0: i32) -> (i32, i32) {
    %c0_i32 = arith.constant 0 : i32
    %c0_i32_0 = arith.constant 0 : i32
    return %arg0, %c0_i32 : i32, i32
  }
  func.func @transform_6(%arg0: i32) -> (i32, i32) {
    %c0_i32 = arith.constant 0 : i32
    %c0_i32_0 = arith.constant 0 : i32
    return %arg0, %c0_i32 : i32, i32
  }
  func.func @transform_7(%arg0: i32) -> (i32, i32) {
    %c0_i32 = arith.constant 0 : i32
    %c0_i32_0 = arith.constant 0 : i32
    return %arg0, %c0_i32 : i32, i32
  }
  func.func @transform_8(%arg0: i32) -> (i32, i32) {
    %c0_i32 = arith.constant 0 : i32
    %c0_i32_0 = arith.constant 0 : i32
    return %arg0, %c0_i32 : i32, i32
  }
  func.func @transform_9(%arg0: i32) -> (i32, i32) {
    %c0_i32 = arith.constant 0 : i32
    %c0_i32_0 = arith.constant 0 : i32
    return %arg0, %c0_i32 : i32, i32
  }
  func.func @transform_10(%arg0: i32) -> (i32, i32) {
    %c0_i32 = arith.constant 0 : i32
    %c0_i32_0 = arith.constant 0 : i32
    return %arg0, %c0_i32 : i32, i32
  }
}

</mosaic_0001>

<sc_bundles>
// kernel: kernel.4.cloned.1.call-start
scs
__scs_entry_jumppad:
0x0: {  	(pc) =	sbr.rel $0x88, $3  }
0x1: {  	(tag) =	ssettag $0x0;
	lr =	simm.s32 $0x1  }
0x2: {  	[smem:$0x3F9B] =	sst lr;
	_ =	strace $0xD0000000  }
0x3: {  	_ = 	snop  }
0x4: {  	_ = 	snop  }
0x5: {  	_ = 	snop  }
0x6: {  	_ = 	snop  }
0x7: {  	_ = 	snop  }
__scs_overlays_trampoline_lowered:
0x8: {  	[smem:$0x3FAA] =	sst s0  }
0x9: {  	[smem:$0x3FAB] =	sst s1  }
0xa: {  	[smem:$0x3FAC] =	sst s2  }
0xb: {  	[smem:$0x3FAD] =	sst s3  }
0xc: {  	[smem:$0x3FAE] =	sst s4  }
0xd: {  	[smem:$0x3FAF] =	sst s5  }
0xe: {  	[smem:$0x3FB0] =	sst s6  }
0xf: {  	[smem:$0x3FB1] =	sst s7  }
0x10: {  	[smem:$0x3FB2] =	sst s8  }
0x11: {  	[smem:$0x3FB3] =	sst s9;
	s0 =	simm.s32 @!p0 $0x0  }
0x12: {  	s1 =	sld [smem:$0x3F99];
	s0 =	simm.s32 @p0 $0x1  }
0x13: {  	[smem:$0x3FB4] =	sst s0;
	s0 =	simm.s32 @!p1 $0x0  }
0x14: {  	s2 =	sld [smem:$0x3F98];
	s0 =	simm.s32 @p1 $0x1  }
0x15: {  	[smem:$0x3FB5] =	sst s0;
	s0 =	simm.s32 @!p2 $0x0  }
0x16: {  	s3 =	sld [smem:$0x3FDB];
	s0 =	simm.s32 @p2 $0x1  }
0x17: {  	s4 =	simm.s32 $0x1BF5;
	[smem:$0x3FB7] =	sst s0  }
0x18: {  	s0 =	sld [smem:$0x3F9A];
	_ =	swait.ge [sflag:s4], $0x0  }
0x19: {  	s7 =	sld [smem:$0x3F9B]  }
0x1a: {  	s8 =	sadd.s32 $0xFFFFE003, lr  }
0x1b: {  	s9 =	sadd.s32 $0xFFFFFEF7, lr;
	s5 =	simm.s32 $0xFFFFFFFF;
	p2 =	slt.u32 s8, $0xFFFFF086  }
0x1c: {  	p1 =	slt.u32 s9, $0xF7A;
	s5 =	simm.s32 @!p2 $0x0  }
0x1d: {  	s5 =	simm.s32 @p1 $0x1;
	p0 =	seq.s32 s7, s2  }
0x1e: {  	s7 =	smul.u32 @!p0 $0xF7A, s2;
	p2 =	seq.s32 @!p0 s5, $0x0  }
0x1f: {  	s9 =	smul.u32 $0xF7A, s1;
	s8 =	simm.s32 @!p0 $0x1BF5;
	p2 =	por !p2, p0  }
0x20: {  	[sflag:s8] =	ssyncset.s32 @!p0 $0xFFFFF086;
	s6 =	sadd.s32 @!p0 s3, s7;
	s7 =	simm.s32 @!p0 $0x108  }
0x21: {  	s3 =	sadd.s32 s3, s9;
	s6 =	sadd.s32 @!p0 $0x88, s6;
	s7 =	simm.s32 @p2 $0x1082  }
0x22: {  	[simem:s7], [sflag:s8] =	dma.local @!p0 [hbm:s6], $0xF7A  }
0x23: {  	s9 =	sor.u32 $0xD0000000, s2;
	s6 =	simm.s32 $0x108;
	_ =	swait.ge @!p0 [sflag:s8], $0x0  }
0x24: {  	s3 =	sadd.s32 $0x88, s3;
	s6 =	simm.s32 @!p1 $0x1082;
	[sflag:s4] =	ssyncset.s32 $0xFFFFF086  }
0x25: {  	[simem:s6], [sflag:s4] =	dma.local [hbm:s3], $0xF7A  }
0x26: {  	[smem:$0x3F9B] =	sst s1;
	(tag) =	ssettag s2;
	_ =	strace s9  }
0x27: {  	s1 =	sld [smem:$0x3FAB]  }
0x28: {  	s2 =	sld [smem:$0x3FAC]  }
0x29: {  	s4 =	sld [smem:$0x3FAE]  }
0x2a: {  	p0 =	seq.s32 s5, $0x0;
	s5 =	sld [smem:$0x3FAF]  }
0x2b: {  	s6 =	sld [smem:$0x3FB0]  }
0x2c: {  	s7 =	sld [smem:$0x3FB1]  }
0x2d: {  	s3 =	simm.s32 $0x108;
	s8 =	sld [smem:$0x3FB2]  }
0x2e: {  	s3 =	simm.s32 @!p0 $0x1082;
	s9 =	sld [smem:$0x3FB3]  }
0x2f: {  	lr =	sadd.s32 s0, s3;
	s0 =	sld [smem:$0x3FAA]  }
0x30: {  	s3 =	sld [smem:$0x3FAD]  }
0x31: {  	[smem:$0x3FB6] =	sst s10  }
0x32: {  	s10 =	sld [smem:$0x3FB4];
	_ =	sdelay $0x3  }
0x33: {  	p0 =	seq.s32 s10, $0x1;
	s10 =	sld [smem:$0x3FB6];
	_ =	sdelay $0x3  }
0x34: {  	[smem:$0x3FB6] =	sst s10  }
0x35: {  	s10 =	sld [smem:$0x3FB5];
	_ =	sdelay $0x3  }
0x36: {  	p1 =	seq.s32 s10, $0x1;
	s10 =	sld [smem:$0x3FB6];
	_ =	sdelay $0x3  }
0x37: {  	[smem:$0x3FB6] =	sst s10  }
0x38: {  	s10 =	sld [smem:$0x3FB7]  }
0x39: {  	_ = 	snop;
	(pc) =	sbr.ind lr, $3  }
0x3a: {  	_ = 	snop  }
0x3b: {  	_ = 	snop  }
0x3c: {  	p2 =	seq.s32 s10, $0x1;
	s10 =	sld [smem:$0x3FB6]  }
0x3d: {  	_ =	shalt  }
0x3e: {  	_ =	shalt  }
0x3f: {  	_ =	shalt  }
0x40: {  	_ =	shalt  }
0x41: {  	_ =	shalt  }
0x42: {  	_ =	shalt  }
0x43: {  	_ =	shalt  }
0x44: {  	_ =	shalt  }
0x45: {  	_ =	shalt  }
0x46: {  	_ =	shalt  }
0x47: {  	_ =	shalt  }
0x48: {  	_ =	shalt  }
0x49: {  	_ =	shalt  }
0x4a: {  	_ =	shalt  }
0x4b: {  	_ =	shalt  }
0x4c: {  	_ =	shalt  }
0x4d: {  	_ =	shalt  }
0x4e: {  	_ =	shalt  }
0x4f: {  	_ =	shalt  }
0x50: {  	_ =	shalt  }
0x51: {  	_ =	shalt  }
0x52: {  	_ =	shalt  }
0x53: {  	_ =	shalt  }
0x54: {  	_ =	shalt  }
0x55: {  	_ =	shalt  }
0x56: {  	_ =	shalt  }
0x57: {  	_ =	shalt  }
0x58: {  	_ =	shalt  }
0x59: {  	_ =	shalt  }
0x5a: {  	_ =	shalt  }
0x5b: {  	_ =	shalt  }
0x5c: {  	_ =	shalt  }
0x5d: {  	_ =	shalt  }
0x5e: {  	_ =	shalt  }
0x5f: {  	_ =	shalt  }
0x60: {  	_ =	shalt  }
0x61: {  	_ =	shalt  }
0x62: {  	_ =	shalt  }
0x63: {  	_ =	shalt  }
0x64: {  	_ =	shalt  }
0x65: {  	_ =	shalt  }
0x66: {  	_ =	shalt  }
0x67: {  	_ =	shalt  }
0x68: {  	_ =	shalt  }
0x69: {  	_ =	shalt  }
0x6a: {  	_ =	shalt  }
0x6b: {  	_ =	shalt  }
0x6c: {  	_ =	shalt  }
0x6d: {  	_ =	shalt  }
0x6e: {  	_ =	shalt  }
0x6f: {  	_ =	shalt  }
0x70: {  	_ =	shalt  }
0x71: {  	_ =	shalt  }
0x72: {  	_ =	shalt  }
0x73: {  	_ =	shalt  }
0x74: {  	_ =	shalt  }
0x75: {  	_ =	shalt  }
0x76: {  	_ =	shalt  }
0x77: {  	_ =	shalt  }
0x78: {  	_ =	shalt  }
0x79: {  	_ =	shalt  }
0x7a: {  	_ =	shalt  }
0x7b: {  	_ =	shalt  }
0x7c: {  	_ =	shalt  }
0x7d: {  	_ =	shalt  }
0x7e: {  	_ =	shalt  }
0x7f: {  	_ =	shalt  }
0x80: {  	_ =	shalt  }
0x81: {  	_ =	shalt  }
0x82: {  	_ =	shalt  }
0x83: {  	_ =	shalt  }
0x84: {  	_ =	shalt  }
0x85: {  	_ =	shalt  }
0x86: {  	_ =	shalt  }
0x87: {  	_ =	shalt  }
.Lfunc_end0:
.L_simem_size_0:
called_computation_lowered:
.L_overlay_start_0:
0x88: {  	s2 =	sld [smem:$0x3FD9]  }
0x89: {  	s3 =	sld [smem:$0x3FFE];
	_ =	sdelay $0x1  }
0x8a: {  	s1 =	srdreg.scid  }
0x8b: {  	s0 =	sand.u32 $0x1, s1  }
0x8c: {  	s17 =	sshll.u32 s0, $0xA;
	s2 =	sadd.s32 s3, s2  }
0x8d: {  	s2 =	sadd.s32 s2, s17  }
0x8e: {  	[smem:$0x3FC2] =	sst s2  }
0x8f: {  	_ = 	snop  }
0x90: {  	s2 =	sld [smem:$0x3FD0];
	(tm) =	ssettm $0x1  }
0x91: {  	s18 =	sld [smem:$0x3FFB];
	_ =	sdelay $0x3  }
0x92: {  	_ =	strace s18  }
0x93: {  	s3 =	sld [smem:$0x3FFC];
	_ =	sdelay $0x3  }
0x94: {  	_ =	strace s3  }
0x95: {  	s3 =	sld [smem:$0x3FFD];
	_ =	sdelay $0x3  }
0x96: {  	_ =	strace s3  }
0x97: {  	_ =	strace $0x8FFFFFFF  }
0x98: {  	s19 =	sld [smem:$0x3FDB];
	_ =	sdelay $0x1  }
0x99: {  	s4 =	simm.s32 $_scs_section_size  }
0x9a: {  	s5 =	simm.s32 $_size__tile_overlayer_lowered;
	s6 =	simm.s32 $_tile_overlayer_lowered  }
0x9b: {  	s22 =	simm.s32 $0x1BFF;
	s21 =	sshll.u32 s6, $0x1;
	s3 =	sadd.s32 s4, s19  }
0x9c: {  	s7 =	simm.s32 $0x0;
	s20 =	sshll.u32 s5, $0x1;
	s5 =	sadd.s32 s21, s3  }
0x9d: {  	[timem:s7], [sflag:s22] =	dma.local [hbm:s5], s20  }
0x9e: {  	_ =	swait.ge [sflag:s22], s20  }
0x9f: {  	s4 =	ssub.s32 $0x0, s20;
	[sflag:s22] =	ssyncset.done $0x0  }
0xa0: {  	[sflag:s22] =	ssyncadd.s32 s4;
	_ =	sdelay $0x1  }
0xa1: {  	s23 =	simm.s32 $0x1B8B  }
0xa2: {  	_ =	swait.ge [sflag:s23], $0x1  }
0xa3: {  	[sflag:s23] =	ssyncset.done $0x0  }
0xa4: {  	s25 =	simm.s32 $0x1B8E;
	s24 =	sld [smem:$0x3FFE];
	[sflag:s23] =	ssyncadd.s32 $0xFFFFFFFF  }
0xa5: {  	s26 =	simm.s32 $execute0_lowered;
	[smem:$0x3FD2] =	sst s25  }
0xa6: {  	s5 =	sshll.u32 s26, $0x1;
	_ =	strace $0x80000046;
	[dreg:$0x1] =	wrdreg $0xFFFFFFFF  }
0xa7: {  	s28 =	simm.s32 $_size_execute0_lowered;
	s3 =	sadd.s32 s3, s5;
	[dreg:$0x0] =	wrdreg $0x0  }
0xa8: {  	s5 =	sshll.u32 s28, $0x1;
	[dreg:$0x2] =	wrdreg s3  }
0xa9: {  	[dreg:$0x3] =	wrdreg s5  }
0xaa: {  	[dreg:$0x4] =	wrdreg $0xC0  }
0xab: {  	_ =	task [dreg:s7], $0x5FFFF  }
0xac: {  	[dreg:$0x1] =	wrdreg $0xFFFFFFFF  }
0xad: {  	[dreg:$0x0] =	wrdreg $0x60  }
0xae: {  	[dreg:$0x2] =	wrdreg s24  }
0xaf: {  	[dreg:$0x3] =	wrdreg s2  }
0xb0: {  	[dreg:$0x4] =	wrdreg $0x1E1600  }
0xb1: {  	[dreg:$0x5] =	wrdreg $0x1E1700  }
0xb2: {  	[dreg:$0x6] =	wrdreg $0x141600  }
0xb3: {  	[dreg:$0x7] =	wrdreg $0x9  }
0xb4: {  	_ =	task.clear_ibuf [dreg:s7], $0x8FFFF;
	_ =	strace $0x90000046  }
0xb5: {  	s29 =	simm.s32 $0x9;
	_ =	strace $0x80000048  }
0xb6: {  	_ =	swait.ge [sflag:s29], $0x1  }
0xb7: {  	[sflag:s29] =	ssyncadd.s32 $0xFFFFFFFF  }
0xb8: {  	_ =	strace $0x90000048  }
0xb9: {  	_ =	sfence  }
0xba: {  	s30 =	sld [smem:$0x0];
	_ =	sdelay $0x2  }
0xbb: {  	s31 =	sshll.u32 s1, $0xD;
	s1 =	sshrl.u32 s1, $0x2  }
0xbc: {  	s3 =	sand.u32 $0x4000, s31;
	s1 =	sadd.s32 s1, s30  }
0xbd: {  	s0 =	sor.u32 s3, s0;
	s1 =	sshll.u32 s1, $0x11  }
0xbe: {  	s0 =	sor.u32 s1, s0  }
0xbf: {  	s0 =	sadd.s32 $0x8F2B, s0  }
0xc0: {  	[sflag:s0] =	ssyncadd.remote.s32 $0x1  }
0xc1: {  	_ =	sfence.sel $0xFFFF  }
0xc2: {  	[dreg:$0x0] =	wrdreg $0xFFFFFFFF;
	(pc) =	sbr.abs _section_cstart, $3  }
0xc3: {  	[dreg:$0x1] =	wrdreg $0xFFFFFFFF  }
0xc4: {  	_ =	task.clear_ibuf [dreg:s7], $0x2FFFF;
	_ =	strace $0x9FFFFFFF  }
0xc5: {  	(tm) =	ssettm $0x7FFFFFFF  }
tec
execute0_lowered:
.L_overlay_start_1:
0x0: {  	(tag) =	ssettag $0x1  }
0x1: {  	s0 =	rddreg [dreg:$0x0]  }
0x2: {  	s1 =	rddreg [dreg:$0x1]  }
0x3: {  	s15 =	rddreg [dreg:$0x2]  }
0x4: {  	s16 =	rddreg [dreg:$0x3]  }
0x5: {  	s3 =	rddreg [dreg:$0x4];
	s4 =	simm.s32 $0x0  }
0x6: {  	s17 =	stileid.u32;
	s21 =	srdreg.scid;
	s30 =	simm.s32 $0x3  }
0x7: {  	s31 =	simm.s32 $0x2800;
	s29 =	simm.s32 $0x0;
	[smem:$0x7FF] =	sst s4  }
0x8: {  	s2 =	smul.u32 $0x500, s17;
	s5 =	sadd.s32 $0x28200, s0;
	s6 =	sadd.s32 $0x27C00, s0  }
0x9: {  	s8 =	sadd.s32 $0x400, s0;
	s9 =	sadd.s32 $0x1DE00, s0;
	s10 =	sadd.s32 $0x14000, s0  }
0xa: {  	s13 =	smul.u32 $0x28000, s17;
	s11 =	sadd.s32 $0xA200, s0;
	s14 =	sadd.s32 $0x2D800, s0  }
0xb: {  	s25 =	sshll.u32 s17, $0x4;
	_ =	strace $0x80000047;
	[dreg:$0x6] =	wrdreg s5  }
0xc: {  	s28 =	smul.u32 $0x5000, s17;
	s20 =	sadd.s32 $0x78800, s0;
	[dreg:$0x7] =	wrdreg s6  }
0xd: {  	s5 =	sand.u32 $0x1, s21;
	[dreg:$0xf] =	wrdreg s20;
	s21 =	sadd.s32 $0x78808, s0  }
0xe: {  	p1 =	sne.s32 s17, $0x0;
	s1 =	sadd.s32 s1, s2;
	[dreg:$0x10] =	wrdreg s21  }
0xf: {  	s22 =	sadd.s32 s2, s0;
	s2 =	sadd.s32 s25, s15;
	[dreg:$0x8] =	wrdreg s1  }
0x10: {  	s7 =	ssub.s32 $0x2, s5;
	s18 =	sadd.s32 s14, s28;
	[dreg:$0xb] =	wrdreg s2  }
0x11: {  	s24 =	sshrl.u32 s13, $0x2;
	s23 =	sadd.s32 $0x28800, s22;
	[dreg:$0xe] =	wrdreg s18  }
0x12: {  	s19 =	sshrl.u32 s13, $0x3;
	s26 =	sadd.s32 s24, s3;
	[dreg:$0x9] =	wrdreg s23  }
0x13: {  	s12 =	sshrl.u32 s7, $0x1;
	s28 =	sadd.s32 $0x8, s18;
	[dreg:$0xa] =	wrdreg s26  }
0x14: {  	s7 =	ssub.s32 s7, s12;
	s12 =	sadd.s32 $0x2000, s26;
	[dreg:$0x18] =	wrdreg s28  }
0x15: {  	s1 =	sadd.s32 s19, s14;
	s15 =	sadd.s32 $0x4000, s26;
	[dreg:$0xc] =	wrdreg s12  }
0x16: {  	p2 =	seq.s32 s17, $0xF;
	s22 =	sadd.s32 $0x10, s1;
	[dreg:$0xd] =	wrdreg s15  }
0x17: {  	s20 =	simm.s32 $0x12050;
	s23 =	sadd.s32 $0x78810, s0;
	[dreg:$0x11] =	wrdreg s22  }
0x18: {  	p0 =	seq.s32 s5, $0x1;
	s1 =	sadd.s32 $0x18, s1;
	[dreg:$0x12] =	wrdreg s23  }
.Ltmp0:
0x19: {  	s0 =	sadd.s32 $0x78818, s0;
	[dreg:$0x13] =	wrdreg s1;
	(pc) =	sbr.rel .LBB2_1-.Ltmp0, $4  }
0x1a: {  	v0 =	vlaneseq.u32;
	s21 =	simm.s32 $0x20;
	s25 =	sadd.s32 $0x6000, s26;
	[dreg:$0x14] =	wrdreg s0  }
0x1b: {  	v6 =	vimm.f32 $0.0e+00;
	v1 =	vor.u32 $0x10, v0;
	v3 =	vmul.u32 $0x2, v0;
	s19 =	simm.s32 $0xC800;
	s26 =	sadd.s32 $0x8000, s26;
	[dreg:$0x16] =	wrdreg s25  }
0x1c: {  	v2 =	vor.u32 $0x20, v0;
	v4 =	vor.u32 $0x30, v0;
	v5 =	vor.u32 $0x40, v0;
	s24 =	smax.u32 s7, $0x1;
	[dreg:$0x17] =	wrdreg s26;
	s1 =	simm.s32 $0xA000  }
0x1d: {  	v7 =	vor.u32 $0x1, v3;
	v8 =	vor.u32 $0x20, v3;
	v9 =	vor.u32 $0x21, v3;
	s22 =	simm.s32 $0x1;
	[dreg:$0x15] =	wrdreg s24;
	s24 =	simm.s32 $0x2  }
.LBB2_34:
0x1e: {  	s29 =	sadd.s32 $0x1, s29;
	s0 =	rddreg [dreg:$0x15]  }
0x1f: {  	p3 =	sne.s32 s29, s0  }
.Ltmp1:
0x20: {  	_ = 	snop;
	(pc) =	sbr.rel @!p3 .LBB2_35-.Ltmp1, $3  }
0x21: {  	_ =	sdelay $0x1  }
0x22: {  	[bflag:$0x0] =	sbarrier.arrive $0xFFFF  }
0x23: {  	s16 =	rddreg [dreg:$0x3]  }
.LBB2_1:
0x24: {  	s0 =	rddreg [dreg:$0x6]  }
0x25: {  	[tilespmem:s4], [sflag:$0x3] =	stream.linear.gather [hbm4b:s0+s4], $0x2800, $0x38;
	[tilespmem:$0x1E3F0] =	vst v63  }
0x26: {  	_ =	swait.ge [sflag:s30], $0x2800  }
0x27: {  	[sflag:s30] =	ssyncset.done $0x0  }
0x28: {  	s17 =	rddreg [dreg:$0x7];
	[sflag:s30] =	ssyncadd.s32 $0xFFFFD800  }
0x29: {  	[tilespmem:s31], [sflag:$0x3] =	stream.linear.gather [hbm4b:s17+s4], $0x2800, $0x38;
	[tilespmem:$0x1E3F0] =	vst v63  }
0x2a: {  	_ =	swait.ge [sflag:s30], $0x2800  }
0x2b: {  	[sflag:s30] =	ssyncset.done $0x0  }
0x2c: {  	s2 =	simm.s32 $0x5000;
	s18 =	rddreg [dreg:$0x8];
	[sflag:s30] =	ssyncadd.s32 $0xFFFFD800  }
0x2d: {  	[tilespmem:s2], [sflag:$0x3] =	stream.linear.gather [hbm4b:s18+s4], $0x2800, $0x38;
	[tilespmem:$0x1E3F0] =	vst v63  }
0x2e: {  	_ =	swait.ge [sflag:s30], $0x2800  }
0x2f: {  	[sflag:s30] =	ssyncset.done $0x0  }
0x30: {  	s25 =	simm.s32 $0x7800;
	s23 =	rddreg [dreg:$0x9];
	[sflag:s30] =	ssyncadd.s32 $0xFFFFD800  }
0x31: {  	[tilespmem:s25], [sflag:$0x3] =	stream.linear.gather [hbm4b:s23+s4], $0x2800, $0x38;
	[tilespmem:$0x1E3F0] =	vst v63  }
0x32: {  	_ =	swait.ge [sflag:s30], $0x2800  }
0x33: {  	[sflag:s30] =	ssyncset.done $0x0  }
0x34: {  	s5 =	simm.s32 $0x5020;
	[sflag:s30] =	ssyncadd.s32 $0xFFFFD800  }
0x35: {  	s6 =	simm.s32 $0x7820;
	v10 =	vld [tilespmem:s5+$0xFFFFFFE0]  }
0x36: {  	v11 =	vld [tilespmem:s6+$0xFFFFFFE0]  }
0x37: {  	v12 =	vld [tilespmem:s5+$0x0]  }
0x38: {  	v13 =	vld [tilespmem:s6+$0x0];
	_ =	sdelay $0x2  }
0x39: {  	s0 =	simm.s32 $0x5060  }
0x3a: {  	v14 =	vld [tilespmem:s0+$0xFFFFFFE0]  }
0x3b: {  	v10 =	vld.idx.msk [tilespmem:v10+s4+$0x0], $0xffff  }
0x3c: {  	v11 =	vld.idx.msk [tilespmem:v11+s31+$0x0], $0xffff  }
0x3d: {  	v12 =	vld.idx.msk [tilespmem:v12+s4+$0x0], $0xffff  }
0x3e: {  	v13 =	vld.idx.msk [tilespmem:v13+s31+$0x0], $0xffff;
	_ =	sdelay $0x1  }
0x3f: {  	s26 =	simm.s32 $0x0  }
0x40: {  	v10 =	vadd.f32 v11, v10;
	v11 =	vor.u32 s26, v0  }
0x41: {  	s2 =	simm.s32 $0x7860  }
0x42: {  	v16 =	vor.u32 s21, v0;
	v20 =	vld [tilespmem:s2+$0xFFFFFFE0];
	v13 =	vadd.f32 v13, v12;
	v15 =	vmul.f32 $2.000000030e-01, v10  }
0x43: {  	v22 =	vld [tilespmem:s0+$0x0]  }
0x44: {  	v23 =	vld [tilespmem:s2+$0x0];
	v12 =	vmax.f32 v10, v15;
	v10 =	vmul.f32 $2.000000030e-01, v13  }
0x45: {  	v18 =	vld.idx.msk [tilespmem:v14+s4+$0x0], $0xffff;
	[tilespmem:v11+s1+$0x0] =	vst.idx.msk $0xffff, v12  }
0x46: {  	v19 =	vld [tilespmem:s5+$0xFFFFFFF0];
	v10 =	vmax.f32 v13, v10  }
0x47: {  	v15 =	vld [tilespmem:s6+$0xFFFFFFF0];
	[tilespmem:v16+s1+$0x0] =	vst.idx.msk $0xffff, v10  }
0x48: {  	v17 =	vld [tilespmem:s5+$0x10]  }
0x49: {  	v16 =	vld [tilespmem:s6+$0x10]  }
0x4a: {  	v21 =	vld.idx.msk [tilespmem:v20+s31+$0x0], $0xffff  }
0x4b: {  	s28 =	simm.s32 $0x10;
	s7 =	simm.s32 $0x30;
	s12 =	simm.s32 $0x50A0;
	v20 =	vld.idx.msk [tilespmem:v22+s4+$0x0], $0xffff  }
0x4c: {  	v14 =	vimm.f32 $-1.000000020e+30;
	v22 =	vld.idx.msk [tilespmem:v23+s31+$0x0], $0xffff;
	v11 =	vor.u32 s7, v0;
	s7 =	simm.s32 $0x20;
	v13 =	vor.u32 s28, v0;
	s6 =	simm.s32 $0x2;
	s5 =	simm.s32 $0x7860  }
.LBB2_2:
0x4d: {  	v23 =	vld [tilespmem:s12+$0xFFFFFFE0]  }
0x4e: {  	s7 =	sadd.s32 $0x40, s7;
	v19 =	vld.idx.msk [tilespmem:v19+s4+$0x0], $0xffff  }
0x4f: {  	s13 =	sadd.s32 $0xFFFFFFE0, s7;
	s14 =	sadd.s32 $0xFFFFFFF0, s7;
	s15 =	sadd.s32 $0x10, s7;
	v15 =	vld.idx.msk [tilespmem:v15+s31+$0x0], $0xffff  }
0x50: {  	v18 =	vadd.f32 v21, v18;
	v21 =	vor.u32 s13, v0;
	v24 =	vor.u32 s14, v0;
	v17 =	vld.idx.msk [tilespmem:v17+s4+$0x0], $0xffff  }
0x51: {  	s2 =	sadd.s32 $0x40, s2;
	v25 =	vor.u32 s15, v0;
	v16 =	vld.idx.msk [tilespmem:v16+s31+$0x0], $0xffff  }
0x52: {  	v27 =	vmul.f32 $2.000000030e-01, v18;
	v20 =	vadd.f32 v22, v20;
	v22 =	vor.u32 s7, v0;
	v26 =	vld [tilespmem:s2+$0xFFFFFFE0]  }
0x53: {  	s6 =	sadd.s32 $0x2, s6;
	v28 =	vld [tilespmem:s12+$0x0]  }
0x54: {  	p3 =	slt.u32 s6, $0x13E;
	v27 =	vmax.f32 v18, v27;
	v30 =	vmul.f32 $2.000000030e-01, v20;
	v29 =	vld [tilespmem:s2+$0x0]  }
0x55: {  	v18 =	vld.idx.msk [tilespmem:v23+s4+$0x0], $0xffff;
	[tilespmem:v21+s1+$0x0] =	vst.idx.msk $0xffff, v27;
	v21 =	vadd.f32 v15, v19  }
0x56: {  	v23 =	vmax.f32 v20, v30;
	v19 =	vld [tilespmem:s0+$0xFFFFFFF0]  }
0x57: {  	v15 =	vld [tilespmem:s5+$0xFFFFFFF0];
	[tilespmem:v22+s1+$0x0] =	vst.idx.msk $0xffff, v23;
	v20 =	vmul.f32 $2.000000030e-01, v21;
	v22 =	vadd.f32 v16, v17  }
.Ltmp2:
0x58: {  	v17 =	vld [tilespmem:s0+$0x10];
	s0 =	smov.u32 s12;
	(pc) =	sbr.rel @p3 .LBB2_2-.Ltmp2, $4  }
0x59: {  	v14 =	vmax.f32 v14, v12;
	v12 =	vmovc v27;
	v16 =	vld [tilespmem:s5+$0x10];
	v20 =	vmax.f32 v21, v20;
	v30 =	vmul.f32 $2.000000030e-01, v22;
	s5 =	smov.u32 s2  }
0x5a: {  	v21 =	vld.idx.msk [tilespmem:v26+s31+$0x0], $0xffff;
	[tilespmem:v13+s1+$0x0] =	vst.idx.msk $0xffff, v20;
	v14 =	vmax.f32 v14, v20;
	v13 =	vmov v24  }
0x5b: {  	v20 =	vld.idx.msk [tilespmem:v28+s4+$0x0], $0xffff;
	v14 =	vmax.f32 v14, v10;
	v24 =	vmax.f32 v22, v30;
	v10 =	vmov v23  }
0x5c: {  	s12 =	sadd.s32 $0x40, s12;
	v22 =	vld.idx.msk [tilespmem:v29+s31+$0x0], $0xffff;
	[tilespmem:v11+s1+$0x0] =	vst.idx.msk $0xffff, v24;
	v14 =	vmax.f32 v14, v24;
	v11 =	vmov v25  }
0x5d: {  	s2 =	sadd.s32 $0x40, s7  }
0x5e: {  	s6 =	sadd.s32 $0xFFFFFFE0, s2  }
0x5f: {  	v18 =	vadd.f32 v21, v18;
	v21 =	vor.u32 s6, v0;
	_ =	sdelay $0x1  }
0x60: {  	v23 =	vmul.f32 $2.000000030e-01, v18;
	v20 =	vadd.f32 v22, v20;
	v22 =	vor.u32 s2, v0;
	_ =	sdelay $0x1  }
0x61: {  	v18 =	vmax.f32 v18, v23;
	v23 =	vmul.f32 $2.000000030e-01, v20  }
0x62: {  	v19 =	vld.idx.msk [tilespmem:v19+s4+$0x0], $0xffff;
	[tilespmem:v21+s1+$0x0] =	vst.idx.msk $0xffff, v18  }
0x63: {  	v21 =	vld [tilespmem:s0+$0xFFFFFFF0];
	v20 =	vmax.f32 v20, v23  }
0x64: {  	v23 =	vld [tilespmem:s5+$0xFFFFFFF0];
	[tilespmem:v22+s1+$0x0] =	vst.idx.msk $0xffff, v20  }
0x65: {  	v22 =	vld [tilespmem:s0+$0x10]  }
0x66: {  	v24 =	vld [tilespmem:s5+$0x10]  }
0x67: {  	v15 =	vld.idx.msk [tilespmem:v15+s31+$0x0], $0xffff  }
0x68: {  	v17 =	vld.idx.msk [tilespmem:v17+s4+$0x0], $0xffff  }
0x69: {  	v16 =	vld.idx.msk [tilespmem:v16+s31+$0x0], $0xffff;
	_ =	sdelay $0x1  }
0x6a: {  	v21 =	vld.idx.msk [tilespmem:v21+s4+$0x0], $0xffff  }
0x6b: {  	v15 =	vadd.f32 v15, v19;
	v19 =	vld.idx.msk [tilespmem:v23+s31+$0x0], $0xffff  }
0x6c: {  	v22 =	vld.idx.msk [tilespmem:v22+s4+$0x0], $0xffff  }
0x6d: {  	v16 =	vadd.f32 v16, v17;
	v23 =	vmul.f32 $2.000000030e-01, v15;
	v24 =	vld.idx.msk [tilespmem:v24+s31+$0x0], $0xffff;
	_ =	sdelay $0x1  }
0x6e: {  	v12 =	vmax.f32 v14, v12;
	v14 =	vmax.f32 v15, v23;
	v15 =	vmul.f32 $2.000000030e-01, v16  }
0x6f: {  	s18 =	sadd.s32 $0xFFFFFFF0, s2;
	v12 =	vmax.f32 v12, v14;
	v17 =	vadd.f32 v19, v21  }
0x70: {  	s2 =	sadd.s32 $0x10, s2;
	v10 =	vmax.f32 v12, v10;
	v12 =	vmax.f32 v16, v15;
	v19 =	vor.u32 s18, v0  }
0x71: {  	v21 =	vor.u32 s2, v0;
	v15 =	vmul.f32 $2.000000030e-01, v17;
	v16 =	vadd.f32 v24, v22  }
0x72: {  	v10 =	vmax.f32 v10, v12  }
0x73: {  	[tilespmem:v13+s1+$0x0] =	vst.idx.msk $0xffff, v14;
	v10 =	vmax.f32 v10, v18;
	v13 =	vmax.f32 v17, v15;
	v14 =	vmul.f32 $2.000000030e-01, v16  }
0x74: {  	[tilespmem:v11+s1+$0x0] =	vst.idx.msk $0xffff, v12;
	v10 =	vmax.f32 v10, v13  }
0x75: {  	[tilespmem:v19+s1+$0x0] =	vst.idx.msk $0xffff, v13;
	v10 =	vmax.f32 v10, v20;
	v11 =	vmax.f32 v16, v14  }
0x76: {  	[tilespmem:v21+s1+$0x0] =	vst.idx.msk $0xffff, v11;
	v10 =	vmax.f32 v10, v11  }
0x77: {  	s25 =	simm.s32 $0x14050;
	[tilespmem:$0x14050] =	vst v10;
	s23 =	rddreg [dreg:$0xb]  }
0x78: {  	[spmem:s23] =	stream.linear.scatter [tilespmem:s25], [sflag:$0x3], $0x10, $0x38;
	[tilespmem:$0x1E3F0] =	vst v63  }
0x79: {  	_ =	swait.ge [sflag:s30], $0x10  }
0x7a: {  	[sflag:s30] =	ssyncset.done $0x0  }
0x7b: {  	[sflag:s30] =	ssyncadd.s32 $0xFFFFFFF0  }
0x7c: {  	[bflag:$0x0] =	sbarrier.arrive $0xFFFF  }
0x7d: {  	s28 =	simm.s32 $0x14060;
	s26 =	rddreg [dreg:$0x2]  }
0x7e: {  	[tilespmem:s28], [sflag:$0x3] =	stream.linear.gather [spmem:s26], $0x100, $0x38;
	[tilespmem:$0x1E3F0] =	vst v63  }
0x7f: {  	_ =	swait.ge [sflag:s30], $0x100  }
0x80: {  	[sflag:s30] =	ssyncset.done $0x0  }
0x81: {  	[sflag:s30] =	ssyncadd.s32 $0xFFFFFF00  }
0x82: {  	v10 =	vld [tilespmem:$0x14060]  }
0x83: {  	v11 =	vld [tilespmem:$0x14070]  }
0x84: {  	v12 =	vld [tilespmem:$0x14080]  }
0x85: {  	v13 =	vld [tilespmem:$0x14090]  }
0x86: {  	v14 =	vld [tilespmem:$0x140A0]  }
0x87: {  	v15 =	vld [tilespmem:$0x140B0]  }
0x88: {  	v16 =	vld [tilespmem:$0x140C0]  }
0x89: {  	v17 =	vld [tilespmem:$0x140D0]  }
0x8a: {  	v18 =	vld [tilespmem:$0x140E0]  }
0x8b: {  	v19 =	vld [tilespmem:$0x140F0]  }
0x8c: {  	v20 =	vld [tilespmem:$0x14100]  }
0x8d: {  	v21 =	vld [tilespmem:$0x14110];
	[tilespmem:$0xF000] =	vst v0  }
0x8e: {  	v22 =	vld [tilespmem:$0x14120];
	[tilespmem:$0xF010] =	vst v1  }
0x8f: {  	v23 =	vld [tilespmem:$0x14130];
	[tilespmem:$0xF020] =	vst v2  }
0x90: {  	v24 =	vld [tilespmem:$0x14140];
	[tilespmem:$0xF030] =	vst v4  }
0x91: {  	s0 =	simm.s32 $0x0;
	s2 =	simm.s32 $0x200;
	v25 =	vld [tilespmem:$0x14150];
	[tilespmem:$0xF040] =	vst v5  }
.LBB2_4:
0x92: {  	p3 =	sne.s32 s2, $0x9E00;
	[tilespmem:s0+$0xC870] =	vst v6  }
0x93: {  	[tilespmem:s0+$0xC800] =	vst v6  }
0x94: {  	[tilespmem:s0+$0xC810] =	vst v6  }
.Ltmp3:
0x95: {  	[tilespmem:s0+$0xC820] =	vst v6;
	(pc) =	sbr.rel @p3 .LBB2_4-.Ltmp3, $4  }
0x96: {  	[tilespmem:s0+$0xC830] =	vst v6  }
0x97: {  	[tilespmem:s0+$0xC840] =	vst v6  }
0x98: {  	[tilespmem:s0+$0xC850] =	vst v6  }
0x99: {  	[tilespmem:s0+$0xC860] =	vst v6;
	s0 =	sshra.s32 s2, $0x2;
	s2 =	sadd.s32 $0x200, s2  }
0x9a: {  	v10 =	vmax.f32 v10, v11  }
0x9b: {  	v10 =	vmax.f32 v10, v12  }
0x9c: {  	v10 =	vmax.f32 v10, v13  }
0x9d: {  	v10 =	vmax.f32 v10, v14  }
0x9e: {  	v10 =	vmax.f32 v10, v15  }
0x9f: {  	v10 =	vmax.f32 v10, v16  }
0xa0: {  	v10 =	vmax.f32 v10, v17  }
0xa1: {  	v10 =	vmax.f32 v10, v18  }
0xa2: {  	v10 =	vmax.f32 v10, v19  }
0xa3: {  	v10 =	vmax.f32 v10, v20  }
0xa4: {  	v10 =	vmax.f32 v10, v21  }
0xa5: {  	v10 =	vmax.f32 v10, v22  }
0xa6: {  	v10 =	vmax.f32 v10, v23  }
0xa7: {  	[tilespmem:s0+$0xC870] =	vst v6;
	v10 =	vmax.f32 v10, v24  }
0xa8: {  	[tilespmem:s0+$0xC800] =	vst v6;
	v10 =	vmax.f32 v10, v25  }
0xa9: {  	[tilespmem:s0+$0xC810] =	vst v6;
	(xrf0) =	vmax.scan.msk.f32 $0xffff, v10  }
0xaa: {  	[tilespmem:s0+$0xC820] =	vst v6  }
0xab: {  	[tilespmem:s0+$0xC830] =	vst v6  }
0xac: {  	[tilespmem:s0+$0xC840] =	vst v6  }
0xad: {  	[tilespmem:s0+$0xC850] =	vst v6  }
0xae: {  	[tilespmem:s0+$0xC860] =	vst v6;
	s0 =	simm.s32 @!p1 $0xC800;
	s13 =	simm.s32 $0x0;
	s2 =	simm.s32 @!p1 $0x3  }
0xaf: {  	[spmem:s16] =	stream.linear.scatter @!p1 [tilespmem:s0], [sflag:$0x3], $0x2800, $0x38;
	v12 =	vor.u32 s13, v0;
	v10, _, _ =	vpop (xrf0);
	[tilespmem:$0x1E3F0] =	vst v63  }
0xb0: {  	_ =	swait.ge @!p1 [sflag:s2], $0x2800  }
0xb1: {  	[sflag:s2] =	ssyncset.done @!p1 $0x0  }
0xb2: {  	s14 =	simm.s32 $0x20;
	[sflag:s2] =	ssyncadd.s32 @!p1 $0xFFFFD800  }
0xb3: {  	v13 =	vor.u32 s14, v0;
	[bflag:$0x0] =	sbarrier.arrive $0xFFFF  }
0xb4: {  	v11 =	vld.idx.msk [tilespmem:v12+s1+$0x0], $0xffff;
	_ =	sdelay $0x2  }
0xb5: {  	s15 =	simm.s32 $0x40;
	v10 =	vbroadcast v10, $0xF  }
0xb6: {  	v18 =	vor.u32 s15, v0;
	v14 =	vld.idx.msk [tilespmem:v13+s1+$0x0], $0xffff  }
0xb7: {  	v11 =	vsub.f32 v11, v10;
	_ =	sdelay $0x1  }
0xb8: {  	v11 =	vmul.f32 $1.442695020e+00, v11  }
0xb9: {  	s17 =	simm.s32 $0x60  }
0xba: {  	v21 =	vor.u32 s17, v0;
	(erf) = vpow2.f32 v11;
	v11 =	vsub.f32 v14, v10;
	v14 =	vld.idx.msk [tilespmem:v18+s1+$0x0], $0xffff;
	_ =	sdelay $0x2  }
0xbb: {  	s2 =	simm.s32 $0x5020  }
0xbc: {  	v16 =	vld [tilespmem:s2+$0xFFFFFFE0]  }
0xbd: {  	v17 =	vld.idx.msk [tilespmem:v21+s1+$0x0], $0xffff;
	v11 =	vmul.f32 $1.442695020e+00, v11;
	v14 =	vsub.f32 v14, v10;
	_ =	sdelay $0x1  }
0xbe: {  	s18 =	simm.s32 $0x10;
	(erf) = vpow2.f32 v11;
	v14 =	vmul.f32 $1.442695020e+00, v14  }
0xbf: {  	v11 =	vor.u32 s18, v0  }
0xc0: {  	s23 =	simm.s32 $0x80;
	v19 =	vpop (erf);
	(erf) = vpow2.f32 v14  }
0xc1: {  	s7 =	simm.s32 $0xA0;
	s5 =	simm.s32 $0x5060;
	v20 =	vld [tilespmem:s2+$0x0];
	[tilespmem:v12+s1+$0x0] =	vst.idx.msk $0xffff, v19;
	v12 =	vsub.f32 v17, v10;
	v17 =	vor.u32 s23, v0  }
0xc2: {  	v15 =	vor.u32 s7, v0;
	v22 =	vld [tilespmem:s5+$0xFFFFFFE0]  }
0xc3: {  	[tilespmem:v16+s19+$0x0] =	vst.idx.add.f32.msk $0xffff, v19  }
0xc4: {  	s25 =	simm.s32 $0x30;
	v14 =	vld.idx.msk [tilespmem:v11+s1+$0x0], $0xffff;
	v16 =	vmul.f32 $1.442695020e+00, v12  }
0xc5: {  	v12 =	vor.u32 s25, v0  }
0xc6: {  	(erf) = vpow2.f32 v16;
	v24 =	vld.idx.msk [tilespmem:v17+s1+$0x0], $0xffff  }
0xc7: {  	v23 =	vld.idx.msk [tilespmem:v15+s1+$0x0], $0xffff;
	v19 =	vpop (erf)  }
0xc8: {  	v25 =	vld [tilespmem:s5+$0x0];
	[tilespmem:v13+s1+$0x0] =	vst.idx.msk $0xffff, v19  }
0xc9: {  	s12 =	simm.s32 $0xE0;
	[tilespmem:v20+s19+$0x0] =	vst.idx.add.f32.msk $0xffff, v19;
	v14 =	vsub.f32 v14, v10;
	v27 =	vpop (erf)  }
0xca: {  	s26 =	simm.s32 $0x50;
	v16 =	vor.u32 s12, v0;
	v26 =	vld.idx.msk [tilespmem:v12+s1+$0x0], $0xffff;
	[tilespmem:v18+s1+$0x0] =	vst.idx.msk $0xffff, v27  }
0xcb: {  	s6 =	simm.s32 $0xC0;
	v13 =	vor.u32 s26, v0;
	v14 =	vmul.f32 $1.442695020e+00, v14;
	[tilespmem:v22+s19+$0x0] =	vst.idx.add.f32.msk $0xffff, v27;
	v22 =	vsub.f32 v24, v10  }
0xcc: {  	s0 =	simm.s32 $0x50A0;
	v19 =	vor.u32 s6, v0  }
0xcd: {  	v20 =	vld [tilespmem:s0+$0xFFFFFFE0];
	(erf) = vpow2.f32 v14;
	v22 =	vmul.f32 $1.442695020e+00, v22  }
0xce: {  	s28 =	simm.s32 $0x70;
	v18 =	vld [tilespmem:s2+$0xFFFFFFF0]  }
0xcf: {  	v23 =	vsub.f32 v23, v10;
	v27 =	vld.idx.msk [tilespmem:v16+s1+$0x0], $0xffff;
	v14 =	vor.u32 s28, v0;
	v28 =	vpop (erf);
	(erf) = vpow2.f32 v22  }
0xd0: {  	v24 =	vld.idx.msk [tilespmem:v13+s1+$0x0], $0xffff;
	v29 =	vsub.f32 v26, v10  }
0xd1: {  	v26 =	vld.idx.msk [tilespmem:v19+s1+$0x0], $0xffff;
	[tilespmem:v21+s1+$0x0] =	vst.idx.msk $0xffff, v28;
	v21 =	vmul.f32 $1.442695020e+00, v23  }
0xd2: {  	[tilespmem:v25+s19+$0x0] =	vst.idx.add.f32.msk $0xffff, v28;
	v25 =	vmul.f32 $1.442695020e+00, v29  }
0xd3: {  	(erf) = vpow2.f32 v21  }
0xd4: {  	v23 =	vld.idx.msk [tilespmem:v14+s1+$0x0], $0xffff  }
0xd5: {  	s15 =	simm.s32 $0x90;
	s6 =	simm.s32 $0x50E0;
	v22 =	vld [tilespmem:s0+$0x0];
	v28 =	vsub.f32 v24, v10;
	(erf) = vpow2.f32 v25  }
0xd6: {  	s13 =	simm.s32 $0x6;
	s14 =	simm.s32 $0x120;
	v27 =	vsub.f32 v27, v10;
	v24 =	vld [tilespmem:s6+$0xFFFFFFE0];
	v21 =	vor.u32 s15, v0;
	v25 =	vpop (erf)  }
.LBB2_6:
0xd7: {  	s15 =	sadd.s32 $0xFFFFFFE0, s14;
	v29 =	vor.u32 s14, v0;
	s13 =	sadd.s32 $0x2, s13;
	v26 =	vsub.f32 v26, v10;
	v28 =	vmul.f32 $1.442695020e+00, v28;
	[tilespmem:v11+s1+$0x0] =	vst.idx.msk $0xffff, v25;
	v30 =	vld [tilespmem:s2+$0x10];
	v11 =	vmovc v13;
	s2 =	smov.u32 s5  }
0xd8: {  	v13 =	vmov v21;
	s5 =	smov.u32 s0;
	s0 =	smov.u32 s6;
	v31 =	vor.u32 s15, v0;
	p3 =	slt.u32 s13, $0x13E;
	v27 =	vmul.f32 $1.442695020e+00, v27;
	v32 =	vpop (erf);
	[tilespmem:v18+s19+$0x0] =	vst.idx.add.f32.msk $0xffff, v25  }
0xd9: {  	s15 =	sadd.s32 $0x10, s7;
	s7 =	smov.u32 s12;
	s12 =	smov.u32 s14;
	v25 =	vmul.f32 $1.442695020e+00, v26;
	[tilespmem:v17+s1+$0x0] =	vst.idx.msk $0xffff, v32;
	v18 =	vld [tilespmem:s2+$0xFFFFFFF0];
	v26 =	vsub.f32 v23, v10;
	(erf) = vpow2.f32 v28;
	v17 =	vmovc v19  }
0xda: {  	v28 =	vor.u32 s15, v0;
	v19 =	vmov v31;
	[tilespmem:v20+s19+$0x0] =	vst.idx.add.f32.msk $0xffff, v32  }
0xdb: {  	(erf) = vpow2.f32 v25;
	v21 =	vld.idx.msk [tilespmem:v21+s1+$0x0], $0xffff;
	v25 =	vmul.f32 $1.442695020e+00, v26;
	v20 =	vmov v24  }
0xdc: {  	v32 =	vld.idx.msk [tilespmem:v29+s1+$0x0], $0xffff;
	v23 =	vpop (erf)  }
0xdd: {  	v26 =	vld.idx.msk [tilespmem:v31+s1+$0x0], $0xffff;
	[tilespmem:v15+s1+$0x0] =	vst.idx.msk $0xffff, v23;
	v15 =	vmov v16;
	v16 =	vmov v29  }
.Ltmp4:
0xde: {  	[tilespmem:v22+s19+$0x0] =	vst.idx.add.f32.msk $0xffff, v23;
	v22 =	vpop (erf);
	(pc) =	sbr.rel @p3 .LBB2_6-.Ltmp4, $4  }
0xdf: {  	(erf) = vpow2.f32 v27;
	v23 =	vld.idx.msk [tilespmem:v28+s1+$0x0], $0xffff;
	[tilespmem:v12+s1+$0x0] =	vst.idx.msk $0xffff, v22;
	v12 =	vmov v14;
	v14 =	vmov v28  }
0xe0: {  	[tilespmem:v30+s19+$0x0] =	vst.idx.add.f32.msk $0xffff, v22  }
0xe1: {  	s6 =	sadd.s32 $0x40, s6;
	s15 =	sadd.s32 $0xFFFFFFF0, s7;
	v28 =	vsub.f32 v21, v10;
	v22 =	vld [tilespmem:s0+$0x0];
	(erf) = vpow2.f32 v25  }
0xe2: {  	s14 =	sadd.s32 $0x40, s14;
	v21 =	vor.u32 s15, v0;
	v27 =	vsub.f32 v32, v10;
	v24 =	vld [tilespmem:s6+$0xFFFFFFE0];
	v25 =	vpop (erf)  }
0xe3: {  	v26 =	vsub.f32 v26, v10  }
0xe4: {  	v28 =	vmul.f32 $1.442695020e+00, v28  }
0xe5: {  	v26 =	vmul.f32 $1.442695020e+00, v26  }
0xe6: {  	(erf) = vpow2.f32 v28  }
0xe7: {  	v27 =	vmul.f32 $1.442695020e+00, v27;
	(erf) = vpow2.f32 v26;
	_ =	sdelay $0x1  }
0xe8: {  	(erf) = vpow2.f32 v27;
	_ =	sdelay $0x1  }
0xe9: {  	s7 =	sadd.s32 $0x10, s7  }
0xea: {  	v28 =	vld [tilespmem:s6+$0x0];
	v27 =	vor.u32 s7, v0;
	v26 =	vpop (erf)  }
0xeb: {  	v29 =	vld [tilespmem:s2+$0x10];
	s7 =	sadd.s32 $0xFFFFFFF0, s12;
	[tilespmem:v17+s1+$0x0] =	vst.idx.msk $0xffff, v26;
	v17 =	vpop (erf)  }
0xec: {  	[tilespmem:v20+s19+$0x0] =	vst.idx.add.f32.msk $0xffff, v26;
	v20 =	vpop (erf);
	v26 =	vor.u32 s7, v0  }
0xed: {  	s13 =	sadd.s32 $0x10, s12;
	[tilespmem:v15+s1+$0x0] =	vst.idx.msk $0xffff, v17;
	v30 =	vld.idx.msk [tilespmem:v21+s1+$0x0], $0xffff;
	v15 =	vpop (erf)  }
0xee: {  	[tilespmem:v22+s19+$0x0] =	vst.idx.add.f32.msk $0xffff, v17;
	v22 =	vor.u32 s13, v0;
	v17 =	vpop (erf)  }
0xef: {  	v23 =	vsub.f32 v23, v10;
	v31 =	vld.idx.msk [tilespmem:v27+s1+$0x0], $0xffff;
	[tilespmem:v19+s1+$0x0] =	vst.idx.msk $0xffff, v17  }
0xf0: {  	[tilespmem:v24+s19+$0x0] =	vst.idx.add.f32.msk $0xffff, v17;
	v17 =	vpop (erf)  }
0xf1: {  	v19 =	vmul.f32 $1.442695020e+00, v23;
	v23 =	vld.idx.msk [tilespmem:v26+s1+$0x0], $0xffff;
	[tilespmem:v16+s1+$0x0] =	vst.idx.msk $0xffff, v17  }
0xf2: {  	v16 =	vsub.f32 v30, v10;
	[tilespmem:v28+s19+$0x0] =	vst.idx.add.f32.msk $0xffff, v17  }
0xf3: {  	v17 =	vld.idx.msk [tilespmem:v22+s1+$0x0], $0xffff  }
0xf4: {  	v24 =	vsub.f32 v31, v10;
	(erf) = vpow2.f32 v19;
	v19 =	vld [tilespmem:s5+$0xFFFFFFF0];
	v16 =	vmul.f32 $1.442695020e+00, v16;
	_ =	sdelay $0x1  }
0xf5: {  	(erf) = vpow2.f32 v16;
	v16 =	vmul.f32 $1.442695020e+00, v24;
	v23 =	vsub.f32 v23, v10  }
0xf6: {  	[tilespmem:v11+s1+$0x0] =	vst.idx.msk $0xffff, v25;
	v28 =	vld [tilespmem:s5+$0x10]  }
0xf7: {  	[tilespmem:v18+s19+$0x0] =	vst.idx.add.f32.msk $0xffff, v25;
	(erf) = vpow2.f32 v16;
	v11 =	vmul.f32 $1.442695020e+00, v23;
	v10 =	vsub.f32 v17, v10  }
0xf8: {  	[tilespmem:v12+s1+$0x0] =	vst.idx.msk $0xffff, v20;
	v12 =	vld [tilespmem:s0+$0xFFFFFFF0]  }
0xf9: {  	[tilespmem:v29+s19+$0x0] =	vst.idx.add.f32.msk $0xffff, v20;
	(erf) = vpow2.f32 v11;
	v10 =	vmul.f32 $1.442695020e+00, v10  }
0xfa: {  	[tilespmem:v13+s1+$0x0] =	vst.idx.msk $0xffff, v15;
	v11 =	vld [tilespmem:s0+$0x10]  }
0xfb: {  	[tilespmem:v19+s19+$0x0] =	vst.idx.add.f32.msk $0xffff, v15;
	(erf) = vpow2.f32 v10  }
0xfc: {  	v13 =	vpop (erf);
	v10 =	vld [tilespmem:s6+$0xFFFFFFF0]  }
0xfd: {  	[tilespmem:v14+s1+$0x0] =	vst.idx.msk $0xffff, v13;
	v14 =	vld [tilespmem:s6+$0x10]  }
0xfe: {  	[tilespmem:v28+s19+$0x0] =	vst.idx.add.f32.msk $0xffff, v13;
	v13 =	vpop (erf)  }
0xff: {  	[tilespmem:v21+s1+$0x0] =	vst.idx.msk $0xffff, v13  }
0x100: {  	[tilespmem:v12+s19+$0x0] =	vst.idx.add.f32.msk $0xffff, v13;
	v12 =	vpop (erf)  }
0x101: {  	[tilespmem:v27+s1+$0x0] =	vst.idx.msk $0xffff, v12  }
0x102: {  	[tilespmem:v11+s19+$0x0] =	vst.idx.add.f32.msk $0xffff, v12;
	v11 =	vpop (erf)  }
0x103: {  	[tilespmem:v26+s1+$0x0] =	vst.idx.msk $0xffff, v11  }
0x104: {  	[tilespmem:v10+s19+$0x0] =	vst.idx.add.f32.msk $0xffff, v11;
	v10 =	vpop (erf)  }
0x105: {  	[tilespmem:v22+s1+$0x0] =	vst.idx.msk $0xffff, v10  }
0x106: {  	s14 =	simm.s32 $0x50;
	s15 =	simm.s32 $0xF000;
	[tilespmem:v14+s19+$0x0] =	vst.idx.add.f32.msk $0xffff, v10  }
0x107: {  	[spmem:s16] =	stream.indirect.scatter.add.f32 [tilespmem:s19], [sflag:$0x3], $0x80, s15, s14, $0xb8;
	[tilespmem:$0x1E3F0] =	vst v63  }
0x108: {  	_ =	swait.ge [sflag:s30], $0x2800  }
0x109: {  	[sflag:s30] =	ssyncset.done $0x0  }
0x10a: {  	[sflag:s30] =	ssyncadd.s32 $0xFFFFD800  }
0x10b: {  	[bflag:$0x0] =	sbarrier.arrive $0xFFFF  }
0x10c: {  	[tilespmem:s19], [sflag:$0x3] =	stream.linear.gather [spmem:s16], $0x2800, $0x38;
	[tilespmem:$0x1E3F0] =	vst v63  }
0x10d: {  	_ =	swait.ge [sflag:s30], $0x2800  }
0x10e: {  	[sflag:s30] =	ssyncset.done $0x0  }
0x10f: {  	s17 =	simm.s32 $0x5020;
	[sflag:s30] =	ssyncadd.s32 $0xFFFFD800  }
0x110: {  	v10 =	vld [tilespmem:s17+$0x0];
	_ =	sdelay $0x5  }
0x111: {  	s18 =	simm.s32 $0x5060;
	v11 =	vld [tilespmem:s17+$0xFFFFFFE0]  }
0x112: {  	v12 =	vld [tilespmem:s18+$0x0]  }
0x113: {  	v10 =	vld.idx.msk [tilespmem:v10+s19+$0x0], $0xffff;
	_ =	sdelay $0x4  }
0x114: {  	v10 =	vadd.f32 $1.000000020e-16, v10;
	_ =	sdelay $0x1  }
0x115: {  	s23 =	simm.s32 $0x20;
	(erf) = vrcp.f32 v10;
	v10 =	vld.idx.msk [tilespmem:v11+s19+$0x0], $0xffff  }
0x116: {  	v13 =	vor.u32 s23, v0;
	v11 =	vld.idx.msk [tilespmem:v12+s19+$0x0], $0xffff  }
0x117: {  	v12 =	vld [tilespmem:s18+$0xFFFFFFE0]  }
0x118: {  	s25 =	simm.s32 $0x0  }
0x119: {  	s26 =	simm.s32 $0x50A0;
	v14 =	vor.u32 s25, v0  }
0x11a: {  	v16 =	vld [tilespmem:s26+$0x0]  }
0x11b: {  	s28 =	simm.s32 $0x60;
	v15 =	vld.idx.msk [tilespmem:v13+s1+$0x0], $0xffff;
	v10 =	vadd.f32 $1.000000020e-16, v10  }
0x11c: {  	v17 =	vor.u32 s28, v0  }
0x11d: {  	v11 =	vadd.f32 $1.000000020e-16, v11  }
0x11e: {  	v18 =	vld.idx.msk [tilespmem:v14+s1+$0x0], $0xffff;
	(erf) = vrcp.f32 v10  }
0x11f: {  	(erf) = vrcp.f32 v11;
	v12 =	vld.idx.msk [tilespmem:v12+s19+$0x0], $0xffff;
	v10 =	vpop (erf)  }
0x120: {  	v11 =	vld [tilespmem:s26+$0xFFFFFFE0];
	v10 =	vmul.f32 v10, v15  }
0x121: {  	s5 =	simm.s32 $0x40;
	v19 =	vld.idx.msk [tilespmem:v17+s1+$0x0], $0xffff  }
0x122: {  	v16 =	vld.idx.msk [tilespmem:v16+s19+$0x0], $0xffff;
	v15 =	vor.u32 s5, v0;
	[tilespmem:v13+s1+$0x0] =	vst.idx.msk $0xffff, v10  }
0x123: {  	s2 =	simm.s32 $0x50E0;
	v13 =	vld [tilespmem:s17+$0x10]  }
0x124: {  	s13 =	simm.s32 $0xA0;
	s0 =	simm.s32 $0x5120;
	v22 =	vld [tilespmem:s2+$0x0];
	v12 =	vadd.f32 $1.000000020e-16, v12  }
0x125: {  	v23 =	vor.u32 s13, v0;
	s6 =	simm.s32 $0x5160;
	v27 =	vld [tilespmem:s0+$0x0]  }
0x126: {  	v34 =	vld [tilespmem:s6+$0xFFFFFFE0]  }
0x127: {  	v20 =	vld.idx.msk [tilespmem:v15+s1+$0x0], $0xffff;
	(erf) = vrcp.f32 v12;
	v21 =	vpop (erf)  }
0x128: {  	v16 =	vadd.f32 $1.000000020e-16, v16;
	v11 =	vld.idx.msk [tilespmem:v11+s19+$0x0], $0xffff;
	v18 =	vmul.f32 v21, v18;
	v12 =	vpop (erf)  }
0x129: {  	s7 =	simm.s32 $0x10;
	v21 =	vld [tilespmem:s2+$0xFFFFFFE0];
	v12 =	vmul.f32 v12, v19  }
0x12a: {  	s14 =	simm.s32 $0x80;
	v10 =	vor.u32 s7, v0;
	(erf) = vrcp.f32 v16;
	v16 =	vld.idx.msk [tilespmem:v23+s1+$0x0], $0xffff;
	[tilespmem:v14+s1+$0x0] =	vst.idx.msk $0xffff, v18  }
0x12b: {  	v14 =	vor.u32 s14, v0;
	[tilespmem:v17+s1+$0x0] =	vst.idx.msk $0xffff, v12;
	v13 =	vld.idx.msk [tilespmem:v13+s19+$0x0], $0xffff  }
0x12c: {  	s15 =	simm.s32 $0x30;
	v12 =	vld [tilespmem:s18+$0x10]  }
0x12d: {  	v24 =	vor.u32 s15, v0;
	v18 =	vld [tilespmem:s17+$0xFFFFFFF0]  }
0x12e: {  	v19 =	vld.idx.msk [tilespmem:v22+s19+$0x0], $0xffff  }
0x12f: {  	v17 =	vld.idx.msk [tilespmem:v10+s1+$0x0], $0xffff;
	v26 =	vadd.f32 $1.000000020e-16, v11  }
0x130: {  	s5 =	simm.s32 $0xE0;
	v22 =	vld.idx.msk [tilespmem:v14+s1+$0x0], $0xffff;
	v25 =	vpop (erf)  }
0x131: {  	v29 =	vor.u32 s5, v0;
	v21 =	vld.idx.msk [tilespmem:v21+s19+$0x0], $0xffff;
	v20 =	vmul.f32 v25, v20;
	v13 =	vadd.f32 $1.000000020e-16, v13  }
0x132: {  	(erf) = vrcp.f32 v26;
	v25 =	vld.idx.msk [tilespmem:v24+s1+$0x0], $0xffff  }
0x133: {  	v26 =	vpop (erf);
	[tilespmem:v15+s1+$0x0] =	vst.idx.msk $0xffff, v20;
	v15 =	vld [tilespmem:s0+$0xFFFFFFE0];
	(erf) = vrcp.f32 v13  }
0x134: {  	s17 =	simm.s32 $0xC0;
	v16 =	vmul.f32 v26, v16;
	v28 =	vld.idx.msk [tilespmem:v12+s19+$0x0], $0xffff;
	v12 =	vadd.f32 $1.000000020e-16, v19  }
0x135: {  	s16 =	simm.s32 $0x50;
	v30 =	vor.u32 s17, v0;
	v13 =	vld.idx.msk [tilespmem:v18+s19+$0x0], $0xffff  }
0x136: {  	v11 =	vor.u32 s16, v0;
	v20 =	vld.idx.msk [tilespmem:v29+s1+$0x0], $0xffff;
	[tilespmem:v23+s1+$0x0] =	vst.idx.msk $0xffff, v16;
	(erf) = vrcp.f32 v12  }
0x137: {  	v16 =	vld [tilespmem:s26+$0x10];
	v18 =	vadd.f32 $1.000000020e-16, v21  }
0x138: {  	v26 =	vld [tilespmem:s18+$0xFFFFFFF0];
	s18 =	simm.s32 $0x70  }
0x139: {  	v23 =	vld.idx.msk [tilespmem:v27+s19+$0x0], $0xffff;
	v31 =	vor.u32 s18, v0;
	v19 =	vadd.f32 $1.000000020e-16, v28  }
0x13a: {  	v27 =	vld.idx.msk [tilespmem:v30+s1+$0x0], $0xffff;
	(erf) = vrcp.f32 v18;
	v13 =	vadd.f32 $1.000000020e-16, v13  }
0x13b: {  	s23 =	simm.s32 $0x90;
	v12 =	vld.idx.msk [tilespmem:v11+s1+$0x0], $0xffff;
	v18 =	vpop (erf);
	(erf) = vrcp.f32 v19  }
0x13c: {  	v28 =	vld [tilespmem:s6+$0x0];
	v18 =	vmul.f32 v18, v22;
	v22 =	vpop (erf);
	(erf) = vrcp.f32 v13;
	v13 =	vor.u32 s23, v0  }
0x13d: {  	v15 =	vld.idx.msk [tilespmem:v15+s19+$0x0], $0xffff  }
0x13e: {  	s13 =	simm.s32 $0x100;
	s7 =	simm.s32 $0x120;
	v32 =	vld.idx.msk [tilespmem:v31+s1+$0x0], $0xffff  }
0x13f: {  	v19 =	vor.u32 s7, v0;
	v33 =	vld.idx.msk [tilespmem:v16+s19+$0x0], $0xffff;
	[tilespmem:v14+s1+$0x0] =	vst.idx.msk $0xffff, v18;
	v18 =	vor.u32 s13, v0;
	v21 =	vpop (erf)  }
0x140: {  	v22 =	vmul.f32 v22, v25;
	v25 =	vadd.f32 $1.000000020e-16, v23;
	v14 =	vmul.f32 v21, v20;
	v20 =	vld [tilespmem:s26+$0xFFFFFFF0]  }
0x141: {  	v16 =	vld.idx.msk [tilespmem:v13+s1+$0x0], $0xffff  }
0x142: {  	v35 =	vadd.f32 $1.000000020e-16, v15;
	(erf) = vrcp.f32 v25;
	[tilespmem:v29+s1+$0x0] =	vst.idx.msk $0xffff, v14;
	v29 =	vld.idx.msk [tilespmem:v26+s19+$0x0], $0xffff  }
0x143: {  	v23 =	vpop (erf);
	v21 =	vld [tilespmem:s2+$0x10]  }
0x144: {  	s28 =	simm.s32 $0xB0;
	v27 =	vmul.f32 v23, v27;
	v23 =	vld.idx.msk [tilespmem:v19+s1+$0x0], $0xffff;
	(erf) = vrcp.f32 v35  }
0x145: {  	[tilespmem:v24+s1+$0x0] =	vst.idx.msk $0xffff, v22;
	v22 =	vor.u32 s28, v0;
	v24 =	vadd.f32 $1.000000020e-16, v33;
	v25 =	vld.idx.msk [tilespmem:v18+s1+$0x0], $0xffff;
	v15 =	vpop (erf)  }
0x146: {  	s25 =	simm.s32 $0xD0;
	v26 =	vld.idx.msk [tilespmem:v28+s19+$0x0], $0xffff;
	v32 =	vmul.f32 v15, v32  }
0x147: {  	s26 =	simm.s32 $0x110;
	v14 =	vor.u32 s25, v0;
	[tilespmem:v30+s1+$0x0] =	vst.idx.msk $0xffff, v27;
	(erf) = vrcp.f32 v24;
	v27 =	vld.idx.msk [tilespmem:v34+s19+$0x0], $0xffff;
	v30 =	vpop (erf)  }
0x148: {  	s12 =	simm.s32 $0x120;
	s14 =	simm.s32 $0x51A0;
	s13 =	simm.s32 $0xA;
	v15 =	vor.u32 s26, v0;
	v24 =	vmul.f32 v30, v17;
	v17 =	vmovc v22;
	[tilespmem:v31+s1+$0x0] =	vst.idx.msk $0xffff, v32;
	v28 =	vadd.f32 $1.000000020e-16, v29  }
.LBB2_8:
0x149: {  	v29 =	vld [tilespmem:s14+$0x0]  }
0x14a: {  	s13 =	sadd.s32 $0x2, s13;
	v30 =	vld.idx.msk [tilespmem:v22+s1+$0x0], $0xffff;
	(erf) = vrcp.f32 v28;
	[tilespmem:v10+s1+$0x0] =	vst.idx.msk $0xffff, v24;
	v10 =	vmovc v11;
	v11 =	vmov v13;
	v13 =	vmov v14  }
0x14b: {  	s7 =	sadd.s32 $0x40, s7;
	v31 =	vmov v16;
	p3 =	slt.u32 s13, $0x13E;
	v14 =	vmov v15;
	v22 =	vpop (erf);
	v24 =	vld.idx.msk [tilespmem:v21+s19+$0x0], $0xffff  }
0x14c: {  	s15 =	sadd.s32 $0xFFFFFFE0, s7;
	s16 =	sadd.s32 $0xFFFFFFF0, s7;
	v32 =	vor.u32 s7, v0;
	v16 =	vadd.f32 $1.000000020e-16, v26;
	v28 =	vld [tilespmem:s14+$0xFFFFFFE0];
	v21 =	vmul.f32 v22, v23  }
0x14d: {  	v33 =	vor.u32 s15, v0;
	v15 =	vor.u32 s16, v0;
	v22 =	vpop (erf);
	v34 =	vld [tilespmem:s2+$0xFFFFFFF0];
	s2 =	smov.u32 s0;
	s0 =	smov.u32 s6;
	s6 =	smov.u32 s14  }
0x14e: {  	v23 =	vadd.f32 $1.000000020e-16, v27;
	(erf) = vrcp.f32 v16;
	v16 =	vmul.f32 v22, v25;
	[tilespmem:v19+s1+$0x0] =	vst.idx.msk $0xffff, v21;
	v35 =	vld.idx.msk [tilespmem:v20+s19+$0x0], $0xffff  }
0x14f: {  	v19 =	vmov v32;
	v21 =	vld [tilespmem:s2+$0x10]  }
.Ltmp5:
0x150: {  	s15 =	sadd.s32 $0x10, s5;
	s5 =	smov.u32 s12;
	(erf) = vrcp.f32 v23;
	[tilespmem:v18+s1+$0x0] =	vst.idx.msk $0xffff, v16;
	v16 =	vld.idx.msk [tilespmem:v13+s1+$0x0], $0xffff;
	v20 =	vpop (erf);
	v18 =	vmov v33;
	(pc) =	sbr.rel @p3 .LBB2_8-.Ltmp5, $4  }
0x151: {  	s12 =	smov.u32 s7;
	v22 =	vor.u32 s15, v0;
	v23 =	vld.idx.msk [tilespmem:v32+s1+$0x0], $0xffff;
	v32 =	vadd.f32 $1.000000020e-16, v24;
	v27 =	vmul.f32 v20, v30  }
0x152: {  	v26 =	vld.idx.msk [tilespmem:v29+s19+$0x0], $0xffff;
	v20 =	vmov v34  }
0x153: {  	v25 =	vld.idx.msk [tilespmem:v33+s1+$0x0], $0xffff;
	(erf) = vrcp.f32 v32;
	[tilespmem:v17+s1+$0x0] =	vst.idx.msk $0xffff, v27;
	v24 =	vpop (erf);
	v17 =	vmov v22  }
0x154: {  	s14 =	sadd.s32 $0x40, s14;
	v27 =	vld.idx.msk [tilespmem:v28+s19+$0x0], $0xffff;
	v28 =	vadd.f32 $1.000000020e-16, v35;
	v24 =	vmul.f32 v24, v12;
	v12 =	vmov v31  }
0x155: {  	_ =	sdelay $0x1  }
0x156: {  	v26 =	vadd.f32 $1.000000020e-16, v26  }
0x157: {  	s7 =	sadd.s32 $0x40, s7;
	(erf) = vrcp.f32 v28  }
0x158: {  	v60 =	vor.u32 s7, v0;
	v27 =	vadd.f32 $1.000000020e-16, v27;
	(erf) = vrcp.f32 v26  }
0x159: {  	s13 =	sadd.s32 $0xFFFFFFE0, s7  }
0x15a: {  	v61 =	vor.u32 s13, v0;
	(erf) = vrcp.f32 v27;
	_ =	sdelay $0x2  }
0x15b: {  	v62 =	vpop (erf);
	v29 =	vld.idx.msk [tilespmem:v60+s1+$0x0], $0xffff  }
0x15c: {  	v30 =	vpop (erf)  }
0x15d: {  	v31 =	vpop (erf);
	v32 =	vld.idx.msk [tilespmem:v61+s1+$0x0], $0xffff  }
0x15e: {  	v23 =	vmul.f32 v62, v23;
	v63 =	vpop (erf)  }
0x15f: {  	v33 =	vpop (erf)  }
0x160: {  	[tilespmem:v19+s1+$0x0] =	vst.idx.msk $0xffff, v23;
	v35 =	vmul.f32 v33, v29  }
0x161: {  	v36 =	vmul.f32 v30, v25;
	v37 =	vld [tilespmem:s0+$0x10];
	v38 =	vpop (erf)  }
0x162: {  	v39 =	vld [tilespmem:s2+$0xFFFFFFF0];
	[tilespmem:v60+s1+$0x0] =	vst.idx.msk $0xffff, v35;
	v40 =	vmul.f32 v38, v32  }
0x163: {  	[tilespmem:v18+s1+$0x0] =	vst.idx.msk $0xffff, v36;
	v41 =	vld [tilespmem:s6+$0x10]  }
0x164: {  	v23 =	vld [tilespmem:s0+$0xFFFFFFF0];
	[tilespmem:v61+s1+$0x0] =	vst.idx.msk $0xffff, v40  }
0x165: {  	v26 =	vld [tilespmem:s6+$0xFFFFFFF0];
	_ =	sdelay $0x1  }
0x166: {  	v21 =	vld.idx.msk [tilespmem:v21+s19+$0x0], $0xffff  }
0x167: {  	v20 =	vld.idx.msk [tilespmem:v20+s19+$0x0], $0xffff  }
0x168: {  	v25 =	vld.idx.msk [tilespmem:v37+s19+$0x0], $0xffff  }
0x169: {  	v19 =	vld.idx.msk [tilespmem:v39+s19+$0x0], $0xffff  }
0x16a: {  	v18 =	vld.idx.msk [tilespmem:v41+s19+$0x0], $0xffff  }
0x16b: {  	v21 =	vadd.f32 $1.000000020e-16, v21;
	v23 =	vld.idx.msk [tilespmem:v23+s19+$0x0], $0xffff  }
0x16c: {  	s23 =	sadd.s32 $0x10, s5;
	v20 =	vadd.f32 $1.000000020e-16, v20;
	v26 =	vld.idx.msk [tilespmem:v26+s19+$0x0], $0xffff  }
0x16d: {  	v42 =	vor.u32 s23, v0;
	(erf) = vrcp.f32 v21;
	v43 =	vadd.f32 $1.000000020e-16, v25  }
0x16e: {  	s25 =	sadd.s32 $0x10, s12;
	(erf) = vrcp.f32 v20;
	v19 =	vadd.f32 $1.000000020e-16, v19  }
0x16f: {  	v44 =	vor.u32 s25, v0;
	(erf) = vrcp.f32 v43;
	v18 =	vadd.f32 $1.000000020e-16, v18  }
0x170: {  	v45 =	vld.idx.msk [tilespmem:v22+s1+$0x0], $0xffff;
	s26 =	sadd.s32 $0x10, s7;
	v46 =	vadd.f32 $1.000000020e-16, v23;
	(erf) = vrcp.f32 v19  }
0x171: {  	v47 =	vor.u32 s26, v0;
	(erf) = vrcp.f32 v18;
	v48 =	vadd.f32 $1.000000020e-16, v26  }
0x172: {  	s28 =	sadd.s32 $0xFFFFFFF0, s7;
	v49 =	vld.idx.msk [tilespmem:v42+s1+$0x0], $0xffff;
	(erf) = vrcp.f32 v46  }
0x173: {  	v50 =	vor.u32 s28, v0;
	(erf) = vrcp.f32 v48  }
0x174: {  	v51 =	vld.idx.msk [tilespmem:v44+s1+$0x0], $0xffff  }
0x175: {  	v52 =	vld.idx.msk [tilespmem:v14+s1+$0x0], $0xffff;
	v21 =	vmul.f32 v31, v45  }
0x176: {  	[tilespmem:v10+s1+$0x0] =	vst.idx.msk $0xffff, v24;
	v10 =	vmul.f32 v63, v12;
	v53 =	vpop (erf);
	v54 =	vld.idx.msk [tilespmem:v47+s1+$0x0], $0xffff  }
0x177: {  	v56 =	vld.idx.msk [tilespmem:v15+s1+$0x0], $0xffff;
	[tilespmem:v17+s1+$0x0] =	vst.idx.msk $0xffff, v21;
	v55 =	vpop (erf);
	v57 =	vmul.f32 v53, v49  }
0x178: {  	[tilespmem:v11+s1+$0x0] =	vst.idx.msk $0xffff, v10;
	v10 =	vmul.f32 v55, v16;
	v11 =	vld.idx.msk [tilespmem:v50+s1+$0x0], $0xffff;
	v58 =	vpop (erf)  }
0x179: {  	[tilespmem:v42+s1+$0x0] =	vst.idx.msk $0xffff, v57;
	v59 =	vmul.f32 v58, v51;
	v60 =	vpop (erf)  }
0x17a: {  	[tilespmem:v13+s1+$0x0] =	vst.idx.msk $0xffff, v10;
	v10 =	vmul.f32 v60, v52;
	v61 =	vpop (erf)  }
0x17b: {  	[tilespmem:v44+s1+$0x0] =	vst.idx.msk $0xffff, v59;
	v12 =	vmul.f32 v61, v54;
	v62 =	vpop (erf)  }
0x17c: {  	[tilespmem:v14+s1+$0x0] =	vst.idx.msk $0xffff, v10;
	v10 =	vmul.f32 v62, v56;
	v63 =	vpop (erf)  }
0x17d: {  	[tilespmem:v47+s1+$0x0] =	vst.idx.msk $0xffff, v12;
	v11 =	vmul.f32 v63, v11  }
.Ltmp6:
0x17e: {  	s0 =	stileid.u32;
	[tilespmem:v15+s1+$0x0] =	vst.idx.msk $0xffff, v10;
	(pc) =	sbr.rel @!p0 .LBB2_10-.Ltmp6, $4  }
0x17f: {  	s0 =	sshll.u32 @!p2 s0, $0x6;
	[tilespmem:v50+s1+$0x0] =	vst.idx.msk $0xffff, v11  }
0x180: {  	s0 =	sor.u32 @!p2 $0x1C03, s0;
	s2 =	rddreg [dreg:$0xa]  }
0x181: {  	[dreg:$0x1a] =	wrdreg s0;
	s5 =	sshrl.u32 @p2 s2, $0x3;
	s2 =	sshrl.u32 @!p2 s2, $0x3  }
0x182: {  	s0 =	simm.s32 $0x0;
	[dreg:$0x19] =	wrdreg s2;
	s2 =	simm.s32 $0x100  }
.LBB2_22:
0x183: {  	p3 =	sne.s32 s2, $0x7F00;
	[tilespmem:s0+$0x12080] =	vst v6;
	s6 =	smov.u32 s2;
	s2 =	sadd.s32 $0x100, s2  }
.Ltmp7:
0x184: {  	[tilespmem:s0+$0x12070] =	vst v6;
	(pc) =	sbr.rel @p3 .LBB2_22-.Ltmp7, $3  }
0x185: {  	[tilespmem:s0+$0x12050] =	vst v6  }
0x186: {  	[tilespmem:s0+$0x12060] =	vst v6;
	_ =	sdelay $0x1  }
0x187: {  	s0 =	sshra.s32 s6, $0x2  }
0x188: {  	[tilespmem:s0+$0x12080] =	vst v6  }
0x189: {  	[tilespmem:s0+$0x12070] =	vst v6  }
0x18a: {  	[tilespmem:s0+$0x12050] =	vst v6  }
0x18b: {  	[tilespmem:s0+$0x12060] =	vst v6;
	s15 =	rddreg [dreg:$0xa]  }
0x18c: {  	[spmem:s15] =	stream.linear.scatter [tilespmem:s20], [sflag:$0x3], $0x2000, $0x38;
	[tilespmem:$0x1E3F0] =	vst v63  }
0x18d: {  	_ =	swait.ge [sflag:s30], $0x2000  }
0x18e: {  	[sflag:s30] =	ssyncset.done $0x0  }
0x18f: {  	s16 =	rddreg [dreg:$0xc];
	[sflag:s30] =	ssyncadd.s32 $0xFFFFE000  }
0x190: {  	[spmem:s16] =	stream.linear.scatter [tilespmem:s20], [sflag:$0x3], $0x2000, $0x38;
	[tilespmem:$0x1E3F0] =	vst v63  }
0x191: {  	_ =	swait.ge [sflag:s30], $0x2000  }
0x192: {  	[sflag:s30] =	ssyncset.done $0x0  }
0x193: {  	s17 =	rddreg [dreg:$0xd];
	[sflag:s30] =	ssyncadd.s32 $0xFFFFE000  }
0x194: {  	[spmem:s17] =	stream.linear.scatter [tilespmem:s20], [sflag:$0x3], $0x2000, $0x38;
	[tilespmem:$0x1E3F0] =	vst v63  }
0x195: {  	_ =	swait.ge [sflag:s30], $0x2000  }
0x196: {  	[sflag:s30] =	ssyncset.done $0x0  }
0x197: {  	s18 =	rddreg [dreg:$0x16];
	[sflag:s30] =	ssyncadd.s32 $0xFFFFE000  }
0x198: {  	[spmem:s18] =	stream.linear.scatter [tilespmem:s20], [sflag:$0x3], $0x2000, $0x38;
	[tilespmem:$0x1E3F0] =	vst v63  }
0x199: {  	_ =	swait.ge [sflag:s30], $0x2000  }
0x19a: {  	[sflag:s30] =	ssyncset.done $0x0  }
0x19b: {  	s23 =	rddreg [dreg:$0x17];
	[sflag:s30] =	ssyncadd.s32 $0xFFFFE000  }
0x19c: {  	[spmem:s23] =	stream.linear.scatter [tilespmem:s20], [sflag:$0x3], $0x2000, $0x38;
	[tilespmem:$0x1E3F0] =	vst v63  }
0x19d: {  	_ =	swait.ge [sflag:s30], $0x2000  }
0x19e: {  	[sflag:s30] =	ssyncset.done $0x0  }
0x19f: {  	[sflag:s30] =	ssyncadd.s32 $0xFFFFE000  }
0x1a0: {  	s25 =	simm.s32 $0x7800;
	s2 =	simm.s32 $0xF050;
	[bflag:$0x0] =	sbarrier.arrive $0xFFFF  }
0x1a1: {  	[tilespmem:s2], [sflag:$0x1] =	stream.indirect.gather [hbm4b:s10+s21], $0x20, s25, s21, $0xb8;
	[tilespmem:$0x1E3F0] =	vst v63  }
0x1a2: {  	s26 =	simm.s32 $0x7820;
	s28 =	simm.s32 $0xF450  }
0x1a3: {  	[tilespmem:s28], [sflag:$0x1] =	stream.indirect.gather [hbm4b:s10+s21], $0x20, s26, s21, $0xb8;
	[tilespmem:$0x1E3F0] =	vst v63  }
0x1a4: {  	s6 =	simm.s32 $0xF850;
	s2 =	simm.s32 $0x7840  }
0x1a5: {  	[tilespmem:s6], [sflag:$0x1] =	stream.indirect.gather [hbm4b:s10+s21], $0x20, s2, s21, $0xb8;
	[tilespmem:$0x1E3F0] =	vst v63  }
0x1a6: {  	s7 =	simm.s32 $0x7860;
	s12 =	simm.s32 $0xFC50  }
0x1a7: {  	[tilespmem:s12], [sflag:$0x1] =	stream.indirect.gather [hbm4b:s10+s21], $0x20, s7, s21, $0xb8;
	[tilespmem:$0x1E3F0] =	vst v63  }
0x1a8: {  	s13 =	simm.s32 $0x7880;
	s14 =	simm.s32 $0x10050  }
0x1a9: {  	[tilespmem:s14], [sflag:$0x1] =	stream.indirect.gather [hbm4b:s10+s21], $0x20, s13, s21, $0xb8;
	[tilespmem:$0x1E3F0] =	vst v63  }
0x1aa: {  	s15 =	simm.s32 $0x78A0;
	s16 =	simm.s32 $0x10450;
	s17 =	simm.s32 $0x78C0  }
0x1ab: {  	[tilespmem:s16], [sflag:$0x1] =	stream.indirect.gather [hbm4b:s10+s21], $0x20, s15, s21, $0xb8;
	[tilespmem:$0x1E3F0] =	vst v63  }
0x1ac: {  	s18 =	simm.s32 $0x10850;
	s23 =	simm.s32 $0x78E0;
	s25 =	simm.s32 $0x10C50  }
0x1ad: {  	[tilespmem:s18], [sflag:$0x1] =	stream.indirect.gather [hbm4b:s10+s21], $0x20, s17, s21, $0xb8;
	[tilespmem:$0x1E3F0] =	vst v63  }
0x1ae: {  	s26 =	simm.s32 $0x7900;
	s28 =	simm.s32 $0x11050;
	s6 =	simm.s32 $0x0  }
0x1af: {  	[tilespmem:s25], [sflag:$0x1] =	stream.indirect.gather [hbm4b:s10+s21], $0x20, s23, s21, $0xb8;
	[tilespmem:$0x1E3F0] =	vst v63  }
0x1b0: {  	s12 =	simm.s32 $0x0;
	s7 =	simm.s32 $0x0;
	s13 =	simm.s32 $0x0  }
0x1b1: {  	[tilespmem:s28], [sflag:$0x1] =	stream.indirect.gather [hbm4b:s10+s21], $0x20, s26, s21, $0xb8;
	[tilespmem:$0x1E3F0] =	vst v63  }
.LBB2_24:
0x1b2: {  	p3 =	slt.u32 s13, $0x2  }
0x1b3: {  	s0 =	simm.s32 @!p3 $0x2  }
0x1b4: {  	p4 =	sgt.u32 @!p3 s13, $0x136;
	_ =	swait.ge @!p3 [sflag:s0], $0x800  }
0x1b5: {  	p4 =	por p3, !p4;
	[sflag:s0] =	ssyncset.done @!p3 $0x0  }
0x1b6: {  	[sflag:s0] =	ssyncadd.s32 @!p3 $0xFFFFF800;
	s0 =	sadd.s32 @p4 $0x9, s13  }
0x1b7: {  	s2 =	smul.u32 @p4 $0xAAAB, s0;
	_ =	sdelay $0x1  }
0x1b8: {  	s2 =	sshrl.u32 @p4 s2, $0x11  }
0x1b9: {  	s2 =	sand.u32 @p4 $0xC, s2  }
0x1ba: {  	s2 =	sadd.s32 @p4 s2, s0  }
0x1bb: {  	s0 =	sshll.u32 @p4 s0, $0x5;
	s2 =	sshll.u32 @p4 s2, $0xA  }
0x1bc: {  	s0 =	sand.u32 @p4 $0x3FFFFFE0, s0;
	s2 =	sand.u32 @p4 $0x3C00, s2  }
0x1bd: {  	s25 =	sand.u32 $0x3, s7;
	s0 =	sadd.s32 @p4 $0x7800, s0;
	s2 =	sadd.s32 @p4 $0xF050, s2  }
0x1be: {  	[tilespmem:s2], [sflag:$0x1] =	stream.indirect.gather @p4 [hbm4b:s10+s21], $0x20, s0, s21, $0xb8;
	[tilespmem:$0x1E3F0] =	vst v63  }
0x1bf: {  	s26 =	sand.u32 $0xFFFF, s6;
	s2 =	sshll.u32 s25, $0x5  }
0x1c0: {  	s0 =	smul.u32 $0xAAAB, s26;
	s14 =	sadd.s32 $0xFFFFFFFC, s2  }
0x1c1: {  	s25 =	sshll.u32 s13, $0x5;
	s15 =	sadd.s32 $0x7, s14  }
0x1c2: {  	s16 =	sand.u32 $0xFFFFFF80, s25;
	s0 =	sshrl.u32 s0, $0x13;
	s17 =	sadd.s32 $0x5, s14;
	v11 =	vmov s15  }
0x1c3: {  	v10 =	vmov s16;
	s0 =	smul.u32 $0x180, s0;
	v13 =	vmov s17;
	v11 =	vand.u32 $0x7F, v11  }
0x1c4: {  	v13 =	vand.u32 $0x7D, v13;
	v11 =	vor.u32 v10, v11  }
0x1c5: {  	s28 =	sadd.s32 $0x4, s14;
	s0 =	ssub.s32 s12, s0;
	v13 =	vor.u32 v10, v13;
	v11 =	vbroadcast v11, $0x0  }
0x1c6: {  	_ =	swait.ge [sflag:s22], $0x400;
	v12 =	vmov s28;
	s0 =	sand.u32 $0xFFFF, s0;
	v13 =	vbroadcast v13, $0x0  }
0x1c7: {  	s14 =	sadd.s32 $0x6, s14;
	[sflag:s22] =	ssyncset.done $0x0;
	v12 =	vand.u32 $0x7C, v12;
	s0 =	sshll.u32 s0, $0x5  }
0x1c8: {  	v14 =	vmov s14;
	[sflag:s22] =	ssyncadd.s32 $0xFFFFFC00;
	v12 =	vor.u32 v10, v12;
	s0 =	sadd.s32 $0xF090, s0  }
0x1c9: {  	v14 =	vand.u32 $0x7E, v14;
	v12 =	vbroadcast v12, $0x0;
	v15 =	vld [tilespmem:s0+$0x20]  }
0x1ca: {  	v14 =	vor.u32 v10, v14;
	v19 =	vld [tilespmem:s0+$0xFFFFFFE0]  }
0x1cb: {  	s16 =	sshll.u32 s28, $0x6;
	v14 =	vbroadcast v14, $0x0;
	v16 =	vld.idx.msk [tilespmem:v11+s1+$0x0], $0xffff  }
0x1cc: {  	s15 =	sshll.u32 s15, $0x6;
	s17 =	sshll.u32 s17, $0x6;
	v17 =	vor.u32 s16, v3;
	v13 =	vld.idx.msk [tilespmem:v13+s1+$0x0], $0xffff  }
0x1cd: {  	s14 =	sshll.u32 s14, $0x6;
	v18 =	vor.u32 s16, v7;
	v20 =	vor.u32 s15, v3;
	v21 =	vor.u32 s17, v3;
	v23 =	vld [tilespmem:s0+$0x0]  }
0x1ce: {  	v22 =	vor.u32 s17, v7;
	v24 =	vor.u32 s15, v7;
	v25 =	vor.u32 s14, v3;
	v11 =	vld [tilespmem:s0+$0xFFFFFFC0]  }
0x1cf: {  	v26 =	vor.u32 s14, v7;
	v29 =	vor.u32 s16, v8;
	v27 =	vld.idx.msk [tilespmem:v12+s1+$0x0], $0xffff;
	v12 =	vunpack.i.l.bf16.f32 v15  }
0x1d0: {  	v31 =	vunpack.i.u.bf16.f32 v19;
	v19 =	vunpack.i.l.bf16.f32 v19;
	v12 =	vmul.f32 v12, v16  }
0x1d1: {  	v30 =	vor.u32 s16, v9;
	v14 =	vld.idx.msk [tilespmem:v14+s1+$0x0], $0xffff;
	v15 =	vunpack.i.u.bf16.f32 v15;
	v19 =	vmul.f32 v19, v13  }
0x1d2: {  	v32 =	vor.u32 s17, v8;
	v38 =	vor.u32 s17, v9;
	v15 =	vmul.f32 v15, v16;
	[tilespmem:v20+s20+$0x0] =	vst.idx.msk $0xffff, v12  }
0x1d3: {  	s17 =	sadd.s32 $0x0, s2;
	v28 =	vunpack.i.u.bf16.f32 v11;
	v11 =	vunpack.i.l.bf16.f32 v11;
	v31 =	vmul.f32 v31, v13;
	[tilespmem:v21+s20+$0x0] =	vst.idx.msk $0xffff, v19  }
0x1d4: {  	s16 =	sadd.s32 $0x6, s17;
	v20 =	vunpack.i.u.bf16.f32 v23;
	v23 =	vunpack.i.l.bf16.f32 v23;
	[tilespmem:v24+s20+$0x0] =	vst.idx.msk $0xffff, v15;
	v15 =	vmul.f32 v11, v27  }
0x1d5: {  	v12 =	vor.u32 s14, v8;
	v19 =	vor.u32 s15, v9;
	v21 =	vmov s16;
	[tilespmem:v22+s20+$0x0] =	vst.idx.msk $0xffff, v31  }
0x1d6: {  	s23 =	sadd.s32 $0x4, s17;
	s26 =	sadd.s32 $0x7, s17;
	v24 =	vmul.f32 v28, v27;
	v11 =	vor.u32 s14, v9;
	v28 =	vld [tilespmem:s0+$0x30];
	[tilespmem:v17+s20+$0x0] =	vst.idx.msk $0xffff, v15;
	v15 =	vmul.f32 v23, v14  }
0x1d7: {  	s18 =	sadd.s32 $0x5, s17;
	v34 =	vld [tilespmem:s0+$0xFFFFFFF0];
	v17 =	vmul.f32 v20, v14;
	v20 =	vmov s23;
	v23 =	vmov s26  }
0x1d8: {  	s26 =	sshll.u32 s26, $0x6;
	[tilespmem:v18+s20+$0x0] =	vst.idx.msk $0xffff, v24;
	v18 =	vor.u32 s15, v8;
	v24 =	vmov s18;
	v23 =	vand.u32 $0x7F, v23  }
0x1d9: {  	s14 =	sshll.u32 s23, $0x6;
	v20 =	vand.u32 $0x7C, v20;
	v44 =	vor.u32 s26, v3;
	v23 =	vor.u32 v10, v23  }
0x1da: {  	s23 =	sshll.u32 s18, $0x6;
	v45 =	vor.u32 s26, v7;
	[tilespmem:v25+s20+$0x0] =	vst.idx.msk $0xffff, v15;
	v25 =	vor.u32 s14, v7;
	v33 =	vbroadcast v23, $0x0  }
0x1db: {  	[tilespmem:v26+s20+$0x0] =	vst.idx.msk $0xffff, v17;
	v26 =	vor.u32 s14, v3;
	v23 =	vor.u32 s23, v3;
	v22 =	vunpack.i.l.bf16.f32 v28  }
0x1dc: {  	v31 =	vld [tilespmem:s0+$0xFFFFFFD0];
	v15 =	vunpack.i.u.bf16.f32 v28;
	v40 =	vunpack.i.u.bf16.f32 v34;
	v34 =	vunpack.i.l.bf16.f32 v34  }
0x1dd: {  	v28 =	vmul.f32 v22, v16;
	v22 =	vand.u32 $0x7D, v24;
	v15 =	vmul.f32 v15, v16  }
0x1de: {  	v16 =	vor.u32 v10, v20;
	v20 =	vand.u32 $0x7E, v21;
	v24 =	vld [tilespmem:s0+$0x10];
	s0 =	sadd.s32 $0x80, s0;
	v40 =	vmul.f32 v40, v13  }
0x1df: {  	s28 =	sshll.u32 s16, $0x6;
	v17 =	vor.u32 v10, v22;
	v35 =	vbroadcast v16, $0x0;
	v16 =	vor.u32 v10, v20;
	v37 =	vld [tilespmem:s0+$0x20]  }
0x1e0: {  	v21 =	vor.u32 s28, v3;
	v36 =	vbroadcast v17, $0x0;
	v20 =	vbroadcast v16, $0x0;
	v16 =	vld.idx.msk [tilespmem:v33+s1+$0x0], $0xffff  }
0x1e1: {  	v22 =	vor.u32 s23, v7;
	v39 =	vld [tilespmem:s0+$0xFFFFFFC0];
	v17 =	vor.u32 s28, v7;
	v63 =	vunpack.i.u.bf16.f32 v31  }
0x1e2: {  	v42 =	vld [tilespmem:s0+$0xFFFFFFE0];
	v31 =	vunpack.i.l.bf16.f32 v31;
	[tilespmem:v18+s20+$0x0] =	vst.idx.msk $0xffff, v28;
	v18 =	vmul.f32 v34, v13;
	v13 =	vor.u32 s14, v8  }
0x1e3: {  	v43 =	vld [tilespmem:s0+$0x0];
	v31 =	vmul.f32 v31, v27;
	[tilespmem:v19+s20+$0x0] =	vst.idx.msk $0xffff, v15;
	v41 =	vunpack.i.u.bf16.f32 v24;
	v24 =	vunpack.i.l.bf16.f32 v24  }
0x1e4: {  	v27 =	vmul.f32 v63, v27;
	[tilespmem:v32+s20+$0x0] =	vst.idx.msk $0xffff, v18;
	v28 =	vmul.f32 v24, v14;
	v19 =	vunpack.i.l.bf16.f32 v37  }
0x1e5: {  	[tilespmem:v29+s20+$0x0] =	vst.idx.msk $0xffff, v31;
	v24 =	vmul.f32 v41, v14;
	v15 =	vld.idx.msk [tilespmem:v35+s1+$0x0], $0xffff;
	v19 =	vmul.f32 v19, v16  }
0x1e6: {  	v14 =	vor.u32 s14, v9;
	v31 =	vunpack.i.u.bf16.f32 v39;
	v29 =	vunpack.i.u.bf16.f32 v37;
	[tilespmem:v30+s20+$0x0] =	vst.idx.msk $0xffff, v27;
	v18 =	vld.idx.msk [tilespmem:v36+s1+$0x0], $0xffff  }
0x1e7: {  	v27 =	vunpack.i.l.bf16.f32 v39;
	v33 =	vunpack.i.u.bf16.f32 v42;
	v37 =	vmul.f32 v29, v16;
	[tilespmem:v44+s20+$0x0] =	vst.idx.msk $0xffff, v19;
	v19 =	vld.idx.msk [tilespmem:v20+s1+$0x0], $0xffff  }
0x1e8: {  	v32 =	vunpack.i.u.bf16.f32 v43;
	v34 =	vunpack.i.l.bf16.f32 v43;
	v30 =	vor.u32 s23, v9  }
0x1e9: {  	v35 =	vunpack.i.l.bf16.f32 v42;
	v29 =	vor.u32 s28, v8;
	v20 =	vor.u32 s23, v8;
	[tilespmem:v45+s20+$0x0] =	vst.idx.msk $0xffff, v37  }
0x1ea: {  	s17 =	simm.s32 $0x4;
	s16 =	sand.u32 $0x3, s13;
	[tilespmem:v38+s20+$0x0] =	vst.idx.msk $0xffff, v40;
	v37 =	vmul.f32 v27, v15;
	v36 =	vmul.f32 v31, v15;
	v27 =	vor.u32 s28, v9;
	v31 =	vld [tilespmem:s0+$0x30]  }
.LBB2_25:
0x1eb: {  	s18 =	sadd.s32 s17, s2;
	v35 =	vmul.f32 v35, v18;
	v33 =	vmul.f32 v33, v18;
	[tilespmem:v12+s20+$0x0] =	vst.idx.msk $0xffff, v28;
	v38 =	vmov v30  }
0x1ec: {  	v28 =	vmul.f32 v32, v19;
	v12 =	vmov v29;
	s14 =	sadd.s32 $0x4, s18;
	s23 =	sadd.s32 $0x5, s18;
	s15 =	sadd.s32 $0x7, s18;
	[tilespmem:v26+s20+$0x0] =	vst.idx.msk $0xffff, v37;
	v26 =	vmul.f32 v34, v19  }
0x1ed: {  	s17 =	sadd.s32 $0x4, s17;
	s18 =	sadd.s32 $0x6, s18;
	v29 =	vmov s14;
	s14 =	sshll.u32 s14, $0x6;
	v30 =	vmov s15;
	[tilespmem:v25+s20+$0x0] =	vst.idx.msk $0xffff, v36;
	v25 =	vor.u32 s26, v8  }
0x1ee: {  	p3 =	slt.u32 s17, $0x1C;
	v32 =	vmov s23;
	s23 =	sshll.u32 s23, $0x6;
	s28 =	sshll.u32 s18, $0x6;
	v30 =	vand.u32 $0x7F, v30;
	v34 =	vld [tilespmem:s0+$0xFFFFFFD0];
	[tilespmem:v23+s20+$0x0] =	vst.idx.msk $0xffff, v35;
	v23 =	vor.u32 s26, v9  }
0x1ef: {  	v35 =	vmov s18;
	v30 =	vor.u32 v10, v30;
	[tilespmem:v22+s20+$0x0] =	vst.idx.msk $0xffff, v33;
	v22 =	vunpack.i.l.bf16.f32 v31  }
0x1f0: {  	v30 =	vbroadcast v30, $0x0;
	v33 =	vld [tilespmem:s0+$0xFFFFFFF0];
	[tilespmem:v21+s20+$0x0] =	vst.idx.msk $0xffff, v26;
	v21 =	vunpack.i.u.bf16.f32 v31;
	v22 =	vmul.f32 v22, v16  }
0x1f1: {  	v26 =	vand.u32 $0x7C, v29;
	v29 =	vand.u32 $0x7D, v32;
	[tilespmem:v17+s20+$0x0] =	vst.idx.msk $0xffff, v28;
	v16 =	vmul.f32 v21, v16  }
0x1f2: {  	v17 =	vor.u32 v10, v26;
	v21 =	vor.u32 v10, v29;
	v26 =	vand.u32 $0x7E, v35;
	v28 =	vld [tilespmem:s0+$0x10];
	[tilespmem:v25+s20+$0x0] =	vst.idx.msk $0xffff, v22  }
0x1f3: {  	v29 =	vbroadcast v17, $0x0;
	v31 =	vbroadcast v21, $0x0;
	v17 =	vor.u32 v10, v26;
	[tilespmem:v23+s20+$0x0] =	vst.idx.msk $0xffff, v16  }
0x1f4: {  	v26 =	vor.u32 s14, v3;
	v25 =	vor.u32 s14, v7;
	s0 =	sadd.s32 $0x80, s0;
	v32 =	vbroadcast v17, $0x0;
	[tilespmem:v11+s20+$0x0] =	vst.idx.msk $0xffff, v24;
	v11 =	vmovc v27  }
0x1f5: {  	v22 =	vor.u32 s23, v7;
	v21 =	vor.u32 s28, v3;
	v23 =	vor.u32 s23, v3;
	v27 =	vld [tilespmem:s0+$0x20]  }
0x1f6: {  	v17 =	vor.u32 s28, v7;
	v24 =	vunpack.i.u.bf16.f32 v34;
	v16 =	vld.idx.msk [tilespmem:v30+s1+$0x0], $0xffff;
	v30 =	vunpack.i.l.bf16.f32 v34  }
0x1f7: {  	v35 =	vunpack.i.u.bf16.f32 v33;
	v33 =	vunpack.i.l.bf16.f32 v33;
	v34 =	vld [tilespmem:s0+$0xFFFFFFC0];
	v36 =	vunpack.i.u.bf16.f32 v28  }
0x1f8: {  	s26 =	sshll.u32 s15, $0x6;
	v39 =	vmul.f32 v24, v15;
	v30 =	vmul.f32 v30, v15;
	v24 =	vunpack.i.l.bf16.f32 v28;
	v37 =	vld [tilespmem:s0+$0xFFFFFFE0]  }
0x1f9: {  	v41 =	vor.u32 s26, v3;
	v42 =	vmul.f32 v33, v18;
	v43 =	vmul.f32 v35, v18;
	v40 =	vld [tilespmem:s0+$0x0]  }
0x1fa: {  	v44 =	vor.u32 s26, v7;
	v28 =	vmul.f32 v24, v19;
	v24 =	vmul.f32 v36, v19;
	v15 =	vld.idx.msk [tilespmem:v29+s1+$0x0], $0xffff  }
0x1fb: {  	v29 =	vor.u32 s14, v9;
	v18 =	vld.idx.msk [tilespmem:v31+s1+$0x0], $0xffff;
	v31 =	vunpack.i.l.bf16.f32 v27;
	[tilespmem:v13+s20+$0x0] =	vst.idx.msk $0xffff, v30;
	v13 =	vor.u32 s14, v8  }
.Ltmp8:
0x1fc: {  	v27 =	vunpack.i.u.bf16.f32 v27;
	v36 =	vunpack.i.u.bf16.f32 v34;
	v19 =	vld.idx.msk [tilespmem:v32+s1+$0x0], $0xffff;
	v30 =	vmul.f32 v31, v16;
	[tilespmem:v14+s20+$0x0] =	vst.idx.msk $0xffff, v39;
	(pc) =	sbr.rel @p3 .LBB2_25-.Ltmp8, $4  }
0x1fd: {  	v31 =	vunpack.i.l.bf16.f32 v34;
	v27 =	vmul.f32 v27, v16;
	v14 =	vmovc v29;
	v33 =	vunpack.i.u.bf16.f32 v37;
	[tilespmem:v20+s20+$0x0] =	vst.idx.msk $0xffff, v42  }
0x1fe: {  	v35 =	vunpack.i.l.bf16.f32 v37;
	v32 =	vunpack.i.u.bf16.f32 v40;
	v34 =	vunpack.i.l.bf16.f32 v40;
	[tilespmem:v41+s20+$0x0] =	vst.idx.msk $0xffff, v30  }
0x1ff: {  	v29 =	vor.u32 s28, v8;
	v20 =	vor.u32 s23, v8;
	v30 =	vor.u32 s23, v9;
	[tilespmem:v44+s20+$0x0] =	vst.idx.msk $0xffff, v27  }
0x200: {  	v37 =	vmul.f32 v31, v15;
	v36 =	vmul.f32 v36, v15;
	v27 =	vor.u32 s28, v9;
	v31 =	vld [tilespmem:s0+$0x30];
	[tilespmem:v38+s20+$0x0] =	vst.idx.msk $0xffff, v43  }
0x201: {  	_ =	sdelay $0x3  }
0x202: {  	v10 =	vmul.f32 v35, v18;
	[tilespmem:v26+s20+$0x0] =	vst.idx.msk $0xffff, v37  }
0x203: {  	v52 =	vmul.f32 v33, v18;
	[tilespmem:v25+s20+$0x0] =	vst.idx.msk $0xffff, v36  }
0x204: {  	v53 =	vmul.f32 v34, v19;
	v54 =	vor.u32 s26, v8;
	[tilespmem:v23+s20+$0x0] =	vst.idx.msk $0xffff, v10;
	v55 =	vld [tilespmem:s0+$0xFFFFFFD0]  }
0x205: {  	v56 =	vor.u32 s26, v9;
	v10 =	vmul.f32 v32, v19;
	[tilespmem:v22+s20+$0x0] =	vst.idx.msk $0xffff, v52  }
0x206: {  	[tilespmem:v21+s20+$0x0] =	vst.idx.msk $0xffff, v53;
	v57 =	vunpack.i.l.bf16.f32 v31;
	v26 =	vld [tilespmem:s0+$0xFFFFFFF0]  }
0x207: {  	v58 =	vunpack.i.u.bf16.f32 v31;
	[tilespmem:v17+s20+$0x0] =	vst.idx.msk $0xffff, v10;
	v22 =	vmul.f32 v57, v16  }
0x208: {  	[tilespmem:v12+s20+$0x0] =	vst.idx.msk $0xffff, v28;
	v10 =	vmul.f32 v58, v16;
	v59 =	vld [tilespmem:s0+$0x10]  }
0x209: {  	[tilespmem:v54+s20+$0x0] =	vst.idx.msk $0xffff, v22;
	v60 =	vunpack.i.l.bf16.f32 v55  }
0x20a: {  	[tilespmem:v56+s20+$0x0] =	vst.idx.msk $0xffff, v10;
	v10 =	vunpack.i.u.bf16.f32 v55;
	v16 =	vmul.f32 v60, v15  }
0x20b: {  	[tilespmem:v11+s20+$0x0] =	vst.idx.msk $0xffff, v24;
	v11 =	vunpack.i.l.bf16.f32 v26;
	v10 =	vmul.f32 v10, v15  }
0x20c: {  	s13 =	sadd.s32 $0x1, s13;
	v61 =	vunpack.i.u.bf16.f32 v26;
	v11 =	vmul.f32 v11, v18;
	[tilespmem:v13+s20+$0x0] =	vst.idx.msk $0xffff, v16  }
0x20d: {  	p3 =	sne.s32 s13, $0x140;
	v62 =	vunpack.i.l.bf16.f32 v59;
	v15 =	vmul.f32 v61, v18;
	[tilespmem:v14+s20+$0x0] =	vst.idx.msk $0xffff, v10  }
.Ltmp9:
0x20e: {  	v63 =	vmul.f32 v62, v19;
	v10 =	vunpack.i.u.bf16.f32 v59;
	[tilespmem:v20+s20+$0x0] =	vst.idx.msk $0xffff, v11;
	(pc) =	sbr.rel @p3 .LBB2_24-.Ltmp9, $4  }
0x20f: {  	s28 =	sshll.u32 s16, $0xB;
	v10 =	vmul.f32 v10, v19;
	[tilespmem:v30+s20+$0x0] =	vst.idx.msk $0xffff, v15  }
0x210: {  	s2 =	sand.u32 $0x3FFFFFE0, s25;
	s7 =	sadd.s32 $0x1, s7;
	s12 =	sadd.s32 $0x20, s12;
	[tilespmem:v29+s20+$0x0] =	vst.idx.msk $0xffff, v63  }
0x211: {  	s6 =	sadd.s32 $0x1, s6;
	s2 =	sadd.s32 $0x5000, s2;
	s0 =	sor.u32 $0x12050, s28;
	[tilespmem:v27+s20+$0x0] =	vst.idx.msk $0xffff, v10  }
0x212: {  	[spmem:s3] =	stream.indirect.scatter.add.f32 [tilespmem:s0], [sflag:$0x2], $0x40, s2, s21, $0xb8;
	[tilespmem:$0x1E3F0] =	vst v63  }
0x213: {  	_ =	swait.ge [sflag:s24], $0x800  }
0x214: {  	[sflag:s24] =	ssyncset.done $0x0  }
0x215: {  	[sflag:s24] =	ssyncadd.s32 $0xFFFFF800  }
0x216: {  	_ =	swait.ge [sflag:s24], $0x800  }
0x217: {  	[sflag:s24] =	ssyncset.done $0x0  }
0x218: {  	[sflag:s24] =	ssyncadd.s32 $0xFFFFF800  }
0x219: {  	s0 =	simm.s32 @p2 $0x1;
	s2 =	simm.s32 @p2 $0x20;
	[bflag:$0x0] =	sbarrier.arrive $0xFFFF  }
0x21a: {  	s6 =	simm.s32 @p2 $0x8;
	s7 =	simm.s32 @p2 $0x1FC3;
	s12 =	rddreg [dreg:$0x12]  }
0x21b: {  	[hbm:s12@s2], [sflag:s7] =	dma.strided @p2 [spmem:s5@s6], $0xC80, s0, $0x8   }
0x21c: {  	s0 =	simm.s32 @p2 $0x3  }
0x21d: {  	_ =	swait.ge @p2 [sflag:s0], $0xC80  }
0x21e: {  	s2 =	simm.s32 @!p2 $0x20;
	s7 =	rddreg [dreg:$0x11]  }
0x21f: {  	s6 =	simm.s32 @!p2 $0x8;
	[sflag:s0] =	ssyncset.done @p2 $0x0;
	s12 =	rddreg [dreg:$0x19]  }
0x220: {  	s13 =	rddreg [dreg:$0x1a];
	[sflag:s0] =	ssyncadd.s32 @p2 $0xFFFFF380;
	s0 =	simm.s32 @!p2 $0x1  }
0x221: {  	[hbm:s7@s2], [sflag:s13] =	dma.strided @!p2 [spmem:s12@s6], $0x1400, s0, $0x8   }
0x222: {  	s0 =	simm.s32 @!p2 $0x3  }
0x223: {  	_ =	swait.ge @!p2 [sflag:s0], $0x1400  }
0x224: {  	[sflag:s0] =	ssyncset.done @!p2 $0x0  }
0x225: {  	[sflag:s0] =	ssyncadd.s32 @!p2 $0xFFFFEC00  }
0x226: {  	s2 =	simm.s32 $0x100;
	s0 =	simm.s32 $0x0;
	[bflag:$0x0] =	sbarrier.arrive $0xFFFF  }
.LBB2_28:
0x227: {  	p3 =	sne.s32 s2, $0x7F00;
	[tilespmem:s0+$0x12080] =	vst v6;
	s6 =	smov.u32 s2;
	s2 =	sadd.s32 $0x100, s2  }
.Ltmp10:
0x228: {  	[tilespmem:s0+$0x12070] =	vst v6;
	(pc) =	sbr.rel @p3 .LBB2_28-.Ltmp10, $3  }
0x229: {  	[tilespmem:s0+$0x12050] =	vst v6  }
0x22a: {  	[tilespmem:s0+$0x12060] =	vst v6;
	_ =	sdelay $0x1  }
0x22b: {  	s0 =	sshra.s32 s6, $0x2  }
0x22c: {  	[tilespmem:s0+$0x12080] =	vst v6  }
0x22d: {  	[tilespmem:s0+$0x12070] =	vst v6  }
0x22e: {  	[tilespmem:s0+$0x12050] =	vst v6  }
0x22f: {  	[tilespmem:s0+$0x12060] =	vst v6;
	s15 =	rddreg [dreg:$0xa]  }
0x230: {  	[spmem:s15] =	stream.linear.scatter [tilespmem:s20], [sflag:$0x3], $0x2000, $0x38;
	[tilespmem:$0x1E3F0] =	vst v63  }
0x231: {  	_ =	swait.ge [sflag:s30], $0x2000  }
0x232: {  	[sflag:s30] =	ssyncset.done $0x0  }
0x233: {  	s16 =	rddreg [dreg:$0xc];
	[sflag:s30] =	ssyncadd.s32 $0xFFFFE000  }
0x234: {  	[spmem:s16] =	stream.linear.scatter [tilespmem:s20], [sflag:$0x3], $0x2000, $0x38;
	[tilespmem:$0x1E3F0] =	vst v63  }
0x235: {  	_ =	swait.ge [sflag:s30], $0x2000  }
0x236: {  	[sflag:s30] =	ssyncset.done $0x0  }
0x237: {  	s17 =	rddreg [dreg:$0xd];
	[sflag:s30] =	ssyncadd.s32 $0xFFFFE000  }
0x238: {  	[spmem:s17] =	stream.linear.scatter [tilespmem:s20], [sflag:$0x3], $0x2000, $0x38;
	[tilespmem:$0x1E3F0] =	vst v63  }
0x239: {  	_ =	swait.ge [sflag:s30], $0x2000  }
0x23a: {  	[sflag:s30] =	ssyncset.done $0x0  }
0x23b: {  	s18 =	rddreg [dreg:$0x16];
	[sflag:s30] =	ssyncadd.s32 $0xFFFFE000  }
0x23c: {  	[spmem:s18] =	stream.linear.scatter [tilespmem:s20], [sflag:$0x3], $0x2000, $0x38;
	[tilespmem:$0x1E3F0] =	vst v63  }
0x23d: {  	_ =	swait.ge [sflag:s30], $0x2000  }
0x23e: {  	[sflag:s30] =	ssyncset.done $0x0  }
0x23f: {  	s23 =	rddreg [dreg:$0x17];
	[sflag:s30] =	ssyncadd.s32 $0xFFFFE000  }
0x240: {  	[spmem:s23] =	stream.linear.scatter [tilespmem:s20], [sflag:$0x3], $0x2000, $0x38;
	[tilespmem:$0x1E3F0] =	vst v63  }
0x241: {  	_ =	swait.ge [sflag:s30], $0x2000  }
0x242: {  	[sflag:s30] =	ssyncset.done $0x0  }
0x243: {  	[sflag:s30] =	ssyncadd.s32 $0xFFFFE000  }
0x244: {  	s25 =	simm.s32 $0x7800;
	s2 =	simm.s32 $0xF050;
	[bflag:$0x0] =	sbarrier.arrive $0xFFFF  }
0x245: {  	[tilespmem:s2], [sflag:$0x1] =	stream.indirect.gather [hbm4b:s11+s21], $0x20, s25, s21, $0xb8;
	[tilespmem:$0x1E3F0] =	vst v63  }
0x246: {  	s26 =	simm.s32 $0x7820;
	s28 =	simm.s32 $0xF450  }
0x247: {  	[tilespmem:s28], [sflag:$0x1] =	stream.indirect.gather [hbm4b:s11+s21], $0x20, s26, s21, $0xb8;
	[tilespmem:$0x1E3F0] =	vst v63  }
0x248: {  	s6 =	simm.s32 $0xF850;
	s2 =	simm.s32 $0x7840  }
0x249: {  	[tilespmem:s6], [sflag:$0x1] =	stream.indirect.gather [hbm4b:s11+s21], $0x20, s2, s21, $0xb8;
	[tilespmem:$0x1E3F0] =	vst v63  }
0x24a: {  	s7 =	simm.s32 $0x7860;
	s12 =	simm.s32 $0xFC50  }
0x24b: {  	[tilespmem:s12], [sflag:$0x1] =	stream.indirect.gather [hbm4b:s11+s21], $0x20, s7, s21, $0xb8;
	[tilespmem:$0x1E3F0] =	vst v63  }
0x24c: {  	s13 =	simm.s32 $0x7880;
	s14 =	simm.s32 $0x10050  }
0x24d: {  	[tilespmem:s14], [sflag:$0x1] =	stream.indirect.gather [hbm4b:s11+s21], $0x20, s13, s21, $0xb8;
	[tilespmem:$0x1E3F0] =	vst v63  }
0x24e: {  	s15 =	simm.s32 $0x78A0;
	s16 =	simm.s32 $0x10450;
	s17 =	simm.s32 $0x78C0  }
0x24f: {  	[tilespmem:s16], [sflag:$0x1] =	stream.indirect.gather [hbm4b:s11+s21], $0x20, s15, s21, $0xb8;
	[tilespmem:$0x1E3F0] =	vst v63  }
0x250: {  	s18 =	simm.s32 $0x10850;
	s23 =	simm.s32 $0x78E0;
	s25 =	simm.s32 $0x10C50  }
0x251: {  	[tilespmem:s18], [sflag:$0x1] =	stream.indirect.gather [hbm4b:s11+s21], $0x20, s17, s21, $0xb8;
	[tilespmem:$0x1E3F0] =	vst v63  }
0x252: {  	s26 =	simm.s32 $0x7900;
	s28 =	simm.s32 $0x11050;
	s6 =	simm.s32 $0x0  }
0x253: {  	[tilespmem:s25], [sflag:$0x1] =	stream.indirect.gather [hbm4b:s11+s21], $0x20, s23, s21, $0xb8;
	[tilespmem:$0x1E3F0] =	vst v63  }
0x254: {  	s12 =	simm.s32 $0x0;
	s7 =	simm.s32 $0x0;
	s13 =	simm.s32 $0x0  }
0x255: {  	[tilespmem:s28], [sflag:$0x1] =	stream.indirect.gather [hbm4b:s11+s21], $0x20, s26, s21, $0xb8;
	[tilespmem:$0x1E3F0] =	vst v63  }
.LBB2_30:
0x256: {  	p3 =	slt.u32 s13, $0x2  }
0x257: {  	s0 =	simm.s32 @!p3 $0x2  }
0x258: {  	p4 =	sgt.u32 @!p3 s13, $0x136;
	_ =	swait.ge @!p3 [sflag:s0], $0x800  }
0x259: {  	p4 =	por p3, !p4;
	[sflag:s0] =	ssyncset.done @!p3 $0x0  }
0x25a: {  	[sflag:s0] =	ssyncadd.s32 @!p3 $0xFFFFF800;
	s0 =	sadd.s32 @p4 $0x9, s13  }
0x25b: {  	s2 =	smul.u32 @p4 $0xAAAB, s0;
	_ =	sdelay $0x1  }
0x25c: {  	s2 =	sshrl.u32 @p4 s2, $0x11  }
0x25d: {  	s2 =	sand.u32 @p4 $0xC, s2  }
0x25e: {  	s2 =	sadd.s32 @p4 s2, s0  }
0x25f: {  	s0 =	sshll.u32 @p4 s0, $0x5;
	s2 =	sshll.u32 @p4 s2, $0xA  }
0x260: {  	s0 =	sand.u32 @p4 $0x3FFFFFE0, s0;
	s2 =	sand.u32 @p4 $0x3C00, s2  }
0x261: {  	s25 =	sand.u32 $0x3, s7;
	s0 =	sadd.s32 @p4 $0x7800, s0;
	s2 =	sadd.s32 @p4 $0xF050, s2  }
0x262: {  	[tilespmem:s2], [sflag:$0x1] =	stream.indirect.gather @p4 [hbm4b:s11+s21], $0x20, s0, s21, $0xb8;
	[tilespmem:$0x1E3F0] =	vst v63  }
0x263: {  	s26 =	sand.u32 $0xFFFF, s6;
	s2 =	sshll.u32 s25, $0x5  }
0x264: {  	s0 =	smul.u32 $0xAAAB, s26;
	s14 =	sadd.s32 $0xFFFFFFFC, s2  }
0x265: {  	s25 =	sshll.u32 s13, $0x5;
	s15 =	sadd.s32 $0x7, s14  }
0x266: {  	s16 =	sand.u32 $0xFFFFFF80, s25;
	s0 =	sshrl.u32 s0, $0x13;
	s17 =	sadd.s32 $0x5, s14;
	v11 =	vmov s15  }
0x267: {  	v10 =	vmov s16;
	s0 =	smul.u32 $0x180, s0;
	v13 =	vmov s17;
	v11 =	vand.u32 $0x7F, v11  }
0x268: {  	v13 =	vand.u32 $0x7D, v13;
	v11 =	vor.u32 v10, v11  }
0x269: {  	s28 =	sadd.s32 $0x4, s14;
	s0 =	ssub.s32 s12, s0;
	v13 =	vor.u32 v10, v13;
	v11 =	vbroadcast v11, $0x0  }
0x26a: {  	_ =	swait.ge [sflag:s22], $0x400;
	v12 =	vmov s28;
	s0 =	sand.u32 $0xFFFF, s0;
	v13 =	vbroadcast v13, $0x0  }
0x26b: {  	s14 =	sadd.s32 $0x6, s14;
	[sflag:s22] =	ssyncset.done $0x0;
	v12 =	vand.u32 $0x7C, v12;
	s0 =	sshll.u32 s0, $0x5  }
0x26c: {  	v14 =	vmov s14;
	[sflag:s22] =	ssyncadd.s32 $0xFFFFFC00;
	v12 =	vor.u32 v10, v12;
	s0 =	sadd.s32 $0xF090, s0  }
0x26d: {  	v14 =	vand.u32 $0x7E, v14;
	v12 =	vbroadcast v12, $0x0;
	v15 =	vld [tilespmem:s0+$0x20]  }
0x26e: {  	v14 =	vor.u32 v10, v14;
	v19 =	vld [tilespmem:s0+$0xFFFFFFE0]  }
0x26f: {  	s16 =	sshll.u32 s28, $0x6;
	v14 =	vbroadcast v14, $0x0;
	v16 =	vld.idx.msk [tilespmem:v11+s1+$0x0], $0xffff  }
0x270: {  	s15 =	sshll.u32 s15, $0x6;
	s17 =	sshll.u32 s17, $0x6;
	v17 =	vor.u32 s16, v3;
	v13 =	vld.idx.msk [tilespmem:v13+s1+$0x0], $0xffff  }
0x271: {  	s14 =	sshll.u32 s14, $0x6;
	v18 =	vor.u32 s16, v7;
	v20 =	vor.u32 s15, v3;
	v21 =	vor.u32 s17, v3;
	v23 =	vld [tilespmem:s0+$0x0]  }
0x272: {  	v22 =	vor.u32 s17, v7;
	v24 =	vor.u32 s15, v7;
	v25 =	vor.u32 s14, v3;
	v11 =	vld [tilespmem:s0+$0xFFFFFFC0]  }
0x273: {  	v26 =	vor.u32 s14, v7;
	v29 =	vor.u32 s16, v8;
	v27 =	vld.idx.msk [tilespmem:v12+s1+$0x0], $0xffff;
	v12 =	vunpack.i.l.bf16.f32 v15  }
0x274: {  	v31 =	vunpack.i.u.bf16.f32 v19;
	v19 =	vunpack.i.l.bf16.f32 v19;
	v12 =	vmul.f32 v12, v16  }
0x275: {  	v30 =	vor.u32 s16, v9;
	v14 =	vld.idx.msk [tilespmem:v14+s1+$0x0], $0xffff;
	v15 =	vunpack.i.u.bf16.f32 v15;
	v19 =	vmul.f32 v19, v13  }
0x276: {  	v32 =	vor.u32 s17, v8;
	v38 =	vor.u32 s17, v9;
	v15 =	vmul.f32 v15, v16;
	[tilespmem:v20+s20+$0x0] =	vst.idx.msk $0xffff, v12  }
0x277: {  	s17 =	sadd.s32 $0x0, s2;
	v28 =	vunpack.i.u.bf16.f32 v11;
	v11 =	vunpack.i.l.bf16.f32 v11;
	v31 =	vmul.f32 v31, v13;
	[tilespmem:v21+s20+$0x0] =	vst.idx.msk $0xffff, v19  }
0x278: {  	s16 =	sadd.s32 $0x6, s17;
	v20 =	vunpack.i.u.bf16.f32 v23;
	v23 =	vunpack.i.l.bf16.f32 v23;
	[tilespmem:v24+s20+$0x0] =	vst.idx.msk $0xffff, v15;
	v15 =	vmul.f32 v11, v27  }
0x279: {  	v12 =	vor.u32 s14, v8;
	v19 =	vor.u32 s15, v9;
	v21 =	vmov s16;
	[tilespmem:v22+s20+$0x0] =	vst.idx.msk $0xffff, v31  }
0x27a: {  	s23 =	sadd.s32 $0x4, s17;
	s26 =	sadd.s32 $0x7, s17;
	v24 =	vmul.f32 v28, v27;
	v11 =	vor.u32 s14, v9;
	v28 =	vld [tilespmem:s0+$0x30];
	[tilespmem:v17+s20+$0x0] =	vst.idx.msk $0xffff, v15;
	v15 =	vmul.f32 v23, v14  }
0x27b: {  	s18 =	sadd.s32 $0x5, s17;
	v34 =	vld [tilespmem:s0+$0xFFFFFFF0];
	v17 =	vmul.f32 v20, v14;
	v20 =	vmov s23;
	v23 =	vmov s26  }
0x27c: {  	s26 =	sshll.u32 s26, $0x6;
	[tilespmem:v18+s20+$0x0] =	vst.idx.msk $0xffff, v24;
	v18 =	vor.u32 s15, v8;
	v24 =	vmov s18;
	v23 =	vand.u32 $0x7F, v23  }
0x27d: {  	s14 =	sshll.u32 s23, $0x6;
	v20 =	vand.u32 $0x7C, v20;
	v44 =	vor.u32 s26, v3;
	v23 =	vor.u32 v10, v23  }
0x27e: {  	s23 =	sshll.u32 s18, $0x6;
	v45 =	vor.u32 s26, v7;
	[tilespmem:v25+s20+$0x0] =	vst.idx.msk $0xffff, v15;
	v25 =	vor.u32 s14, v7;
	v33 =	vbroadcast v23, $0x0  }
0x27f: {  	[tilespmem:v26+s20+$0x0] =	vst.idx.msk $0xffff, v17;
	v26 =	vor.u32 s14, v3;
	v23 =	vor.u32 s23, v3;
	v22 =	vunpack.i.l.bf16.f32 v28  }
0x280: {  	v31 =	vld [tilespmem:s0+$0xFFFFFFD0];
	v15 =	vunpack.i.u.bf16.f32 v28;
	v40 =	vunpack.i.u.bf16.f32 v34;
	v34 =	vunpack.i.l.bf16.f32 v34  }
0x281: {  	v28 =	vmul.f32 v22, v16;
	v22 =	vand.u32 $0x7D, v24;
	v15 =	vmul.f32 v15, v16  }
0x282: {  	v16 =	vor.u32 v10, v20;
	v20 =	vand.u32 $0x7E, v21;
	v24 =	vld [tilespmem:s0+$0x10];
	s0 =	sadd.s32 $0x80, s0;
	v40 =	vmul.f32 v40, v13  }
0x283: {  	s28 =	sshll.u32 s16, $0x6;
	v17 =	vor.u32 v10, v22;
	v35 =	vbroadcast v16, $0x0;
	v16 =	vor.u32 v10, v20;
	v37 =	vld [tilespmem:s0+$0x20]  }
0x284: {  	v21 =	vor.u32 s28, v3;
	v36 =	vbroadcast v17, $0x0;
	v20 =	vbroadcast v16, $0x0;
	v16 =	vld.idx.msk [tilespmem:v33+s1+$0x0], $0xffff  }
0x285: {  	v22 =	vor.u32 s23, v7;
	v39 =	vld [tilespmem:s0+$0xFFFFFFC0];
	v17 =	vor.u32 s28, v7;
	v63 =	vunpack.i.u.bf16.f32 v31  }
0x286: {  	v42 =	vld [tilespmem:s0+$0xFFFFFFE0];
	v31 =	vunpack.i.l.bf16.f32 v31;
	[tilespmem:v18+s20+$0x0] =	vst.idx.msk $0xffff, v28;
	v18 =	vmul.f32 v34, v13;
	v13 =	vor.u32 s14, v8  }
0x287: {  	v43 =	vld [tilespmem:s0+$0x0];
	v31 =	vmul.f32 v31, v27;
	[tilespmem:v19+s20+$0x0] =	vst.idx.msk $0xffff, v15;
	v41 =	vunpack.i.u.bf16.f32 v24;
	v24 =	vunpack.i.l.bf16.f32 v24  }
0x288: {  	v27 =	vmul.f32 v63, v27;
	[tilespmem:v32+s20+$0x0] =	vst.idx.msk $0xffff, v18;
	v28 =	vmul.f32 v24, v14;
	v19 =	vunpack.i.l.bf16.f32 v37  }
0x289: {  	[tilespmem:v29+s20+$0x0] =	vst.idx.msk $0xffff, v31;
	v24 =	vmul.f32 v41, v14;
	v15 =	vld.idx.msk [tilespmem:v35+s1+$0x0], $0xffff;
	v19 =	vmul.f32 v19, v16  }
0x28a: {  	v14 =	vor.u32 s14, v9;
	v31 =	vunpack.i.u.bf16.f32 v39;
	v29 =	vunpack.i.u.bf16.f32 v37;
	[tilespmem:v30+s20+$0x0] =	vst.idx.msk $0xffff, v27;
	v18 =	vld.idx.msk [tilespmem:v36+s1+$0x0], $0xffff  }
0x28b: {  	v27 =	vunpack.i.l.bf16.f32 v39;
	v33 =	vunpack.i.u.bf16.f32 v42;
	v37 =	vmul.f32 v29, v16;
	[tilespmem:v44+s20+$0x0] =	vst.idx.msk $0xffff, v19;
	v19 =	vld.idx.msk [tilespmem:v20+s1+$0x0], $0xffff  }
0x28c: {  	v32 =	vunpack.i.u.bf16.f32 v43;
	v34 =	vunpack.i.l.bf16.f32 v43;
	v30 =	vor.u32 s23, v9  }
0x28d: {  	v35 =	vunpack.i.l.bf16.f32 v42;
	v29 =	vor.u32 s28, v8;
	v20 =	vor.u32 s23, v8;
	[tilespmem:v45+s20+$0x0] =	vst.idx.msk $0xffff, v37  }
0x28e: {  	s17 =	simm.s32 $0x4;
	s16 =	sand.u32 $0x3, s13;
	[tilespmem:v38+s20+$0x0] =	vst.idx.msk $0xffff, v40;
	v37 =	vmul.f32 v27, v15;
	v36 =	vmul.f32 v31, v15;
	v27 =	vor.u32 s28, v9;
	v31 =	vld [tilespmem:s0+$0x30]  }
.LBB2_31:
0x28f: {  	s18 =	sadd.s32 s17, s2;
	v35 =	vmul.f32 v35, v18;
	v33 =	vmul.f32 v33, v18;
	[tilespmem:v12+s20+$0x0] =	vst.idx.msk $0xffff, v28;
	v38 =	vmov v30  }
0x290: {  	v28 =	vmul.f32 v32, v19;
	v12 =	vmov v29;
	s14 =	sadd.s32 $0x4, s18;
	s23 =	sadd.s32 $0x5, s18;
	s15 =	sadd.s32 $0x7, s18;
	[tilespmem:v26+s20+$0x0] =	vst.idx.msk $0xffff, v37;
	v26 =	vmul.f32 v34, v19  }
0x291: {  	s17 =	sadd.s32 $0x4, s17;
	s18 =	sadd.s32 $0x6, s18;
	v29 =	vmov s14;
	s14 =	sshll.u32 s14, $0x6;
	v30 =	vmov s15;
	[tilespmem:v25+s20+$0x0] =	vst.idx.msk $0xffff, v36;
	v25 =	vor.u32 s26, v8  }
0x292: {  	p3 =	slt.u32 s17, $0x1C;
	v32 =	vmov s23;
	s23 =	sshll.u32 s23, $0x6;
	s28 =	sshll.u32 s18, $0x6;
	v30 =	vand.u32 $0x7F, v30;
	v34 =	vld [tilespmem:s0+$0xFFFFFFD0];
	[tilespmem:v23+s20+$0x0] =	vst.idx.msk $0xffff, v35;
	v23 =	vor.u32 s26, v9  }
0x293: {  	v35 =	vmov s18;
	v30 =	vor.u32 v10, v30;
	[tilespmem:v22+s20+$0x0] =	vst.idx.msk $0xffff, v33;
	v22 =	vunpack.i.l.bf16.f32 v31  }
0x294: {  	v30 =	vbroadcast v30, $0x0;
	v33 =	vld [tilespmem:s0+$0xFFFFFFF0];
	[tilespmem:v21+s20+$0x0] =	vst.idx.msk $0xffff, v26;
	v21 =	vunpack.i.u.bf16.f32 v31;
	v22 =	vmul.f32 v22, v16  }
0x295: {  	v26 =	vand.u32 $0x7C, v29;
	v29 =	vand.u32 $0x7D, v32;
	[tilespmem:v17+s20+$0x0] =	vst.idx.msk $0xffff, v28;
	v16 =	vmul.f32 v21, v16  }
0x296: {  	v17 =	vor.u32 v10, v26;
	v21 =	vor.u32 v10, v29;
	v26 =	vand.u32 $0x7E, v35;
	v28 =	vld [tilespmem:s0+$0x10];
	[tilespmem:v25+s20+$0x0] =	vst.idx.msk $0xffff, v22  }
0x297: {  	v29 =	vbroadcast v17, $0x0;
	v31 =	vbroadcast v21, $0x0;
	v17 =	vor.u32 v10, v26;
	[tilespmem:v23+s20+$0x0] =	vst.idx.msk $0xffff, v16  }
0x298: {  	v26 =	vor.u32 s14, v3;
	v25 =	vor.u32 s14, v7;
	s0 =	sadd.s32 $0x80, s0;
	v32 =	vbroadcast v17, $0x0;
	[tilespmem:v11+s20+$0x0] =	vst.idx.msk $0xffff, v24;
	v11 =	vmovc v27  }
0x299: {  	v22 =	vor.u32 s23, v7;
	v21 =	vor.u32 s28, v3;
	v23 =	vor.u32 s23, v3;
	v27 =	vld [tilespmem:s0+$0x20]  }
0x29a: {  	v17 =	vor.u32 s28, v7;
	v24 =	vunpack.i.u.bf16.f32 v34;
	v16 =	vld.idx.msk [tilespmem:v30+s1+$0x0], $0xffff;
	v30 =	vunpack.i.l.bf16.f32 v34  }
0x29b: {  	v35 =	vunpack.i.u.bf16.f32 v33;
	v33 =	vunpack.i.l.bf16.f32 v33;
	v34 =	vld [tilespmem:s0+$0xFFFFFFC0];
	v36 =	vunpack.i.u.bf16.f32 v28  }
0x29c: {  	s26 =	sshll.u32 s15, $0x6;
	v39 =	vmul.f32 v24, v15;
	v30 =	vmul.f32 v30, v15;
	v24 =	vunpack.i.l.bf16.f32 v28;
	v37 =	vld [tilespmem:s0+$0xFFFFFFE0]  }
0x29d: {  	v41 =	vor.u32 s26, v3;
	v42 =	vmul.f32 v33, v18;
	v43 =	vmul.f32 v35, v18;
	v40 =	vld [tilespmem:s0+$0x0]  }
0x29e: {  	v44 =	vor.u32 s26, v7;
	v28 =	vmul.f32 v24, v19;
	v24 =	vmul.f32 v36, v19;
	v15 =	vld.idx.msk [tilespmem:v29+s1+$0x0], $0xffff  }
0x29f: {  	v29 =	vor.u32 s14, v9;
	v18 =	vld.idx.msk [tilespmem:v31+s1+$0x0], $0xffff;
	v31 =	vunpack.i.l.bf16.f32 v27;
	[tilespmem:v13+s20+$0x0] =	vst.idx.msk $0xffff, v30;
	v13 =	vor.u32 s14, v8  }
.Ltmp11:
0x2a0: {  	v27 =	vunpack.i.u.bf16.f32 v27;
	v36 =	vunpack.i.u.bf16.f32 v34;
	v19 =	vld.idx.msk [tilespmem:v32+s1+$0x0], $0xffff;
	v30 =	vmul.f32 v31, v16;
	[tilespmem:v14+s20+$0x0] =	vst.idx.msk $0xffff, v39;
	(pc) =	sbr.rel @p3 .LBB2_31-.Ltmp11, $4  }
0x2a1: {  	v31 =	vunpack.i.l.bf16.f32 v34;
	v27 =	vmul.f32 v27, v16;
	v14 =	vmovc v29;
	v33 =	vunpack.i.u.bf16.f32 v37;
	[tilespmem:v20+s20+$0x0] =	vst.idx.msk $0xffff, v42  }
0x2a2: {  	v35 =	vunpack.i.l.bf16.f32 v37;
	v32 =	vunpack.i.u.bf16.f32 v40;
	v34 =	vunpack.i.l.bf16.f32 v40;
	[tilespmem:v41+s20+$0x0] =	vst.idx.msk $0xffff, v30  }
0x2a3: {  	v29 =	vor.u32 s28, v8;
	v20 =	vor.u32 s23, v8;
	v30 =	vor.u32 s23, v9;
	[tilespmem:v44+s20+$0x0] =	vst.idx.msk $0xffff, v27  }
0x2a4: {  	v37 =	vmul.f32 v31, v15;
	v36 =	vmul.f32 v36, v15;
	v27 =	vor.u32 s28, v9;
	v31 =	vld [tilespmem:s0+$0x30];
	[tilespmem:v38+s20+$0x0] =	vst.idx.msk $0xffff, v43  }
0x2a5: {  	_ =	sdelay $0x3  }
0x2a6: {  	v10 =	vmul.f32 v35, v18;
	[tilespmem:v26+s20+$0x0] =	vst.idx.msk $0xffff, v37  }
0x2a7: {  	v52 =	vmul.f32 v33, v18;
	[tilespmem:v25+s20+$0x0] =	vst.idx.msk $0xffff, v36  }
0x2a8: {  	v53 =	vmul.f32 v34, v19;
	v54 =	vor.u32 s26, v8;
	[tilespmem:v23+s20+$0x0] =	vst.idx.msk $0xffff, v10;
	v55 =	vld [tilespmem:s0+$0xFFFFFFD0]  }
0x2a9: {  	v56 =	vor.u32 s26, v9;
	v10 =	vmul.f32 v32, v19;
	[tilespmem:v22+s20+$0x0] =	vst.idx.msk $0xffff, v52  }
0x2aa: {  	[tilespmem:v21+s20+$0x0] =	vst.idx.msk $0xffff, v53;
	v57 =	vunpack.i.l.bf16.f32 v31;
	v26 =	vld [tilespmem:s0+$0xFFFFFFF0]  }
0x2ab: {  	v58 =	vunpack.i.u.bf16.f32 v31;
	[tilespmem:v17+s20+$0x0] =	vst.idx.msk $0xffff, v10;
	v22 =	vmul.f32 v57, v16  }
0x2ac: {  	[tilespmem:v12+s20+$0x0] =	vst.idx.msk $0xffff, v28;
	v10 =	vmul.f32 v58, v16;
	v59 =	vld [tilespmem:s0+$0x10]  }
0x2ad: {  	[tilespmem:v54+s20+$0x0] =	vst.idx.msk $0xffff, v22;
	v60 =	vunpack.i.l.bf16.f32 v55  }
0x2ae: {  	[tilespmem:v56+s20+$0x0] =	vst.idx.msk $0xffff, v10;
	v10 =	vunpack.i.u.bf16.f32 v55;
	v16 =	vmul.f32 v60, v15  }
0x2af: {  	[tilespmem:v11+s20+$0x0] =	vst.idx.msk $0xffff, v24;
	v11 =	vunpack.i.l.bf16.f32 v26;
	v10 =	vmul.f32 v10, v15  }
0x2b0: {  	s13 =	sadd.s32 $0x1, s13;
	v61 =	vunpack.i.u.bf16.f32 v26;
	v11 =	vmul.f32 v11, v18;
	[tilespmem:v13+s20+$0x0] =	vst.idx.msk $0xffff, v16  }
0x2b1: {  	p3 =	sne.s32 s13, $0x140;
	v62 =	vunpack.i.l.bf16.f32 v59;
	v15 =	vmul.f32 v61, v18;
	[tilespmem:v14+s20+$0x0] =	vst.idx.msk $0xffff, v10  }
.Ltmp12:
0x2b2: {  	v63 =	vmul.f32 v62, v19;
	v10 =	vunpack.i.u.bf16.f32 v59;
	[tilespmem:v20+s20+$0x0] =	vst.idx.msk $0xffff, v11;
	(pc) =	sbr.rel @p3 .LBB2_30-.Ltmp12, $4  }
0x2b3: {  	s28 =	sshll.u32 s16, $0xB;
	v10 =	vmul.f32 v10, v19;
	[tilespmem:v30+s20+$0x0] =	vst.idx.msk $0xffff, v15  }
0x2b4: {  	s2 =	sand.u32 $0x3FFFFFE0, s25;
	s7 =	sadd.s32 $0x1, s7;
	s12 =	sadd.s32 $0x20, s12;
	[tilespmem:v29+s20+$0x0] =	vst.idx.msk $0xffff, v63  }
0x2b5: {  	s6 =	sadd.s32 $0x1, s6;
	s2 =	sadd.s32 $0x5000, s2;
	s0 =	sor.u32 $0x12050, s28;
	[tilespmem:v27+s20+$0x0] =	vst.idx.msk $0xffff, v10  }
0x2b6: {  	[spmem:s3] =	stream.indirect.scatter.add.f32 [tilespmem:s0], [sflag:$0x2], $0x40, s2, s21, $0xb8;
	[tilespmem:$0x1E3F0] =	vst v63  }
0x2b7: {  	_ =	swait.ge [sflag:s24], $0x800  }
0x2b8: {  	[sflag:s24] =	ssyncset.done $0x0  }
0x2b9: {  	[sflag:s24] =	ssyncadd.s32 $0xFFFFF800  }
0x2ba: {  	_ =	swait.ge [sflag:s24], $0x800  }
0x2bb: {  	[sflag:s24] =	ssyncset.done $0x0  }
0x2bc: {  	[sflag:s24] =	ssyncadd.s32 $0xFFFFF800  }
0x2bd: {  	s0 =	simm.s32 @p2 $0x1;
	s2 =	simm.s32 @p2 $0x20;
	[bflag:$0x0] =	sbarrier.arrive $0xFFFF  }
0x2be: {  	s6 =	simm.s32 @p2 $0x8;
	s7 =	simm.s32 @p2 $0x1FC3;
	s12 =	rddreg [dreg:$0x14]  }
0x2bf: {  	[hbm:s12@s2], [sflag:s7] =	dma.strided @p2 [spmem:s5@s6], $0xC80, s0, $0x8   }
0x2c0: {  	s0 =	simm.s32 @p2 $0x3  }
0x2c1: {  	_ =	swait.ge @p2 [sflag:s0], $0xC80  }
0x2c2: {  	s2 =	simm.s32 @!p2 $0x20;
	s6 =	rddreg [dreg:$0x13]  }
0x2c3: {  	s5 =	simm.s32 @!p2 $0x8;
	[sflag:s0] =	ssyncset.done @p2 $0x0;
	s7 =	rddreg [dreg:$0x19]  }
0x2c4: {  	s12 =	rddreg [dreg:$0x1a];
	[sflag:s0] =	ssyncadd.s32 @p2 $0xFFFFF380;
	s0 =	simm.s32 @!p2 $0x1  }
0x2c5: {  	[hbm:s6@s2], [sflag:s12] =	dma.strided @!p2 [spmem:s7@s5], $0x1400, s0, $0x8   }
.Ltmp13:
0x2c6: {  	_ = 	snop;
	(pc) =	sbr.rel .LBB2_34-.Ltmp13, $4  }
0x2c7: {  	s0 =	simm.s32 @!p2 $0x3  }
0x2c8: {  	_ =	swait.ge @!p2 [sflag:s0], $0x1400  }
0x2c9: {  	[sflag:s0] =	ssyncset.done @!p2 $0x0  }
0x2ca: {  	[sflag:s0] =	ssyncadd.s32 @!p2 $0xFFFFEC00  }
.LBB2_10:
0x2cb: {  	p3 =	sne.s32 s2, $0x7F00;
	[tilespmem:s0+$0x12080] =	vst v6;
	s6 =	smov.u32 s2;
	s2 =	sadd.s32 $0x100, s2  }
.Ltmp14:
0x2cc: {  	[tilespmem:s0+$0x12070] =	vst v6;
	(pc) =	sbr.rel @p3 .LBB2_10-.Ltmp14, $3  }
0x2cd: {  	[tilespmem:s0+$0x12050] =	vst v6  }
0x2ce: {  	[tilespmem:s0+$0x12060] =	vst v6;
	_ =	sdelay $0x1  }
0x2cf: {  	s0 =	sshra.s32 s6, $0x2  }
0x2d0: {  	[tilespmem:s0+$0x12080] =	vst v6  }
0x2d1: {  	[tilespmem:s0+$0x12070] =	vst v6  }
0x2d2: {  	[tilespmem:s0+$0x12050] =	vst v6  }
0x2d3: {  	[tilespmem:s0+$0x12060] =	vst v6;
	s15 =	rddreg [dreg:$0xa]  }
0x2d4: {  	[spmem:s15] =	stream.linear.scatter [tilespmem:s20], [sflag:$0x3], $0x2000, $0x38;
	[tilespmem:$0x1E3F0] =	vst v63  }
0x2d5: {  	_ =	swait.ge [sflag:s30], $0x2000  }
0x2d6: {  	[sflag:s30] =	ssyncset.done $0x0  }
0x2d7: {  	s16 =	rddreg [dreg:$0xc];
	[sflag:s30] =	ssyncadd.s32 $0xFFFFE000  }
0x2d8: {  	[spmem:s16] =	stream.linear.scatter [tilespmem:s20], [sflag:$0x3], $0x2000, $0x38;
	[tilespmem:$0x1E3F0] =	vst v63  }
0x2d9: {  	_ =	swait.ge [sflag:s30], $0x2000  }
0x2da: {  	[sflag:s30] =	ssyncset.done $0x0  }
0x2db: {  	s17 =	rddreg [dreg:$0xd];
	[sflag:s30] =	ssyncadd.s32 $0xFFFFE000  }
0x2dc: {  	[spmem:s17] =	stream.linear.scatter [tilespmem:s20], [sflag:$0x3], $0x2000, $0x38;
	[tilespmem:$0x1E3F0] =	vst v63  }
0x2dd: {  	_ =	swait.ge [sflag:s30], $0x2000  }
0x2de: {  	[sflag:s30] =	ssyncset.done $0x0  }
0x2df: {  	s18 =	rddreg [dreg:$0x16];
	[sflag:s30] =	ssyncadd.s32 $0xFFFFE000  }
0x2e0: {  	[spmem:s18] =	stream.linear.scatter [tilespmem:s20], [sflag:$0x3], $0x2000, $0x38;
	[tilespmem:$0x1E3F0] =	vst v63  }
0x2e1: {  	_ =	swait.ge [sflag:s30], $0x2000  }
0x2e2: {  	[sflag:s30] =	ssyncset.done $0x0  }
0x2e3: {  	s23 =	rddreg [dreg:$0x17];
	[sflag:s30] =	ssyncadd.s32 $0xFFFFE000  }
0x2e4: {  	[spmem:s23] =	stream.linear.scatter [tilespmem:s20], [sflag:$0x3], $0x2000, $0x38;
	[tilespmem:$0x1E3F0] =	vst v63  }
0x2e5: {  	_ =	swait.ge [sflag:s30], $0x2000  }
0x2e6: {  	[sflag:s30] =	ssyncset.done $0x0  }
0x2e7: {  	[sflag:s30] =	ssyncadd.s32 $0xFFFFE000  }
0x2e8: {  	s25 =	simm.s32 $0x7800;
	s2 =	simm.s32 $0xF050;
	[bflag:$0x0] =	sbarrier.arrive $0xFFFF  }
0x2e9: {  	[tilespmem:s2], [sflag:$0x1] =	stream.indirect.gather [hbm4b:s8+s21], $0x20, s25, s21, $0xb8;
	[tilespmem:$0x1E3F0] =	vst v63  }
0x2ea: {  	s26 =	simm.s32 $0x7820;
	s28 =	simm.s32 $0xF450  }
0x2eb: {  	[tilespmem:s28], [sflag:$0x1] =	stream.indirect.gather [hbm4b:s8+s21], $0x20, s26, s21, $0xb8;
	[tilespmem:$0x1E3F0] =	vst v63  }
0x2ec: {  	s6 =	simm.s32 $0xF850;
	s2 =	simm.s32 $0x7840  }
0x2ed: {  	[tilespmem:s6], [sflag:$0x1] =	stream.indirect.gather [hbm4b:s8+s21], $0x20, s2, s21, $0xb8;
	[tilespmem:$0x1E3F0] =	vst v63  }
0x2ee: {  	s7 =	simm.s32 $0x7860;
	s12 =	simm.s32 $0xFC50  }
0x2ef: {  	[tilespmem:s12], [sflag:$0x1] =	stream.indirect.gather [hbm4b:s8+s21], $0x20, s7, s21, $0xb8;
	[tilespmem:$0x1E3F0] =	vst v63  }
0x2f0: {  	s13 =	simm.s32 $0x7880;
	s14 =	simm.s32 $0x10050  }
0x2f1: {  	[tilespmem:s14], [sflag:$0x1] =	stream.indirect.gather [hbm4b:s8+s21], $0x20, s13, s21, $0xb8;
	[tilespmem:$0x1E3F0] =	vst v63  }
0x2f2: {  	s15 =	simm.s32 $0x78A0;
	s16 =	simm.s32 $0x10450;
	s17 =	simm.s32 $0x78C0  }
0x2f3: {  	[tilespmem:s16], [sflag:$0x1] =	stream.indirect.gather [hbm4b:s8+s21], $0x20, s15, s21, $0xb8;
	[tilespmem:$0x1E3F0] =	vst v63  }
0x2f4: {  	s18 =	simm.s32 $0x10850;
	s23 =	simm.s32 $0x78E0;
	s25 =	simm.s32 $0x10C50  }
0x2f5: {  	[tilespmem:s18], [sflag:$0x1] =	stream.indirect.gather [hbm4b:s8+s21], $0x20, s17, s21, $0xb8;
	[tilespmem:$0x1E3F0] =	vst v63  }
0x2f6: {  	s26 =	simm.s32 $0x7900;
	s28 =	simm.s32 $0x11050;
	s6 =	simm.s32 $0x0  }
0x2f7: {  	[tilespmem:s25], [sflag:$0x1] =	stream.indirect.gather [hbm4b:s8+s21], $0x20, s23, s21, $0xb8;
	[tilespmem:$0x1E3F0] =	vst v63  }
0x2f8: {  	s12 =	simm.s32 $0x0;
	s7 =	simm.s32 $0x0;
	s13 =	simm.s32 $0x0  }
0x2f9: {  	[tilespmem:s28], [sflag:$0x1] =	stream.indirect.gather [hbm4b:s8+s21], $0x20, s26, s21, $0xb8;
	[tilespmem:$0x1E3F0] =	vst v63  }
.LBB2_12:
0x2fa: {  	p3 =	slt.u32 s13, $0x2  }
0x2fb: {  	s0 =	simm.s32 @!p3 $0x2  }
0x2fc: {  	p4 =	sgt.u32 @!p3 s13, $0x136;
	_ =	swait.ge @!p3 [sflag:s0], $0x800  }
0x2fd: {  	p4 =	por p3, !p4;
	[sflag:s0] =	ssyncset.done @!p3 $0x0  }
0x2fe: {  	[sflag:s0] =	ssyncadd.s32 @!p3 $0xFFFFF800;
	s0 =	sadd.s32 @p4 $0x9, s13  }
0x2ff: {  	s2 =	smul.u32 @p4 $0xAAAB, s0;
	_ =	sdelay $0x1  }
0x300: {  	s2 =	sshrl.u32 @p4 s2, $0x11  }
0x301: {  	s2 =	sand.u32 @p4 $0xC, s2  }
0x302: {  	s2 =	sadd.s32 @p4 s2, s0  }
0x303: {  	s0 =	sshll.u32 @p4 s0, $0x5;
	s2 =	sshll.u32 @p4 s2, $0xA  }
0x304: {  	s0 =	sand.u32 @p4 $0x3FFFFFE0, s0;
	s2 =	sand.u32 @p4 $0x3C00, s2  }
0x305: {  	s23 =	sand.u32 $0x3, s7;
	s0 =	sadd.s32 @p4 $0x7800, s0;
	s2 =	sadd.s32 @p4 $0xF050, s2  }
0x306: {  	[tilespmem:s2], [sflag:$0x1] =	stream.indirect.gather @p4 [hbm4b:s8+s21], $0x20, s0, s21, $0xb8;
	[tilespmem:$0x1E3F0] =	vst v63  }
0x307: {  	s25 =	sand.u32 $0xFFFF, s6;
	s2 =	sshll.u32 s23, $0x5  }
0x308: {  	s0 =	smul.u32 $0xAAAB, s25;
	s14 =	sadd.s32 $0xFFFFFFFC, s2  }
0x309: {  	s25 =	sshll.u32 s13, $0x5;
	s15 =	sadd.s32 $0x7, s14  }
0x30a: {  	s16 =	sand.u32 $0xFFFFFF80, s25;
	s0 =	sshrl.u32 s0, $0x13;
	s17 =	sadd.s32 $0x5, s14;
	v11 =	vmov s15  }
0x30b: {  	v10 =	vmov s16;
	s0 =	smul.u32 $0x180, s0;
	v13 =	vmov s17;
	v11 =	vand.u32 $0x7F, v11  }
0x30c: {  	v13 =	vand.u32 $0x7D, v13;
	v11 =	vor.u32 v10, v11  }
0x30d: {  	s26 =	sadd.s32 $0x4, s14;
	s0 =	ssub.s32 s12, s0;
	v13 =	vor.u32 v10, v13;
	v11 =	vbroadcast v11, $0x0  }
0x30e: {  	_ =	swait.ge [sflag:s22], $0x400;
	v12 =	vmov s26;
	s0 =	sand.u32 $0xFFFF, s0;
	v13 =	vbroadcast v13, $0x0  }
0x30f: {  	s14 =	sadd.s32 $0x6, s14;
	[sflag:s22] =	ssyncset.done $0x0;
	v12 =	vand.u32 $0x7C, v12;
	s0 =	sshll.u32 s0, $0x5  }
0x310: {  	v14 =	vmov s14;
	[sflag:s22] =	ssyncadd.s32 $0xFFFFFC00;
	v12 =	vor.u32 v10, v12;
	s0 =	sadd.s32 $0xF090, s0  }
0x311: {  	v14 =	vand.u32 $0x7E, v14;
	v12 =	vbroadcast v12, $0x0;
	v15 =	vld [tilespmem:s0+$0x20]  }
0x312: {  	s16 =	sshll.u32 s26, $0x6;
	v14 =	vor.u32 v10, v14;
	v19 =	vld [tilespmem:s0+$0xFFFFFFE0]  }
0x313: {  	s15 =	sshll.u32 s15, $0x6;
	s17 =	sshll.u32 s17, $0x6;
	v17 =	vor.u32 s16, v3;
	v14 =	vbroadcast v14, $0x0;
	v16 =	vld.idx.msk [tilespmem:v11+s1+$0x0], $0xffff  }
0x314: {  	s14 =	sshll.u32 s14, $0x6;
	v18 =	vor.u32 s16, v7;
	v20 =	vor.u32 s15, v3;
	v21 =	vor.u32 s17, v3;
	v13 =	vld.idx.msk [tilespmem:v13+s1+$0x0], $0xffff  }
0x315: {  	v22 =	vor.u32 s17, v7;
	v24 =	vor.u32 s15, v7;
	v25 =	vor.u32 s14, v3;
	v11 =	vld [tilespmem:s0+$0xFFFFFFC0]  }
0x316: {  	s28 =	sadd.s32 $0x0, s2;
	v26 =	vor.u32 s14, v7;
	v29 =	vor.u32 s16, v8;
	v30 =	vor.u32 s16, v9;
	v23 =	vld [tilespmem:s0+$0x0]  }
0x317: {  	s18 =	sadd.s32 $0x7, s28;
	v32 =	vor.u32 s17, v8;
	v38 =	vor.u32 s17, v9;
	v27 =	vld.idx.msk [tilespmem:v12+s1+$0x0], $0xffff;
	v12 =	vunpack.i.l.bf16.f32 v15  }
0x318: {  	s26 =	sshll.u32 s18, $0x6;
	v31 =	vunpack.i.u.bf16.f32 v19;
	v19 =	vunpack.i.l.bf16.f32 v19;
	v12 =	vmul.f32 v12, v16  }
0x319: {  	v44 =	vor.u32 s26, v3;
	v14 =	vld.idx.msk [tilespmem:v14+s1+$0x0], $0xffff;
	v15 =	vunpack.i.u.bf16.f32 v15;
	v19 =	vmul.f32 v19, v13  }
0x31a: {  	v45 =	vor.u32 s26, v7;
	v28 =	vunpack.i.u.bf16.f32 v11;
	v15 =	vmul.f32 v15, v16;
	[tilespmem:v20+s20+$0x0] =	vst.idx.msk $0xffff, v12  }
0x31b: {  	v11 =	vunpack.i.l.bf16.f32 v11;
	v31 =	vmul.f32 v31, v13;
	v20 =	vunpack.i.u.bf16.f32 v23;
	[tilespmem:v21+s20+$0x0] =	vst.idx.msk $0xffff, v19  }
0x31c: {  	s16 =	sadd.s32 $0x6, s28;
	v23 =	vunpack.i.l.bf16.f32 v23;
	v12 =	vor.u32 s14, v8;
	[tilespmem:v24+s20+$0x0] =	vst.idx.msk $0xffff, v15;
	v15 =	vmul.f32 v11, v27  }
0x31d: {  	v19 =	vor.u32 s15, v9;
	v21 =	vmov s16;
	v24 =	vmul.f32 v28, v27;
	[tilespmem:v22+s20+$0x0] =	vst.idx.msk $0xffff, v31;
	v28 =	vld [tilespmem:s0+$0x30]  }
0x31e: {  	s17 =	sadd.s32 $0x4, s28;
	v11 =	vor.u32 s14, v9;
	v34 =	vld [tilespmem:s0+$0xFFFFFFF0];
	[tilespmem:v17+s20+$0x0] =	vst.idx.msk $0xffff, v15;
	v15 =	vmul.f32 v23, v14;
	v23 =	vmov s18  }
0x31f: {  	s23 =	sadd.s32 $0x5, s28;
	v17 =	vmul.f32 v20, v14;
	v20 =	vmov s17;
	v23 =	vand.u32 $0x7F, v23  }
0x320: {  	s14 =	sshll.u32 s17, $0x6;
	[tilespmem:v18+s20+$0x0] =	vst.idx.msk $0xffff, v24;
	v18 =	vor.u32 s15, v8;
	v24 =	vmov s23;
	v23 =	vor.u32 v10, v23  }
0x321: {  	v20 =	vand.u32 $0x7C, v20;
	s23 =	sshll.u32 s23, $0x6;
	[tilespmem:v25+s20+$0x0] =	vst.idx.msk $0xffff, v15;
	v25 =	vor.u32 s14, v7;
	v33 =	vbroadcast v23, $0x0  }
0x322: {  	[tilespmem:v26+s20+$0x0] =	vst.idx.msk $0xffff, v17;
	v26 =	vor.u32 s14, v3;
	v23 =	vor.u32 s23, v3;
	v22 =	vunpack.i.l.bf16.f32 v28  }
0x323: {  	v31 =	vld [tilespmem:s0+$0xFFFFFFD0];
	v15 =	vunpack.i.u.bf16.f32 v28;
	v40 =	vunpack.i.u.bf16.f32 v34;
	v34 =	vunpack.i.l.bf16.f32 v34  }
0x324: {  	v28 =	vmul.f32 v22, v16;
	v22 =	vand.u32 $0x7D, v24;
	v15 =	vmul.f32 v15, v16  }
0x325: {  	v16 =	vor.u32 v10, v20;
	v20 =	vand.u32 $0x7E, v21;
	v24 =	vld [tilespmem:s0+$0x10];
	s0 =	sadd.s32 $0x80, s0;
	v40 =	vmul.f32 v40, v13  }
0x326: {  	s28 =	sshll.u32 s16, $0x6;
	v17 =	vor.u32 v10, v22;
	v35 =	vbroadcast v16, $0x0;
	v16 =	vor.u32 v10, v20;
	v37 =	vld [tilespmem:s0+$0x20]  }
0x327: {  	v21 =	vor.u32 s28, v3;
	v36 =	vbroadcast v17, $0x0;
	v20 =	vbroadcast v16, $0x0;
	v16 =	vld.idx.msk [tilespmem:v33+s1+$0x0], $0xffff  }
0x328: {  	v22 =	vor.u32 s23, v7;
	v39 =	vld [tilespmem:s0+$0xFFFFFFC0];
	v17 =	vor.u32 s28, v7;
	v63 =	vunpack.i.u.bf16.f32 v31  }
0x329: {  	v42 =	vld [tilespmem:s0+$0xFFFFFFE0];
	v31 =	vunpack.i.l.bf16.f32 v31;
	[tilespmem:v18+s20+$0x0] =	vst.idx.msk $0xffff, v28;
	v18 =	vmul.f32 v34, v13;
	v13 =	vor.u32 s14, v8  }
0x32a: {  	v43 =	vld [tilespmem:s0+$0x0];
	v31 =	vmul.f32 v31, v27;
	[tilespmem:v19+s20+$0x0] =	vst.idx.msk $0xffff, v15;
	v41 =	vunpack.i.u.bf16.f32 v24;
	v24 =	vunpack.i.l.bf16.f32 v24  }
0x32b: {  	v27 =	vmul.f32 v63, v27;
	[tilespmem:v32+s20+$0x0] =	vst.idx.msk $0xffff, v18;
	v28 =	vmul.f32 v24, v14;
	v19 =	vunpack.i.l.bf16.f32 v37  }
0x32c: {  	[tilespmem:v29+s20+$0x0] =	vst.idx.msk $0xffff, v31;
	v24 =	vmul.f32 v41, v14;
	v15 =	vld.idx.msk [tilespmem:v35+s1+$0x0], $0xffff;
	v19 =	vmul.f32 v19, v16  }
0x32d: {  	v14 =	vor.u32 s14, v9;
	v31 =	vunpack.i.u.bf16.f32 v39;
	v29 =	vunpack.i.u.bf16.f32 v37;
	[tilespmem:v30+s20+$0x0] =	vst.idx.msk $0xffff, v27;
	v18 =	vld.idx.msk [tilespmem:v36+s1+$0x0], $0xffff  }
0x32e: {  	v27 =	vunpack.i.l.bf16.f32 v39;
	v33 =	vunpack.i.u.bf16.f32 v42;
	v37 =	vmul.f32 v29, v16;
	[tilespmem:v44+s20+$0x0] =	vst.idx.msk $0xffff, v19;
	v19 =	vld.idx.msk [tilespmem:v20+s1+$0x0], $0xffff  }
0x32f: {  	v32 =	vunpack.i.u.bf16.f32 v43;
	v34 =	vunpack.i.l.bf16.f32 v43;
	v30 =	vor.u32 s23, v9  }
0x330: {  	v35 =	vunpack.i.l.bf16.f32 v42;
	v29 =	vor.u32 s28, v8;
	v20 =	vor.u32 s23, v8;
	[tilespmem:v45+s20+$0x0] =	vst.idx.msk $0xffff, v37  }
0x331: {  	s16 =	sand.u32 $0x3, s13;
	s17 =	simm.s32 $0x4;
	[tilespmem:v38+s20+$0x0] =	vst.idx.msk $0xffff, v40;
	v37 =	vmul.f32 v27, v15;
	v36 =	vmul.f32 v31, v15;
	v27 =	vor.u32 s28, v9;
	v31 =	vld [tilespmem:s0+$0x30]  }
.LBB2_13:
0x332: {  	s23 =	sadd.s32 s17, s2;
	v35 =	vmul.f32 v35, v18;
	v33 =	vmul.f32 v33, v18;
	[tilespmem:v12+s20+$0x0] =	vst.idx.msk $0xffff, v28;
	v38 =	vmov v30  }
0x333: {  	v28 =	vmul.f32 v32, v19;
	v12 =	vmov v29;
	s14 =	sadd.s32 $0x4, s23;
	s28 =	sadd.s32 $0x5, s23;
	s15 =	sadd.s32 $0x7, s23;
	[tilespmem:v26+s20+$0x0] =	vst.idx.msk $0xffff, v37;
	v26 =	vmul.f32 v34, v19  }
0x334: {  	s17 =	sadd.s32 $0x4, s17;
	s18 =	sadd.s32 $0x6, s23;
	v29 =	vmov s14;
	s14 =	sshll.u32 s14, $0x6;
	v30 =	vmov s15;
	[tilespmem:v25+s20+$0x0] =	vst.idx.msk $0xffff, v36;
	v25 =	vor.u32 s26, v8  }
0x335: {  	p3 =	slt.u32 s17, $0x1C;
	v32 =	vmov s28;
	s23 =	sshll.u32 s28, $0x6;
	s28 =	sshll.u32 s18, $0x6;
	v30 =	vand.u32 $0x7F, v30;
	v34 =	vld [tilespmem:s0+$0xFFFFFFD0];
	[tilespmem:v23+s20+$0x0] =	vst.idx.msk $0xffff, v35;
	v23 =	vor.u32 s26, v9  }
0x336: {  	v35 =	vmov s18;
	v30 =	vor.u32 v10, v30;
	[tilespmem:v22+s20+$0x0] =	vst.idx.msk $0xffff, v33;
	v22 =	vunpack.i.l.bf16.f32 v31  }
0x337: {  	v30 =	vbroadcast v30, $0x0;
	v33 =	vld [tilespmem:s0+$0xFFFFFFF0];
	[tilespmem:v21+s20+$0x0] =	vst.idx.msk $0xffff, v26;
	v21 =	vunpack.i.u.bf16.f32 v31;
	v22 =	vmul.f32 v22, v16  }
0x338: {  	v26 =	vand.u32 $0x7C, v29;
	v29 =	vand.u32 $0x7D, v32;
	[tilespmem:v17+s20+$0x0] =	vst.idx.msk $0xffff, v28;
	v16 =	vmul.f32 v21, v16  }
0x339: {  	v17 =	vor.u32 v10, v26;
	v21 =	vor.u32 v10, v29;
	v26 =	vand.u32 $0x7E, v35;
	v28 =	vld [tilespmem:s0+$0x10];
	[tilespmem:v25+s20+$0x0] =	vst.idx.msk $0xffff, v22  }
0x33a: {  	v29 =	vbroadcast v17, $0x0;
	v31 =	vbroadcast v21, $0x0;
	v17 =	vor.u32 v10, v26;
	[tilespmem:v23+s20+$0x0] =	vst.idx.msk $0xffff, v16  }
0x33b: {  	v26 =	vor.u32 s14, v3;
	v25 =	vor.u32 s14, v7;
	s0 =	sadd.s32 $0x80, s0;
	v32 =	vbroadcast v17, $0x0;
	[tilespmem:v11+s20+$0x0] =	vst.idx.msk $0xffff, v24;
	v11 =	vmovc v27  }
0x33c: {  	v22 =	vor.u32 s23, v7;
	v21 =	vor.u32 s28, v3;
	v23 =	vor.u32 s23, v3;
	v27 =	vld [tilespmem:s0+$0x20]  }
0x33d: {  	v17 =	vor.u32 s28, v7;
	v24 =	vunpack.i.u.bf16.f32 v34;
	v16 =	vld.idx.msk [tilespmem:v30+s1+$0x0], $0xffff;
	v30 =	vunpack.i.l.bf16.f32 v34  }
0x33e: {  	v35 =	vunpack.i.u.bf16.f32 v33;
	v33 =	vunpack.i.l.bf16.f32 v33;
	v34 =	vld [tilespmem:s0+$0xFFFFFFC0];
	v36 =	vunpack.i.u.bf16.f32 v28  }
0x33f: {  	s26 =	sshll.u32 s15, $0x6;
	v39 =	vmul.f32 v24, v15;
	v30 =	vmul.f32 v30, v15;
	v24 =	vunpack.i.l.bf16.f32 v28;
	v37 =	vld [tilespmem:s0+$0xFFFFFFE0]  }
0x340: {  	v41 =	vor.u32 s26, v3;
	v42 =	vmul.f32 v33, v18;
	v43 =	vmul.f32 v35, v18;
	v40 =	vld [tilespmem:s0+$0x0]  }
0x341: {  	v44 =	vor.u32 s26, v7;
	v28 =	vmul.f32 v24, v19;
	v24 =	vmul.f32 v36, v19;
	v15 =	vld.idx.msk [tilespmem:v29+s1+$0x0], $0xffff  }
0x342: {  	v29 =	vor.u32 s14, v9;
	v18 =	vld.idx.msk [tilespmem:v31+s1+$0x0], $0xffff;
	v31 =	vunpack.i.l.bf16.f32 v27;
	[tilespmem:v13+s20+$0x0] =	vst.idx.msk $0xffff, v30;
	v13 =	vor.u32 s14, v8  }
.Ltmp15:
0x343: {  	v27 =	vunpack.i.u.bf16.f32 v27;
	v36 =	vunpack.i.u.bf16.f32 v34;
	v19 =	vld.idx.msk [tilespmem:v32+s1+$0x0], $0xffff;
	v30 =	vmul.f32 v31, v16;
	[tilespmem:v14+s20+$0x0] =	vst.idx.msk $0xffff, v39;
	(pc) =	sbr.rel @p3 .LBB2_13-.Ltmp15, $4  }
0x344: {  	v31 =	vunpack.i.l.bf16.f32 v34;
	v27 =	vmul.f32 v27, v16;
	v14 =	vmovc v29;
	v33 =	vunpack.i.u.bf16.f32 v37;
	[tilespmem:v20+s20+$0x0] =	vst.idx.msk $0xffff, v42  }
0x345: {  	v35 =	vunpack.i.l.bf16.f32 v37;
	v32 =	vunpack.i.u.bf16.f32 v40;
	v34 =	vunpack.i.l.bf16.f32 v40;
	[tilespmem:v41+s20+$0x0] =	vst.idx.msk $0xffff, v30  }
0x346: {  	v29 =	vor.u32 s28, v8;
	v20 =	vor.u32 s23, v8;
	v30 =	vor.u32 s23, v9;
	[tilespmem:v44+s20+$0x0] =	vst.idx.msk $0xffff, v27  }
0x347: {  	v37 =	vmul.f32 v31, v15;
	v36 =	vmul.f32 v36, v15;
	v27 =	vor.u32 s28, v9;
	v31 =	vld [tilespmem:s0+$0x30];
	[tilespmem:v38+s20+$0x0] =	vst.idx.msk $0xffff, v43  }
0x348: {  	_ =	sdelay $0x3  }
0x349: {  	v10 =	vmul.f32 v35, v18;
	[tilespmem:v26+s20+$0x0] =	vst.idx.msk $0xffff, v37  }
0x34a: {  	v52 =	vmul.f32 v33, v18;
	[tilespmem:v25+s20+$0x0] =	vst.idx.msk $0xffff, v36  }
0x34b: {  	v53 =	vmul.f32 v34, v19;
	v54 =	vor.u32 s26, v8;
	[tilespmem:v23+s20+$0x0] =	vst.idx.msk $0xffff, v10;
	v55 =	vld [tilespmem:s0+$0xFFFFFFD0]  }
0x34c: {  	v56 =	vor.u32 s26, v9;
	v10 =	vmul.f32 v32, v19;
	[tilespmem:v22+s20+$0x0] =	vst.idx.msk $0xffff, v52  }
0x34d: {  	[tilespmem:v21+s20+$0x0] =	vst.idx.msk $0xffff, v53;
	v57 =	vunpack.i.l.bf16.f32 v31;
	v26 =	vld [tilespmem:s0+$0xFFFFFFF0]  }
0x34e: {  	v58 =	vunpack.i.u.bf16.f32 v31;
	[tilespmem:v17+s20+$0x0] =	vst.idx.msk $0xffff, v10;
	v22 =	vmul.f32 v57, v16  }
0x34f: {  	[tilespmem:v12+s20+$0x0] =	vst.idx.msk $0xffff, v28;
	v10 =	vmul.f32 v58, v16;
	v59 =	vld [tilespmem:s0+$0x10]  }
0x350: {  	[tilespmem:v54+s20+$0x0] =	vst.idx.msk $0xffff, v22;
	v60 =	vunpack.i.l.bf16.f32 v55  }
0x351: {  	[tilespmem:v56+s20+$0x0] =	vst.idx.msk $0xffff, v10;
	v10 =	vunpack.i.u.bf16.f32 v55;
	v16 =	vmul.f32 v60, v15  }
0x352: {  	[tilespmem:v11+s20+$0x0] =	vst.idx.msk $0xffff, v24;
	v11 =	vunpack.i.l.bf16.f32 v26;
	v10 =	vmul.f32 v10, v15  }
0x353: {  	s13 =	sadd.s32 $0x1, s13;
	v61 =	vunpack.i.u.bf16.f32 v26;
	v11 =	vmul.f32 v11, v18;
	[tilespmem:v13+s20+$0x0] =	vst.idx.msk $0xffff, v16  }
0x354: {  	p3 =	sne.s32 s13, $0x140;
	v62 =	vunpack.i.l.bf16.f32 v59;
	v15 =	vmul.f32 v61, v18;
	[tilespmem:v14+s20+$0x0] =	vst.idx.msk $0xffff, v10  }
.Ltmp16:
0x355: {  	v63 =	vmul.f32 v62, v19;
	v10 =	vunpack.i.u.bf16.f32 v59;
	[tilespmem:v20+s20+$0x0] =	vst.idx.msk $0xffff, v11;
	(pc) =	sbr.rel @p3 .LBB2_12-.Ltmp16, $4  }
0x356: {  	s28 =	sshll.u32 s16, $0xB;
	v10 =	vmul.f32 v10, v19;
	[tilespmem:v30+s20+$0x0] =	vst.idx.msk $0xffff, v15  }
0x357: {  	s2 =	sand.u32 $0x3FFFFFE0, s25;
	s7 =	sadd.s32 $0x1, s7;
	s12 =	sadd.s32 $0x20, s12;
	[tilespmem:v29+s20+$0x0] =	vst.idx.msk $0xffff, v63  }
0x358: {  	s6 =	sadd.s32 $0x1, s6;
	s2 =	sadd.s32 $0x5000, s2;
	s0 =	sor.u32 $0x12050, s28;
	[tilespmem:v27+s20+$0x0] =	vst.idx.msk $0xffff, v10  }
0x359: {  	[spmem:s3] =	stream.indirect.scatter.add.f32 [tilespmem:s0], [sflag:$0x2], $0x40, s2, s21, $0xb8;
	[tilespmem:$0x1E3F0] =	vst v63  }
0x35a: {  	_ =	swait.ge [sflag:s24], $0x800  }
0x35b: {  	[sflag:s24] =	ssyncset.done $0x0  }
0x35c: {  	[sflag:s24] =	ssyncadd.s32 $0xFFFFF800  }
0x35d: {  	_ =	swait.ge [sflag:s24], $0x800  }
0x35e: {  	[sflag:s24] =	ssyncset.done $0x0  }
0x35f: {  	[sflag:s24] =	ssyncadd.s32 $0xFFFFF800  }
0x360: {  	s0 =	simm.s32 @p2 $0x1;
	s2 =	simm.s32 @p2 $0x20;
	[bflag:$0x0] =	sbarrier.arrive $0xFFFF  }
0x361: {  	s6 =	simm.s32 @p2 $0x8;
	s7 =	simm.s32 @p2 $0x1FC3;
	s12 =	rddreg [dreg:$0xf]  }
0x362: {  	[hbm:s12@s2], [sflag:s7] =	dma.strided @p2 [spmem:s5@s6], $0xC80, s0, $0x8   }
0x363: {  	s0 =	simm.s32 @p2 $0x3  }
0x364: {  	_ =	swait.ge @p2 [sflag:s0], $0xC80  }
0x365: {  	s2 =	simm.s32 @!p2 $0x20;
	s7 =	rddreg [dreg:$0xe]  }
0x366: {  	s6 =	simm.s32 @!p2 $0x8;
	[sflag:s0] =	ssyncset.done @p2 $0x0;
	s12 =	rddreg [dreg:$0x19]  }
0x367: {  	s13 =	rddreg [dreg:$0x1a];
	[sflag:s0] =	ssyncadd.s32 @p2 $0xFFFFF380;
	s0 =	simm.s32 @!p2 $0x1  }
0x368: {  	[hbm:s7@s2], [sflag:s13] =	dma.strided @!p2 [spmem:s12@s6], $0x1400, s0, $0x8   }
0x369: {  	s0 =	simm.s32 @!p2 $0x3  }
0x36a: {  	_ =	swait.ge @!p2 [sflag:s0], $0x1400  }
0x36b: {  	[sflag:s0] =	ssyncset.done @!p2 $0x0  }
0x36c: {  	[sflag:s0] =	ssyncadd.s32 @!p2 $0xFFFFEC00  }
0x36d: {  	s2 =	simm.s32 $0x100;
	s0 =	simm.s32 $0x0;
	[bflag:$0x0] =	sbarrier.arrive $0xFFFF  }
.LBB2_16:
0x36e: {  	p3 =	sne.s32 s2, $0x7F00;
	[tilespmem:s0+$0x12080] =	vst v6;
	s6 =	smov.u32 s2;
	s2 =	sadd.s32 $0x100, s2  }
.Ltmp17:
0x36f: {  	[tilespmem:s0+$0x12070] =	vst v6;
	(pc) =	sbr.rel @p3 .LBB2_16-.Ltmp17, $3  }
0x370: {  	[tilespmem:s0+$0x12050] =	vst v6  }
0x371: {  	[tilespmem:s0+$0x12060] =	vst v6;
	_ =	sdelay $0x1  }
0x372: {  	s0 =	sshra.s32 s6, $0x2  }
0x373: {  	[tilespmem:s0+$0x12080] =	vst v6  }
0x374: {  	[tilespmem:s0+$0x12070] =	vst v6  }
0x375: {  	[tilespmem:s0+$0x12050] =	vst v6  }
0x376: {  	[tilespmem:s0+$0x12060] =	vst v6;
	s15 =	rddreg [dreg:$0xa]  }
0x377: {  	[spmem:s15] =	stream.linear.scatter [tilespmem:s20], [sflag:$0x3], $0x2000, $0x38;
	[tilespmem:$0x1E3F0] =	vst v63  }
0x378: {  	_ =	swait.ge [sflag:s30], $0x2000  }
0x379: {  	[sflag:s30] =	ssyncset.done $0x0  }
0x37a: {  	s16 =	rddreg [dreg:$0xc];
	[sflag:s30] =	ssyncadd.s32 $0xFFFFE000  }
0x37b: {  	[spmem:s16] =	stream.linear.scatter [tilespmem:s20], [sflag:$0x3], $0x2000, $0x38;
	[tilespmem:$0x1E3F0] =	vst v63  }
0x37c: {  	_ =	swait.ge [sflag:s30], $0x2000  }
0x37d: {  	[sflag:s30] =	ssyncset.done $0x0  }
0x37e: {  	s17 =	rddreg [dreg:$0xd];
	[sflag:s30] =	ssyncadd.s32 $0xFFFFE000  }
0x37f: {  	[spmem:s17] =	stream.linear.scatter [tilespmem:s20], [sflag:$0x3], $0x2000, $0x38;
	[tilespmem:$0x1E3F0] =	vst v63  }
0x380: {  	_ =	swait.ge [sflag:s30], $0x2000  }
0x381: {  	[sflag:s30] =	ssyncset.done $0x0  }
0x382: {  	s18 =	rddreg [dreg:$0x16];
	[sflag:s30] =	ssyncadd.s32 $0xFFFFE000  }
0x383: {  	[spmem:s18] =	stream.linear.scatter [tilespmem:s20], [sflag:$0x3], $0x2000, $0x38;
	[tilespmem:$0x1E3F0] =	vst v63  }
0x384: {  	_ =	swait.ge [sflag:s30], $0x2000  }
0x385: {  	[sflag:s30] =	ssyncset.done $0x0  }
0x386: {  	s23 =	rddreg [dreg:$0x17];
	[sflag:s30] =	ssyncadd.s32 $0xFFFFE000  }
0x387: {  	[spmem:s23] =	stream.linear.scatter [tilespmem:s20], [sflag:$0x3], $0x2000, $0x38;
	[tilespmem:$0x1E3F0] =	vst v63  }
0x388: {  	_ =	swait.ge [sflag:s30], $0x2000  }
0x389: {  	[sflag:s30] =	ssyncset.done $0x0  }
0x38a: {  	[sflag:s30] =	ssyncadd.s32 $0xFFFFE000  }
0x38b: {  	s25 =	simm.s32 $0x7800;
	s2 =	simm.s32 $0xF050;
	[bflag:$0x0] =	sbarrier.arrive $0xFFFF  }
0x38c: {  	[tilespmem:s2], [sflag:$0x1] =	stream.indirect.gather [hbm4b:s9+s21], $0x20, s25, s21, $0xb8;
	[tilespmem:$0x1E3F0] =	vst v63  }
0x38d: {  	s26 =	simm.s32 $0x7820;
	s28 =	simm.s32 $0xF450  }
0x38e: {  	[tilespmem:s28], [sflag:$0x1] =	stream.indirect.gather [hbm4b:s9+s21], $0x20, s26, s21, $0xb8;
	[tilespmem:$0x1E3F0] =	vst v63  }
0x38f: {  	s6 =	simm.s32 $0xF850;
	s2 =	simm.s32 $0x7840  }
0x390: {  	[tilespmem:s6], [sflag:$0x1] =	stream.indirect.gather [hbm4b:s9+s21], $0x20, s2, s21, $0xb8;
	[tilespmem:$0x1E3F0] =	vst v63  }
0x391: {  	s7 =	simm.s32 $0x7860;
	s12 =	simm.s32 $0xFC50  }
0x392: {  	[tilespmem:s12], [sflag:$0x1] =	stream.indirect.gather [hbm4b:s9+s21], $0x20, s7, s21, $0xb8;
	[tilespmem:$0x1E3F0] =	vst v63  }
0x393: {  	s13 =	simm.s32 $0x7880;
	s14 =	simm.s32 $0x10050  }
0x394: {  	[tilespmem:s14], [sflag:$0x1] =	stream.indirect.gather [hbm4b:s9+s21], $0x20, s13, s21, $0xb8;
	[tilespmem:$0x1E3F0] =	vst v63  }
0x395: {  	s15 =	simm.s32 $0x78A0;
	s16 =	simm.s32 $0x10450;
	s17 =	simm.s32 $0x78C0  }
0x396: {  	[tilespmem:s16], [sflag:$0x1] =	stream.indirect.gather [hbm4b:s9+s21], $0x20, s15, s21, $0xb8;
	[tilespmem:$0x1E3F0] =	vst v63  }
0x397: {  	s18 =	simm.s32 $0x10850;
	s23 =	simm.s32 $0x78E0;
	s25 =	simm.s32 $0x10C50  }
0x398: {  	[tilespmem:s18], [sflag:$0x1] =	stream.indirect.gather [hbm4b:s9+s21], $0x20, s17, s21, $0xb8;
	[tilespmem:$0x1E3F0] =	vst v63  }
0x399: {  	s26 =	simm.s32 $0x7900;
	s28 =	simm.s32 $0x11050;
	s6 =	simm.s32 $0x0  }
0x39a: {  	[tilespmem:s25], [sflag:$0x1] =	stream.indirect.gather [hbm4b:s9+s21], $0x20, s23, s21, $0xb8;
	[tilespmem:$0x1E3F0] =	vst v63  }
0x39b: {  	s12 =	simm.s32 $0x0;
	s7 =	simm.s32 $0x0;
	s13 =	simm.s32 $0x0  }
0x39c: {  	[tilespmem:s28], [sflag:$0x1] =	stream.indirect.gather [hbm4b:s9+s21], $0x20, s26, s21, $0xb8;
	[tilespmem:$0x1E3F0] =	vst v63  }
.LBB2_18:
0x39d: {  	p3 =	slt.u32 s13, $0x2  }
0x39e: {  	s0 =	simm.s32 @!p3 $0x2  }
0x39f: {  	p4 =	sgt.u32 @!p3 s13, $0x136;
	_ =	swait.ge @!p3 [sflag:s0], $0x800  }
0x3a0: {  	p4 =	por p3, !p4;
	[sflag:s0] =	ssyncset.done @!p3 $0x0  }
0x3a1: {  	[sflag:s0] =	ssyncadd.s32 @!p3 $0xFFFFF800;
	s0 =	sadd.s32 @p4 $0x9, s13  }
0x3a2: {  	s2 =	smul.u32 @p4 $0xAAAB, s0;
	_ =	sdelay $0x1  }
0x3a3: {  	s2 =	sshrl.u32 @p4 s2, $0x11  }
0x3a4: {  	s2 =	sand.u32 @p4 $0xC, s2  }
0x3a5: {  	s2 =	sadd.s32 @p4 s2, s0  }
0x3a6: {  	s0 =	sshll.u32 @p4 s0, $0x5;
	s2 =	sshll.u32 @p4 s2, $0xA  }
0x3a7: {  	s0 =	sand.u32 @p4 $0x3FFFFFE0, s0;
	s2 =	sand.u32 @p4 $0x3C00, s2  }
0x3a8: {  	s25 =	sand.u32 $0x3, s7;
	s0 =	sadd.s32 @p4 $0x7800, s0;
	s2 =	sadd.s32 @p4 $0xF050, s2  }
0x3a9: {  	[tilespmem:s2], [sflag:$0x1] =	stream.indirect.gather @p4 [hbm4b:s9+s21], $0x20, s0, s21, $0xb8;
	[tilespmem:$0x1E3F0] =	vst v63  }
0x3aa: {  	s26 =	sand.u32 $0xFFFF, s6;
	s2 =	sshll.u32 s25, $0x5  }
0x3ab: {  	s0 =	smul.u32 $0xAAAB, s26;
	s14 =	sadd.s32 $0xFFFFFFFC, s2  }
0x3ac: {  	s25 =	sshll.u32 s13, $0x5;
	s15 =	sadd.s32 $0x7, s14  }
0x3ad: {  	s16 =	sand.u32 $0xFFFFFF80, s25;
	s0 =	sshrl.u32 s0, $0x13;
	s17 =	sadd.s32 $0x5, s14;
	v11 =	vmov s15  }
0x3ae: {  	v10 =	vmov s16;
	s0 =	smul.u32 $0x180, s0;
	v13 =	vmov s17;
	v11 =	vand.u32 $0x7F, v11  }
0x3af: {  	v13 =	vand.u32 $0x7D, v13;
	v11 =	vor.u32 v10, v11  }
0x3b0: {  	s28 =	sadd.s32 $0x4, s14;
	s0 =	ssub.s32 s12, s0;
	v13 =	vor.u32 v10, v13;
	v11 =	vbroadcast v11, $0x0  }
0x3b1: {  	_ =	swait.ge [sflag:s22], $0x400;
	v12 =	vmov s28;
	s0 =	sand.u32 $0xFFFF, s0;
	v13 =	vbroadcast v13, $0x0  }
0x3b2: {  	s14 =	sadd.s32 $0x6, s14;
	[sflag:s22] =	ssyncset.done $0x0;
	v12 =	vand.u32 $0x7C, v12;
	s0 =	sshll.u32 s0, $0x5  }
0x3b3: {  	v14 =	vmov s14;
	[sflag:s22] =	ssyncadd.s32 $0xFFFFFC00;
	v12 =	vor.u32 v10, v12;
	s0 =	sadd.s32 $0xF090, s0  }
0x3b4: {  	v14 =	vand.u32 $0x7E, v14;
	v12 =	vbroadcast v12, $0x0;
	v15 =	vld [tilespmem:s0+$0x20]  }
0x3b5: {  	v14 =	vor.u32 v10, v14;
	v19 =	vld [tilespmem:s0+$0xFFFFFFE0]  }
0x3b6: {  	s16 =	sshll.u32 s28, $0x6;
	v14 =	vbroadcast v14, $0x0;
	v16 =	vld.idx.msk [tilespmem:v11+s1+$0x0], $0xffff  }
0x3b7: {  	s15 =	sshll.u32 s15, $0x6;
	s17 =	sshll.u32 s17, $0x6;
	v17 =	vor.u32 s16, v3;
	v13 =	vld.idx.msk [tilespmem:v13+s1+$0x0], $0xffff  }
0x3b8: {  	s14 =	sshll.u32 s14, $0x6;
	v18 =	vor.u32 s16, v7;
	v20 =	vor.u32 s15, v3;
	v21 =	vor.u32 s17, v3;
	v23 =	vld [tilespmem:s0+$0x0]  }
0x3b9: {  	v22 =	vor.u32 s17, v7;
	v24 =	vor.u32 s15, v7;
	v25 =	vor.u32 s14, v3;
	v11 =	vld [tilespmem:s0+$0xFFFFFFC0]  }
0x3ba: {  	v26 =	vor.u32 s14, v7;
	v29 =	vor.u32 s16, v8;
	v27 =	vld.idx.msk [tilespmem:v12+s1+$0x0], $0xffff;
	v12 =	vunpack.i.l.bf16.f32 v15  }
0x3bb: {  	v31 =	vunpack.i.u.bf16.f32 v19;
	v19 =	vunpack.i.l.bf16.f32 v19;
	v12 =	vmul.f32 v12, v16  }
0x3bc: {  	v30 =	vor.u32 s16, v9;
	v14 =	vld.idx.msk [tilespmem:v14+s1+$0x0], $0xffff;
	v15 =	vunpack.i.u.bf16.f32 v15;
	v19 =	vmul.f32 v19, v13  }
0x3bd: {  	v32 =	vor.u32 s17, v8;
	v38 =	vor.u32 s17, v9;
	v15 =	vmul.f32 v15, v16;
	[tilespmem:v20+s20+$0x0] =	vst.idx.msk $0xffff, v12  }
0x3be: {  	s17 =	sadd.s32 $0x0, s2;
	v28 =	vunpack.i.u.bf16.f32 v11;
	v11 =	vunpack.i.l.bf16.f32 v11;
	v31 =	vmul.f32 v31, v13;
	[tilespmem:v21+s20+$0x0] =	vst.idx.msk $0xffff, v19  }
0x3bf: {  	s16 =	sadd.s32 $0x6, s17;
	v20 =	vunpack.i.u.bf16.f32 v23;
	v23 =	vunpack.i.l.bf16.f32 v23;
	[tilespmem:v24+s20+$0x0] =	vst.idx.msk $0xffff, v15;
	v15 =	vmul.f32 v11, v27  }
0x3c0: {  	v12 =	vor.u32 s14, v8;
	v19 =	vor.u32 s15, v9;
	v21 =	vmov s16;
	[tilespmem:v22+s20+$0x0] =	vst.idx.msk $0xffff, v31  }
0x3c1: {  	s23 =	sadd.s32 $0x4, s17;
	s26 =	sadd.s32 $0x7, s17;
	v24 =	vmul.f32 v28, v27;
	v11 =	vor.u32 s14, v9;
	v28 =	vld [tilespmem:s0+$0x30];
	[tilespmem:v17+s20+$0x0] =	vst.idx.msk $0xffff, v15;
	v15 =	vmul.f32 v23, v14  }
0x3c2: {  	s18 =	sadd.s32 $0x5, s17;
	v34 =	vld [tilespmem:s0+$0xFFFFFFF0];
	v17 =	vmul.f32 v20, v14;
	v20 =	vmov s23;
	v23 =	vmov s26  }
0x3c3: {  	s26 =	sshll.u32 s26, $0x6;
	[tilespmem:v18+s20+$0x0] =	vst.idx.msk $0xffff, v24;
	v18 =	vor.u32 s15, v8;
	v24 =	vmov s18;
	v23 =	vand.u32 $0x7F, v23  }
0x3c4: {  	s14 =	sshll.u32 s23, $0x6;
	v20 =	vand.u32 $0x7C, v20;
	v44 =	vor.u32 s26, v3;
	v23 =	vor.u32 v10, v23  }
0x3c5: {  	s23 =	sshll.u32 s18, $0x6;
	v45 =	vor.u32 s26, v7;
	[tilespmem:v25+s20+$0x0] =	vst.idx.msk $0xffff, v15;
	v25 =	vor.u32 s14, v7;
	v33 =	vbroadcast v23, $0x0  }
0x3c6: {  	[tilespmem:v26+s20+$0x0] =	vst.idx.msk $0xffff, v17;
	v26 =	vor.u32 s14, v3;
	v23 =	vor.u32 s23, v3;
	v22 =	vunpack.i.l.bf16.f32 v28  }
0x3c7: {  	v31 =	vld [tilespmem:s0+$0xFFFFFFD0];
	v15 =	vunpack.i.u.bf16.f32 v28;
	v40 =	vunpack.i.u.bf16.f32 v34;
	v34 =	vunpack.i.l.bf16.f32 v34  }
0x3c8: {  	v28 =	vmul.f32 v22, v16;
	v22 =	vand.u32 $0x7D, v24;
	v15 =	vmul.f32 v15, v16  }
0x3c9: {  	v16 =	vor.u32 v10, v20;
	v20 =	vand.u32 $0x7E, v21;
	v24 =	vld [tilespmem:s0+$0x10];
	s0 =	sadd.s32 $0x80, s0;
	v40 =	vmul.f32 v40, v13  }
0x3ca: {  	s28 =	sshll.u32 s16, $0x6;
	v17 =	vor.u32 v10, v22;
	v35 =	vbroadcast v16, $0x0;
	v16 =	vor.u32 v10, v20;
	v37 =	vld [tilespmem:s0+$0x20]  }
0x3cb: {  	v21 =	vor.u32 s28, v3;
	v36 =	vbroadcast v17, $0x0;
	v20 =	vbroadcast v16, $0x0;
	v16 =	vld.idx.msk [tilespmem:v33+s1+$0x0], $0xffff  }
0x3cc: {  	v22 =	vor.u32 s23, v7;
	v39 =	vld [tilespmem:s0+$0xFFFFFFC0];
	v17 =	vor.u32 s28, v7;
	v63 =	vunpack.i.u.bf16.f32 v31  }
0x3cd: {  	v42 =	vld [tilespmem:s0+$0xFFFFFFE0];
	v31 =	vunpack.i.l.bf16.f32 v31;
	[tilespmem:v18+s20+$0x0] =	vst.idx.msk $0xffff, v28;
	v18 =	vmul.f32 v34, v13;
	v13 =	vor.u32 s14, v8  }
0x3ce: {  	v43 =	vld [tilespmem:s0+$0x0];
	v31 =	vmul.f32 v31, v27;
	[tilespmem:v19+s20+$0x0] =	vst.idx.msk $0xffff, v15;
	v41 =	vunpack.i.u.bf16.f32 v24;
	v24 =	vunpack.i.l.bf16.f32 v24  }
0x3cf: {  	v27 =	vmul.f32 v63, v27;
	[tilespmem:v32+s20+$0x0] =	vst.idx.msk $0xffff, v18;
	v28 =	vmul.f32 v24, v14;
	v19 =	vunpack.i.l.bf16.f32 v37  }
0x3d0: {  	[tilespmem:v29+s20+$0x0] =	vst.idx.msk $0xffff, v31;
	v24 =	vmul.f32 v41, v14;
	v15 =	vld.idx.msk [tilespmem:v35+s1+$0x0], $0xffff;
	v19 =	vmul.f32 v19, v16  }
0x3d1: {  	v14 =	vor.u32 s14, v9;
	v31 =	vunpack.i.u.bf16.f32 v39;
	v29 =	vunpack.i.u.bf16.f32 v37;
	[tilespmem:v30+s20+$0x0] =	vst.idx.msk $0xffff, v27;
	v18 =	vld.idx.msk [tilespmem:v36+s1+$0x0], $0xffff  }
0x3d2: {  	v27 =	vunpack.i.l.bf16.f32 v39;
	v33 =	vunpack.i.u.bf16.f32 v42;
	v37 =	vmul.f32 v29, v16;
	[tilespmem:v44+s20+$0x0] =	vst.idx.msk $0xffff, v19;
	v19 =	vld.idx.msk [tilespmem:v20+s1+$0x0], $0xffff  }
0x3d3: {  	v32 =	vunpack.i.u.bf16.f32 v43;
	v34 =	vunpack.i.l.bf16.f32 v43;
	v30 =	vor.u32 s23, v9  }
0x3d4: {  	v35 =	vunpack.i.l.bf16.f32 v42;
	v29 =	vor.u32 s28, v8;
	v20 =	vor.u32 s23, v8;
	[tilespmem:v45+s20+$0x0] =	vst.idx.msk $0xffff, v37  }
0x3d5: {  	s17 =	simm.s32 $0x4;
	s16 =	sand.u32 $0x3, s13;
	[tilespmem:v38+s20+$0x0] =	vst.idx.msk $0xffff, v40;
	v37 =	vmul.f32 v27, v15;
	v36 =	vmul.f32 v31, v15;
	v27 =	vor.u32 s28, v9;
	v31 =	vld [tilespmem:s0+$0x30]  }
.LBB2_19:
0x3d6: {  	s18 =	sadd.s32 s17, s2;
	v35 =	vmul.f32 v35, v18;
	v33 =	vmul.f32 v33, v18;
	[tilespmem:v12+s20+$0x0] =	vst.idx.msk $0xffff, v28;
	v38 =	vmov v30  }
0x3d7: {  	v28 =	vmul.f32 v32, v19;
	v12 =	vmov v29;
	s14 =	sadd.s32 $0x4, s18;
	s23 =	sadd.s32 $0x5, s18;
	s15 =	sadd.s32 $0x7, s18;
	[tilespmem:v26+s20+$0x0] =	vst.idx.msk $0xffff, v37;
	v26 =	vmul.f32 v34, v19  }
0x3d8: {  	s17 =	sadd.s32 $0x4, s17;
	s18 =	sadd.s32 $0x6, s18;
	v29 =	vmov s14;
	s14 =	sshll.u32 s14, $0x6;
	v30 =	vmov s15;
	[tilespmem:v25+s20+$0x0] =	vst.idx.msk $0xffff, v36;
	v25 =	vor.u32 s26, v8  }
0x3d9: {  	p3 =	slt.u32 s17, $0x1C;
	v32 =	vmov s23;
	s23 =	sshll.u32 s23, $0x6;
	s28 =	sshll.u32 s18, $0x6;
	v30 =	vand.u32 $0x7F, v30;
	v34 =	vld [tilespmem:s0+$0xFFFFFFD0];
	[tilespmem:v23+s20+$0x0] =	vst.idx.msk $0xffff, v35;
	v23 =	vor.u32 s26, v9  }
0x3da: {  	v35 =	vmov s18;
	v30 =	vor.u32 v10, v30;
	[tilespmem:v22+s20+$0x0] =	vst.idx.msk $0xffff, v33;
	v22 =	vunpack.i.l.bf16.f32 v31  }
0x3db: {  	v30 =	vbroadcast v30, $0x0;
	v33 =	vld [tilespmem:s0+$0xFFFFFFF0];
	[tilespmem:v21+s20+$0x0] =	vst.idx.msk $0xffff, v26;
	v21 =	vunpack.i.u.bf16.f32 v31;
	v22 =	vmul.f32 v22, v16  }
0x3dc: {  	v26 =	vand.u32 $0x7C, v29;
	v29 =	vand.u32 $0x7D, v32;
	[tilespmem:v17+s20+$0x0] =	vst.idx.msk $0xffff, v28;
	v16 =	vmul.f32 v21, v16  }
0x3dd: {  	v17 =	vor.u32 v10, v26;
	v21 =	vor.u32 v10, v29;
	v26 =	vand.u32 $0x7E, v35;
	v28 =	vld [tilespmem:s0+$0x10];
	[tilespmem:v25+s20+$0x0] =	vst.idx.msk $0xffff, v22  }
0x3de: {  	v29 =	vbroadcast v17, $0x0;
	v31 =	vbroadcast v21, $0x0;
	v17 =	vor.u32 v10, v26;
	[tilespmem:v23+s20+$0x0] =	vst.idx.msk $0xffff, v16  }
0x3df: {  	v26 =	vor.u32 s14, v3;
	v25 =	vor.u32 s14, v7;
	s0 =	sadd.s32 $0x80, s0;
	v32 =	vbroadcast v17, $0x0;
	[tilespmem:v11+s20+$0x0] =	vst.idx.msk $0xffff, v24;
	v11 =	vmovc v27  }
0x3e0: {  	v22 =	vor.u32 s23, v7;
	v21 =	vor.u32 s28, v3;
	v23 =	vor.u32 s23, v3;
	v27 =	vld [tilespmem:s0+$0x20]  }
0x3e1: {  	v17 =	vor.u32 s28, v7;
	v24 =	vunpack.i.u.bf16.f32 v34;
	v16 =	vld.idx.msk [tilespmem:v30+s1+$0x0], $0xffff;
	v30 =	vunpack.i.l.bf16.f32 v34  }
0x3e2: {  	v35 =	vunpack.i.u.bf16.f32 v33;
	v33 =	vunpack.i.l.bf16.f32 v33;
	v34 =	vld [tilespmem:s0+$0xFFFFFFC0];
	v36 =	vunpack.i.u.bf16.f32 v28  }
0x3e3: {  	s26 =	sshll.u32 s15, $0x6;
	v39 =	vmul.f32 v24, v15;
	v30 =	vmul.f32 v30, v15;
	v24 =	vunpack.i.l.bf16.f32 v28;
	v37 =	vld [tilespmem:s0+$0xFFFFFFE0]  }
0x3e4: {  	v41 =	vor.u32 s26, v3;
	v42 =	vmul.f32 v33, v18;
	v43 =	vmul.f32 v35, v18;
	v40 =	vld [tilespmem:s0+$0x0]  }
0x3e5: {  	v44 =	vor.u32 s26, v7;
	v28 =	vmul.f32 v24, v19;
	v24 =	vmul.f32 v36, v19;
	v15 =	vld.idx.msk [tilespmem:v29+s1+$0x0], $0xffff  }
0x3e6: {  	v29 =	vor.u32 s14, v9;
	v18 =	vld.idx.msk [tilespmem:v31+s1+$0x0], $0xffff;
	v31 =	vunpack.i.l.bf16.f32 v27;
	[tilespmem:v13+s20+$0x0] =	vst.idx.msk $0xffff, v30;
	v13 =	vor.u32 s14, v8  }
.Ltmp18:
0x3e7: {  	v27 =	vunpack.i.u.bf16.f32 v27;
	v36 =	vunpack.i.u.bf16.f32 v34;
	v19 =	vld.idx.msk [tilespmem:v32+s1+$0x0], $0xffff;
	v30 =	vmul.f32 v31, v16;
	[tilespmem:v14+s20+$0x0] =	vst.idx.msk $0xffff, v39;
	(pc) =	sbr.rel @p3 .LBB2_19-.Ltmp18, $4  }
0x3e8: {  	v31 =	vunpack.i.l.bf16.f32 v34;
	v27 =	vmul.f32 v27, v16;
	v14 =	vmovc v29;
	v33 =	vunpack.i.u.bf16.f32 v37;
	[tilespmem:v20+s20+$0x0] =	vst.idx.msk $0xffff, v42  }
0x3e9: {  	v35 =	vunpack.i.l.bf16.f32 v37;
	v32 =	vunpack.i.u.bf16.f32 v40;
	v34 =	vunpack.i.l.bf16.f32 v40;
	[tilespmem:v41+s20+$0x0] =	vst.idx.msk $0xffff, v30  }
0x3ea: {  	v29 =	vor.u32 s28, v8;
	v20 =	vor.u32 s23, v8;
	v30 =	vor.u32 s23, v9;
	[tilespmem:v44+s20+$0x0] =	vst.idx.msk $0xffff, v27  }
0x3eb: {  	v37 =	vmul.f32 v31, v15;
	v36 =	vmul.f32 v36, v15;
	v27 =	vor.u32 s28, v9;
	v31 =	vld [tilespmem:s0+$0x30];
	[tilespmem:v38+s20+$0x0] =	vst.idx.msk $0xffff, v43  }
0x3ec: {  	_ =	sdelay $0x3  }
0x3ed: {  	v10 =	vmul.f32 v35, v18;
	[tilespmem:v26+s20+$0x0] =	vst.idx.msk $0xffff, v37  }
0x3ee: {  	v52 =	vmul.f32 v33, v18;
	[tilespmem:v25+s20+$0x0] =	vst.idx.msk $0xffff, v36  }
0x3ef: {  	v53 =	vmul.f32 v34, v19;
	v54 =	vor.u32 s26, v8;
	[tilespmem:v23+s20+$0x0] =	vst.idx.msk $0xffff, v10;
	v55 =	vld [tilespmem:s0+$0xFFFFFFD0]  }
0x3f0: {  	v56 =	vor.u32 s26, v9;
	v10 =	vmul.f32 v32, v19;
	[tilespmem:v22+s20+$0x0] =	vst.idx.msk $0xffff, v52  }
0x3f1: {  	[tilespmem:v21+s20+$0x0] =	vst.idx.msk $0xffff, v53;
	v57 =	vunpack.i.l.bf16.f32 v31;
	v26 =	vld [tilespmem:s0+$0xFFFFFFF0]  }
0x3f2: {  	v58 =	vunpack.i.u.bf16.f32 v31;
	[tilespmem:v17+s20+$0x0] =	vst.idx.msk $0xffff, v10;
	v22 =	vmul.f32 v57, v16  }
0x3f3: {  	[tilespmem:v12+s20+$0x0] =	vst.idx.msk $0xffff, v28;
	v10 =	vmul.f32 v58, v16;
	v59 =	vld [tilespmem:s0+$0x10]  }
0x3f4: {  	[tilespmem:v54+s20+$0x0] =	vst.idx.msk $0xffff, v22;
	v60 =	vunpack.i.l.bf16.f32 v55  }
0x3f5: {  	[tilespmem:v56+s20+$0x0] =	vst.idx.msk $0xffff, v10;
	v10 =	vunpack.i.u.bf16.f32 v55;
	v16 =	vmul.f32 v60, v15  }
0x3f6: {  	[tilespmem:v11+s20+$0x0] =	vst.idx.msk $0xffff, v24;
	v11 =	vunpack.i.l.bf16.f32 v26;
	v10 =	vmul.f32 v10, v15  }
0x3f7: {  	s13 =	sadd.s32 $0x1, s13;
	v61 =	vunpack.i.u.bf16.f32 v26;
	v11 =	vmul.f32 v11, v18;
	[tilespmem:v13+s20+$0x0] =	vst.idx.msk $0xffff, v16  }
0x3f8: {  	p3 =	sne.s32 s13, $0x140;
	v62 =	vunpack.i.l.bf16.f32 v59;
	v15 =	vmul.f32 v61, v18;
	[tilespmem:v14+s20+$0x0] =	vst.idx.msk $0xffff, v10  }
.Ltmp19:
0x3f9: {  	v63 =	vmul.f32 v62, v19;
	v10 =	vunpack.i.u.bf16.f32 v59;
	[tilespmem:v20+s20+$0x0] =	vst.idx.msk $0xffff, v11;
	(pc) =	sbr.rel @p3 .LBB2_18-.Ltmp19, $4  }
0x3fa: {  	s28 =	sshll.u32 s16, $0xB;
	v10 =	vmul.f32 v10, v19;
	[tilespmem:v30+s20+$0x0] =	vst.idx.msk $0xffff, v15  }
0x3fb: {  	s2 =	sand.u32 $0x3FFFFFE0, s25;
	s7 =	sadd.s32 $0x1, s7;
	s12 =	sadd.s32 $0x20, s12;
	[tilespmem:v29+s20+$0x0] =	vst.idx.msk $0xffff, v63  }
0x3fc: {  	s6 =	sadd.s32 $0x1, s6;
	s2 =	sadd.s32 $0x5000, s2;
	s0 =	sor.u32 $0x12050, s28;
	[tilespmem:v27+s20+$0x0] =	vst.idx.msk $0xffff, v10  }
0x3fd: {  	[spmem:s3] =	stream.indirect.scatter.add.f32 [tilespmem:s0], [sflag:$0x2], $0x40, s2, s21, $0xb8;
	[tilespmem:$0x1E3F0] =	vst v63  }
0x3fe: {  	_ =	swait.ge [sflag:s24], $0x800  }
0x3ff: {  	[sflag:s24] =	ssyncset.done $0x0  }
0x400: {  	[sflag:s24] =	ssyncadd.s32 $0xFFFFF800  }
0x401: {  	_ =	swait.ge [sflag:s24], $0x800  }
0x402: {  	[sflag:s24] =	ssyncset.done $0x0  }
0x403: {  	[sflag:s24] =	ssyncadd.s32 $0xFFFFF800  }
0x404: {  	s0 =	simm.s32 @p2 $0x1;
	s2 =	simm.s32 @p2 $0x20;
	[bflag:$0x0] =	sbarrier.arrive $0xFFFF  }
0x405: {  	s6 =	simm.s32 @p2 $0x8;
	s7 =	simm.s32 @p2 $0x1FC3;
	s12 =	rddreg [dreg:$0x10]  }
0x406: {  	[hbm:s12@s2], [sflag:s7] =	dma.strided @p2 [spmem:s5@s6], $0xC80, s0, $0x8   }
0x407: {  	s0 =	simm.s32 @p2 $0x3  }
0x408: {  	_ =	swait.ge @p2 [sflag:s0], $0xC80  }
0x409: {  	s2 =	simm.s32 @!p2 $0x20;
	s6 =	rddreg [dreg:$0x18]  }
0x40a: {  	s5 =	simm.s32 @!p2 $0x8;
	[sflag:s0] =	ssyncset.done @p2 $0x0;
	s7 =	rddreg [dreg:$0x19]  }
0x40b: {  	s12 =	rddreg [dreg:$0x1a];
	[sflag:s0] =	ssyncadd.s32 @p2 $0xFFFFF380;
	s0 =	simm.s32 @!p2 $0x1  }
0x40c: {  	[hbm:s6@s2], [sflag:s12] =	dma.strided @!p2 [spmem:s7@s5], $0x1400, s0, $0x8   }
.Ltmp20:
0x40d: {  	_ = 	snop;
	(pc) =	sbr.rel .LBB2_34-.Ltmp20, $4  }
0x40e: {  	s0 =	simm.s32 @!p2 $0x3  }
0x40f: {  	_ =	swait.ge @!p2 [sflag:s0], $0x1400  }
0x410: {  	[sflag:s0] =	ssyncset.done @!p2 $0x0  }
0x411: {  	[sflag:s0] =	ssyncadd.s32 @!p2 $0xFFFFEC00  }
.LBB2_35:
0x412: {  	_ =	sfence.sel $0x180000  }
0x413: {  	[bflag:$0x0] =	sbarrier.arrive $0xFFFF  }
0x414: {  	_ =	strace $0x90000047  }
0x415: {  	[bflag:$0x2] =	sbarrier.arrive $0xFFFF  }
0x416: {  	s0 =	rddreg [dreg:$0x5]  }
0x417: {  	s0 =	sadd.s32 @!p1 $0x100000, s0  }
0x418: {  	[sflag:s0] =	ssyncadd.tile.s32 @!p1 $0x1;
	_ =	shalt  }
.Lfunc_end2:
_tile_overlayer_lowered:
.L_overlay_start_2:
0x419: {  	(tag) =	ssettag $0x2  }
0x41a: {  	s0 =	rddreg [dreg:$0x0];
	s2 =	stileid.u32  }
0x41b: {  	s1 =	rddreg [dreg:$0x1];
	p0 =	sne.s32 s2, $0x0  }
0x41c: {  	s3 =	rddreg [dreg:$0x2];
	[bflag:$0x3] =	sbarrier.arrive $0xFFFF;
	s2 =	simm.s32 @!p0 $0x1C03  }
0x41d: {  	[timem:s3], [sflag:s2] =	dma.local @!p0 [hbm:s0], s1  }
0x41e: {  	s0 =	simm.s32 @!p0 $0x3  }
0x41f: {  	_ =	swait.ge @!p0 [sflag:s0], s1  }
0x420: {  	s1 =	ssub.s32 @!p0 $0x0, s1;
	[sflag:s0] =	ssyncset.done @!p0 $0x0  }
0x421: {  	[sflag:s0] =	ssyncadd.s32 @!p0 s1  }
0x422: {  	[bflag:$0x3] =	sbarrier.arrive $0xFFFF  }
0x423: {  	_ =	shalt  }

</sc_bundles>
